<compile_context>
chip_gen: v7x
topology: tpu7x:2x2x1
jax: 0.10.2.dev20260603
libtpu: 0.0.44.dev20260713+nightly
codegen_flags: <defaults>
</compile_context>

<pallas_src>
import functools

import jax
import jax.numpy as jnp
import numpy as np
from jax import lax
from jax.experimental import pallas as pl
from jax.experimental.pallas import tpu as pltpu
from jax.experimental.pallas import tpu_sc as plsc

NUM_EXPERTS = 8
TOP_K = 2
DIM_MODEL = 768
DIM_EXPERT = 128
S = 2048
EPS = 1e-6

_EN = NUM_EXPERTS * DIM_EXPERT
_LP = 128
_BLK = 512
_NC, _NS = 2, 16
_NW = _NC * _NS
_TOK_W = S // _NW
_WORDS_W = _TOK_W * _LP
_NEG = -3.0e38

_EXPANDER = np.concatenate(
    [np.repeat(np.eye(NUM_EXPERTS, dtype=np.float32), DIM_EXPERT, axis=1),
     np.zeros((_LP - NUM_EXPERTS, _EN), np.float32)], axis=0)


def _route_sc_body(lg_hbm, out_hbm, lg_v, co_v):
    wid = lax.axis_index("s") * _NC + lax.axis_index("c")
    base = wid * _WORDS_W
    pltpu.sync_copy(lg_hbm.at[pl.ds(base, _WORDS_W)], lg_v)
    zero = jnp.zeros((16,), jnp.float32)
    iota = lax.broadcasted_iota(jnp.int32, (16,), 0)

    for k in range(_WORDS_W // 16):
        co_v[pl.ds(k * 16, 16)] = zero
    for c in range(_TOK_W // 16):
        row = iota + c * 16
        ls = [plsc.load_gather(lg_v, [row * _LP + e])
              for e in range(NUM_EXPERTS)]
        m1 = ls[0]
        for e in range(1, NUM_EXPERTS):
            m1 = jnp.maximum(m1, ls[e])
        i1 = jnp.full((16,), float(NUM_EXPERTS), jnp.float32)
        for e in range(NUM_EXPERTS - 1, -1, -1):
            i1 = jnp.where(ls[e] == m1, float(e), i1)
        ms = [jnp.where(i1 == float(e), _NEG, ls[e]) for e in range(NUM_EXPERTS)]
        m2 = ms[0]
        for e in range(1, NUM_EXPERTS):
            m2 = jnp.maximum(m2, ms[e])
        i2 = jnp.full((16,), float(NUM_EXPERTS), jnp.float32)
        for e in range(NUM_EXPERTS - 1, -1, -1):
            i2 = jnp.where(ms[e] == m2, float(e), i2)
        w1 = 1.0 / (1.0 + jnp.exp(m2 - m1))
        w2 = 1.0 - w1
        for e in range(NUM_EXPERTS):
            ce = (jnp.where(i1 == float(e), w1, 0.0)
                  + jnp.where(i2 == float(e), w2, 0.0))
            plsc.store_scatter(co_v, [row * _LP + e], ce)
    pltpu.sync_copy(co_v, out_hbm.at[pl.ds(base, _WORDS_W)])


_route_sc = functools.partial(
    pl.kernel,
    out_type=jax.ShapeDtypeStruct((S * _LP,), jnp.float32),
    mesh=plsc.VectorSubcoreMesh(
        core_axis_name="c", subcore_axis_name="s",
        num_cores=_NC, num_subcores=_NS),
    scratch_types=[
        pltpu.VMEM((_WORDS_W,), jnp.float32),
        pltpu.VMEM((_WORDS_W,), jnp.float32),
    ],
    compiler_params=pltpu.CompilerParams(needs_layout_passes=False),
)(_route_sc_body)


def _hidden_body(x_ref, nw_ref, gw_ref, win_ref, wg_ref, h_ref, lg_ref):
    x = x_ref[...]
    r = jax.lax.rsqrt(jnp.mean(x * x, axis=1, keepdims=True) + EPS)
    y = x * r * nw_ref[...]
    gwp = jnp.concatenate(
        [gw_ref[...], jnp.zeros((_LP - NUM_EXPERTS, DIM_MODEL), jnp.float32)],
        axis=0)
    lg_ref[...] = jax.lax.dot_general(
        y, gwp, (((1,), (1,)), ((), ())),
        preferred_element_type=jnp.float32)
    yb = y.astype(jnp.bfloat16)
    win = win_ref[...].reshape(_EN, DIM_MODEL).astype(jnp.bfloat16)
    wg = wg_ref[...].reshape(_EN, DIM_MODEL).astype(jnp.bfloat16)
    a = jax.lax.dot_general(yb, win, (((1,), (1,)), ((), ())),
                            preferred_element_type=jnp.float32)
    g = jax.lax.dot_general(yb, wg, (((1,), (1,)), ((), ())),
                            preferred_element_type=jnp.float32)
    h = a * (1.0 / (1.0 + jnp.exp(-a))) * g
    h_ref[...] = h.astype(jnp.bfloat16)


def _combine_body(h_ref, co_ref, exp_ref, wout_ref, x_ref, o_ref):
    coexp = jax.lax.dot_general(
        co_ref[...], exp_ref[...], (((1,), (0,)), ((), ())),
        preferred_element_type=jnp.float32)
    scaled = (h_ref[...].astype(jnp.float32) * coexp).astype(jnp.bfloat16)
    acc = x_ref[...]
    for e in range(NUM_EXPERTS):
        acc = acc + jax.lax.dot_general(
            scaled[:, e * DIM_EXPERT:(e + 1) * DIM_EXPERT],
            wout_ref[e].astype(jnp.bfloat16), (((1,), (1,)), ((), ())),
            preferred_element_type=jnp.float32)
    o_ref[...] = acc


@jax.jit
def kernel(x, gate_w, W_in, W_gate, W_out, norm_w):
    b, s, m = x.shape
    x2 = x.reshape(s, m)
    nw = norm_w.reshape(1, m)

    h, logits = pl.pallas_call(
        _hidden_body,
        grid=(s // _BLK,),
        in_specs=[
            pl.BlockSpec((_BLK, m), lambda i: (i, 0)),
            pl.BlockSpec((1, m), lambda i: (0, 0)),
            pl.BlockSpec(gate_w.shape, lambda i: (0, 0)),
            pl.BlockSpec(W_in.shape, lambda i: (0, 0, 0)),
            pl.BlockSpec(W_gate.shape, lambda i: (0, 0, 0)),
        ],
        out_specs=[
            pl.BlockSpec((_BLK, _EN), lambda i: (i, 0)),
            pl.BlockSpec((_BLK, _LP), lambda i: (i, 0)),
        ],
        out_shape=[
            jax.ShapeDtypeStruct((s, _EN), jnp.bfloat16),
            jax.ShapeDtypeStruct((s, _LP), jnp.float32),
        ],
    )(x2, nw, gate_w, W_in, W_gate)

    coeff = _route_sc(logits.reshape(s * _LP)).reshape(s, _LP)

    out = pl.pallas_call(
        _combine_body,
        grid=(s // _BLK,),
        in_specs=[
            pl.BlockSpec((_BLK, _EN), lambda i: (i, 0)),
            pl.BlockSpec((_BLK, _LP), lambda i: (i, 0)),
            pl.BlockSpec(_EXPANDER.shape, lambda i: (0, 0)),
            pl.BlockSpec(W_out.shape, lambda i: (0, 0, 0)),
            pl.BlockSpec((_BLK, m), lambda i: (i, 0)),
        ],
        out_specs=pl.BlockSpec((_BLK, m), lambda i: (i, 0)),
        out_shape=jax.ShapeDtypeStruct((s, m), jnp.float32),
    )(h, coeff, jnp.asarray(_EXPANDER), W_out, x2)
    return out.reshape(b, s, m)

# --- scband reference (transcript-rebuilt; emitter-appended) ---
"""Pipeline reference for scband-mo-e-mlp-55087250539083 (READ-ONLY COPY).

The authoritative reference and input builder live on the scoring server;
editing this copy changes nothing except your own understanding.
"""

import jax, jax.numpy as jnp
import numpy as np
import math

NUM_EXPERTS = 8
TOP_K = 2
DIM_MODEL = 768
DIM_EXPERT = 128
B = 1
S = 2048
EPS = 1e-6


def _kaiming_uniform(key, shape, fan_in):
    # matches torch kaiming_uniform_ with a=sqrt(5): bound = sqrt(6 / ((1 + a^2) * fan_in)) = 1/sqrt(fan_in)
    bound = 1.0 / math.sqrt(fan_in)
    return jax.random.uniform(key, shape, minval=-bound, maxval=bound, dtype=jnp.float32)


def setup_inputs(seed: int = 0) -> dict:
    key = jax.random.key(seed)
    ks = jax.random.split(key, 6)
    x = jax.random.normal(ks[0], (B, S, DIM_MODEL), dtype=jnp.float32)
    gate_w = _kaiming_uniform(ks[1], (NUM_EXPERTS, DIM_MODEL), DIM_MODEL)  # Linear(dim_model -> num_experts), no bias
    W_in = _kaiming_uniform(ks[2], (NUM_EXPERTS, DIM_EXPERT, DIM_MODEL), DIM_MODEL)
    W_gate = _kaiming_uniform(ks[3], (NUM_EXPERTS, DIM_EXPERT, DIM_MODEL), DIM_MODEL)
    W_out = _kaiming_uniform(ks[4], (NUM_EXPERTS, DIM_MODEL, DIM_EXPERT), DIM_EXPERT)
    norm_w = jnp.ones((DIM_MODEL,), dtype=jnp.float32)
    return {"x": x, "gate_w": gate_w, "W_in": W_in, "W_gate": W_gate, "W_out": W_out, "norm_w": norm_w}


def reference(x, gate_w, W_in, W_gate, W_out, norm_w):
    # RMSNorm
    y = x * jax.lax.rsqrt(jnp.mean(x * x, axis=-1, keepdims=True) + EPS) * norm_w
    # router logits and top-k experts (sorted descending, matching torch.topk sorted=True)
    logits = jnp.einsum('bsm,em->bse', y, gate_w)
    vals, idx = jax.lax.top_k(logits, TOP_K)  # [b,s,a]
    # gather per-token expert weights and apply SwiGLU (sequential to bound peak memory, same math)
    W1 = jnp.take(W_in, idx, axis=0)          # [b,s,a,n,m]
    W1x = jax.nn.silu(jnp.einsum('bsanm,bsm->bsan', W1, y))
    W1 = None
    W2 = jnp.take(W_gate, idx, axis=0)        # [b,s,a,n,m]
    W2x = jnp.einsum('bsanm,bsm->bsan', W2, y)
    W2 = None
    gate = W1x * W2x                           # [b,s,a,n]
    W3 = jnp.take(W_out, idx, axis=0)          # [b,s,a,m,n]
    swiglu = jnp.einsum('bsamn,bsan->bsam', W3, gate)
    W3 = None
    expert_weights = jax.nn.softmax(vals, axis=-1)  # softmax over selected experts
    out = jnp.einsum('bsam,bsa->bsm', swiglu, expert_weights)
    return x + out

if __name__ == "__main__":
    import jax
    _d = setup_inputs()
    print(jax.jit(kernel)(*tuple(_d.values())))

</pallas_src>

<mosaic_0001>
#map = affine_map<(d0, d1) -> (0)>
module attributes {stable_mosaic.version = 14 : i64} {
  func.func @_route_sc_body(%arg0: i32, %arg1: i32, %arg2: memref<262144xf32, #tpu.memory_space<hbm>>, %arg3: memref<262144xf32, #tpu.memory_space<hbm>>, %arg4: memref<8192xf32, #tpu.memory_space<vmem>>, %arg5: memref<8192xf32, #tpu.memory_space<vmem>>) attributes {dimension_semantics = [#tpu.dimension_semantics<core_parallel>, #tpu.dimension_semantics<subcore_parallel>], iteration_bounds = array<i64: 2, 16>, scalar_prefetch = 0 : i64, scratch_operands = 2 : i64, tpu.core_type = #tpu.core_type<sc_vector_subcore>, window_params = [{transform_indices = #map}, {transform_indices = #map}]} {
    %mul3A = arith.constant 2 : i32
    %mul3A_0 = arith.muli %arg1, %mul3A : i32
    %add3A = arith.addi %mul3A_0, %arg0 : i32
    %mul3A_1 = arith.constant 8192 : i32
    %mul3A_2 = arith.muli %add3A, %mul3A_1 : i32
    "tpu.region"() ({
      %run_scoped3A = tpu.sem_alloc : memref<!tpu.dma_semaphore, #tpu.memory_space<semaphore_mem>>
      %dma_start3A = tpu.memref_slice %arg2[%mul3A_2] : memref<262144xf32, #tpu.memory_space<hbm>> -> memref<8192xf32, #tpu.memory_space<hbm>>
      %dma_start3A_2427 = tpu.memref_slice %arg2[%mul3A_2] : memref<262144xf32, #tpu.memory_space<hbm>> -> memref<8192xf32, #tpu.memory_space<hbm>>
      tpu.enqueue_dma source(%dma_start3A_2427 : memref<8192xf32, #tpu.memory_space<hbm>>) target(%arg4 : memref<8192xf32, #tpu.memory_space<vmem>>) target_semaphore(%run_scoped3A : memref<!tpu.dma_semaphore, #tpu.memory_space<semaphore_mem>>)
      %dma_wait3A = tpu.memref_slice %arg2[%mul3A_2] : memref<262144xf32, #tpu.memory_space<hbm>> -> memref<8192xf32, #tpu.memory_space<hbm>>
      %dma_wait3A_2428 = tpu.memref_slice %arg2[%mul3A_2] : memref<262144xf32, #tpu.memory_space<hbm>> -> memref<8192xf32, #tpu.memory_space<hbm>>
      tpu.wait_dma2 semaphore(%run_scoped3A : memref<!tpu.dma_semaphore, #tpu.memory_space<semaphore_mem>>) src(%dma_wait3A_2428 : memref<8192xf32, #tpu.memory_space<hbm>>) dst(%arg4 : memref<8192xf32, #tpu.memory_space<vmem>>)
      tpu.yield
    }) : () -> ()
    %broadcast_in_dim3A = arith.constant 0.000000e+00 : f32
    %broadcast_in_dim3A_3 = vector.broadcast %broadcast_in_dim3A : f32 to vector<16xf32>
    %iota3A = tpu.iota {dimensions = array<i32: 0>} : vector<16xi32>
    %swap3A = arith.constant 0 : index
    %swap3A_4 = tpu.vector_load %arg5[%swap3A] {strides = array<i32>} : memref<8192xf32, #tpu.memory_space<vmem>>, vector<16xf32>,
    tpu.vector_store %arg5[%swap3A], %broadcast_in_dim3A_3 {strides = array<i32>} : memref<8192xf32, #tpu.memory_space<vmem>>, vector<16xf32>,
    %swap3A_5 = arith.constant 16 : index
    %swap3A_6 = tpu.vector_load %arg5[%swap3A_5] {strides = array<i32>} : memref<8192xf32, #tpu.memory_space<vmem>>, vector<16xf32>,
    tpu.vector_store %arg5[%swap3A_5], %broadcast_in_dim3A_3 {strides = array<i32>} : memref<8192xf32, #tpu.memory_space<vmem>>, vector<16xf32>,
    %swap3A_7 = arith.constant 32 : index
    %swap3A_8 = tpu.vector_load %arg5[%swap3A_7] {strides = array<i32>} : memref<8192xf32, #tpu.memory_space<vmem>>, vector<16xf32>,
    tpu.vector_store %arg5[%swap3A_7], %broadcast_in_dim3A_3 {strides = array<i32>} : memref<8192xf32, #tpu.memory_space<vmem>>, vector<16xf32>,
    %swap3A_9 = arith.constant 48 : index
    %swap3A_10 = tpu.vector_load %arg5[%swap3A_9] {strides = array<i32>} : memref<8192xf32, #tpu.memory_space<vmem>>, vector<16xf32>,
    tpu.vector_store %arg5[%swap3A_9], %broadcast_in_dim3A_3 {strides = array<i32>} : memref<8192xf32, #tpu.memory_space<vmem>>, vector<16xf32>,
    %swap3A_11 = arith.constant 64 : index
    %swap3A_12 = tpu.vector_load %arg5[%swap3A_11] {strides = array<i32>} : memref<8192xf32, #tpu.memory_space<vmem>>, vector<16xf32>,
    tpu.vector_store %arg5[%swap3A_11], %broadcast_in_dim3A_3 {strides = array<i32>} : memref<8192xf32, #tpu.memory_space<vmem>>, vector<16xf32>,
    %swap3A_13 = arith.constant 80 : index
    %swap3A_14 = tpu.vector_load %arg5[%swap3A_13] {strides = array<i32>} : memref<8192xf32, #tpu.memory_space<vmem>>, vector<16xf32>,
    tpu.vector_store %arg5[%swap3A_13], %broadcast_in_dim3A_3 {strides = array<i32>} : memref<8192xf32, #tpu.memory_space<vmem>>, vector<16xf32>,
    %swap3A_15 = arith.constant 96 : index
    %swap3A_16 = tpu.vector_load %arg5[%swap3A_15] {strides = array<i32>} : memref<8192xf32, #tpu.memory_space<vmem>>, vector<16xf32>,
    tpu.vector_store %arg5[%swap3A_15], %broadcast_in_dim3A_3 {strides = array<i32>} : memref<8192xf32, #tpu.memory_space<vmem>>, vector<16xf32>,
    %swap3A_17 = arith.constant 112 : index
    %swap3A_18 = tpu.vector_load %arg5[%swap3A_17] {strides = array<i32>} : memref<8192xf32, #tpu.memory_space<vmem>>, vector<16xf32>,
    tpu.vector_store %arg5[%swap3A_17], %broadcast_in_dim3A_3 {strides = array<i32>} : memref<8192xf32, #tpu.memory_space<vmem>>, vector<16xf32>,
    %swap3A_19 = arith.constant 128 : index
    %swap3A_20 = tpu.vector_load %arg5[%swap3A_19] {strides = array<i32>} : memref<8192xf32, #tpu.memory_space<vmem>>, vector<16xf32>,
    tpu.vector_store %arg5[%swap3A_19], %broadcast_in_dim3A_3 {strides = array<i32>} : memref<8192xf32, #tpu.memory_space<vmem>>, vector<16xf32>,
    %swap3A_21 = arith.constant 144 : index
    %swap3A_22 = tpu.vector_load %arg5[%swap3A_21] {strides = array<i32>} : memref<8192xf32, #tpu.memory_space<vmem>>, vector<16xf32>,
    tpu.vector_store %arg5[%swap3A_21], %broadcast_in_dim3A_3 {strides = array<i32>} : memref<8192xf32, #tpu.memory_space<vmem>>, vector<16xf32>,
    %swap3A_23 = arith.constant 160 : index
    %swap3A_24 = tpu.vector_load %arg5[%swap3A_23] {strides = array<i32>} : memref<8192xf32, #tpu.memory_space<vmem>>, vector<16xf32>,
    tpu.vector_store %arg5[%swap3A_23], %broadcast_in_dim3A_3 {strides = array<i32>} : memref<8192xf32, #tpu.memory_space<vmem>>, vector<16xf32>,
    %swap3A_25 = arith.constant 176 : index
    %swap3A_26 = tpu.vector_load %arg5[%swap3A_25] {strides = array<i32>} : memref<8192xf32, #tpu.memory_space<vmem>>, vector<16xf32>,
    tpu.vector_store %arg5[%swap3A_25], %broadcast_in_dim3A_3 {strides = array<i32>} : memref<8192xf32, #tpu.memory_space<vmem>>, vector<16xf32>,
    %swap3A_27 = arith.constant 192 : index
    %swap3A_28 = tpu.vector_load %arg5[%swap3A_27] {strides = array<i32>} : memref<8192xf32, #tpu.memory_space<vmem>>, vector<16xf32>,
    tpu.vector_store %arg5[%swap3A_27], %broadcast_in_dim3A_3 {strides = array<i32>} : memref<8192xf32, #tpu.memory_space<vmem>>, vector<16xf32>,
    %swap3A_29 = arith.constant 208 : index
    %swap3A_30 = tpu.vector_load %arg5[%swap3A_29] {strides = array<i32>} : memref<8192xf32, #tpu.memory_space<vmem>>, vector<16xf32>,
    tpu.vector_store %arg5[%swap3A_29], %broadcast_in_dim3A_3 {strides = array<i32>} : memref<8192xf32, #tpu.memory_space<vmem>>, vector<16xf32>,
    %swap3A_31 = arith.constant 224 : index
    %swap3A_32 = tpu.vector_load %arg5[%swap3A_31] {strides = array<i32>} : memref<8192xf32, #tpu.memory_space<vmem>>, vector<16xf32>,
    tpu.vector_store %arg5[%swap3A_31], %broadcast_in_dim3A_3 {strides = array<i32>} : memref<8192xf32, #tpu.memory_space<vmem>>, vector<16xf32>,
    %swap3A_33 = arith.constant 240 : index
    %swap3A_34 = tpu.vector_load %arg5[%swap3A_33] {strides = array<i32>} : memref<8192xf32, #tpu.memory_space<vmem>>, vector<16xf32>,
    tpu.vector_store %arg5[%swap3A_33], %broadcast_in_dim3A_3 {strides = array<i32>} : memref<8192xf32, #tpu.memory_space<vmem>>, vector<16xf32>,
    %swap3A_35 = arith.constant 256 : index
    %swap3A_36 = tpu.vector_load %arg5[%swap3A_35] {strides = array<i32>} : memref<8192xf32, #tpu.memory_space<vmem>>, vector<16xf32>,
    tpu.vector_store %arg5[%swap3A_35], %broadcast_in_dim3A_3 {strides = array<i32>} : memref<8192xf32, #tpu.memory_space<vmem>>, vector<16xf32>,
    %swap3A_37 = arith.constant 272 : index
    %swap3A_38 = tpu.vector_load %arg5[%swap3A_37] {strides = array<i32>} : memref<8192xf32, #tpu.memory_space<vmem>>, vector<16xf32>,
    tpu.vector_store %arg5[%swap3A_37], %broadcast_in_dim3A_3 {strides = array<i32>} : memref<8192xf32, #tpu.memory_space<vmem>>, vector<16xf32>,
    %swap3A_39 = arith.constant 288 : index
    %swap3A_40 = tpu.vector_load %arg5[%swap3A_39] {strides = array<i32>} : memref<8192xf32, #tpu.memory_space<vmem>>, vector<16xf32>,
    tpu.vector_store %arg5[%swap3A_39], %broadcast_in_dim3A_3 {strides = array<i32>} : memref<8192xf32, #tpu.memory_space<vmem>>, vector<16xf32>,
    %swap3A_41 = arith.constant 304 : index
    %swap3A_42 = tpu.vector_load %arg5[%swap3A_41] {strides = array<i32>} : memref<8192xf32, #tpu.memory_space<vmem>>, vector<16xf32>,
    tpu.vector_store %arg5[%swap3A_41], %broadcast_in_dim3A_3 {strides = array<i32>} : memref<8192xf32, #tpu.memory_space<vmem>>, vector<16xf32>,
    %swap3A_43 = arith.constant 320 : index
    %swap3A_44 = tpu.vector_load %arg5[%swap3A_43] {strides = array<i32>} : memref<8192xf32, #tpu.memory_space<vmem>>, vector<16xf32>,
    tpu.vector_store %arg5[%swap3A_43], %broadcast_in_dim3A_3 {strides = array<i32>} : memref<8192xf32, #tpu.memory_space<vmem>>, vector<16xf32>,
    %swap3A_45 = arith.constant 336 : index
    %swap3A_46 = tpu.vector_load %arg5[%swap3A_45] {strides = array<i32>} : memref<8192xf32, #tpu.memory_space<vmem>>, vector<16xf32>,
    tpu.vector_store %arg5[%swap3A_45], %broadcast_in_dim3A_3 {strides = array<i32>} : memref<8192xf32, #tpu.memory_space<vmem>>, vector<16xf32>,
    %swap3A_47 = arith.constant 352 : index
    %swap3A_48 = tpu.vector_load %arg5[%swap3A_47] {strides = array<i32>} : memref<8192xf32, #tpu.memory_space<vmem>>, vector<16xf32>,
    tpu.vector_store %arg5[%swap3A_47], %broadcast_in_dim3A_3 {strides = array<i32>} : memref<8192xf32, #tpu.memory_space<vmem>>, vector<16xf32>,
    %swap3A_49 = arith.constant 368 : index
    %swap3A_50 = tpu.vector_load %arg5[%swap3A_49] {strides = array<i32>} : memref<8192xf32, #tpu.memory_space<vmem>>, vector<16xf32>,
    tpu.vector_store %arg5[%swap3A_49], %broadcast_in_dim3A_3 {strides = array<i32>} : memref<8192xf32, #tpu.memory_space<vmem>>, vector<16xf32>,
    %swap3A_51 = arith.constant 384 : index
    %swap3A_52 = tpu.vector_load %arg5[%swap3A_51] {strides = array<i32>} : memref<8192xf32, #tpu.memory_space<vmem>>, vector<16xf32>,
    tpu.vector_store %arg5[%swap3A_51], %broadcast_in_dim3A_3 {strides = array<i32>} : memref<8192xf32, #tpu.memory_space<vmem>>, vector<16xf32>,
    %swap3A_53 = arith.constant 400 : index
    %swap3A_54 = tpu.vector_load %arg5[%swap3A_53] {strides = array<i32>} : memref<8192xf32, #tpu.memory_space<vmem>>, vector<16xf32>,
    tpu.vector_store %arg5[%swap3A_53], %broadcast_in_dim3A_3 {strides = array<i32>} : memref<8192xf32, #tpu.memory_space<vmem>>, vector<16xf32>,
    %swap3A_55 = arith.constant 416 : index
    %swap3A_56 = tpu.vector_load %arg5[%swap3A_55] {strides = array<i32>} : memref<8192xf32, #tpu.memory_space<vmem>>, vector<16xf32>,
    tpu.vector_store %arg5[%swap3A_55], %broadcast_in_dim3A_3 {strides = array<i32>} : memref<8192xf32, #tpu.memory_space<vmem>>, vector<16xf32>,
    %swap3A_57 = arith.constant 432 : index
    %swap3A_58 = tpu.vector_load %arg5[%swap3A_57] {strides = array<i32>} : memref<8192xf32, #tpu.memory_space<vmem>>, vector<16xf32>,
    tpu.vector_store %arg5[%swap3A_57], %broadcast_in_dim3A_3 {strides = array<i32>} : memref<8192xf32, #tpu.memory_space<vmem>>, vector<16xf32>,
    %swap3A_59 = arith.constant 448 : index
    %swap3A_60 = tpu.vector_load %arg5[%swap3A_59] {strides = array<i32>} : memref<8192xf32, #tpu.memory_space<vmem>>, vector<16xf32>,
    tpu.vector_store %arg5[%swap3A_59], %broadcast_in_dim3A_3 {strides = array<i32>} : memref<8192xf32, #tpu.memory_space<vmem>>, vector<16xf32>,
    %swap3A_61 = arith.constant 464 : index
    %swap3A_62 = tpu.vector_load %arg5[%swap3A_61] {strides = array<i32>} : memref<8192xf32, #tpu.memory_space<vmem>>, vector<16xf32>,
    tpu.vector_store %arg5[%swap3A_61], %broadcast_in_dim3A_3 {strides = array<i32>} : memref<8192xf32, #tpu.memory_space<vmem>>, vector<16xf32>,
    %swap3A_63 = arith.constant 480 : index
    %swap3A_64 = tpu.vector_load %arg5[%swap3A_63] {strides = array<i32>} : memref<8192xf32, #tpu.memory_space<vmem>>, vector<16xf32>,
    tpu.vector_store %arg5[%swap3A_63], %broadcast_in_dim3A_3 {strides = array<i32>} : memref<8192xf32, #tpu.memory_space<vmem>>, vector<16xf32>,
    %swap3A_65 = arith.constant 496 : index
    %swap3A_66 = tpu.vector_load %arg5[%swap3A_65] {strides = array<i32>} : memref<8192xf32, #tpu.memory_space<vmem>>, vector<16xf32>,
    tpu.vector_store %arg5[%swap3A_65], %broadcast_in_dim3A_3 {strides = array<i32>} : memref<8192xf32, #tpu.memory_space<vmem>>, vector<16xf32>,
    %swap3A_67 = arith.constant 512 : index
    %swap3A_68 = tpu.vector_load %arg5[%swap3A_67] {strides = array<i32>} : memref<8192xf32, #tpu.memory_space<vmem>>, vector<16xf32>,
    tpu.vector_store %arg5[%swap3A_67], %broadcast_in_dim3A_3 {strides = array<i32>} : memref<8192xf32, #tpu.memory_space<vmem>>, vector<16xf32>,
    %swap3A_69 = arith.constant 528 : index
    %swap3A_70 = tpu.vector_load %arg5[%swap3A_69] {strides = array<i32>} : memref<8192xf32, #tpu.memory_space<vmem>>, vector<16xf32>,
    tpu.vector_store %arg5[%swap3A_69], %broadcast_in_dim3A_3 {strides = array<i32>} : memref<8192xf32, #tpu.memory_space<vmem>>, vector<16xf32>,
    %swap3A_71 = arith.constant 544 : index
    %swap3A_72 = tpu.vector_load %arg5[%swap3A_71] {strides = array<i32>} : memref<8192xf32, #tpu.memory_space<vmem>>, vector<16xf32>,
    tpu.vector_store %arg5[%swap3A_71], %broadcast_in_dim3A_3 {strides = array<i32>} : memref<8192xf32, #tpu.memory_space<vmem>>, vector<16xf32>,
    %swap3A_73 = arith.constant 560 : index
    %swap3A_74 = tpu.vector_load %arg5[%swap3A_73] {strides = array<i32>} : memref<8192xf32, #tpu.memory_space<vmem>>, vector<16xf32>,
    tpu.vector_store %arg5[%swap3A_73], %broadcast_in_dim3A_3 {strides = array<i32>} : memref<8192xf32, #tpu.memory_space<vmem>>, vector<16xf32>,
    %swap3A_75 = arith.constant 576 : index
    %swap3A_76 = tpu.vector_load %arg5[%swap3A_75] {strides = array<i32>} : memref<8192xf32, #tpu.memory_space<vmem>>, vector<16xf32>,
    tpu.vector_store %arg5[%swap3A_75], %broadcast_in_dim3A_3 {strides = array<i32>} : memref<8192xf32, #tpu.memory_space<vmem>>, vector<16xf32>,
    %swap3A_77 = arith.constant 592 : index
    %swap3A_78 = tpu.vector_load %arg5[%swap3A_77] {strides = array<i32>} : memref<8192xf32, #tpu.memory_space<vmem>>, vector<16xf32>,
    tpu.vector_store %arg5[%swap3A_77], %broadcast_in_dim3A_3 {strides = array<i32>} : memref<8192xf32, #tpu.memory_space<vmem>>, vector<16xf32>,
    %swap3A_79 = arith.constant 608 : index
    %swap3A_80 = tpu.vector_load %arg5[%swap3A_79] {strides = array<i32>} : memref<8192xf32, #tpu.memory_space<vmem>>, vector<16xf32>,
    tpu.vector_store %arg5[%swap3A_79], %broadcast_in_dim3A_3 {strides = array<i32>} : memref<8192xf32, #tpu.memory_space<vmem>>, vector<16xf32>,
    %swap3A_81 = arith.constant 624 : index
    %swap3A_82 = tpu.vector_load %arg5[%swap3A_81] {strides = array<i32>} : memref<8192xf32, #tpu.memory_space<vmem>>, vector<16xf32>,
    tpu.vector_store %arg5[%swap3A_81], %broadcast_in_dim3A_3 {strides = array<i32>} : memref<8192xf32, #tpu.memory_space<vmem>>, vector<16xf32>,
    %swap3A_83 = arith.constant 640 : index
    %swap3A_84 = tpu.vector_load %arg5[%swap3A_83] {strides = array<i32>} : memref<8192xf32, #tpu.memory_space<vmem>>, vector<16xf32>,
    tpu.vector_store %arg5[%swap3A_83], %broadcast_in_dim3A_3 {strides = array<i32>} : memref<8192xf32, #tpu.memory_space<vmem>>, vector<16xf32>,
    %swap3A_85 = arith.constant 656 : index
    %swap3A_86 = tpu.vector_load %arg5[%swap3A_85] {strides = array<i32>} : memref<8192xf32, #tpu.memory_space<vmem>>, vector<16xf32>,
    tpu.vector_store %arg5[%swap3A_85], %broadcast_in_dim3A_3 {strides = array<i32>} : memref<8192xf32, #tpu.memory_space<vmem>>, vector<16xf32>,
    %swap3A_87 = arith.constant 672 : index
    %swap3A_88 = tpu.vector_load %arg5[%swap3A_87] {strides = array<i32>} : memref<8192xf32, #tpu.memory_space<vmem>>, vector<16xf32>,
    tpu.vector_store %arg5[%swap3A_87], %broadcast_in_dim3A_3 {strides = array<i32>} : memref<8192xf32, #tpu.memory_space<vmem>>, vector<16xf32>,
    %swap3A_89 = arith.constant 688 : index
    %swap3A_90 = tpu.vector_load %arg5[%swap3A_89] {strides = array<i32>} : memref<8192xf32, #tpu.memory_space<vmem>>, vector<16xf32>,
    tpu.vector_store %arg5[%swap3A_89], %broadcast_in_dim3A_3 {strides = array<i32>} : memref<8192xf32, #tpu.memory_space<vmem>>, vector<16xf32>,
    %swap3A_91 = arith.constant 704 : index
    %swap3A_92 = tpu.vector_load %arg5[%swap3A_91] {strides = array<i32>} : memref<8192xf32, #tpu.memory_space<vmem>>, vector<16xf32>,
    tpu.vector_store %arg5[%swap3A_91], %broadcast_in_dim3A_3 {strides = array<i32>} : memref<8192xf32, #tpu.memory_space<vmem>>, vector<16xf32>,
    %swap3A_93 = arith.constant 720 : index
    %swap3A_94 = tpu.vector_load %arg5[%swap3A_93] {strides = array<i32>} : memref<8192xf32, #tpu.memory_space<vmem>>, vector<16xf32>,
    tpu.vector_store %arg5[%swap3A_93], %broadcast_in_dim3A_3 {strides = array<i32>} : memref<8192xf32, #tpu.memory_space<vmem>>, vector<16xf32>,
    %swap3A_95 = arith.constant 736 : index
    %swap3A_96 = tpu.vector_load %arg5[%swap3A_95] {strides = array<i32>} : memref<8192xf32, #tpu.memory_space<vmem>>, vector<16xf32>,
    tpu.vector_store %arg5[%swap3A_95], %broadcast_in_dim3A_3 {strides = array<i32>} : memref<8192xf32, #tpu.memory_space<vmem>>, vector<16xf32>,
    %swap3A_97 = arith.constant 752 : index
    %swap3A_98 = tpu.vector_load %arg5[%swap3A_97] {strides = array<i32>} : memref<8192xf32, #tpu.memory_space<vmem>>, vector<16xf32>,
    tpu.vector_store %arg5[%swap3A_97], %broadcast_in_dim3A_3 {strides = array<i32>} : memref<8192xf32, #tpu.memory_space<vmem>>, vector<16xf32>,
    %swap3A_99 = arith.constant 768 : index
    %swap3A_100 = tpu.vector_load %arg5[%swap3A_99] {strides = array<i32>} : memref<8192xf32, #tpu.memory_space<vmem>>, vector<16xf32>,
    tpu.vector_store %arg5[%swap3A_99], %broadcast_in_dim3A_3 {strides = array<i32>} : memref<8192xf32, #tpu.memory_space<vmem>>, vector<16xf32>,
    %swap3A_101 = arith.constant 784 : index
    %swap3A_102 = tpu.vector_load %arg5[%swap3A_101] {strides = array<i32>} : memref<8192xf32, #tpu.memory_space<vmem>>, vector<16xf32>,
    tpu.vector_store %arg5[%swap3A_101], %broadcast_in_dim3A_3 {strides = array<i32>} : memref<8192xf32, #tpu.memory_space<vmem>>, vector<16xf32>,
    %swap3A_103 = arith.constant 800 : index
    %swap3A_104 = tpu.vector_load %arg5[%swap3A_103] {strides = array<i32>} : memref<8192xf32, #tpu.memory_space<vmem>>, vector<16xf32>,
    tpu.vector_store %arg5[%swap3A_103], %broadcast_in_dim3A_3 {strides = array<i32>} : memref<8192xf32, #tpu.memory_space<vmem>>, vector<16xf32>,
    %swap3A_105 = arith.constant 816 : index
    %swap3A_106 = tpu.vector_load %arg5[%swap3A_105] {strides = array<i32>} : memref<8192xf32, #tpu.memory_space<vmem>>, vector<16xf32>,
    tpu.vector_store %arg5[%swap3A_105], %broadcast_in_dim3A_3 {strides = array<i32>} : memref<8192xf32, #tpu.memory_space<vmem>>, vector<16xf32>,
    %swap3A_107 = arith.constant 832 : index
    %swap3A_108 = tpu.vector_load %arg5[%swap3A_107] {strides = array<i32>} : memref<8192xf32, #tpu.memory_space<vmem>>, vector<16xf32>,
    tpu.vector_store %arg5[%swap3A_107], %broadcast_in_dim3A_3 {strides = array<i32>} : memref<8192xf32, #tpu.memory_space<vmem>>, vector<16xf32>,
    %swap3A_109 = arith.constant 848 : index
    %swap3A_110 = tpu.vector_load %arg5[%swap3A_109] {strides = array<i32>} : memref<8192xf32, #tpu.memory_space<vmem>>, vector<16xf32>,
    tpu.vector_store %arg5[%swap3A_109], %broadcast_in_dim3A_3 {strides = array<i32>} : memref<8192xf32, #tpu.memory_space<vmem>>, vector<16xf32>,
    %swap3A_111 = arith.constant 864 : index
    %swap3A_112 = tpu.vector_load %arg5[%swap3A_111] {strides = array<i32>} : memref<8192xf32, #tpu.memory_space<vmem>>, vector<16xf32>,
    tpu.vector_store %arg5[%swap3A_111], %broadcast_in_dim3A_3 {strides = array<i32>} : memref<8192xf32, #tpu.memory_space<vmem>>, vector<16xf32>,
    %swap3A_113 = arith.constant 880 : index
    %swap3A_114 = tpu.vector_load %arg5[%swap3A_113] {strides = array<i32>} : memref<8192xf32, #tpu.memory_space<vmem>>, vector<16xf32>,
    tpu.vector_store %arg5[%swap3A_113], %broadcast_in_dim3A_3 {strides = array<i32>} : memref<8192xf32, #tpu.memory_space<vmem>>, vector<16xf32>,
    %swap3A_115 = arith.constant 896 : index
    %swap3A_116 = tpu.vector_load %arg5[%swap3A_115] {strides = array<i32>} : memref<8192xf32, #tpu.memory_space<vmem>>, vector<16xf32>,
    tpu.vector_store %arg5[%swap3A_115], %broadcast_in_dim3A_3 {strides = array<i32>} : memref<8192xf32, #tpu.memory_space<vmem>>, vector<16xf32>,
    %swap3A_117 = arith.constant 912 : index
    %swap3A_118 = tpu.vector_load %arg5[%swap3A_117] {strides = array<i32>} : memref<8192xf32, #tpu.memory_space<vmem>>, vector<16xf32>,
    tpu.vector_store %arg5[%swap3A_117], %broadcast_in_dim3A_3 {strides = array<i32>} : memref<8192xf32, #tpu.memory_space<vmem>>, vector<16xf32>,
    %swap3A_119 = arith.constant 928 : index
    %swap3A_120 = tpu.vector_load %arg5[%swap3A_119] {strides = array<i32>} : memref<8192xf32, #tpu.memory_space<vmem>>, vector<16xf32>,
    tpu.vector_store %arg5[%swap3A_119], %broadcast_in_dim3A_3 {strides = array<i32>} : memref<8192xf32, #tpu.memory_space<vmem>>, vector<16xf32>,
    %swap3A_121 = arith.constant 944 : index
    %swap3A_122 = tpu.vector_load %arg5[%swap3A_121] {strides = array<i32>} : memref<8192xf32, #tpu.memory_space<vmem>>, vector<16xf32>,
    tpu.vector_store %arg5[%swap3A_121], %broadcast_in_dim3A_3 {strides = array<i32>} : memref<8192xf32, #tpu.memory_space<vmem>>, vector<16xf32>,
    %swap3A_123 = arith.constant 960 : index
    %swap3A_124 = tpu.vector_load %arg5[%swap3A_123] {strides = array<i32>} : memref<8192xf32, #tpu.memory_space<vmem>>, vector<16xf32>,
    tpu.vector_store %arg5[%swap3A_123], %broadcast_in_dim3A_3 {strides = array<i32>} : memref<8192xf32, #tpu.memory_space<vmem>>, vector<16xf32>,
    %swap3A_125 = arith.constant 976 : index
    %swap3A_126 = tpu.vector_load %arg5[%swap3A_125] {strides = array<i32>} : memref<8192xf32, #tpu.memory_space<vmem>>, vector<16xf32>,
    tpu.vector_store %arg5[%swap3A_125], %broadcast_in_dim3A_3 {strides = array<i32>} : memref<8192xf32, #tpu.memory_space<vmem>>, vector<16xf32>,
    %swap3A_127 = arith.constant 992 : index
    %swap3A_128 = tpu.vector_load %arg5[%swap3A_127] {strides = array<i32>} : memref<8192xf32, #tpu.memory_space<vmem>>, vector<16xf32>,
    tpu.vector_store %arg5[%swap3A_127], %broadcast_in_dim3A_3 {strides = array<i32>} : memref<8192xf32, #tpu.memory_space<vmem>>, vector<16xf32>,
    %swap3A_129 = arith.constant 1008 : index
    %swap3A_130 = tpu.vector_load %arg5[%swap3A_129] {strides = array<i32>} : memref<8192xf32, #tpu.memory_space<vmem>>, vector<16xf32>,
    tpu.vector_store %arg5[%swap3A_129], %broadcast_in_dim3A_3 {strides = array<i32>} : memref<8192xf32, #tpu.memory_space<vmem>>, vector<16xf32>,
    %swap3A_131 = arith.constant 1024 : index
    %swap3A_132 = tpu.vector_load %arg5[%swap3A_131] {strides = array<i32>} : memref<8192xf32, #tpu.memory_space<vmem>>, vector<16xf32>,
    tpu.vector_store %arg5[%swap3A_131], %broadcast_in_dim3A_3 {strides = array<i32>} : memref<8192xf32, #tpu.memory_space<vmem>>, vector<16xf32>,
    %swap3A_133 = arith.constant 1040 : index
    %swap3A_134 = tpu.vector_load %arg5[%swap3A_133] {strides = array<i32>} : memref<8192xf32, #tpu.memory_space<vmem>>, vector<16xf32>,
    tpu.vector_store %arg5[%swap3A_133], %broadcast_in_dim3A_3 {strides = array<i32>} : memref<8192xf32, #tpu.memory_space<vmem>>, vector<16xf32>,
    %swap3A_135 = arith.constant 1056 : index
    %swap3A_136 = tpu.vector_load %arg5[%swap3A_135] {strides = array<i32>} : memref<8192xf32, #tpu.memory_space<vmem>>, vector<16xf32>,
    tpu.vector_store %arg5[%swap3A_135], %broadcast_in_dim3A_3 {strides = array<i32>} : memref<8192xf32, #tpu.memory_space<vmem>>, vector<16xf32>,
    %swap3A_137 = arith.constant 1072 : index
    %swap3A_138 = tpu.vector_load %arg5[%swap3A_137] {strides = array<i32>} : memref<8192xf32, #tpu.memory_space<vmem>>, vector<16xf32>,
    tpu.vector_store %arg5[%swap3A_137], %broadcast_in_dim3A_3 {strides = array<i32>} : memref<8192xf32, #tpu.memory_space<vmem>>, vector<16xf32>,
    %swap3A_139 = arith.constant 1088 : index
    %swap3A_140 = tpu.vector_load %arg5[%swap3A_139] {strides = array<i32>} : memref<8192xf32, #tpu.memory_space<vmem>>, vector<16xf32>,
    tpu.vector_store %arg5[%swap3A_139], %broadcast_in_dim3A_3 {strides = array<i32>} : memref<8192xf32, #tpu.memory_space<vmem>>, vector<16xf32>,
    %swap3A_141 = arith.constant 1104 : index
    %swap3A_142 = tpu.vector_load %arg5[%swap3A_141] {strides = array<i32>} : memref<8192xf32, #tpu.memory_space<vmem>>, vector<16xf32>,
    tpu.vector_store %arg5[%swap3A_141], %broadcast_in_dim3A_3 {strides = array<i32>} : memref<8192xf32, #tpu.memory_space<vmem>>, vector<16xf32>,
    %swap3A_143 = arith.constant 1120 : index
    %swap3A_144 = tpu.vector_load %arg5[%swap3A_143] {strides = array<i32>} : memref<8192xf32, #tpu.memory_space<vmem>>, vector<16xf32>,
    tpu.vector_store %arg5[%swap3A_143], %broadcast_in_dim3A_3 {strides = array<i32>} : memref<8192xf32, #tpu.memory_space<vmem>>, vector<16xf32>,
    %swap3A_145 = arith.constant 1136 : index
    %swap3A_146 = tpu.vector_load %arg5[%swap3A_145] {strides = array<i32>} : memref<8192xf32, #tpu.memory_space<vmem>>, vector<16xf32>,
    tpu.vector_store %arg5[%swap3A_145], %broadcast_in_dim3A_3 {strides = array<i32>} : memref<8192xf32, #tpu.memory_space<vmem>>, vector<16xf32>,
    %swap3A_147 = arith.constant 1152 : index
    %swap3A_148 = tpu.vector_load %arg5[%swap3A_147] {strides = array<i32>} : memref<8192xf32, #tpu.memory_space<vmem>>, vector<16xf32>,
    tpu.vector_store %arg5[%swap3A_147], %broadcast_in_dim3A_3 {strides = array<i32>} : memref<8192xf32, #tpu.memory_space<vmem>>, vector<16xf32>,
    %swap3A_149 = arith.constant 1168 : index
    %swap3A_150 = tpu.vector_load %arg5[%swap3A_149] {strides = array<i32>} : memref<8192xf32, #tpu.memory_space<vmem>>, vector<16xf32>,
    tpu.vector_store %arg5[%swap3A_149], %broadcast_in_dim3A_3 {strides = array<i32>} : memref<8192xf32, #tpu.memory_space<vmem>>, vector<16xf32>,
    %swap3A_151 = arith.constant 1184 : index
    %swap3A_152 = tpu.vector_load %arg5[%swap3A_151] {strides = array<i32>} : memref<8192xf32, #tpu.memory_space<vmem>>, vector<16xf32>,
    tpu.vector_store %arg5[%swap3A_151], %broadcast_in_dim3A_3 {strides = array<i32>} : memref<8192xf32, #tpu.memory_space<vmem>>, vector<16xf32>,
    %swap3A_153 = arith.constant 1200 : index
    %swap3A_154 = tpu.vector_load %arg5[%swap3A_153] {strides = array<i32>} : memref<8192xf32, #tpu.memory_space<vmem>>, vector<16xf32>,
    tpu.vector_store %arg5[%swap3A_153], %broadcast_in_dim3A_3 {strides = array<i32>} : memref<8192xf32, #tpu.memory_space<vmem>>, vector<16xf32>,
    %swap3A_155 = arith.constant 1216 : index
    %swap3A_156 = tpu.vector_load %arg5[%swap3A_155] {strides = array<i32>} : memref<8192xf32, #tpu.memory_space<vmem>>, vector<16xf32>,
    tpu.vector_store %arg5[%swap3A_155], %broadcast_in_dim3A_3 {strides = array<i32>} : memref<8192xf32, #tpu.memory_space<vmem>>, vector<16xf32>,
    %swap3A_157 = arith.constant 1232 : index
    %swap3A_158 = tpu.vector_load %arg5[%swap3A_157] {strides = array<i32>} : memref<8192xf32, #tpu.memory_space<vmem>>, vector<16xf32>,
    tpu.vector_store %arg5[%swap3A_157], %broadcast_in_dim3A_3 {strides = array<i32>} : memref<8192xf32, #tpu.memory_space<vmem>>, vector<16xf32>,
    %swap3A_159 = arith.constant 1248 : index
    %swap3A_160 = tpu.vector_load %arg5[%swap3A_159] {strides = array<i32>} : memref<8192xf32, #tpu.memory_space<vmem>>, vector<16xf32>,
    tpu.vector_store %arg5[%swap3A_159], %broadcast_in_dim3A_3 {strides = array<i32>} : memref<8192xf32, #tpu.memory_space<vmem>>, vector<16xf32>,
    %swap3A_161 = arith.constant 1264 : index
    %swap3A_162 = tpu.vector_load %arg5[%swap3A_161] {strides = array<i32>} : memref<8192xf32, #tpu.memory_space<vmem>>, vector<16xf32>,
    tpu.vector_store %arg5[%swap3A_161], %broadcast_in_dim3A_3 {strides = array<i32>} : memref<8192xf32, #tpu.memory_space<vmem>>, vector<16xf32>,
    %swap3A_163 = arith.constant 1280 : index
    %swap3A_164 = tpu.vector_load %arg5[%swap3A_163] {strides = array<i32>} : memref<8192xf32, #tpu.memory_space<vmem>>, vector<16xf32>,
    tpu.vector_store %arg5[%swap3A_163], %broadcast_in_dim3A_3 {strides = array<i32>} : memref<8192xf32, #tpu.memory_space<vmem>>, vector<16xf32>,
    %swap3A_165 = arith.constant 1296 : index
    %swap3A_166 = tpu.vector_load %arg5[%swap3A_165] {strides = array<i32>} : memref<8192xf32, #tpu.memory_space<vmem>>, vector<16xf32>,
    tpu.vector_store %arg5[%swap3A_165], %broadcast_in_dim3A_3 {strides = array<i32>} : memref<8192xf32, #tpu.memory_space<vmem>>, vector<16xf32>,
    %swap3A_167 = arith.constant 1312 : index
    %swap3A_168 = tpu.vector_load %arg5[%swap3A_167] {strides = array<i32>} : memref<8192xf32, #tpu.memory_space<vmem>>, vector<16xf32>,
    tpu.vector_store %arg5[%swap3A_167], %broadcast_in_dim3A_3 {strides = array<i32>} : memref<8192xf32, #tpu.memory_space<vmem>>, vector<16xf32>,
    %swap3A_169 = arith.constant 1328 : index
    %swap3A_170 = tpu.vector_load %arg5[%swap3A_169] {strides = array<i32>} : memref<8192xf32, #tpu.memory_space<vmem>>, vector<16xf32>,
    tpu.vector_store %arg5[%swap3A_169], %broadcast_in_dim3A_3 {strides = array<i32>} : memref<8192xf32, #tpu.memory_space<vmem>>, vector<16xf32>,
    %swap3A_171 = arith.constant 1344 : index
    %swap3A_172 = tpu.vector_load %arg5[%swap3A_171] {strides = array<i32>} : memref<8192xf32, #tpu.memory_space<vmem>>, vector<16xf32>,
    tpu.vector_store %arg5[%swap3A_171], %broadcast_in_dim3A_3 {strides = array<i32>} : memref<8192xf32, #tpu.memory_space<vmem>>, vector<16xf32>,
    %swap3A_173 = arith.constant 1360 : index
    %swap3A_174 = tpu.vector_load %arg5[%swap3A_173] {strides = array<i32>} : memref<8192xf32, #tpu.memory_space<vmem>>, vector<16xf32>,
    tpu.vector_store %arg5[%swap3A_173], %broadcast_in_dim3A_3 {strides = array<i32>} : memref<8192xf32, #tpu.memory_space<vmem>>, vector<16xf32>,
    %swap3A_175 = arith.constant 1376 : index
    %swap3A_176 = tpu.vector_load %arg5[%swap3A_175] {strides = array<i32>} : memref<8192xf32, #tpu.memory_space<vmem>>, vector<16xf32>,
    tpu.vector_store %arg5[%swap3A_175], %broadcast_in_dim3A_3 {strides = array<i32>} : memref<8192xf32, #tpu.memory_space<vmem>>, vector<16xf32>,
    %swap3A_177 = arith.constant 1392 : index
    %swap3A_178 = tpu.vector_load %arg5[%swap3A_177] {strides = array<i32>} : memref<8192xf32, #tpu.memory_space<vmem>>, vector<16xf32>,
    tpu.vector_store %arg5[%swap3A_177], %broadcast_in_dim3A_3 {strides = array<i32>} : memref<8192xf32, #tpu.memory_space<vmem>>, vector<16xf32>,
    %swap3A_179 = arith.constant 1408 : index
    %swap3A_180 = tpu.vector_load %arg5[%swap3A_179] {strides = array<i32>} : memref<8192xf32, #tpu.memory_space<vmem>>, vector<16xf32>,
    tpu.vector_store %arg5[%swap3A_179], %broadcast_in_dim3A_3 {strides = array<i32>} : memref<8192xf32, #tpu.memory_space<vmem>>, vector<16xf32>,
    %swap3A_181 = arith.constant 1424 : index
    %swap3A_182 = tpu.vector_load %arg5[%swap3A_181] {strides = array<i32>} : memref<8192xf32, #tpu.memory_space<vmem>>, vector<16xf32>,
    tpu.vector_store %arg5[%swap3A_181], %broadcast_in_dim3A_3 {strides = array<i32>} : memref<8192xf32, #tpu.memory_space<vmem>>, vector<16xf32>,
    %swap3A_183 = arith.constant 1440 : index
    %swap3A_184 = tpu.vector_load %arg5[%swap3A_183] {strides = array<i32>} : memref<8192xf32, #tpu.memory_space<vmem>>, vector<16xf32>,
    tpu.vector_store %arg5[%swap3A_183], %broadcast_in_dim3A_3 {strides = array<i32>} : memref<8192xf32, #tpu.memory_space<vmem>>, vector<16xf32>,
    %swap3A_185 = arith.constant 1456 : index
    %swap3A_186 = tpu.vector_load %arg5[%swap3A_185] {strides = array<i32>} : memref<8192xf32, #tpu.memory_space<vmem>>, vector<16xf32>,
    tpu.vector_store %arg5[%swap3A_185], %broadcast_in_dim3A_3 {strides = array<i32>} : memref<8192xf32, #tpu.memory_space<vmem>>, vector<16xf32>,
    %swap3A_187 = arith.constant 1472 : index
    %swap3A_188 = tpu.vector_load %arg5[%swap3A_187] {strides = array<i32>} : memref<8192xf32, #tpu.memory_space<vmem>>, vector<16xf32>,
    tpu.vector_store %arg5[%swap3A_187], %broadcast_in_dim3A_3 {strides = array<i32>} : memref<8192xf32, #tpu.memory_space<vmem>>, vector<16xf32>,
    %swap3A_189 = arith.constant 1488 : index
    %swap3A_190 = tpu.vector_load %arg5[%swap3A_189] {strides = array<i32>} : memref<8192xf32, #tpu.memory_space<vmem>>, vector<16xf32>,
    tpu.vector_store %arg5[%swap3A_189], %broadcast_in_dim3A_3 {strides = array<i32>} : memref<8192xf32, #tpu.memory_space<vmem>>, vector<16xf32>,
    %swap3A_191 = arith.constant 1504 : index
    %swap3A_192 = tpu.vector_load %arg5[%swap3A_191] {strides = array<i32>} : memref<8192xf32, #tpu.memory_space<vmem>>, vector<16xf32>,
    tpu.vector_store %arg5[%swap3A_191], %broadcast_in_dim3A_3 {strides = array<i32>} : memref<8192xf32, #tpu.memory_space<vmem>>, vector<16xf32>,
    %swap3A_193 = arith.constant 1520 : index
    %swap3A_194 = tpu.vector_load %arg5[%swap3A_193] {strides = array<i32>} : memref<8192xf32, #tpu.memory_space<vmem>>, vector<16xf32>,
    tpu.vector_store %arg5[%swap3A_193], %broadcast_in_dim3A_3 {strides = array<i32>} : memref<8192xf32, #tpu.memory_space<vmem>>, vector<16xf32>,
    %swap3A_195 = arith.constant 1536 : index
    %swap3A_196 = tpu.vector_load %arg5[%swap3A_195] {strides = array<i32>} : memref<8192xf32, #tpu.memory_space<vmem>>, vector<16xf32>,
    tpu.vector_store %arg5[%swap3A_195], %broadcast_in_dim3A_3 {strides = array<i32>} : memref<8192xf32, #tpu.memory_space<vmem>>, vector<16xf32>,
    %swap3A_197 = arith.constant 1552 : index
    %swap3A_198 = tpu.vector_load %arg5[%swap3A_197] {strides = array<i32>} : memref<8192xf32, #tpu.memory_space<vmem>>, vector<16xf32>,
    tpu.vector_store %arg5[%swap3A_197], %broadcast_in_dim3A_3 {strides = array<i32>} : memref<8192xf32, #tpu.memory_space<vmem>>, vector<16xf32>,
    %swap3A_199 = arith.constant 1568 : index
    %swap3A_200 = tpu.vector_load %arg5[%swap3A_199] {strides = array<i32>} : memref<8192xf32, #tpu.memory_space<vmem>>, vector<16xf32>,
    tpu.vector_store %arg5[%swap3A_199], %broadcast_in_dim3A_3 {strides = array<i32>} : memref<8192xf32, #tpu.memory_space<vmem>>, vector<16xf32>,
    %swap3A_201 = arith.constant 1584 : index
    %swap3A_202 = tpu.vector_load %arg5[%swap3A_201] {strides = array<i32>} : memref<8192xf32, #tpu.memory_space<vmem>>, vector<16xf32>,
    tpu.vector_store %arg5[%swap3A_201], %broadcast_in_dim3A_3 {strides = array<i32>} : memref<8192xf32, #tpu.memory_space<vmem>>, vector<16xf32>,
    %swap3A_203 = arith.constant 1600 : index
    %swap3A_204 = tpu.vector_load %arg5[%swap3A_203] {strides = array<i32>} : memref<8192xf32, #tpu.memory_space<vmem>>, vector<16xf32>,
    tpu.vector_store %arg5[%swap3A_203], %broadcast_in_dim3A_3 {strides = array<i32>} : memref<8192xf32, #tpu.memory_space<vmem>>, vector<16xf32>,
    %swap3A_205 = arith.constant 1616 : index
    %swap3A_206 = tpu.vector_load %arg5[%swap3A_205] {strides = array<i32>} : memref<8192xf32, #tpu.memory_space<vmem>>, vector<16xf32>,
    tpu.vector_store %arg5[%swap3A_205], %broadcast_in_dim3A_3 {strides = array<i32>} : memref<8192xf32, #tpu.memory_space<vmem>>, vector<16xf32>,
    %swap3A_207 = arith.constant 1632 : index
    %swap3A_208 = tpu.vector_load %arg5[%swap3A_207] {strides = array<i32>} : memref<8192xf32, #tpu.memory_space<vmem>>, vector<16xf32>,
    tpu.vector_store %arg5[%swap3A_207], %broadcast_in_dim3A_3 {strides = array<i32>} : memref<8192xf32, #tpu.memory_space<vmem>>, vector<16xf32>,
    %swap3A_209 = arith.constant 1648 : index
    %swap3A_210 = tpu.vector_load %arg5[%swap3A_209] {strides = array<i32>} : memref<8192xf32, #tpu.memory_space<vmem>>, vector<16xf32>,
    tpu.vector_store %arg5[%swap3A_209], %broadcast_in_dim3A_3 {strides = array<i32>} : memref<8192xf32, #tpu.memory_space<vmem>>, vector<16xf32>,
    %swap3A_211 = arith.constant 1664 : index
    %swap3A_212 = tpu.vector_load %arg5[%swap3A_211] {strides = array<i32>} : memref<8192xf32, #tpu.memory_space<vmem>>, vector<16xf32>,
    tpu.vector_store %arg5[%swap3A_211], %broadcast_in_dim3A_3 {strides = array<i32>} : memref<8192xf32, #tpu.memory_space<vmem>>, vector<16xf32>,
    %swap3A_213 = arith.constant 1680 : index
    %swap3A_214 = tpu.vector_load %arg5[%swap3A_213] {strides = array<i32>} : memref<8192xf32, #tpu.memory_space<vmem>>, vector<16xf32>,
    tpu.vector_store %arg5[%swap3A_213], %broadcast_in_dim3A_3 {strides = array<i32>} : memref<8192xf32, #tpu.memory_space<vmem>>, vector<16xf32>,
    %swap3A_215 = arith.constant 1696 : index
    %swap3A_216 = tpu.vector_load %arg5[%swap3A_215] {strides = array<i32>} : memref<8192xf32, #tpu.memory_space<vmem>>, vector<16xf32>,
    tpu.vector_store %arg5[%swap3A_215], %broadcast_in_dim3A_3 {strides = array<i32>} : memref<8192xf32, #tpu.memory_space<vmem>>, vector<16xf32>,
    %swap3A_217 = arith.constant 1712 : index
    %swap3A_218 = tpu.vector_load %arg5[%swap3A_217] {strides = array<i32>} : memref<8192xf32, #tpu.memory_space<vmem>>, vector<16xf32>,
    tpu.vector_store %arg5[%swap3A_217], %broadcast_in_dim3A_3 {strides = array<i32>} : memref<8192xf32, #tpu.memory_space<vmem>>, vector<16xf32>,
    %swap3A_219 = arith.constant 1728 : index
    %swap3A_220 = tpu.vector_load %arg5[%swap3A_219] {strides = array<i32>} : memref<8192xf32, #tpu.memory_space<vmem>>, vector<16xf32>,
    tpu.vector_store %arg5[%swap3A_219], %broadcast_in_dim3A_3 {strides = array<i32>} : memref<8192xf32, #tpu.memory_space<vmem>>, vector<16xf32>,
    %swap3A_221 = arith.constant 1744 : index
    %swap3A_222 = tpu.vector_load %arg5[%swap3A_221] {strides = array<i32>} : memref<8192xf32, #tpu.memory_space<vmem>>, vector<16xf32>,
    tpu.vector_store %arg5[%swap3A_221], %broadcast_in_dim3A_3 {strides = array<i32>} : memref<8192xf32, #tpu.memory_space<vmem>>, vector<16xf32>,
    %swap3A_223 = arith.constant 1760 : index
    %swap3A_224 = tpu.vector_load %arg5[%swap3A_223] {strides = array<i32>} : memref<8192xf32, #tpu.memory_space<vmem>>, vector<16xf32>,
    tpu.vector_store %arg5[%swap3A_223], %broadcast_in_dim3A_3 {strides = array<i32>} : memref<8192xf32, #tpu.memory_space<vmem>>, vector<16xf32>,
    %swap3A_225 = arith.constant 1776 : index
    %swap3A_226 = tpu.vector_load %arg5[%swap3A_225] {strides = array<i32>} : memref<8192xf32, #tpu.memory_space<vmem>>, vector<16xf32>,
    tpu.vector_store %arg5[%swap3A_225], %broadcast_in_dim3A_3 {strides = array<i32>} : memref<8192xf32, #tpu.memory_space<vmem>>, vector<16xf32>,
    %swap3A_227 = arith.constant 1792 : index
    %swap3A_228 = tpu.vector_load %arg5[%swap3A_227] {strides = array<i32>} : memref<8192xf32, #tpu.memory_space<vmem>>, vector<16xf32>,
    tpu.vector_store %arg5[%swap3A_227], %broadcast_in_dim3A_3 {strides = array<i32>} : memref<8192xf32, #tpu.memory_space<vmem>>, vector<16xf32>,
    %swap3A_229 = arith.constant 1808 : index
    %swap3A_230 = tpu.vector_load %arg5[%swap3A_229] {strides = array<i32>} : memref<8192xf32, #tpu.memory_space<vmem>>, vector<16xf32>,
    tpu.vector_store %arg5[%swap3A_229], %broadcast_in_dim3A_3 {strides = array<i32>} : memref<8192xf32, #tpu.memory_space<vmem>>, vector<16xf32>,
    %swap3A_231 = arith.constant 1824 : index
    %swap3A_232 = tpu.vector_load %arg5[%swap3A_231] {strides = array<i32>} : memref<8192xf32, #tpu.memory_space<vmem>>, vector<16xf32>,
    tpu.vector_store %arg5[%swap3A_231], %broadcast_in_dim3A_3 {strides = array<i32>} : memref<8192xf32, #tpu.memory_space<vmem>>, vector<16xf32>,
    %swap3A_233 = arith.constant 1840 : index
    %swap3A_234 = tpu.vector_load %arg5[%swap3A_233] {strides = array<i32>} : memref<8192xf32, #tpu.memory_space<vmem>>, vector<16xf32>,
    tpu.vector_store %arg5[%swap3A_233], %broadcast_in_dim3A_3 {strides = array<i32>} : memref<8192xf32, #tpu.memory_space<vmem>>, vector<16xf32>,
    %swap3A_235 = arith.constant 1856 : index
    %swap3A_236 = tpu.vector_load %arg5[%swap3A_235] {strides = array<i32>} : memref<8192xf32, #tpu.memory_space<vmem>>, vector<16xf32>,
    tpu.vector_store %arg5[%swap3A_235], %broadcast_in_dim3A_3 {strides = array<i32>} : memref<8192xf32, #tpu.memory_space<vmem>>, vector<16xf32>,
    %swap3A_237 = arith.constant 1872 : index
    %swap3A_238 = tpu.vector_load %arg5[%swap3A_237] {strides = array<i32>} : memref<8192xf32, #tpu.memory_space<vmem>>, vector<16xf32>,
    tpu.vector_store %arg5[%swap3A_237], %broadcast_in_dim3A_3 {strides = array<i32>} : memref<8192xf32, #tpu.memory_space<vmem>>, vector<16xf32>,
    %swap3A_239 = arith.constant 1888 : index
    %swap3A_240 = tpu.vector_load %arg5[%swap3A_239] {strides = array<i32>} : memref<8192xf32, #tpu.memory_space<vmem>>, vector<16xf32>,
    tpu.vector_store %arg5[%swap3A_239], %broadcast_in_dim3A_3 {strides = array<i32>} : memref<8192xf32, #tpu.memory_space<vmem>>, vector<16xf32>,
    %swap3A_241 = arith.constant 1904 : index
    %swap3A_242 = tpu.vector_load %arg5[%swap3A_241] {strides = array<i32>} : memref<8192xf32, #tpu.memory_space<vmem>>, vector<16xf32>,
    tpu.vector_store %arg5[%swap3A_241], %broadcast_in_dim3A_3 {strides = array<i32>} : memref<8192xf32, #tpu.memory_space<vmem>>, vector<16xf32>,
    %swap3A_243 = arith.constant 1920 : index
    %swap3A_244 = tpu.vector_load %arg5[%swap3A_243] {strides = array<i32>} : memref<8192xf32, #tpu.memory_space<vmem>>, vector<16xf32>,
    tpu.vector_store %arg5[%swap3A_243], %broadcast_in_dim3A_3 {strides = array<i32>} : memref<8192xf32, #tpu.memory_space<vmem>>, vector<16xf32>,
    %swap3A_245 = arith.constant 1936 : index
    %swap3A_246 = tpu.vector_load %arg5[%swap3A_245] {strides = array<i32>} : memref<8192xf32, #tpu.memory_space<vmem>>, vector<16xf32>,
    tpu.vector_store %arg5[%swap3A_245], %broadcast_in_dim3A_3 {strides = array<i32>} : memref<8192xf32, #tpu.memory_space<vmem>>, vector<16xf32>,
    %swap3A_247 = arith.constant 1952 : index
    %swap3A_248 = tpu.vector_load %arg5[%swap3A_247] {strides = array<i32>} : memref<8192xf32, #tpu.memory_space<vmem>>, vector<16xf32>,
    tpu.vector_store %arg5[%swap3A_247], %broadcast_in_dim3A_3 {strides = array<i32>} : memref<8192xf32, #tpu.memory_space<vmem>>, vector<16xf32>,
    %swap3A_249 = arith.constant 1968 : index
    %swap3A_250 = tpu.vector_load %arg5[%swap3A_249] {strides = array<i32>} : memref<8192xf32, #tpu.memory_space<vmem>>, vector<16xf32>,
    tpu.vector_store %arg5[%swap3A_249], %broadcast_in_dim3A_3 {strides = array<i32>} : memref<8192xf32, #tpu.memory_space<vmem>>, vector<16xf32>,
    %swap3A_251 = arith.constant 1984 : index
    %swap3A_252 = tpu.vector_load %arg5[%swap3A_251] {strides = array<i32>} : memref<8192xf32, #tpu.memory_space<vmem>>, vector<16xf32>,
    tpu.vector_store %arg5[%swap3A_251], %broadcast_in_dim3A_3 {strides = array<i32>} : memref<8192xf32, #tpu.memory_space<vmem>>, vector<16xf32>,
    %swap3A_253 = arith.constant 2000 : index
    %swap3A_254 = tpu.vector_load %arg5[%swap3A_253] {strides = array<i32>} : memref<8192xf32, #tpu.memory_space<vmem>>, vector<16xf32>,
    tpu.vector_store %arg5[%swap3A_253], %broadcast_in_dim3A_3 {strides = array<i32>} : memref<8192xf32, #tpu.memory_space<vmem>>, vector<16xf32>,
    %swap3A_255 = arith.constant 2016 : index
    %swap3A_256 = tpu.vector_load %arg5[%swap3A_255] {strides = array<i32>} : memref<8192xf32, #tpu.memory_space<vmem>>, vector<16xf32>,
    tpu.vector_store %arg5[%swap3A_255], %broadcast_in_dim3A_3 {strides = array<i32>} : memref<8192xf32, #tpu.memory_space<vmem>>, vector<16xf32>,
    %swap3A_257 = arith.constant 2032 : index
    %swap3A_258 = tpu.vector_load %arg5[%swap3A_257] {strides = array<i32>} : memref<8192xf32, #tpu.memory_space<vmem>>, vector<16xf32>,
    tpu.vector_store %arg5[%swap3A_257], %broadcast_in_dim3A_3 {strides = array<i32>} : memref<8192xf32, #tpu.memory_space<vmem>>, vector<16xf32>,
    %swap3A_259 = arith.constant 2048 : index
    %swap3A_260 = tpu.vector_load %arg5[%swap3A_259] {strides = array<i32>} : memref<8192xf32, #tpu.memory_space<vmem>>, vector<16xf32>,
    tpu.vector_store %arg5[%swap3A_259], %broadcast_in_dim3A_3 {strides = array<i32>} : memref<8192xf32, #tpu.memory_space<vmem>>, vector<16xf32>,
    %swap3A_261 = arith.constant 2064 : index
    %swap3A_262 = tpu.vector_load %arg5[%swap3A_261] {strides = array<i32>} : memref<8192xf32, #tpu.memory_space<vmem>>, vector<16xf32>,
    tpu.vector_store %arg5[%swap3A_261], %broadcast_in_dim3A_3 {strides = array<i32>} : memref<8192xf32, #tpu.memory_space<vmem>>, vector<16xf32>,
    %swap3A_263 = arith.constant 2080 : index
    %swap3A_264 = tpu.vector_load %arg5[%swap3A_263] {strides = array<i32>} : memref<8192xf32, #tpu.memory_space<vmem>>, vector<16xf32>,
    tpu.vector_store %arg5[%swap3A_263], %broadcast_in_dim3A_3 {strides = array<i32>} : memref<8192xf32, #tpu.memory_space<vmem>>, vector<16xf32>,
    %swap3A_265 = arith.constant 2096 : index
    %swap3A_266 = tpu.vector_load %arg5[%swap3A_265] {strides = array<i32>} : memref<8192xf32, #tpu.memory_space<vmem>>, vector<16xf32>,
    tpu.vector_store %arg5[%swap3A_265], %broadcast_in_dim3A_3 {strides = array<i32>} : memref<8192xf32, #tpu.memory_space<vmem>>, vector<16xf32>,
    %swap3A_267 = arith.constant 2112 : index
    %swap3A_268 = tpu.vector_load %arg5[%swap3A_267] {strides = array<i32>} : memref<8192xf32, #tpu.memory_space<vmem>>, vector<16xf32>,
    tpu.vector_store %arg5[%swap3A_267], %broadcast_in_dim3A_3 {strides = array<i32>} : memref<8192xf32, #tpu.memory_space<vmem>>, vector<16xf32>,
    %swap3A_269 = arith.constant 2128 : index
    %swap3A_270 = tpu.vector_load %arg5[%swap3A_269] {strides = array<i32>} : memref<8192xf32, #tpu.memory_space<vmem>>, vector<16xf32>,
    tpu.vector_store %arg5[%swap3A_269], %broadcast_in_dim3A_3 {strides = array<i32>} : memref<8192xf32, #tpu.memory_space<vmem>>, vector<16xf32>,
    %swap3A_271 = arith.constant 2144 : index
    %swap3A_272 = tpu.vector_load %arg5[%swap3A_271] {strides = array<i32>} : memref<8192xf32, #tpu.memory_space<vmem>>, vector<16xf32>,
    tpu.vector_store %arg5[%swap3A_271], %broadcast_in_dim3A_3 {strides = array<i32>} : memref<8192xf32, #tpu.memory_space<vmem>>, vector<16xf32>,
    %swap3A_273 = arith.constant 2160 : index
    %swap3A_274 = tpu.vector_load %arg5[%swap3A_273] {strides = array<i32>} : memref<8192xf32, #tpu.memory_space<vmem>>, vector<16xf32>,
    tpu.vector_store %arg5[%swap3A_273], %broadcast_in_dim3A_3 {strides = array<i32>} : memref<8192xf32, #tpu.memory_space<vmem>>, vector<16xf32>,
    %swap3A_275 = arith.constant 2176 : index
    %swap3A_276 = tpu.vector_load %arg5[%swap3A_275] {strides = array<i32>} : memref<8192xf32, #tpu.memory_space<vmem>>, vector<16xf32>,
    tpu.vector_store %arg5[%swap3A_275], %broadcast_in_dim3A_3 {strides = array<i32>} : memref<8192xf32, #tpu.memory_space<vmem>>, vector<16xf32>,
    %swap3A_277 = arith.constant 2192 : index
    %swap3A_278 = tpu.vector_load %arg5[%swap3A_277] {strides = array<i32>} : memref<8192xf32, #tpu.memory_space<vmem>>, vector<16xf32>,
    tpu.vector_store %arg5[%swap3A_277], %broadcast_in_dim3A_3 {strides = array<i32>} : memref<8192xf32, #tpu.memory_space<vmem>>, vector<16xf32>,
    %swap3A_279 = arith.constant 2208 : index
    %swap3A_280 = tpu.vector_load %arg5[%swap3A_279] {strides = array<i32>} : memref<8192xf32, #tpu.memory_space<vmem>>, vector<16xf32>,
    tpu.vector_store %arg5[%swap3A_279], %broadcast_in_dim3A_3 {strides = array<i32>} : memref<8192xf32, #tpu.memory_space<vmem>>, vector<16xf32>,
    %swap3A_281 = arith.constant 2224 : index
    %swap3A_282 = tpu.vector_load %arg5[%swap3A_281] {strides = array<i32>} : memref<8192xf32, #tpu.memory_space<vmem>>, vector<16xf32>,
    tpu.vector_store %arg5[%swap3A_281], %broadcast_in_dim3A_3 {strides = array<i32>} : memref<8192xf32, #tpu.memory_space<vmem>>, vector<16xf32>,
    %swap3A_283 = arith.constant 2240 : index
    %swap3A_284 = tpu.vector_load %arg5[%swap3A_283] {strides = array<i32>} : memref<8192xf32, #tpu.memory_space<vmem>>, vector<16xf32>,
    tpu.vector_store %arg5[%swap3A_283], %broadcast_in_dim3A_3 {strides = array<i32>} : memref<8192xf32, #tpu.memory_space<vmem>>, vector<16xf32>,
    %swap3A_285 = arith.constant 2256 : index
    %swap3A_286 = tpu.vector_load %arg5[%swap3A_285] {strides = array<i32>} : memref<8192xf32, #tpu.memory_space<vmem>>, vector<16xf32>,
    tpu.vector_store %arg5[%swap3A_285], %broadcast_in_dim3A_3 {strides = array<i32>} : memref<8192xf32, #tpu.memory_space<vmem>>, vector<16xf32>,
    %swap3A_287 = arith.constant 2272 : index
    %swap3A_288 = tpu.vector_load %arg5[%swap3A_287] {strides = array<i32>} : memref<8192xf32, #tpu.memory_space<vmem>>, vector<16xf32>,
    tpu.vector_store %arg5[%swap3A_287], %broadcast_in_dim3A_3 {strides = array<i32>} : memref<8192xf32, #tpu.memory_space<vmem>>, vector<16xf32>,
    %swap3A_289 = arith.constant 2288 : index
    %swap3A_290 = tpu.vector_load %arg5[%swap3A_289] {strides = array<i32>} : memref<8192xf32, #tpu.memory_space<vmem>>, vector<16xf32>,
    tpu.vector_store %arg5[%swap3A_289], %broadcast_in_dim3A_3 {strides = array<i32>} : memref<8192xf32, #tpu.memory_space<vmem>>, vector<16xf32>,
    %swap3A_291 = arith.constant 2304 : index
    %swap3A_292 = tpu.vector_load %arg5[%swap3A_291] {strides = array<i32>} : memref<8192xf32, #tpu.memory_space<vmem>>, vector<16xf32>,
    tpu.vector_store %arg5[%swap3A_291], %broadcast_in_dim3A_3 {strides = array<i32>} : memref<8192xf32, #tpu.memory_space<vmem>>, vector<16xf32>,
    %swap3A_293 = arith.constant 2320 : index
    %swap3A_294 = tpu.vector_load %arg5[%swap3A_293] {strides = array<i32>} : memref<8192xf32, #tpu.memory_space<vmem>>, vector<16xf32>,
    tpu.vector_store %arg5[%swap3A_293], %broadcast_in_dim3A_3 {strides = array<i32>} : memref<8192xf32, #tpu.memory_space<vmem>>, vector<16xf32>,
    %swap3A_295 = arith.constant 2336 : index
    %swap3A_296 = tpu.vector_load %arg5[%swap3A_295] {strides = array<i32>} : memref<8192xf32, #tpu.memory_space<vmem>>, vector<16xf32>,
    tpu.vector_store %arg5[%swap3A_295], %broadcast_in_dim3A_3 {strides = array<i32>} : memref<8192xf32, #tpu.memory_space<vmem>>, vector<16xf32>,
    %swap3A_297 = arith.constant 2352 : index
    %swap3A_298 = tpu.vector_load %arg5[%swap3A_297] {strides = array<i32>} : memref<8192xf32, #tpu.memory_space<vmem>>, vector<16xf32>,
    tpu.vector_store %arg5[%swap3A_297], %broadcast_in_dim3A_3 {strides = array<i32>} : memref<8192xf32, #tpu.memory_space<vmem>>, vector<16xf32>,
    %swap3A_299 = arith.constant 2368 : index
    %swap3A_300 = tpu.vector_load %arg5[%swap3A_299] {strides = array<i32>} : memref<8192xf32, #tpu.memory_space<vmem>>, vector<16xf32>,
    tpu.vector_store %arg5[%swap3A_299], %broadcast_in_dim3A_3 {strides = array<i32>} : memref<8192xf32, #tpu.memory_space<vmem>>, vector<16xf32>,
    %swap3A_301 = arith.constant 2384 : index
    %swap3A_302 = tpu.vector_load %arg5[%swap3A_301] {strides = array<i32>} : memref<8192xf32, #tpu.memory_space<vmem>>, vector<16xf32>,
    tpu.vector_store %arg5[%swap3A_301], %broadcast_in_dim3A_3 {strides = array<i32>} : memref<8192xf32, #tpu.memory_space<vmem>>, vector<16xf32>,
    %swap3A_303 = arith.constant 2400 : index
    %swap3A_304 = tpu.vector_load %arg5[%swap3A_303] {strides = array<i32>} : memref<8192xf32, #tpu.memory_space<vmem>>, vector<16xf32>,
    tpu.vector_store %arg5[%swap3A_303], %broadcast_in_dim3A_3 {strides = array<i32>} : memref<8192xf32, #tpu.memory_space<vmem>>, vector<16xf32>,
    %swap3A_305 = arith.constant 2416 : index
    %swap3A_306 = tpu.vector_load %arg5[%swap3A_305] {strides = array<i32>} : memref<8192xf32, #tpu.memory_space<vmem>>, vector<16xf32>,
    tpu.vector_store %arg5[%swap3A_305], %broadcast_in_dim3A_3 {strides = array<i32>} : memref<8192xf32, #tpu.memory_space<vmem>>, vector<16xf32>,
    %swap3A_307 = arith.constant 2432 : index
    %swap3A_308 = tpu.vector_load %arg5[%swap3A_307] {strides = array<i32>} : memref<8192xf32, #tpu.memory_space<vmem>>, vector<16xf32>,
    tpu.vector_store %arg5[%swap3A_307], %broadcast_in_dim3A_3 {strides = array<i32>} : memref<8192xf32, #tpu.memory_space<vmem>>, vector<16xf32>,
    %swap3A_309 = arith.constant 2448 : index
    %swap3A_310 = tpu.vector_load %arg5[%swap3A_309] {strides = array<i32>} : memref<8192xf32, #tpu.memory_space<vmem>>, vector<16xf32>,
    tpu.vector_store %arg5[%swap3A_309], %broadcast_in_dim3A_3 {strides = array<i32>} : memref<8192xf32, #tpu.memory_space<vmem>>, vector<16xf32>,
    %swap3A_311 = arith.constant 2464 : index
    %swap3A_312 = tpu.vector_load %arg5[%swap3A_311] {strides = array<i32>} : memref<8192xf32, #tpu.memory_space<vmem>>, vector<16xf32>,
    tpu.vector_store %arg5[%swap3A_311], %broadcast_in_dim3A_3 {strides = array<i32>} : memref<8192xf32, #tpu.memory_space<vmem>>, vector<16xf32>,
    %swap3A_313 = arith.constant 2480 : index
    %swap3A_314 = tpu.vector_load %arg5[%swap3A_313] {strides = array<i32>} : memref<8192xf32, #tpu.memory_space<vmem>>, vector<16xf32>,
    tpu.vector_store %arg5[%swap3A_313], %broadcast_in_dim3A_3 {strides = array<i32>} : memref<8192xf32, #tpu.memory_space<vmem>>, vector<16xf32>,
    %swap3A_315 = arith.constant 2496 : index
    %swap3A_316 = tpu.vector_load %arg5[%swap3A_315] {strides = array<i32>} : memref<8192xf32, #tpu.memory_space<vmem>>, vector<16xf32>,
    tpu.vector_store %arg5[%swap3A_315], %broadcast_in_dim3A_3 {strides = array<i32>} : memref<8192xf32, #tpu.memory_space<vmem>>, vector<16xf32>,
    %swap3A_317 = arith.constant 2512 : index
    %swap3A_318 = tpu.vector_load %arg5[%swap3A_317] {strides = array<i32>} : memref<8192xf32, #tpu.memory_space<vmem>>, vector<16xf32>,
    tpu.vector_store %arg5[%swap3A_317], %broadcast_in_dim3A_3 {strides = array<i32>} : memref<8192xf32, #tpu.memory_space<vmem>>, vector<16xf32>,
    %swap3A_319 = arith.constant 2528 : index
    %swap3A_320 = tpu.vector_load %arg5[%swap3A_319] {strides = array<i32>} : memref<8192xf32, #tpu.memory_space<vmem>>, vector<16xf32>,
    tpu.vector_store %arg5[%swap3A_319], %broadcast_in_dim3A_3 {strides = array<i32>} : memref<8192xf32, #tpu.memory_space<vmem>>, vector<16xf32>,
    %swap3A_321 = arith.constant 2544 : index
    %swap3A_322 = tpu.vector_load %arg5[%swap3A_321] {strides = array<i32>} : memref<8192xf32, #tpu.memory_space<vmem>>, vector<16xf32>,
    tpu.vector_store %arg5[%swap3A_321], %broadcast_in_dim3A_3 {strides = array<i32>} : memref<8192xf32, #tpu.memory_space<vmem>>, vector<16xf32>,
    %swap3A_323 = arith.constant 2560 : index
    %swap3A_324 = tpu.vector_load %arg5[%swap3A_323] {strides = array<i32>} : memref<8192xf32, #tpu.memory_space<vmem>>, vector<16xf32>,
    tpu.vector_store %arg5[%swap3A_323], %broadcast_in_dim3A_3 {strides = array<i32>} : memref<8192xf32, #tpu.memory_space<vmem>>, vector<16xf32>,
    %swap3A_325 = arith.constant 2576 : index
    %swap3A_326 = tpu.vector_load %arg5[%swap3A_325] {strides = array<i32>} : memref<8192xf32, #tpu.memory_space<vmem>>, vector<16xf32>,
    tpu.vector_store %arg5[%swap3A_325], %broadcast_in_dim3A_3 {strides = array<i32>} : memref<8192xf32, #tpu.memory_space<vmem>>, vector<16xf32>,
    %swap3A_327 = arith.constant 2592 : index
    %swap3A_328 = tpu.vector_load %arg5[%swap3A_327] {strides = array<i32>} : memref<8192xf32, #tpu.memory_space<vmem>>, vector<16xf32>,
    tpu.vector_store %arg5[%swap3A_327], %broadcast_in_dim3A_3 {strides = array<i32>} : memref<8192xf32, #tpu.memory_space<vmem>>, vector<16xf32>,
    %swap3A_329 = arith.constant 2608 : index
    %swap3A_330 = tpu.vector_load %arg5[%swap3A_329] {strides = array<i32>} : memref<8192xf32, #tpu.memory_space<vmem>>, vector<16xf32>,
    tpu.vector_store %arg5[%swap3A_329], %broadcast_in_dim3A_3 {strides = array<i32>} : memref<8192xf32, #tpu.memory_space<vmem>>, vector<16xf32>,
    %swap3A_331 = arith.constant 2624 : index
    %swap3A_332 = tpu.vector_load %arg5[%swap3A_331] {strides = array<i32>} : memref<8192xf32, #tpu.memory_space<vmem>>, vector<16xf32>,
    tpu.vector_store %arg5[%swap3A_331], %broadcast_in_dim3A_3 {strides = array<i32>} : memref<8192xf32, #tpu.memory_space<vmem>>, vector<16xf32>,
    %swap3A_333 = arith.constant 2640 : index
    %swap3A_334 = tpu.vector_load %arg5[%swap3A_333] {strides = array<i32>} : memref<8192xf32, #tpu.memory_space<vmem>>, vector<16xf32>,
    tpu.vector_store %arg5[%swap3A_333], %broadcast_in_dim3A_3 {strides = array<i32>} : memref<8192xf32, #tpu.memory_space<vmem>>, vector<16xf32>,
    %swap3A_335 = arith.constant 2656 : index
    %swap3A_336 = tpu.vector_load %arg5[%swap3A_335] {strides = array<i32>} : memref<8192xf32, #tpu.memory_space<vmem>>, vector<16xf32>,
    tpu.vector_store %arg5[%swap3A_335], %broadcast_in_dim3A_3 {strides = array<i32>} : memref<8192xf32, #tpu.memory_space<vmem>>, vector<16xf32>,
    %swap3A_337 = arith.constant 2672 : index
    %swap3A_338 = tpu.vector_load %arg5[%swap3A_337] {strides = array<i32>} : memref<8192xf32, #tpu.memory_space<vmem>>, vector<16xf32>,
    tpu.vector_store %arg5[%swap3A_337], %broadcast_in_dim3A_3 {strides = array<i32>} : memref<8192xf32, #tpu.memory_space<vmem>>, vector<16xf32>,
    %swap3A_339 = arith.constant 2688 : index
    %swap3A_340 = tpu.vector_load %arg5[%swap3A_339] {strides = array<i32>} : memref<8192xf32, #tpu.memory_space<vmem>>, vector<16xf32>,
    tpu.vector_store %arg5[%swap3A_339], %broadcast_in_dim3A_3 {strides = array<i32>} : memref<8192xf32, #tpu.memory_space<vmem>>, vector<16xf32>,
    %swap3A_341 = arith.constant 2704 : index
    %swap3A_342 = tpu.vector_load %arg5[%swap3A_341] {strides = array<i32>} : memref<8192xf32, #tpu.memory_space<vmem>>, vector<16xf32>,
    tpu.vector_store %arg5[%swap3A_341], %broadcast_in_dim3A_3 {strides = array<i32>} : memref<8192xf32, #tpu.memory_space<vmem>>, vector<16xf32>,
    %swap3A_343 = arith.constant 2720 : index
    %swap3A_344 = tpu.vector_load %arg5[%swap3A_343] {strides = array<i32>} : memref<8192xf32, #tpu.memory_space<vmem>>, vector<16xf32>,
    tpu.vector_store %arg5[%swap3A_343], %broadcast_in_dim3A_3 {strides = array<i32>} : memref<8192xf32, #tpu.memory_space<vmem>>, vector<16xf32>,
    %swap3A_345 = arith.constant 2736 : index
    %swap3A_346 = tpu.vector_load %arg5[%swap3A_345] {strides = array<i32>} : memref<8192xf32, #tpu.memory_space<vmem>>, vector<16xf32>,
    tpu.vector_store %arg5[%swap3A_345], %broadcast_in_dim3A_3 {strides = array<i32>} : memref<8192xf32, #tpu.memory_space<vmem>>, vector<16xf32>,
    %swap3A_347 = arith.constant 2752 : index
    %swap3A_348 = tpu.vector_load %arg5[%swap3A_347] {strides = array<i32>} : memref<8192xf32, #tpu.memory_space<vmem>>, vector<16xf32>,
    tpu.vector_store %arg5[%swap3A_347], %broadcast_in_dim3A_3 {strides = array<i32>} : memref<8192xf32, #tpu.memory_space<vmem>>, vector<16xf32>,
    %swap3A_349 = arith.constant 2768 : index
    %swap3A_350 = tpu.vector_load %arg5[%swap3A_349] {strides = array<i32>} : memref<8192xf32, #tpu.memory_space<vmem>>, vector<16xf32>,
    tpu.vector_store %arg5[%swap3A_349], %broadcast_in_dim3A_3 {strides = array<i32>} : memref<8192xf32, #tpu.memory_space<vmem>>, vector<16xf32>,
    %swap3A_351 = arith.constant 2784 : index
    %swap3A_352 = tpu.vector_load %arg5[%swap3A_351] {strides = array<i32>} : memref<8192xf32, #tpu.memory_space<vmem>>, vector<16xf32>,
    tpu.vector_store %arg5[%swap3A_351], %broadcast_in_dim3A_3 {strides = array<i32>} : memref<8192xf32, #tpu.memory_space<vmem>>, vector<16xf32>,
    %swap3A_353 = arith.constant 2800 : index
    %swap3A_354 = tpu.vector_load %arg5[%swap3A_353] {strides = array<i32>} : memref<8192xf32, #tpu.memory_space<vmem>>, vector<16xf32>,
    tpu.vector_store %arg5[%swap3A_353], %broadcast_in_dim3A_3 {strides = array<i32>} : memref<8192xf32, #tpu.memory_space<vmem>>, vector<16xf32>,
    %swap3A_355 = arith.constant 2816 : index
    %swap3A_356 = tpu.vector_load %arg5[%swap3A_355] {strides = array<i32>} : memref<8192xf32, #tpu.memory_space<vmem>>, vector<16xf32>,
    tpu.vector_store %arg5[%swap3A_355], %broadcast_in_dim3A_3 {strides = array<i32>} : memref<8192xf32, #tpu.memory_space<vmem>>, vector<16xf32>,
    %swap3A_357 = arith.constant 2832 : index
    %swap3A_358 = tpu.vector_load %arg5[%swap3A_357] {strides = array<i32>} : memref<8192xf32, #tpu.memory_space<vmem>>, vector<16xf32>,
    tpu.vector_store %arg5[%swap3A_357], %broadcast_in_dim3A_3 {strides = array<i32>} : memref<8192xf32, #tpu.memory_space<vmem>>, vector<16xf32>,
    %swap3A_359 = arith.constant 2848 : index
    %swap3A_360 = tpu.vector_load %arg5[%swap3A_359] {strides = array<i32>} : memref<8192xf32, #tpu.memory_space<vmem>>, vector<16xf32>,
    tpu.vector_store %arg5[%swap3A_359], %broadcast_in_dim3A_3 {strides = array<i32>} : memref<8192xf32, #tpu.memory_space<vmem>>, vector<16xf32>,
    %swap3A_361 = arith.constant 2864 : index
    %swap3A_362 = tpu.vector_load %arg5[%swap3A_361] {strides = array<i32>} : memref<8192xf32, #tpu.memory_space<vmem>>, vector<16xf32>,
    tpu.vector_store %arg5[%swap3A_361], %broadcast_in_dim3A_3 {strides = array<i32>} : memref<8192xf32, #tpu.memory_space<vmem>>, vector<16xf32>,
    %swap3A_363 = arith.constant 2880 : index
    %swap3A_364 = tpu.vector_load %arg5[%swap3A_363] {strides = array<i32>} : memref<8192xf32, #tpu.memory_space<vmem>>, vector<16xf32>,
    tpu.vector_store %arg5[%swap3A_363], %broadcast_in_dim3A_3 {strides = array<i32>} : memref<8192xf32, #tpu.memory_space<vmem>>, vector<16xf32>,
    %swap3A_365 = arith.constant 2896 : index
    %swap3A_366 = tpu.vector_load %arg5[%swap3A_365] {strides = array<i32>} : memref<8192xf32, #tpu.memory_space<vmem>>, vector<16xf32>,
    tpu.vector_store %arg5[%swap3A_365], %broadcast_in_dim3A_3 {strides = array<i32>} : memref<8192xf32, #tpu.memory_space<vmem>>, vector<16xf32>,
    %swap3A_367 = arith.constant 2912 : index
    %swap3A_368 = tpu.vector_load %arg5[%swap3A_367] {strides = array<i32>} : memref<8192xf32, #tpu.memory_space<vmem>>, vector<16xf32>,
    tpu.vector_store %arg5[%swap3A_367], %broadcast_in_dim3A_3 {strides = array<i32>} : memref<8192xf32, #tpu.memory_space<vmem>>, vector<16xf32>,
    %swap3A_369 = arith.constant 2928 : index
    %swap3A_370 = tpu.vector_load %arg5[%swap3A_369] {strides = array<i32>} : memref<8192xf32, #tpu.memory_space<vmem>>, vector<16xf32>,
    tpu.vector_store %arg5[%swap3A_369], %broadcast_in_dim3A_3 {strides = array<i32>} : memref<8192xf32, #tpu.memory_space<vmem>>, vector<16xf32>,
    %swap3A_371 = arith.constant 2944 : index
    %swap3A_372 = tpu.vector_load %arg5[%swap3A_371] {strides = array<i32>} : memref<8192xf32, #tpu.memory_space<vmem>>, vector<16xf32>,
    tpu.vector_store %arg5[%swap3A_371], %broadcast_in_dim3A_3 {strides = array<i32>} : memref<8192xf32, #tpu.memory_space<vmem>>, vector<16xf32>,
    %swap3A_373 = arith.constant 2960 : index
    %swap3A_374 = tpu.vector_load %arg5[%swap3A_373] {strides = array<i32>} : memref<8192xf32, #tpu.memory_space<vmem>>, vector<16xf32>,
    tpu.vector_store %arg5[%swap3A_373], %broadcast_in_dim3A_3 {strides = array<i32>} : memref<8192xf32, #tpu.memory_space<vmem>>, vector<16xf32>,
    %swap3A_375 = arith.constant 2976 : index
    %swap3A_376 = tpu.vector_load %arg5[%swap3A_375] {strides = array<i32>} : memref<8192xf32, #tpu.memory_space<vmem>>, vector<16xf32>,
    tpu.vector_store %arg5[%swap3A_375], %broadcast_in_dim3A_3 {strides = array<i32>} : memref<8192xf32, #tpu.memory_space<vmem>>, vector<16xf32>,
    %swap3A_377 = arith.constant 2992 : index
    %swap3A_378 = tpu.vector_load %arg5[%swap3A_377] {strides = array<i32>} : memref<8192xf32, #tpu.memory_space<vmem>>, vector<16xf32>,
    tpu.vector_store %arg5[%swap3A_377], %broadcast_in_dim3A_3 {strides = array<i32>} : memref<8192xf32, #tpu.memory_space<vmem>>, vector<16xf32>,
    %swap3A_379 = arith.constant 3008 : index
    %swap3A_380 = tpu.vector_load %arg5[%swap3A_379] {strides = array<i32>} : memref<8192xf32, #tpu.memory_space<vmem>>, vector<16xf32>,
    tpu.vector_store %arg5[%swap3A_379], %broadcast_in_dim3A_3 {strides = array<i32>} : memref<8192xf32, #tpu.memory_space<vmem>>, vector<16xf32>,
    %swap3A_381 = arith.constant 3024 : index
    %swap3A_382 = tpu.vector_load %arg5[%swap3A_381] {strides = array<i32>} : memref<8192xf32, #tpu.memory_space<vmem>>, vector<16xf32>,
    tpu.vector_store %arg5[%swap3A_381], %broadcast_in_dim3A_3 {strides = array<i32>} : memref<8192xf32, #tpu.memory_space<vmem>>, vector<16xf32>,
    %swap3A_383 = arith.constant 3040 : index
    %swap3A_384 = tpu.vector_load %arg5[%swap3A_383] {strides = array<i32>} : memref<8192xf32, #tpu.memory_space<vmem>>, vector<16xf32>,
    tpu.vector_store %arg5[%swap3A_383], %broadcast_in_dim3A_3 {strides = array<i32>} : memref<8192xf32, #tpu.memory_space<vmem>>, vector<16xf32>,
    %swap3A_385 = arith.constant 3056 : index
    %swap3A_386 = tpu.vector_load %arg5[%swap3A_385] {strides = array<i32>} : memref<8192xf32, #tpu.memory_space<vmem>>, vector<16xf32>,
    tpu.vector_store %arg5[%swap3A_385], %broadcast_in_dim3A_3 {strides = array<i32>} : memref<8192xf32, #tpu.memory_space<vmem>>, vector<16xf32>,
    %swap3A_387 = arith.constant 3072 : index
    %swap3A_388 = tpu.vector_load %arg5[%swap3A_387] {strides = array<i32>} : memref<8192xf32, #tpu.memory_space<vmem>>, vector<16xf32>,
    tpu.vector_store %arg5[%swap3A_387], %broadcast_in_dim3A_3 {strides = array<i32>} : memref<8192xf32, #tpu.memory_space<vmem>>, vector<16xf32>,
    %swap3A_389 = arith.constant 3088 : index
    %swap3A_390 = tpu.vector_load %arg5[%swap3A_389] {strides = array<i32>} : memref<8192xf32, #tpu.memory_space<vmem>>, vector<16xf32>,
    tpu.vector_store %arg5[%swap3A_389], %broadcast_in_dim3A_3 {strides = array<i32>} : memref<8192xf32, #tpu.memory_space<vmem>>, vector<16xf32>,
    %swap3A_391 = arith.constant 3104 : index
    %swap3A_392 = tpu.vector_load %arg5[%swap3A_391] {strides = array<i32>} : memref<8192xf32, #tpu.memory_space<vmem>>, vector<16xf32>,
    tpu.vector_store %arg5[%swap3A_391], %broadcast_in_dim3A_3 {strides = array<i32>} : memref<8192xf32, #tpu.memory_space<vmem>>, vector<16xf32>,
    %swap3A_393 = arith.constant 3120 : index
    %swap3A_394 = tpu.vector_load %arg5[%swap3A_393] {strides = array<i32>} : memref<8192xf32, #tpu.memory_space<vmem>>, vector<16xf32>,
    tpu.vector_store %arg5[%swap3A_393], %broadcast_in_dim3A_3 {strides = array<i32>} : memref<8192xf32, #tpu.memory_space<vmem>>, vector<16xf32>,
    %swap3A_395 = arith.constant 3136 : index
    %swap3A_396 = tpu.vector_load %arg5[%swap3A_395] {strides = array<i32>} : memref<8192xf32, #tpu.memory_space<vmem>>, vector<16xf32>,
    tpu.vector_store %arg5[%swap3A_395], %broadcast_in_dim3A_3 {strides = array<i32>} : memref<8192xf32, #tpu.memory_space<vmem>>, vector<16xf32>,
    %swap3A_397 = arith.constant 3152 : index
    %swap3A_398 = tpu.vector_load %arg5[%swap3A_397] {strides = array<i32>} : memref<8192xf32, #tpu.memory_space<vmem>>, vector<16xf32>,
    tpu.vector_store %arg5[%swap3A_397], %broadcast_in_dim3A_3 {strides = array<i32>} : memref<8192xf32, #tpu.memory_space<vmem>>, vector<16xf32>,
    %swap3A_399 = arith.constant 3168 : index
    %swap3A_400 = tpu.vector_load %arg5[%swap3A_399] {strides = array<i32>} : memref<8192xf32, #tpu.memory_space<vmem>>, vector<16xf32>,
    tpu.vector_store %arg5[%swap3A_399], %broadcast_in_dim3A_3 {strides = array<i32>} : memref<8192xf32, #tpu.memory_space<vmem>>, vector<16xf32>,
    %swap3A_401 = arith.constant 3184 : index
    %swap3A_402 = tpu.vector_load %arg5[%swap3A_401] {strides = array<i32>} : memref<8192xf32, #tpu.memory_space<vmem>>, vector<16xf32>,
    tpu.vector_store %arg5[%swap3A_401], %broadcast_in_dim3A_3 {strides = array<i32>} : memref<8192xf32, #tpu.memory_space<vmem>>, vector<16xf32>,
    %swap3A_403 = arith.constant 3200 : index
    %swap3A_404 = tpu.vector_load %arg5[%swap3A_403] {strides = array<i32>} : memref<8192xf32, #tpu.memory_space<vmem>>, vector<16xf32>,
    tpu.vector_store %arg5[%swap3A_403], %broadcast_in_dim3A_3 {strides = array<i32>} : memref<8192xf32, #tpu.memory_space<vmem>>, vector<16xf32>,
    %swap3A_405 = arith.constant 3216 : index
    %swap3A_406 = tpu.vector_load %arg5[%swap3A_405] {strides = array<i32>} : memref<8192xf32, #tpu.memory_space<vmem>>, vector<16xf32>,
    tpu.vector_store %arg5[%swap3A_405], %broadcast_in_dim3A_3 {strides = array<i32>} : memref<8192xf32, #tpu.memory_space<vmem>>, vector<16xf32>,
    %swap3A_407 = arith.constant 3232 : index
    %swap3A_408 = tpu.vector_load %arg5[%swap3A_407] {strides = array<i32>} : memref<8192xf32, #tpu.memory_space<vmem>>, vector<16xf32>,
    tpu.vector_store %arg5[%swap3A_407], %broadcast_in_dim3A_3 {strides = array<i32>} : memref<8192xf32, #tpu.memory_space<vmem>>, vector<16xf32>,
    %swap3A_409 = arith.constant 3248 : index
    %swap3A_410 = tpu.vector_load %arg5[%swap3A_409] {strides = array<i32>} : memref<8192xf32, #tpu.memory_space<vmem>>, vector<16xf32>,
    tpu.vector_store %arg5[%swap3A_409], %broadcast_in_dim3A_3 {strides = array<i32>} : memref<8192xf32, #tpu.memory_space<vmem>>, vector<16xf32>,
    %swap3A_411 = arith.constant 3264 : index
    %swap3A_412 = tpu.vector_load %arg5[%swap3A_411] {strides = array<i32>} : memref<8192xf32, #tpu.memory_space<vmem>>, vector<16xf32>,
    tpu.vector_store %arg5[%swap3A_411], %broadcast_in_dim3A_3 {strides = array<i32>} : memref<8192xf32, #tpu.memory_space<vmem>>, vector<16xf32>,
    %swap3A_413 = arith.constant 3280 : index
    %swap3A_414 = tpu.vector_load %arg5[%swap3A_413] {strides = array<i32>} : memref<8192xf32, #tpu.memory_space<vmem>>, vector<16xf32>,
    tpu.vector_store %arg5[%swap3A_413], %broadcast_in_dim3A_3 {strides = array<i32>} : memref<8192xf32, #tpu.memory_space<vmem>>, vector<16xf32>,
    %swap3A_415 = arith.constant 3296 : index
    %swap3A_416 = tpu.vector_load %arg5[%swap3A_415] {strides = array<i32>} : memref<8192xf32, #tpu.memory_space<vmem>>, vector<16xf32>,
    tpu.vector_store %arg5[%swap3A_415], %broadcast_in_dim3A_3 {strides = array<i32>} : memref<8192xf32, #tpu.memory_space<vmem>>, vector<16xf32>,
    %swap3A_417 = arith.constant 3312 : index
    %swap3A_418 = tpu.vector_load %arg5[%swap3A_417] {strides = array<i32>} : memref<8192xf32, #tpu.memory_space<vmem>>, vector<16xf32>,
    tpu.vector_store %arg5[%swap3A_417], %broadcast_in_dim3A_3 {strides = array<i32>} : memref<8192xf32, #tpu.memory_space<vmem>>, vector<16xf32>,
    %swap3A_419 = arith.constant 3328 : index
    %swap3A_420 = tpu.vector_load %arg5[%swap3A_419] {strides = array<i32>} : memref<8192xf32, #tpu.memory_space<vmem>>, vector<16xf32>,
    tpu.vector_store %arg5[%swap3A_419], %broadcast_in_dim3A_3 {strides = array<i32>} : memref<8192xf32, #tpu.memory_space<vmem>>, vector<16xf32>,
    %swap3A_421 = arith.constant 3344 : index
    %swap3A_422 = tpu.vector_load %arg5[%swap3A_421] {strides = array<i32>} : memref<8192xf32, #tpu.memory_space<vmem>>, vector<16xf32>,
    tpu.vector_store %arg5[%swap3A_421], %broadcast_in_dim3A_3 {strides = array<i32>} : memref<8192xf32, #tpu.memory_space<vmem>>, vector<16xf32>,
    %swap3A_423 = arith.constant 3360 : index
    %swap3A_424 = tpu.vector_load %arg5[%swap3A_423] {strides = array<i32>} : memref<8192xf32, #tpu.memory_space<vmem>>, vector<16xf32>,
    tpu.vector_store %arg5[%swap3A_423], %broadcast_in_dim3A_3 {strides = array<i32>} : memref<8192xf32, #tpu.memory_space<vmem>>, vector<16xf32>,
    %swap3A_425 = arith.constant 3376 : index
    %swap3A_426 = tpu.vector_load %arg5[%swap3A_425] {strides = array<i32>} : memref<8192xf32, #tpu.memory_space<vmem>>, vector<16xf32>,
    tpu.vector_store %arg5[%swap3A_425], %broadcast_in_dim3A_3 {strides = array<i32>} : memref<8192xf32, #tpu.memory_space<vmem>>, vector<16xf32>,
    %swap3A_427 = arith.constant 3392 : index
    %swap3A_428 = tpu.vector_load %arg5[%swap3A_427] {strides = array<i32>} : memref<8192xf32, #tpu.memory_space<vmem>>, vector<16xf32>,
    tpu.vector_store %arg5[%swap3A_427], %broadcast_in_dim3A_3 {strides = array<i32>} : memref<8192xf32, #tpu.memory_space<vmem>>, vector<16xf32>,
    %swap3A_429 = arith.constant 3408 : index
    %swap3A_430 = tpu.vector_load %arg5[%swap3A_429] {strides = array<i32>} : memref<8192xf32, #tpu.memory_space<vmem>>, vector<16xf32>,
    tpu.vector_store %arg5[%swap3A_429], %broadcast_in_dim3A_3 {strides = array<i32>} : memref<8192xf32, #tpu.memory_space<vmem>>, vector<16xf32>,
    %swap3A_431 = arith.constant 3424 : index
    %swap3A_432 = tpu.vector_load %arg5[%swap3A_431] {strides = array<i32>} : memref<8192xf32, #tpu.memory_space<vmem>>, vector<16xf32>,
    tpu.vector_store %arg5[%swap3A_431], %broadcast_in_dim3A_3 {strides = array<i32>} : memref<8192xf32, #tpu.memory_space<vmem>>, vector<16xf32>,
    %swap3A_433 = arith.constant 3440 : index
    %swap3A_434 = tpu.vector_load %arg5[%swap3A_433] {strides = array<i32>} : memref<8192xf32, #tpu.memory_space<vmem>>, vector<16xf32>,
    tpu.vector_store %arg5[%swap3A_433], %broadcast_in_dim3A_3 {strides = array<i32>} : memref<8192xf32, #tpu.memory_space<vmem>>, vector<16xf32>,
    %swap3A_435 = arith.constant 3456 : index
    %swap3A_436 = tpu.vector_load %arg5[%swap3A_435] {strides = array<i32>} : memref<8192xf32, #tpu.memory_space<vmem>>, vector<16xf32>,
    tpu.vector_store %arg5[%swap3A_435], %broadcast_in_dim3A_3 {strides = array<i32>} : memref<8192xf32, #tpu.memory_space<vmem>>, vector<16xf32>,
    %swap3A_437 = arith.constant 3472 : index
    %swap3A_438 = tpu.vector_load %arg5[%swap3A_437] {strides = array<i32>} : memref<8192xf32, #tpu.memory_space<vmem>>, vector<16xf32>,
    tpu.vector_store %arg5[%swap3A_437], %broadcast_in_dim3A_3 {strides = array<i32>} : memref<8192xf32, #tpu.memory_space<vmem>>, vector<16xf32>,
    %swap3A_439 = arith.constant 3488 : index
    %swap3A_440 = tpu.vector_load %arg5[%swap3A_439] {strides = array<i32>} : memref<8192xf32, #tpu.memory_space<vmem>>, vector<16xf32>,
    tpu.vector_store %arg5[%swap3A_439], %broadcast_in_dim3A_3 {strides = array<i32>} : memref<8192xf32, #tpu.memory_space<vmem>>, vector<16xf32>,
    %swap3A_441 = arith.constant 3504 : index
    %swap3A_442 = tpu.vector_load %arg5[%swap3A_441] {strides = array<i32>} : memref<8192xf32, #tpu.memory_space<vmem>>, vector<16xf32>,
    tpu.vector_store %arg5[%swap3A_441], %broadcast_in_dim3A_3 {strides = array<i32>} : memref<8192xf32, #tpu.memory_space<vmem>>, vector<16xf32>,
    %swap3A_443 = arith.constant 3520 : index
    %swap3A_444 = tpu.vector_load %arg5[%swap3A_443] {strides = array<i32>} : memref<8192xf32, #tpu.memory_space<vmem>>, vector<16xf32>,
    tpu.vector_store %arg5[%swap3A_443], %broadcast_in_dim3A_3 {strides = array<i32>} : memref<8192xf32, #tpu.memory_space<vmem>>, vector<16xf32>,
    %swap3A_445 = arith.constant 3536 : index
    %swap3A_446 = tpu.vector_load %arg5[%swap3A_445] {strides = array<i32>} : memref<8192xf32, #tpu.memory_space<vmem>>, vector<16xf32>,
    tpu.vector_store %arg5[%swap3A_445], %broadcast_in_dim3A_3 {strides = array<i32>} : memref<8192xf32, #tpu.memory_space<vmem>>, vector<16xf32>,
    %swap3A_447 = arith.constant 3552 : index
    %swap3A_448 = tpu.vector_load %arg5[%swap3A_447] {strides = array<i32>} : memref<8192xf32, #tpu.memory_space<vmem>>, vector<16xf32>,
    tpu.vector_store %arg5[%swap3A_447], %broadcast_in_dim3A_3 {strides = array<i32>} : memref<8192xf32, #tpu.memory_space<vmem>>, vector<16xf32>,
    %swap3A_449 = arith.constant 3568 : index
    %swap3A_450 = tpu.vector_load %arg5[%swap3A_449] {strides = array<i32>} : memref<8192xf32, #tpu.memory_space<vmem>>, vector<16xf32>,
    tpu.vector_store %arg5[%swap3A_449], %broadcast_in_dim3A_3 {strides = array<i32>} : memref<8192xf32, #tpu.memory_space<vmem>>, vector<16xf32>,
    %swap3A_451 = arith.constant 3584 : index
    %swap3A_452 = tpu.vector_load %arg5[%swap3A_451] {strides = array<i32>} : memref<8192xf32, #tpu.memory_space<vmem>>, vector<16xf32>,
    tpu.vector_store %arg5[%swap3A_451], %broadcast_in_dim3A_3 {strides = array<i32>} : memref<8192xf32, #tpu.memory_space<vmem>>, vector<16xf32>,
    %swap3A_453 = arith.constant 3600 : index
    %swap3A_454 = tpu.vector_load %arg5[%swap3A_453] {strides = array<i32>} : memref<8192xf32, #tpu.memory_space<vmem>>, vector<16xf32>,
    tpu.vector_store %arg5[%swap3A_453], %broadcast_in_dim3A_3 {strides = array<i32>} : memref<8192xf32, #tpu.memory_space<vmem>>, vector<16xf32>,
    %swap3A_455 = arith.constant 3616 : index
    %swap3A_456 = tpu.vector_load %arg5[%swap3A_455] {strides = array<i32>} : memref<8192xf32, #tpu.memory_space<vmem>>, vector<16xf32>,
    tpu.vector_store %arg5[%swap3A_455], %broadcast_in_dim3A_3 {strides = array<i32>} : memref<8192xf32, #tpu.memory_space<vmem>>, vector<16xf32>,
    %swap3A_457 = arith.constant 3632 : index
    %swap3A_458 = tpu.vector_load %arg5[%swap3A_457] {strides = array<i32>} : memref<8192xf32, #tpu.memory_space<vmem>>, vector<16xf32>,
    tpu.vector_store %arg5[%swap3A_457], %broadcast_in_dim3A_3 {strides = array<i32>} : memref<8192xf32, #tpu.memory_space<vmem>>, vector<16xf32>,
    %swap3A_459 = arith.constant 3648 : index
    %swap3A_460 = tpu.vector_load %arg5[%swap3A_459] {strides = array<i32>} : memref<8192xf32, #tpu.memory_space<vmem>>, vector<16xf32>,
    tpu.vector_store %arg5[%swap3A_459], %broadcast_in_dim3A_3 {strides = array<i32>} : memref<8192xf32, #tpu.memory_space<vmem>>, vector<16xf32>,
    %swap3A_461 = arith.constant 3664 : index
    %swap3A_462 = tpu.vector_load %arg5[%swap3A_461] {strides = array<i32>} : memref<8192xf32, #tpu.memory_space<vmem>>, vector<16xf32>,
    tpu.vector_store %arg5[%swap3A_461], %broadcast_in_dim3A_3 {strides = array<i32>} : memref<8192xf32, #tpu.memory_space<vmem>>, vector<16xf32>,
    %swap3A_463 = arith.constant 3680 : index
    %swap3A_464 = tpu.vector_load %arg5[%swap3A_463] {strides = array<i32>} : memref<8192xf32, #tpu.memory_space<vmem>>, vector<16xf32>,
    tpu.vector_store %arg5[%swap3A_463], %broadcast_in_dim3A_3 {strides = array<i32>} : memref<8192xf32, #tpu.memory_space<vmem>>, vector<16xf32>,
    %swap3A_465 = arith.constant 3696 : index
    %swap3A_466 = tpu.vector_load %arg5[%swap3A_465] {strides = array<i32>} : memref<8192xf32, #tpu.memory_space<vmem>>, vector<16xf32>,
    tpu.vector_store %arg5[%swap3A_465], %broadcast_in_dim3A_3 {strides = array<i32>} : memref<8192xf32, #tpu.memory_space<vmem>>, vector<16xf32>,
    %swap3A_467 = arith.constant 3712 : index
    %swap3A_468 = tpu.vector_load %arg5[%swap3A_467] {strides = array<i32>} : memref<8192xf32, #tpu.memory_space<vmem>>, vector<16xf32>,
    tpu.vector_store %arg5[%swap3A_467], %broadcast_in_dim3A_3 {strides = array<i32>} : memref<8192xf32, #tpu.memory_space<vmem>>, vector<16xf32>,
    %swap3A_469 = arith.constant 3728 : index
    %swap3A_470 = tpu.vector_load %arg5[%swap3A_469] {strides = array<i32>} : memref<8192xf32, #tpu.memory_space<vmem>>, vector<16xf32>,
    tpu.vector_store %arg5[%swap3A_469], %broadcast_in_dim3A_3 {strides = array<i32>} : memref<8192xf32, #tpu.memory_space<vmem>>, vector<16xf32>,
    %swap3A_471 = arith.constant 3744 : index
    %swap3A_472 = tpu.vector_load %arg5[%swap3A_471] {strides = array<i32>} : memref<8192xf32, #tpu.memory_space<vmem>>, vector<16xf32>,
    tpu.vector_store %arg5[%swap3A_471], %broadcast_in_dim3A_3 {strides = array<i32>} : memref<8192xf32, #tpu.memory_space<vmem>>, vector<16xf32>,
    %swap3A_473 = arith.constant 3760 : index
    %swap3A_474 = tpu.vector_load %arg5[%swap3A_473] {strides = array<i32>} : memref<8192xf32, #tpu.memory_space<vmem>>, vector<16xf32>,
    tpu.vector_store %arg5[%swap3A_473], %broadcast_in_dim3A_3 {strides = array<i32>} : memref<8192xf32, #tpu.memory_space<vmem>>, vector<16xf32>,
    %swap3A_475 = arith.constant 3776 : index
    %swap3A_476 = tpu.vector_load %arg5[%swap3A_475] {strides = array<i32>} : memref<8192xf32, #tpu.memory_space<vmem>>, vector<16xf32>,
    tpu.vector_store %arg5[%swap3A_475], %broadcast_in_dim3A_3 {strides = array<i32>} : memref<8192xf32, #tpu.memory_space<vmem>>, vector<16xf32>,
    %swap3A_477 = arith.constant 3792 : index
    %swap3A_478 = tpu.vector_load %arg5[%swap3A_477] {strides = array<i32>} : memref<8192xf32, #tpu.memory_space<vmem>>, vector<16xf32>,
    tpu.vector_store %arg5[%swap3A_477], %broadcast_in_dim3A_3 {strides = array<i32>} : memref<8192xf32, #tpu.memory_space<vmem>>, vector<16xf32>,
    %swap3A_479 = arith.constant 3808 : index
    %swap3A_480 = tpu.vector_load %arg5[%swap3A_479] {strides = array<i32>} : memref<8192xf32, #tpu.memory_space<vmem>>, vector<16xf32>,
    tpu.vector_store %arg5[%swap3A_479], %broadcast_in_dim3A_3 {strides = array<i32>} : memref<8192xf32, #tpu.memory_space<vmem>>, vector<16xf32>,
    %swap3A_481 = arith.constant 3824 : index
    %swap3A_482 = tpu.vector_load %arg5[%swap3A_481] {strides = array<i32>} : memref<8192xf32, #tpu.memory_space<vmem>>, vector<16xf32>,
    tpu.vector_store %arg5[%swap3A_481], %broadcast_in_dim3A_3 {strides = array<i32>} : memref<8192xf32, #tpu.memory_space<vmem>>, vector<16xf32>,
    %swap3A_483 = arith.constant 3840 : index
    %swap3A_484 = tpu.vector_load %arg5[%swap3A_483] {strides = array<i32>} : memref<8192xf32, #tpu.memory_space<vmem>>, vector<16xf32>,
    tpu.vector_store %arg5[%swap3A_483], %broadcast_in_dim3A_3 {strides = array<i32>} : memref<8192xf32, #tpu.memory_space<vmem>>, vector<16xf32>,
    %swap3A_485 = arith.constant 3856 : index
    %swap3A_486 = tpu.vector_load %arg5[%swap3A_485] {strides = array<i32>} : memref<8192xf32, #tpu.memory_space<vmem>>, vector<16xf32>,
    tpu.vector_store %arg5[%swap3A_485], %broadcast_in_dim3A_3 {strides = array<i32>} : memref<8192xf32, #tpu.memory_space<vmem>>, vector<16xf32>,
    %swap3A_487 = arith.constant 3872 : index
    %swap3A_488 = tpu.vector_load %arg5[%swap3A_487] {strides = array<i32>} : memref<8192xf32, #tpu.memory_space<vmem>>, vector<16xf32>,
    tpu.vector_store %arg5[%swap3A_487], %broadcast_in_dim3A_3 {strides = array<i32>} : memref<8192xf32, #tpu.memory_space<vmem>>, vector<16xf32>,
    %swap3A_489 = arith.constant 3888 : index
    %swap3A_490 = tpu.vector_load %arg5[%swap3A_489] {strides = array<i32>} : memref<8192xf32, #tpu.memory_space<vmem>>, vector<16xf32>,
    tpu.vector_store %arg5[%swap3A_489], %broadcast_in_dim3A_3 {strides = array<i32>} : memref<8192xf32, #tpu.memory_space<vmem>>, vector<16xf32>,
    %swap3A_491 = arith.constant 3904 : index
    %swap3A_492 = tpu.vector_load %arg5[%swap3A_491] {strides = array<i32>} : memref<8192xf32, #tpu.memory_space<vmem>>, vector<16xf32>,
    tpu.vector_store %arg5[%swap3A_491], %broadcast_in_dim3A_3 {strides = array<i32>} : memref<8192xf32, #tpu.memory_space<vmem>>, vector<16xf32>,
    %swap3A_493 = arith.constant 3920 : index
    %swap3A_494 = tpu.vector_load %arg5[%swap3A_493] {strides = array<i32>} : memref<8192xf32, #tpu.memory_space<vmem>>, vector<16xf32>,
    tpu.vector_store %arg5[%swap3A_493], %broadcast_in_dim3A_3 {strides = array<i32>} : memref<8192xf32, #tpu.memory_space<vmem>>, vector<16xf32>,
    %swap3A_495 = arith.constant 3936 : index
    %swap3A_496 = tpu.vector_load %arg5[%swap3A_495] {strides = array<i32>} : memref<8192xf32, #tpu.memory_space<vmem>>, vector<16xf32>,
    tpu.vector_store %arg5[%swap3A_495], %broadcast_in_dim3A_3 {strides = array<i32>} : memref<8192xf32, #tpu.memory_space<vmem>>, vector<16xf32>,
    %swap3A_497 = arith.constant 3952 : index
    %swap3A_498 = tpu.vector_load %arg5[%swap3A_497] {strides = array<i32>} : memref<8192xf32, #tpu.memory_space<vmem>>, vector<16xf32>,
    tpu.vector_store %arg5[%swap3A_497], %broadcast_in_dim3A_3 {strides = array<i32>} : memref<8192xf32, #tpu.memory_space<vmem>>, vector<16xf32>,
    %swap3A_499 = arith.constant 3968 : index
    %swap3A_500 = tpu.vector_load %arg5[%swap3A_499] {strides = array<i32>} : memref<8192xf32, #tpu.memory_space<vmem>>, vector<16xf32>,
    tpu.vector_store %arg5[%swap3A_499], %broadcast_in_dim3A_3 {strides = array<i32>} : memref<8192xf32, #tpu.memory_space<vmem>>, vector<16xf32>,
    %swap3A_501 = arith.constant 3984 : index
    %swap3A_502 = tpu.vector_load %arg5[%swap3A_501] {strides = array<i32>} : memref<8192xf32, #tpu.memory_space<vmem>>, vector<16xf32>,
    tpu.vector_store %arg5[%swap3A_501], %broadcast_in_dim3A_3 {strides = array<i32>} : memref<8192xf32, #tpu.memory_space<vmem>>, vector<16xf32>,
    %swap3A_503 = arith.constant 4000 : index
    %swap3A_504 = tpu.vector_load %arg5[%swap3A_503] {strides = array<i32>} : memref<8192xf32, #tpu.memory_space<vmem>>, vector<16xf32>,
    tpu.vector_store %arg5[%swap3A_503], %broadcast_in_dim3A_3 {strides = array<i32>} : memref<8192xf32, #tpu.memory_space<vmem>>, vector<16xf32>,
    %swap3A_505 = arith.constant 4016 : index
    %swap3A_506 = tpu.vector_load %arg5[%swap3A_505] {strides = array<i32>} : memref<8192xf32, #tpu.memory_space<vmem>>, vector<16xf32>,
    tpu.vector_store %arg5[%swap3A_505], %broadcast_in_dim3A_3 {strides = array<i32>} : memref<8192xf32, #tpu.memory_space<vmem>>, vector<16xf32>,
    %swap3A_507 = arith.constant 4032 : index
    %swap3A_508 = tpu.vector_load %arg5[%swap3A_507] {strides = array<i32>} : memref<8192xf32, #tpu.memory_space<vmem>>, vector<16xf32>,
    tpu.vector_store %arg5[%swap3A_507], %broadcast_in_dim3A_3 {strides = array<i32>} : memref<8192xf32, #tpu.memory_space<vmem>>, vector<16xf32>,
    %swap3A_509 = arith.constant 4048 : index
    %swap3A_510 = tpu.vector_load %arg5[%swap3A_509] {strides = array<i32>} : memref<8192xf32, #tpu.memory_space<vmem>>, vector<16xf32>,
    tpu.vector_store %arg5[%swap3A_509], %broadcast_in_dim3A_3 {strides = array<i32>} : memref<8192xf32, #tpu.memory_space<vmem>>, vector<16xf32>,
    %swap3A_511 = arith.constant 4064 : index
    %swap3A_512 = tpu.vector_load %arg5[%swap3A_511] {strides = array<i32>} : memref<8192xf32, #tpu.memory_space<vmem>>, vector<16xf32>,
    tpu.vector_store %arg5[%swap3A_511], %broadcast_in_dim3A_3 {strides = array<i32>} : memref<8192xf32, #tpu.memory_space<vmem>>, vector<16xf32>,
    %swap3A_513 = arith.constant 4080 : index
    %swap3A_514 = tpu.vector_load %arg5[%swap3A_513] {strides = array<i32>} : memref<8192xf32, #tpu.memory_space<vmem>>, vector<16xf32>,
    tpu.vector_store %arg5[%swap3A_513], %broadcast_in_dim3A_3 {strides = array<i32>} : memref<8192xf32, #tpu.memory_space<vmem>>, vector<16xf32>,
    %swap3A_515 = arith.constant 4096 : index
    %swap3A_516 = tpu.vector_load %arg5[%swap3A_515] {strides = array<i32>} : memref<8192xf32, #tpu.memory_space<vmem>>, vector<16xf32>,
    tpu.vector_store %arg5[%swap3A_515], %broadcast_in_dim3A_3 {strides = array<i32>} : memref<8192xf32, #tpu.memory_space<vmem>>, vector<16xf32>,
    %swap3A_517 = arith.constant 4112 : index
    %swap3A_518 = tpu.vector_load %arg5[%swap3A_517] {strides = array<i32>} : memref<8192xf32, #tpu.memory_space<vmem>>, vector<16xf32>,
    tpu.vector_store %arg5[%swap3A_517], %broadcast_in_dim3A_3 {strides = array<i32>} : memref<8192xf32, #tpu.memory_space<vmem>>, vector<16xf32>,
    %swap3A_519 = arith.constant 4128 : index
    %swap3A_520 = tpu.vector_load %arg5[%swap3A_519] {strides = array<i32>} : memref<8192xf32, #tpu.memory_space<vmem>>, vector<16xf32>,
    tpu.vector_store %arg5[%swap3A_519], %broadcast_in_dim3A_3 {strides = array<i32>} : memref<8192xf32, #tpu.memory_space<vmem>>, vector<16xf32>,
    %swap3A_521 = arith.constant 4144 : index
    %swap3A_522 = tpu.vector_load %arg5[%swap3A_521] {strides = array<i32>} : memref<8192xf32, #tpu.memory_space<vmem>>, vector<16xf32>,
    tpu.vector_store %arg5[%swap3A_521], %broadcast_in_dim3A_3 {strides = array<i32>} : memref<8192xf32, #tpu.memory_space<vmem>>, vector<16xf32>,
    %swap3A_523 = arith.constant 4160 : index
    %swap3A_524 = tpu.vector_load %arg5[%swap3A_523] {strides = array<i32>} : memref<8192xf32, #tpu.memory_space<vmem>>, vector<16xf32>,
    tpu.vector_store %arg5[%swap3A_523], %broadcast_in_dim3A_3 {strides = array<i32>} : memref<8192xf32, #tpu.memory_space<vmem>>, vector<16xf32>,
    %swap3A_525 = arith.constant 4176 : index
    %swap3A_526 = tpu.vector_load %arg5[%swap3A_525] {strides = array<i32>} : memref<8192xf32, #tpu.memory_space<vmem>>, vector<16xf32>,
    tpu.vector_store %arg5[%swap3A_525], %broadcast_in_dim3A_3 {strides = array<i32>} : memref<8192xf32, #tpu.memory_space<vmem>>, vector<16xf32>,
    %swap3A_527 = arith.constant 4192 : index
    %swap3A_528 = tpu.vector_load %arg5[%swap3A_527] {strides = array<i32>} : memref<8192xf32, #tpu.memory_space<vmem>>, vector<16xf32>,
    tpu.vector_store %arg5[%swap3A_527], %broadcast_in_dim3A_3 {strides = array<i32>} : memref<8192xf32, #tpu.memory_space<vmem>>, vector<16xf32>,
    %swap3A_529 = arith.constant 4208 : index
    %swap3A_530 = tpu.vector_load %arg5[%swap3A_529] {strides = array<i32>} : memref<8192xf32, #tpu.memory_space<vmem>>, vector<16xf32>,
    tpu.vector_store %arg5[%swap3A_529], %broadcast_in_dim3A_3 {strides = array<i32>} : memref<8192xf32, #tpu.memory_space<vmem>>, vector<16xf32>,
    %swap3A_531 = arith.constant 4224 : index
    %swap3A_532 = tpu.vector_load %arg5[%swap3A_531] {strides = array<i32>} : memref<8192xf32, #tpu.memory_space<vmem>>, vector<16xf32>,
    tpu.vector_store %arg5[%swap3A_531], %broadcast_in_dim3A_3 {strides = array<i32>} : memref<8192xf32, #tpu.memory_space<vmem>>, vector<16xf32>,
    %swap3A_533 = arith.constant 4240 : index
    %swap3A_534 = tpu.vector_load %arg5[%swap3A_533] {strides = array<i32>} : memref<8192xf32, #tpu.memory_space<vmem>>, vector<16xf32>,
    tpu.vector_store %arg5[%swap3A_533], %broadcast_in_dim3A_3 {strides = array<i32>} : memref<8192xf32, #tpu.memory_space<vmem>>, vector<16xf32>,
    %swap3A_535 = arith.constant 4256 : index
    %swap3A_536 = tpu.vector_load %arg5[%swap3A_535] {strides = array<i32>} : memref<8192xf32, #tpu.memory_space<vmem>>, vector<16xf32>,
    tpu.vector_store %arg5[%swap3A_535], %broadcast_in_dim3A_3 {strides = array<i32>} : memref<8192xf32, #tpu.memory_space<vmem>>, vector<16xf32>,
    %swap3A_537 = arith.constant 4272 : index
    %swap3A_538 = tpu.vector_load %arg5[%swap3A_537] {strides = array<i32>} : memref<8192xf32, #tpu.memory_space<vmem>>, vector<16xf32>,
    tpu.vector_store %arg5[%swap3A_537], %broadcast_in_dim3A_3 {strides = array<i32>} : memref<8192xf32, #tpu.memory_space<vmem>>, vector<16xf32>,
    %swap3A_539 = arith.constant 4288 : index
    %swap3A_540 = tpu.vector_load %arg5[%swap3A_539] {strides = array<i32>} : memref<8192xf32, #tpu.memory_space<vmem>>, vector<16xf32>,
    tpu.vector_store %arg5[%swap3A_539], %broadcast_in_dim3A_3 {strides = array<i32>} : memref<8192xf32, #tpu.memory_space<vmem>>, vector<16xf32>,
    %swap3A_541 = arith.constant 4304 : index
    %swap3A_542 = tpu.vector_load %arg5[%swap3A_541] {strides = array<i32>} : memref<8192xf32, #tpu.memory_space<vmem>>, vector<16xf32>,
    tpu.vector_store %arg5[%swap3A_541], %broadcast_in_dim3A_3 {strides = array<i32>} : memref<8192xf32, #tpu.memory_space<vmem>>, vector<16xf32>,
    %swap3A_543 = arith.constant 4320 : index
    %swap3A_544 = tpu.vector_load %arg5[%swap3A_543] {strides = array<i32>} : memref<8192xf32, #tpu.memory_space<vmem>>, vector<16xf32>,
    tpu.vector_store %arg5[%swap3A_543], %broadcast_in_dim3A_3 {strides = array<i32>} : memref<8192xf32, #tpu.memory_space<vmem>>, vector<16xf32>,
    %swap3A_545 = arith.constant 4336 : index
    %swap3A_546 = tpu.vector_load %arg5[%swap3A_545] {strides = array<i32>} : memref<8192xf32, #tpu.memory_space<vmem>>, vector<16xf32>,
    tpu.vector_store %arg5[%swap3A_545], %broadcast_in_dim3A_3 {strides = array<i32>} : memref<8192xf32, #tpu.memory_space<vmem>>, vector<16xf32>,
    %swap3A_547 = arith.constant 4352 : index
    %swap3A_548 = tpu.vector_load %arg5[%swap3A_547] {strides = array<i32>} : memref<8192xf32, #tpu.memory_space<vmem>>, vector<16xf32>,
    tpu.vector_store %arg5[%swap3A_547], %broadcast_in_dim3A_3 {strides = array<i32>} : memref<8192xf32, #tpu.memory_space<vmem>>, vector<16xf32>,
    %swap3A_549 = arith.constant 4368 : index
    %swap3A_550 = tpu.vector_load %arg5[%swap3A_549] {strides = array<i32>} : memref<8192xf32, #tpu.memory_space<vmem>>, vector<16xf32>,
    tpu.vector_store %arg5[%swap3A_549], %broadcast_in_dim3A_3 {strides = array<i32>} : memref<8192xf32, #tpu.memory_space<vmem>>, vector<16xf32>,
    %swap3A_551 = arith.constant 4384 : index
    %swap3A_552 = tpu.vector_load %arg5[%swap3A_551] {strides = array<i32>} : memref<8192xf32, #tpu.memory_space<vmem>>, vector<16xf32>,
    tpu.vector_store %arg5[%swap3A_551], %broadcast_in_dim3A_3 {strides = array<i32>} : memref<8192xf32, #tpu.memory_space<vmem>>, vector<16xf32>,
    %swap3A_553 = arith.constant 4400 : index
    %swap3A_554 = tpu.vector_load %arg5[%swap3A_553] {strides = array<i32>} : memref<8192xf32, #tpu.memory_space<vmem>>, vector<16xf32>,
    tpu.vector_store %arg5[%swap3A_553], %broadcast_in_dim3A_3 {strides = array<i32>} : memref<8192xf32, #tpu.memory_space<vmem>>, vector<16xf32>,
    %swap3A_555 = arith.constant 4416 : index
    %swap3A_556 = tpu.vector_load %arg5[%swap3A_555] {strides = array<i32>} : memref<8192xf32, #tpu.memory_space<vmem>>, vector<16xf32>,
    tpu.vector_store %arg5[%swap3A_555], %broadcast_in_dim3A_3 {strides = array<i32>} : memref<8192xf32, #tpu.memory_space<vmem>>, vector<16xf32>,
    %swap3A_557 = arith.constant 4432 : index
    %swap3A_558 = tpu.vector_load %arg5[%swap3A_557] {strides = array<i32>} : memref<8192xf32, #tpu.memory_space<vmem>>, vector<16xf32>,
    tpu.vector_store %arg5[%swap3A_557], %broadcast_in_dim3A_3 {strides = array<i32>} : memref<8192xf32, #tpu.memory_space<vmem>>, vector<16xf32>,
    %swap3A_559 = arith.constant 4448 : index
    %swap3A_560 = tpu.vector_load %arg5[%swap3A_559] {strides = array<i32>} : memref<8192xf32, #tpu.memory_space<vmem>>, vector<16xf32>,
    tpu.vector_store %arg5[%swap3A_559], %broadcast_in_dim3A_3 {strides = array<i32>} : memref<8192xf32, #tpu.memory_space<vmem>>, vector<16xf32>,
    %swap3A_561 = arith.constant 4464 : index
    %swap3A_562 = tpu.vector_load %arg5[%swap3A_561] {strides = array<i32>} : memref<8192xf32, #tpu.memory_space<vmem>>, vector<16xf32>,
    tpu.vector_store %arg5[%swap3A_561], %broadcast_in_dim3A_3 {strides = array<i32>} : memref<8192xf32, #tpu.memory_space<vmem>>, vector<16xf32>,
    %swap3A_563 = arith.constant 4480 : index
    %swap3A_564 = tpu.vector_load %arg5[%swap3A_563] {strides = array<i32>} : memref<8192xf32, #tpu.memory_space<vmem>>, vector<16xf32>,
    tpu.vector_store %arg5[%swap3A_563], %broadcast_in_dim3A_3 {strides = array<i32>} : memref<8192xf32, #tpu.memory_space<vmem>>, vector<16xf32>,
    %swap3A_565 = arith.constant 4496 : index
    %swap3A_566 = tpu.vector_load %arg5[%swap3A_565] {strides = array<i32>} : memref<8192xf32, #tpu.memory_space<vmem>>, vector<16xf32>,
    tpu.vector_store %arg5[%swap3A_565], %broadcast_in_dim3A_3 {strides = array<i32>} : memref<8192xf32, #tpu.memory_space<vmem>>, vector<16xf32>,
    %swap3A_567 = arith.constant 4512 : index
    %swap3A_568 = tpu.vector_load %arg5[%swap3A_567] {strides = array<i32>} : memref<8192xf32, #tpu.memory_space<vmem>>, vector<16xf32>,
    tpu.vector_store %arg5[%swap3A_567], %broadcast_in_dim3A_3 {strides = array<i32>} : memref<8192xf32, #tpu.memory_space<vmem>>, vector<16xf32>,
    %swap3A_569 = arith.constant 4528 : index
    %swap3A_570 = tpu.vector_load %arg5[%swap3A_569] {strides = array<i32>} : memref<8192xf32, #tpu.memory_space<vmem>>, vector<16xf32>,
    tpu.vector_store %arg5[%swap3A_569], %broadcast_in_dim3A_3 {strides = array<i32>} : memref<8192xf32, #tpu.memory_space<vmem>>, vector<16xf32>,
    %swap3A_571 = arith.constant 4544 : index
    %swap3A_572 = tpu.vector_load %arg5[%swap3A_571] {strides = array<i32>} : memref<8192xf32, #tpu.memory_space<vmem>>, vector<16xf32>,
    tpu.vector_store %arg5[%swap3A_571], %broadcast_in_dim3A_3 {strides = array<i32>} : memref<8192xf32, #tpu.memory_space<vmem>>, vector<16xf32>,
    %swap3A_573 = arith.constant 4560 : index
    %swap3A_574 = tpu.vector_load %arg5[%swap3A_573] {strides = array<i32>} : memref<8192xf32, #tpu.memory_space<vmem>>, vector<16xf32>,
    tpu.vector_store %arg5[%swap3A_573], %broadcast_in_dim3A_3 {strides = array<i32>} : memref<8192xf32, #tpu.memory_space<vmem>>, vector<16xf32>,
    %swap3A_575 = arith.constant 4576 : index
    %swap3A_576 = tpu.vector_load %arg5[%swap3A_575] {strides = array<i32>} : memref<8192xf32, #tpu.memory_space<vmem>>, vector<16xf32>,
    tpu.vector_store %arg5[%swap3A_575], %broadcast_in_dim3A_3 {strides = array<i32>} : memref<8192xf32, #tpu.memory_space<vmem>>, vector<16xf32>,
    %swap3A_577 = arith.constant 4592 : index
    %swap3A_578 = tpu.vector_load %arg5[%swap3A_577] {strides = array<i32>} : memref<8192xf32, #tpu.memory_space<vmem>>, vector<16xf32>,
    tpu.vector_store %arg5[%swap3A_577], %broadcast_in_dim3A_3 {strides = array<i32>} : memref<8192xf32, #tpu.memory_space<vmem>>, vector<16xf32>,
    %swap3A_579 = arith.constant 4608 : index
    %swap3A_580 = tpu.vector_load %arg5[%swap3A_579] {strides = array<i32>} : memref<8192xf32, #tpu.memory_space<vmem>>, vector<16xf32>,
    tpu.vector_store %arg5[%swap3A_579], %broadcast_in_dim3A_3 {strides = array<i32>} : memref<8192xf32, #tpu.memory_space<vmem>>, vector<16xf32>,
    %swap3A_581 = arith.constant 4624 : index
    %swap3A_582 = tpu.vector_load %arg5[%swap3A_581] {strides = array<i32>} : memref<8192xf32, #tpu.memory_space<vmem>>, vector<16xf32>,
    tpu.vector_store %arg5[%swap3A_581], %broadcast_in_dim3A_3 {strides = array<i32>} : memref<8192xf32, #tpu.memory_space<vmem>>, vector<16xf32>,
    %swap3A_583 = arith.constant 4640 : index
    %swap3A_584 = tpu.vector_load %arg5[%swap3A_583] {strides = array<i32>} : memref<8192xf32, #tpu.memory_space<vmem>>, vector<16xf32>,
    tpu.vector_store %arg5[%swap3A_583], %broadcast_in_dim3A_3 {strides = array<i32>} : memref<8192xf32, #tpu.memory_space<vmem>>, vector<16xf32>,
    %swap3A_585 = arith.constant 4656 : index
    %swap3A_586 = tpu.vector_load %arg5[%swap3A_585] {strides = array<i32>} : memref<8192xf32, #tpu.memory_space<vmem>>, vector<16xf32>,
    tpu.vector_store %arg5[%swap3A_585], %broadcast_in_dim3A_3 {strides = array<i32>} : memref<8192xf32, #tpu.memory_space<vmem>>, vector<16xf32>,
    %swap3A_587 = arith.constant 4672 : index
    %swap3A_588 = tpu.vector_load %arg5[%swap3A_587] {strides = array<i32>} : memref<8192xf32, #tpu.memory_space<vmem>>, vector<16xf32>,
    tpu.vector_store %arg5[%swap3A_587], %broadcast_in_dim3A_3 {strides = array<i32>} : memref<8192xf32, #tpu.memory_space<vmem>>, vector<16xf32>,
    %swap3A_589 = arith.constant 4688 : index
    %swap3A_590 = tpu.vector_load %arg5[%swap3A_589] {strides = array<i32>} : memref<8192xf32, #tpu.memory_space<vmem>>, vector<16xf32>,
    tpu.vector_store %arg5[%swap3A_589], %broadcast_in_dim3A_3 {strides = array<i32>} : memref<8192xf32, #tpu.memory_space<vmem>>, vector<16xf32>,
    %swap3A_591 = arith.constant 4704 : index
    %swap3A_592 = tpu.vector_load %arg5[%swap3A_591] {strides = array<i32>} : memref<8192xf32, #tpu.memory_space<vmem>>, vector<16xf32>,
    tpu.vector_store %arg5[%swap3A_591], %broadcast_in_dim3A_3 {strides = array<i32>} : memref<8192xf32, #tpu.memory_space<vmem>>, vector<16xf32>,
    %swap3A_593 = arith.constant 4720 : index
    %swap3A_594 = tpu.vector_load %arg5[%swap3A_593] {strides = array<i32>} : memref<8192xf32, #tpu.memory_space<vmem>>, vector<16xf32>,
    tpu.vector_store %arg5[%swap3A_593], %broadcast_in_dim3A_3 {strides = array<i32>} : memref<8192xf32, #tpu.memory_space<vmem>>, vector<16xf32>,
    %swap3A_595 = arith.constant 4736 : index
    %swap3A_596 = tpu.vector_load %arg5[%swap3A_595] {strides = array<i32>} : memref<8192xf32, #tpu.memory_space<vmem>>, vector<16xf32>,
    tpu.vector_store %arg5[%swap3A_595], %broadcast_in_dim3A_3 {strides = array<i32>} : memref<8192xf32, #tpu.memory_space<vmem>>, vector<16xf32>,
    %swap3A_597 = arith.constant 4752 : index
    %swap3A_598 = tpu.vector_load %arg5[%swap3A_597] {strides = array<i32>} : memref<8192xf32, #tpu.memory_space<vmem>>, vector<16xf32>,
    tpu.vector_store %arg5[%swap3A_597], %broadcast_in_dim3A_3 {strides = array<i32>} : memref<8192xf32, #tpu.memory_space<vmem>>, vector<16xf32>,
    %swap3A_599 = arith.constant 4768 : index
    %swap3A_600 = tpu.vector_load %arg5[%swap3A_599] {strides = array<i32>} : memref<8192xf32, #tpu.memory_space<vmem>>, vector<16xf32>,
    tpu.vector_store %arg5[%swap3A_599], %broadcast_in_dim3A_3 {strides = array<i32>} : memref<8192xf32, #tpu.memory_space<vmem>>, vector<16xf32>,
    %swap3A_601 = arith.constant 4784 : index
    %swap3A_602 = tpu.vector_load %arg5[%swap3A_601] {strides = array<i32>} : memref<8192xf32, #tpu.memory_space<vmem>>, vector<16xf32>,
    tpu.vector_store %arg5[%swap3A_601], %broadcast_in_dim3A_3 {strides = array<i32>} : memref<8192xf32, #tpu.memory_space<vmem>>, vector<16xf32>,
    %swap3A_603 = arith.constant 4800 : index
    %swap3A_604 = tpu.vector_load %arg5[%swap3A_603] {strides = array<i32>} : memref<8192xf32, #tpu.memory_space<vmem>>, vector<16xf32>,
    tpu.vector_store %arg5[%swap3A_603], %broadcast_in_dim3A_3 {strides = array<i32>} : memref<8192xf32, #tpu.memory_space<vmem>>, vector<16xf32>,
    %swap3A_605 = arith.constant 4816 : index
    %swap3A_606 = tpu.vector_load %arg5[%swap3A_605] {strides = array<i32>} : memref<8192xf32, #tpu.memory_space<vmem>>, vector<16xf32>,
    tpu.vector_store %arg5[%swap3A_605], %broadcast_in_dim3A_3 {strides = array<i32>} : memref<8192xf32, #tpu.memory_space<vmem>>, vector<16xf32>,
    %swap3A_607 = arith.constant 4832 : index
    %swap3A_608 = tpu.vector_load %arg5[%swap3A_607] {strides = array<i32>} : memref<8192xf32, #tpu.memory_space<vmem>>, vector<16xf32>,
    tpu.vector_store %arg5[%swap3A_607], %broadcast_in_dim3A_3 {strides = array<i32>} : memref<8192xf32, #tpu.memory_space<vmem>>, vector<16xf32>,
    %swap3A_609 = arith.constant 4848 : index
    %swap3A_610 = tpu.vector_load %arg5[%swap3A_609] {strides = array<i32>} : memref<8192xf32, #tpu.memory_space<vmem>>, vector<16xf32>,
    tpu.vector_store %arg5[%swap3A_609], %broadcast_in_dim3A_3 {strides = array<i32>} : memref<8192xf32, #tpu.memory_space<vmem>>, vector<16xf32>,
    %swap3A_611 = arith.constant 4864 : index
    %swap3A_612 = tpu.vector_load %arg5[%swap3A_611] {strides = array<i32>} : memref<8192xf32, #tpu.memory_space<vmem>>, vector<16xf32>,
    tpu.vector_store %arg5[%swap3A_611], %broadcast_in_dim3A_3 {strides = array<i32>} : memref<8192xf32, #tpu.memory_space<vmem>>, vector<16xf32>,
    %swap3A_613 = arith.constant 4880 : index
    %swap3A_614 = tpu.vector_load %arg5[%swap3A_613] {strides = array<i32>} : memref<8192xf32, #tpu.memory_space<vmem>>, vector<16xf32>,
    tpu.vector_store %arg5[%swap3A_613], %broadcast_in_dim3A_3 {strides = array<i32>} : memref<8192xf32, #tpu.memory_space<vmem>>, vector<16xf32>,
    %swap3A_615 = arith.constant 4896 : index
    %swap3A_616 = tpu.vector_load %arg5[%swap3A_615] {strides = array<i32>} : memref<8192xf32, #tpu.memory_space<vmem>>, vector<16xf32>,
    tpu.vector_store %arg5[%swap3A_615], %broadcast_in_dim3A_3 {strides = array<i32>} : memref<8192xf32, #tpu.memory_space<vmem>>, vector<16xf32>,
    %swap3A_617 = arith.constant 4912 : index
    %swap3A_618 = tpu.vector_load %arg5[%swap3A_617] {strides = array<i32>} : memref<8192xf32, #tpu.memory_space<vmem>>, vector<16xf32>,
    tpu.vector_store %arg5[%swap3A_617], %broadcast_in_dim3A_3 {strides = array<i32>} : memref<8192xf32, #tpu.memory_space<vmem>>, vector<16xf32>,
    %swap3A_619 = arith.constant 4928 : index
    %swap3A_620 = tpu.vector_load %arg5[%swap3A_619] {strides = array<i32>} : memref<8192xf32, #tpu.memory_space<vmem>>, vector<16xf32>,
    tpu.vector_store %arg5[%swap3A_619], %broadcast_in_dim3A_3 {strides = array<i32>} : memref<8192xf32, #tpu.memory_space<vmem>>, vector<16xf32>,
    %swap3A_621 = arith.constant 4944 : index
    %swap3A_622 = tpu.vector_load %arg5[%swap3A_621] {strides = array<i32>} : memref<8192xf32, #tpu.memory_space<vmem>>, vector<16xf32>,
    tpu.vector_store %arg5[%swap3A_621], %broadcast_in_dim3A_3 {strides = array<i32>} : memref<8192xf32, #tpu.memory_space<vmem>>, vector<16xf32>,
    %swap3A_623 = arith.constant 4960 : index
    %swap3A_624 = tpu.vector_load %arg5[%swap3A_623] {strides = array<i32>} : memref<8192xf32, #tpu.memory_space<vmem>>, vector<16xf32>,
    tpu.vector_store %arg5[%swap3A_623], %broadcast_in_dim3A_3 {strides = array<i32>} : memref<8192xf32, #tpu.memory_space<vmem>>, vector<16xf32>,
    %swap3A_625 = arith.constant 4976 : index
    %swap3A_626 = tpu.vector_load %arg5[%swap3A_625] {strides = array<i32>} : memref<8192xf32, #tpu.memory_space<vmem>>, vector<16xf32>,
    tpu.vector_store %arg5[%swap3A_625], %broadcast_in_dim3A_3 {strides = array<i32>} : memref<8192xf32, #tpu.memory_space<vmem>>, vector<16xf32>,
    %swap3A_627 = arith.constant 4992 : index
    %swap3A_628 = tpu.vector_load %arg5[%swap3A_627] {strides = array<i32>} : memref<8192xf32, #tpu.memory_space<vmem>>, vector<16xf32>,
    tpu.vector_store %arg5[%swap3A_627], %broadcast_in_dim3A_3 {strides = array<i32>} : memref<8192xf32, #tpu.memory_space<vmem>>, vector<16xf32>,
    %swap3A_629 = arith.constant 5008 : index
    %swap3A_630 = tpu.vector_load %arg5[%swap3A_629] {strides = array<i32>} : memref<8192xf32, #tpu.memory_space<vmem>>, vector<16xf32>,
    tpu.vector_store %arg5[%swap3A_629], %broadcast_in_dim3A_3 {strides = array<i32>} : memref<8192xf32, #tpu.memory_space<vmem>>, vector<16xf32>,
    %swap3A_631 = arith.constant 5024 : index
    %swap3A_632 = tpu.vector_load %arg5[%swap3A_631] {strides = array<i32>} : memref<8192xf32, #tpu.memory_space<vmem>>, vector<16xf32>,
    tpu.vector_store %arg5[%swap3A_631], %broadcast_in_dim3A_3 {strides = array<i32>} : memref<8192xf32, #tpu.memory_space<vmem>>, vector<16xf32>,
    %swap3A_633 = arith.constant 5040 : index
    %swap3A_634 = tpu.vector_load %arg5[%swap3A_633] {strides = array<i32>} : memref<8192xf32, #tpu.memory_space<vmem>>, vector<16xf32>,
    tpu.vector_store %arg5[%swap3A_633], %broadcast_in_dim3A_3 {strides = array<i32>} : memref<8192xf32, #tpu.memory_space<vmem>>, vector<16xf32>,
    %swap3A_635 = arith.constant 5056 : index
    %swap3A_636 = tpu.vector_load %arg5[%swap3A_635] {strides = array<i32>} : memref<8192xf32, #tpu.memory_space<vmem>>, vector<16xf32>,
    tpu.vector_store %arg5[%swap3A_635], %broadcast_in_dim3A_3 {strides = array<i32>} : memref<8192xf32, #tpu.memory_space<vmem>>, vector<16xf32>,
    %swap3A_637 = arith.constant 5072 : index
    %swap3A_638 = tpu.vector_load %arg5[%swap3A_637] {strides = array<i32>} : memref<8192xf32, #tpu.memory_space<vmem>>, vector<16xf32>,
    tpu.vector_store %arg5[%swap3A_637], %broadcast_in_dim3A_3 {strides = array<i32>} : memref<8192xf32, #tpu.memory_space<vmem>>, vector<16xf32>,
    %swap3A_639 = arith.constant 5088 : index
    %swap3A_640 = tpu.vector_load %arg5[%swap3A_639] {strides = array<i32>} : memref<8192xf32, #tpu.memory_space<vmem>>, vector<16xf32>,
    tpu.vector_store %arg5[%swap3A_639], %broadcast_in_dim3A_3 {strides = array<i32>} : memref<8192xf32, #tpu.memory_space<vmem>>, vector<16xf32>,
    %swap3A_641 = arith.constant 5104 : index
    %swap3A_642 = tpu.vector_load %arg5[%swap3A_641] {strides = array<i32>} : memref<8192xf32, #tpu.memory_space<vmem>>, vector<16xf32>,
    tpu.vector_store %arg5[%swap3A_641], %broadcast_in_dim3A_3 {strides = array<i32>} : memref<8192xf32, #tpu.memory_space<vmem>>, vector<16xf32>,
    %swap3A_643 = arith.constant 5120 : index
    %swap3A_644 = tpu.vector_load %arg5[%swap3A_643] {strides = array<i32>} : memref<8192xf32, #tpu.memory_space<vmem>>, vector<16xf32>,
    tpu.vector_store %arg5[%swap3A_643], %broadcast_in_dim3A_3 {strides = array<i32>} : memref<8192xf32, #tpu.memory_space<vmem>>, vector<16xf32>,
    %swap3A_645 = arith.constant 5136 : index
    %swap3A_646 = tpu.vector_load %arg5[%swap3A_645] {strides = array<i32>} : memref<8192xf32, #tpu.memory_space<vmem>>, vector<16xf32>,
    tpu.vector_store %arg5[%swap3A_645], %broadcast_in_dim3A_3 {strides = array<i32>} : memref<8192xf32, #tpu.memory_space<vmem>>, vector<16xf32>,
    %swap3A_647 = arith.constant 5152 : index
    %swap3A_648 = tpu.vector_load %arg5[%swap3A_647] {strides = array<i32>} : memref<8192xf32, #tpu.memory_space<vmem>>, vector<16xf32>,
    tpu.vector_store %arg5[%swap3A_647], %broadcast_in_dim3A_3 {strides = array<i32>} : memref<8192xf32, #tpu.memory_space<vmem>>, vector<16xf32>,
    %swap3A_649 = arith.constant 5168 : index
    %swap3A_650 = tpu.vector_load %arg5[%swap3A_649] {strides = array<i32>} : memref<8192xf32, #tpu.memory_space<vmem>>, vector<16xf32>,
    tpu.vector_store %arg5[%swap3A_649], %broadcast_in_dim3A_3 {strides = array<i32>} : memref<8192xf32, #tpu.memory_space<vmem>>, vector<16xf32>,
    %swap3A_651 = arith.constant 5184 : index
    %swap3A_652 = tpu.vector_load %arg5[%swap3A_651] {strides = array<i32>} : memref<8192xf32, #tpu.memory_space<vmem>>, vector<16xf32>,
    tpu.vector_store %arg5[%swap3A_651], %broadcast_in_dim3A_3 {strides = array<i32>} : memref<8192xf32, #tpu.memory_space<vmem>>, vector<16xf32>,
    %swap3A_653 = arith.constant 5200 : index
    %swap3A_654 = tpu.vector_load %arg5[%swap3A_653] {strides = array<i32>} : memref<8192xf32, #tpu.memory_space<vmem>>, vector<16xf32>,
    tpu.vector_store %arg5[%swap3A_653], %broadcast_in_dim3A_3 {strides = array<i32>} : memref<8192xf32, #tpu.memory_space<vmem>>, vector<16xf32>,
    %swap3A_655 = arith.constant 5216 : index
    %swap3A_656 = tpu.vector_load %arg5[%swap3A_655] {strides = array<i32>} : memref<8192xf32, #tpu.memory_space<vmem>>, vector<16xf32>,
    tpu.vector_store %arg5[%swap3A_655], %broadcast_in_dim3A_3 {strides = array<i32>} : memref<8192xf32, #tpu.memory_space<vmem>>, vector<16xf32>,
    %swap3A_657 = arith.constant 5232 : index
    %swap3A_658 = tpu.vector_load %arg5[%swap3A_657] {strides = array<i32>} : memref<8192xf32, #tpu.memory_space<vmem>>, vector<16xf32>,
    tpu.vector_store %arg5[%swap3A_657], %broadcast_in_dim3A_3 {strides = array<i32>} : memref<8192xf32, #tpu.memory_space<vmem>>, vector<16xf32>,
    %swap3A_659 = arith.constant 5248 : index
    %swap3A_660 = tpu.vector_load %arg5[%swap3A_659] {strides = array<i32>} : memref<8192xf32, #tpu.memory_space<vmem>>, vector<16xf32>,
    tpu.vector_store %arg5[%swap3A_659], %broadcast_in_dim3A_3 {strides = array<i32>} : memref<8192xf32, #tpu.memory_space<vmem>>, vector<16xf32>,
    %swap3A_661 = arith.constant 5264 : index
    %swap3A_662 = tpu.vector_load %arg5[%swap3A_661] {strides = array<i32>} : memref<8192xf32, #tpu.memory_space<vmem>>, vector<16xf32>,
    tpu.vector_store %arg5[%swap3A_661], %broadcast_in_dim3A_3 {strides = array<i32>} : memref<8192xf32, #tpu.memory_space<vmem>>, vector<16xf32>,
    %swap3A_663 = arith.constant 5280 : index
    %swap3A_664 = tpu.vector_load %arg5[%swap3A_663] {strides = array<i32>} : memref<8192xf32, #tpu.memory_space<vmem>>, vector<16xf32>,
    tpu.vector_store %arg5[%swap3A_663], %broadcast_in_dim3A_3 {strides = array<i32>} : memref<8192xf32, #tpu.memory_space<vmem>>, vector<16xf32>,
    %swap3A_665 = arith.constant 5296 : index
    %swap3A_666 = tpu.vector_load %arg5[%swap3A_665] {strides = array<i32>} : memref<8192xf32, #tpu.memory_space<vmem>>, vector<16xf32>,
    tpu.vector_store %arg5[%swap3A_665], %broadcast_in_dim3A_3 {strides = array<i32>} : memref<8192xf32, #tpu.memory_space<vmem>>, vector<16xf32>,
    %swap3A_667 = arith.constant 5312 : index
    %swap3A_668 = tpu.vector_load %arg5[%swap3A_667] {strides = array<i32>} : memref<8192xf32, #tpu.memory_space<vmem>>, vector<16xf32>,
    tpu.vector_store %arg5[%swap3A_667], %broadcast_in_dim3A_3 {strides = array<i32>} : memref<8192xf32, #tpu.memory_space<vmem>>, vector<16xf32>,
    %swap3A_669 = arith.constant 5328 : index
    %swap3A_670 = tpu.vector_load %arg5[%swap3A_669] {strides = array<i32>} : memref<8192xf32, #tpu.memory_space<vmem>>, vector<16xf32>,
    tpu.vector_store %arg5[%swap3A_669], %broadcast_in_dim3A_3 {strides = array<i32>} : memref<8192xf32, #tpu.memory_space<vmem>>, vector<16xf32>,
    %swap3A_671 = arith.constant 5344 : index
    %swap3A_672 = tpu.vector_load %arg5[%swap3A_671] {strides = array<i32>} : memref<8192xf32, #tpu.memory_space<vmem>>, vector<16xf32>,
    tpu.vector_store %arg5[%swap3A_671], %broadcast_in_dim3A_3 {strides = array<i32>} : memref<8192xf32, #tpu.memory_space<vmem>>, vector<16xf32>,
    %swap3A_673 = arith.constant 5360 : index
    %swap3A_674 = tpu.vector_load %arg5[%swap3A_673] {strides = array<i32>} : memref<8192xf32, #tpu.memory_space<vmem>>, vector<16xf32>,
    tpu.vector_store %arg5[%swap3A_673], %broadcast_in_dim3A_3 {strides = array<i32>} : memref<8192xf32, #tpu.memory_space<vmem>>, vector<16xf32>,
    %swap3A_675 = arith.constant 5376 : index
    %swap3A_676 = tpu.vector_load %arg5[%swap3A_675] {strides = array<i32>} : memref<8192xf32, #tpu.memory_space<vmem>>, vector<16xf32>,
    tpu.vector_store %arg5[%swap3A_675], %broadcast_in_dim3A_3 {strides = array<i32>} : memref<8192xf32, #tpu.memory_space<vmem>>, vector<16xf32>,
    %swap3A_677 = arith.constant 5392 : index
    %swap3A_678 = tpu.vector_load %arg5[%swap3A_677] {strides = array<i32>} : memref<8192xf32, #tpu.memory_space<vmem>>, vector<16xf32>,
    tpu.vector_store %arg5[%swap3A_677], %broadcast_in_dim3A_3 {strides = array<i32>} : memref<8192xf32, #tpu.memory_space<vmem>>, vector<16xf32>,
    %swap3A_679 = arith.constant 5408 : index
    %swap3A_680 = tpu.vector_load %arg5[%swap3A_679] {strides = array<i32>} : memref<8192xf32, #tpu.memory_space<vmem>>, vector<16xf32>,
    tpu.vector_store %arg5[%swap3A_679], %broadcast_in_dim3A_3 {strides = array<i32>} : memref<8192xf32, #tpu.memory_space<vmem>>, vector<16xf32>,
    %swap3A_681 = arith.constant 5424 : index
    %swap3A_682 = tpu.vector_load %arg5[%swap3A_681] {strides = array<i32>} : memref<8192xf32, #tpu.memory_space<vmem>>, vector<16xf32>,
    tpu.vector_store %arg5[%swap3A_681], %broadcast_in_dim3A_3 {strides = array<i32>} : memref<8192xf32, #tpu.memory_space<vmem>>, vector<16xf32>,
    %swap3A_683 = arith.constant 5440 : index
    %swap3A_684 = tpu.vector_load %arg5[%swap3A_683] {strides = array<i32>} : memref<8192xf32, #tpu.memory_space<vmem>>, vector<16xf32>,
    tpu.vector_store %arg5[%swap3A_683], %broadcast_in_dim3A_3 {strides = array<i32>} : memref<8192xf32, #tpu.memory_space<vmem>>, vector<16xf32>,
    %swap3A_685 = arith.constant 5456 : index
    %swap3A_686 = tpu.vector_load %arg5[%swap3A_685] {strides = array<i32>} : memref<8192xf32, #tpu.memory_space<vmem>>, vector<16xf32>,
    tpu.vector_store %arg5[%swap3A_685], %broadcast_in_dim3A_3 {strides = array<i32>} : memref<8192xf32, #tpu.memory_space<vmem>>, vector<16xf32>,
    %swap3A_687 = arith.constant 5472 : index
    %swap3A_688 = tpu.vector_load %arg5[%swap3A_687] {strides = array<i32>} : memref<8192xf32, #tpu.memory_space<vmem>>, vector<16xf32>,
    tpu.vector_store %arg5[%swap3A_687], %broadcast_in_dim3A_3 {strides = array<i32>} : memref<8192xf32, #tpu.memory_space<vmem>>, vector<16xf32>,
    %swap3A_689 = arith.constant 5488 : index
    %swap3A_690 = tpu.vector_load %arg5[%swap3A_689] {strides = array<i32>} : memref<8192xf32, #tpu.memory_space<vmem>>, vector<16xf32>,
    tpu.vector_store %arg5[%swap3A_689], %broadcast_in_dim3A_3 {strides = array<i32>} : memref<8192xf32, #tpu.memory_space<vmem>>, vector<16xf32>,
    %swap3A_691 = arith.constant 5504 : index
    %swap3A_692 = tpu.vector_load %arg5[%swap3A_691] {strides = array<i32>} : memref<8192xf32, #tpu.memory_space<vmem>>, vector<16xf32>,
    tpu.vector_store %arg5[%swap3A_691], %broadcast_in_dim3A_3 {strides = array<i32>} : memref<8192xf32, #tpu.memory_space<vmem>>, vector<16xf32>,
    %swap3A_693 = arith.constant 5520 : index
    %swap3A_694 = tpu.vector_load %arg5[%swap3A_693] {strides = array<i32>} : memref<8192xf32, #tpu.memory_space<vmem>>, vector<16xf32>,
    tpu.vector_store %arg5[%swap3A_693], %broadcast_in_dim3A_3 {strides = array<i32>} : memref<8192xf32, #tpu.memory_space<vmem>>, vector<16xf32>,
    %swap3A_695 = arith.constant 5536 : index
    %swap3A_696 = tpu.vector_load %arg5[%swap3A_695] {strides = array<i32>} : memref<8192xf32, #tpu.memory_space<vmem>>, vector<16xf32>,
    tpu.vector_store %arg5[%swap3A_695], %broadcast_in_dim3A_3 {strides = array<i32>} : memref<8192xf32, #tpu.memory_space<vmem>>, vector<16xf32>,
    %swap3A_697 = arith.constant 5552 : index
    %swap3A_698 = tpu.vector_load %arg5[%swap3A_697] {strides = array<i32>} : memref<8192xf32, #tpu.memory_space<vmem>>, vector<16xf32>,
    tpu.vector_store %arg5[%swap3A_697], %broadcast_in_dim3A_3 {strides = array<i32>} : memref<8192xf32, #tpu.memory_space<vmem>>, vector<16xf32>,
    %swap3A_699 = arith.constant 5568 : index
    %swap3A_700 = tpu.vector_load %arg5[%swap3A_699] {strides = array<i32>} : memref<8192xf32, #tpu.memory_space<vmem>>, vector<16xf32>,
    tpu.vector_store %arg5[%swap3A_699], %broadcast_in_dim3A_3 {strides = array<i32>} : memref<8192xf32, #tpu.memory_space<vmem>>, vector<16xf32>,
    %swap3A_701 = arith.constant 5584 : index
    %swap3A_702 = tpu.vector_load %arg5[%swap3A_701] {strides = array<i32>} : memref<8192xf32, #tpu.memory_space<vmem>>, vector<16xf32>,
    tpu.vector_store %arg5[%swap3A_701], %broadcast_in_dim3A_3 {strides = array<i32>} : memref<8192xf32, #tpu.memory_space<vmem>>, vector<16xf32>,
    %swap3A_703 = arith.constant 5600 : index
    %swap3A_704 = tpu.vector_load %arg5[%swap3A_703] {strides = array<i32>} : memref<8192xf32, #tpu.memory_space<vmem>>, vector<16xf32>,
    tpu.vector_store %arg5[%swap3A_703], %broadcast_in_dim3A_3 {strides = array<i32>} : memref<8192xf32, #tpu.memory_space<vmem>>, vector<16xf32>,
    %swap3A_705 = arith.constant 5616 : index
    %swap3A_706 = tpu.vector_load %arg5[%swap3A_705] {strides = array<i32>} : memref<8192xf32, #tpu.memory_space<vmem>>, vector<16xf32>,
    tpu.vector_store %arg5[%swap3A_705], %broadcast_in_dim3A_3 {strides = array<i32>} : memref<8192xf32, #tpu.memory_space<vmem>>, vector<16xf32>,
    %swap3A_707 = arith.constant 5632 : index
    %swap3A_708 = tpu.vector_load %arg5[%swap3A_707] {strides = array<i32>} : memref<8192xf32, #tpu.memory_space<vmem>>, vector<16xf32>,
    tpu.vector_store %arg5[%swap3A_707], %broadcast_in_dim3A_3 {strides = array<i32>} : memref<8192xf32, #tpu.memory_space<vmem>>, vector<16xf32>,
    %swap3A_709 = arith.constant 5648 : index
    %swap3A_710 = tpu.vector_load %arg5[%swap3A_709] {strides = array<i32>} : memref<8192xf32, #tpu.memory_space<vmem>>, vector<16xf32>,
    tpu.vector_store %arg5[%swap3A_709], %broadcast_in_dim3A_3 {strides = array<i32>} : memref<8192xf32, #tpu.memory_space<vmem>>, vector<16xf32>,
    %swap3A_711 = arith.constant 5664 : index
    %swap3A_712 = tpu.vector_load %arg5[%swap3A_711] {strides = array<i32>} : memref<8192xf32, #tpu.memory_space<vmem>>, vector<16xf32>,
    tpu.vector_store %arg5[%swap3A_711], %broadcast_in_dim3A_3 {strides = array<i32>} : memref<8192xf32, #tpu.memory_space<vmem>>, vector<16xf32>,
    %swap3A_713 = arith.constant 5680 : index
    %swap3A_714 = tpu.vector_load %arg5[%swap3A_713] {strides = array<i32>} : memref<8192xf32, #tpu.memory_space<vmem>>, vector<16xf32>,
    tpu.vector_store %arg5[%swap3A_713], %broadcast_in_dim3A_3 {strides = array<i32>} : memref<8192xf32, #tpu.memory_space<vmem>>, vector<16xf32>,
    %swap3A_715 = arith.constant 5696 : index
    %swap3A_716 = tpu.vector_load %arg5[%swap3A_715] {strides = array<i32>} : memref<8192xf32, #tpu.memory_space<vmem>>, vector<16xf32>,
    tpu.vector_store %arg5[%swap3A_715], %broadcast_in_dim3A_3 {strides = array<i32>} : memref<8192xf32, #tpu.memory_space<vmem>>, vector<16xf32>,
    %swap3A_717 = arith.constant 5712 : index
    %swap3A_718 = tpu.vector_load %arg5[%swap3A_717] {strides = array<i32>} : memref<8192xf32, #tpu.memory_space<vmem>>, vector<16xf32>,
    tpu.vector_store %arg5[%swap3A_717], %broadcast_in_dim3A_3 {strides = array<i32>} : memref<8192xf32, #tpu.memory_space<vmem>>, vector<16xf32>,
    %swap3A_719 = arith.constant 5728 : index
    %swap3A_720 = tpu.vector_load %arg5[%swap3A_719] {strides = array<i32>} : memref<8192xf32, #tpu.memory_space<vmem>>, vector<16xf32>,
    tpu.vector_store %arg5[%swap3A_719], %broadcast_in_dim3A_3 {strides = array<i32>} : memref<8192xf32, #tpu.memory_space<vmem>>, vector<16xf32>,
    %swap3A_721 = arith.constant 5744 : index
    %swap3A_722 = tpu.vector_load %arg5[%swap3A_721] {strides = array<i32>} : memref<8192xf32, #tpu.memory_space<vmem>>, vector<16xf32>,
    tpu.vector_store %arg5[%swap3A_721], %broadcast_in_dim3A_3 {strides = array<i32>} : memref<8192xf32, #tpu.memory_space<vmem>>, vector<16xf32>,
    %swap3A_723 = arith.constant 5760 : index
    %swap3A_724 = tpu.vector_load %arg5[%swap3A_723] {strides = array<i32>} : memref<8192xf32, #tpu.memory_space<vmem>>, vector<16xf32>,
    tpu.vector_store %arg5[%swap3A_723], %broadcast_in_dim3A_3 {strides = array<i32>} : memref<8192xf32, #tpu.memory_space<vmem>>, vector<16xf32>,
    %swap3A_725 = arith.constant 5776 : index
    %swap3A_726 = tpu.vector_load %arg5[%swap3A_725] {strides = array<i32>} : memref<8192xf32, #tpu.memory_space<vmem>>, vector<16xf32>,
    tpu.vector_store %arg5[%swap3A_725], %broadcast_in_dim3A_3 {strides = array<i32>} : memref<8192xf32, #tpu.memory_space<vmem>>, vector<16xf32>,
    %swap3A_727 = arith.constant 5792 : index
    %swap3A_728 = tpu.vector_load %arg5[%swap3A_727] {strides = array<i32>} : memref<8192xf32, #tpu.memory_space<vmem>>, vector<16xf32>,
    tpu.vector_store %arg5[%swap3A_727], %broadcast_in_dim3A_3 {strides = array<i32>} : memref<8192xf32, #tpu.memory_space<vmem>>, vector<16xf32>,
    %swap3A_729 = arith.constant 5808 : index
    %swap3A_730 = tpu.vector_load %arg5[%swap3A_729] {strides = array<i32>} : memref<8192xf32, #tpu.memory_space<vmem>>, vector<16xf32>,
    tpu.vector_store %arg5[%swap3A_729], %broadcast_in_dim3A_3 {strides = array<i32>} : memref<8192xf32, #tpu.memory_space<vmem>>, vector<16xf32>,
    %swap3A_731 = arith.constant 5824 : index
    %swap3A_732 = tpu.vector_load %arg5[%swap3A_731] {strides = array<i32>} : memref<8192xf32, #tpu.memory_space<vmem>>, vector<16xf32>,
    tpu.vector_store %arg5[%swap3A_731], %broadcast_in_dim3A_3 {strides = array<i32>} : memref<8192xf32, #tpu.memory_space<vmem>>, vector<16xf32>,
    %swap3A_733 = arith.constant 5840 : index
    %swap3A_734 = tpu.vector_load %arg5[%swap3A_733] {strides = array<i32>} : memref<8192xf32, #tpu.memory_space<vmem>>, vector<16xf32>,
    tpu.vector_store %arg5[%swap3A_733], %broadcast_in_dim3A_3 {strides = array<i32>} : memref<8192xf32, #tpu.memory_space<vmem>>, vector<16xf32>,
    %swap3A_735 = arith.constant 5856 : index
    %swap3A_736 = tpu.vector_load %arg5[%swap3A_735] {strides = array<i32>} : memref<8192xf32, #tpu.memory_space<vmem>>, vector<16xf32>,
    tpu.vector_store %arg5[%swap3A_735], %broadcast_in_dim3A_3 {strides = array<i32>} : memref<8192xf32, #tpu.memory_space<vmem>>, vector<16xf32>,
    %swap3A_737 = arith.constant 5872 : index
    %swap3A_738 = tpu.vector_load %arg5[%swap3A_737] {strides = array<i32>} : memref<8192xf32, #tpu.memory_space<vmem>>, vector<16xf32>,
    tpu.vector_store %arg5[%swap3A_737], %broadcast_in_dim3A_3 {strides = array<i32>} : memref<8192xf32, #tpu.memory_space<vmem>>, vector<16xf32>,
    %swap3A_739 = arith.constant 5888 : index
    %swap3A_740 = tpu.vector_load %arg5[%swap3A_739] {strides = array<i32>} : memref<8192xf32, #tpu.memory_space<vmem>>, vector<16xf32>,
    tpu.vector_store %arg5[%swap3A_739], %broadcast_in_dim3A_3 {strides = array<i32>} : memref<8192xf32, #tpu.memory_space<vmem>>, vector<16xf32>,
    %swap3A_741 = arith.constant 5904 : index
    %swap3A_742 = tpu.vector_load %arg5[%swap3A_741] {strides = array<i32>} : memref<8192xf32, #tpu.memory_space<vmem>>, vector<16xf32>,
    tpu.vector_store %arg5[%swap3A_741], %broadcast_in_dim3A_3 {strides = array<i32>} : memref<8192xf32, #tpu.memory_space<vmem>>, vector<16xf32>,
    %swap3A_743 = arith.constant 5920 : index
    %swap3A_744 = tpu.vector_load %arg5[%swap3A_743] {strides = array<i32>} : memref<8192xf32, #tpu.memory_space<vmem>>, vector<16xf32>,
    tpu.vector_store %arg5[%swap3A_743], %broadcast_in_dim3A_3 {strides = array<i32>} : memref<8192xf32, #tpu.memory_space<vmem>>, vector<16xf32>,
    %swap3A_745 = arith.constant 5936 : index
    %swap3A_746 = tpu.vector_load %arg5[%swap3A_745] {strides = array<i32>} : memref<8192xf32, #tpu.memory_space<vmem>>, vector<16xf32>,
    tpu.vector_store %arg5[%swap3A_745], %broadcast_in_dim3A_3 {strides = array<i32>} : memref<8192xf32, #tpu.memory_space<vmem>>, vector<16xf32>,
    %swap3A_747 = arith.constant 5952 : index
    %swap3A_748 = tpu.vector_load %arg5[%swap3A_747] {strides = array<i32>} : memref<8192xf32, #tpu.memory_space<vmem>>, vector<16xf32>,
    tpu.vector_store %arg5[%swap3A_747], %broadcast_in_dim3A_3 {strides = array<i32>} : memref<8192xf32, #tpu.memory_space<vmem>>, vector<16xf32>,
    %swap3A_749 = arith.constant 5968 : index
    %swap3A_750 = tpu.vector_load %arg5[%swap3A_749] {strides = array<i32>} : memref<8192xf32, #tpu.memory_space<vmem>>, vector<16xf32>,
    tpu.vector_store %arg5[%swap3A_749], %broadcast_in_dim3A_3 {strides = array<i32>} : memref<8192xf32, #tpu.memory_space<vmem>>, vector<16xf32>,
    %swap3A_751 = arith.constant 5984 : index
    %swap3A_752 = tpu.vector_load %arg5[%swap3A_751] {strides = array<i32>} : memref<8192xf32, #tpu.memory_space<vmem>>, vector<16xf32>,
    tpu.vector_store %arg5[%swap3A_751], %broadcast_in_dim3A_3 {strides = array<i32>} : memref<8192xf32, #tpu.memory_space<vmem>>, vector<16xf32>,
    %swap3A_753 = arith.constant 6000 : index
    %swap3A_754 = tpu.vector_load %arg5[%swap3A_753] {strides = array<i32>} : memref<8192xf32, #tpu.memory_space<vmem>>, vector<16xf32>,
    tpu.vector_store %arg5[%swap3A_753], %broadcast_in_dim3A_3 {strides = array<i32>} : memref<8192xf32, #tpu.memory_space<vmem>>, vector<16xf32>,
    %swap3A_755 = arith.constant 6016 : index
    %swap3A_756 = tpu.vector_load %arg5[%swap3A_755] {strides = array<i32>} : memref<8192xf32, #tpu.memory_space<vmem>>, vector<16xf32>,
    tpu.vector_store %arg5[%swap3A_755], %broadcast_in_dim3A_3 {strides = array<i32>} : memref<8192xf32, #tpu.memory_space<vmem>>, vector<16xf32>,
    %swap3A_757 = arith.constant 6032 : index
    %swap3A_758 = tpu.vector_load %arg5[%swap3A_757] {strides = array<i32>} : memref<8192xf32, #tpu.memory_space<vmem>>, vector<16xf32>,
    tpu.vector_store %arg5[%swap3A_757], %broadcast_in_dim3A_3 {strides = array<i32>} : memref<8192xf32, #tpu.memory_space<vmem>>, vector<16xf32>,
    %swap3A_759 = arith.constant 6048 : index
    %swap3A_760 = tpu.vector_load %arg5[%swap3A_759] {strides = array<i32>} : memref<8192xf32, #tpu.memory_space<vmem>>, vector<16xf32>,
    tpu.vector_store %arg5[%swap3A_759], %broadcast_in_dim3A_3 {strides = array<i32>} : memref<8192xf32, #tpu.memory_space<vmem>>, vector<16xf32>,
    %swap3A_761 = arith.constant 6064 : index
    %swap3A_762 = tpu.vector_load %arg5[%swap3A_761] {strides = array<i32>} : memref<8192xf32, #tpu.memory_space<vmem>>, vector<16xf32>,
    tpu.vector_store %arg5[%swap3A_761], %broadcast_in_dim3A_3 {strides = array<i32>} : memref<8192xf32, #tpu.memory_space<vmem>>, vector<16xf32>,
    %swap3A_763 = arith.constant 6080 : index
    %swap3A_764 = tpu.vector_load %arg5[%swap3A_763] {strides = array<i32>} : memref<8192xf32, #tpu.memory_space<vmem>>, vector<16xf32>,
    tpu.vector_store %arg5[%swap3A_763], %broadcast_in_dim3A_3 {strides = array<i32>} : memref<8192xf32, #tpu.memory_space<vmem>>, vector<16xf32>,
    %swap3A_765 = arith.constant 6096 : index
    %swap3A_766 = tpu.vector_load %arg5[%swap3A_765] {strides = array<i32>} : memref<8192xf32, #tpu.memory_space<vmem>>, vector<16xf32>,
    tpu.vector_store %arg5[%swap3A_765], %broadcast_in_dim3A_3 {strides = array<i32>} : memref<8192xf32, #tpu.memory_space<vmem>>, vector<16xf32>,
    %swap3A_767 = arith.constant 6112 : index
    %swap3A_768 = tpu.vector_load %arg5[%swap3A_767] {strides = array<i32>} : memref<8192xf32, #tpu.memory_space<vmem>>, vector<16xf32>,
    tpu.vector_store %arg5[%swap3A_767], %broadcast_in_dim3A_3 {strides = array<i32>} : memref<8192xf32, #tpu.memory_space<vmem>>, vector<16xf32>,
    %swap3A_769 = arith.constant 6128 : index
    %swap3A_770 = tpu.vector_load %arg5[%swap3A_769] {strides = array<i32>} : memref<8192xf32, #tpu.memory_space<vmem>>, vector<16xf32>,
    tpu.vector_store %arg5[%swap3A_769], %broadcast_in_dim3A_3 {strides = array<i32>} : memref<8192xf32, #tpu.memory_space<vmem>>, vector<16xf32>,
    %swap3A_771 = arith.constant 6144 : index
    %swap3A_772 = tpu.vector_load %arg5[%swap3A_771] {strides = array<i32>} : memref<8192xf32, #tpu.memory_space<vmem>>, vector<16xf32>,
    tpu.vector_store %arg5[%swap3A_771], %broadcast_in_dim3A_3 {strides = array<i32>} : memref<8192xf32, #tpu.memory_space<vmem>>, vector<16xf32>,
    %swap3A_773 = arith.constant 6160 : index
    %swap3A_774 = tpu.vector_load %arg5[%swap3A_773] {strides = array<i32>} : memref<8192xf32, #tpu.memory_space<vmem>>, vector<16xf32>,
    tpu.vector_store %arg5[%swap3A_773], %broadcast_in_dim3A_3 {strides = array<i32>} : memref<8192xf32, #tpu.memory_space<vmem>>, vector<16xf32>,
    %swap3A_775 = arith.constant 6176 : index
    %swap3A_776 = tpu.vector_load %arg5[%swap3A_775] {strides = array<i32>} : memref<8192xf32, #tpu.memory_space<vmem>>, vector<16xf32>,
    tpu.vector_store %arg5[%swap3A_775], %broadcast_in_dim3A_3 {strides = array<i32>} : memref<8192xf32, #tpu.memory_space<vmem>>, vector<16xf32>,
    %swap3A_777 = arith.constant 6192 : index
    %swap3A_778 = tpu.vector_load %arg5[%swap3A_777] {strides = array<i32>} : memref<8192xf32, #tpu.memory_space<vmem>>, vector<16xf32>,
    tpu.vector_store %arg5[%swap3A_777], %broadcast_in_dim3A_3 {strides = array<i32>} : memref<8192xf32, #tpu.memory_space<vmem>>, vector<16xf32>,
    %swap3A_779 = arith.constant 6208 : index
    %swap3A_780 = tpu.vector_load %arg5[%swap3A_779] {strides = array<i32>} : memref<8192xf32, #tpu.memory_space<vmem>>, vector<16xf32>,
    tpu.vector_store %arg5[%swap3A_779], %broadcast_in_dim3A_3 {strides = array<i32>} : memref<8192xf32, #tpu.memory_space<vmem>>, vector<16xf32>,
    %swap3A_781 = arith.constant 6224 : index
    %swap3A_782 = tpu.vector_load %arg5[%swap3A_781] {strides = array<i32>} : memref<8192xf32, #tpu.memory_space<vmem>>, vector<16xf32>,
    tpu.vector_store %arg5[%swap3A_781], %broadcast_in_dim3A_3 {strides = array<i32>} : memref<8192xf32, #tpu.memory_space<vmem>>, vector<16xf32>,
    %swap3A_783 = arith.constant 6240 : index
    %swap3A_784 = tpu.vector_load %arg5[%swap3A_783] {strides = array<i32>} : memref<8192xf32, #tpu.memory_space<vmem>>, vector<16xf32>,
    tpu.vector_store %arg5[%swap3A_783], %broadcast_in_dim3A_3 {strides = array<i32>} : memref<8192xf32, #tpu.memory_space<vmem>>, vector<16xf32>,
    %swap3A_785 = arith.constant 6256 : index
    %swap3A_786 = tpu.vector_load %arg5[%swap3A_785] {strides = array<i32>} : memref<8192xf32, #tpu.memory_space<vmem>>, vector<16xf32>,
    tpu.vector_store %arg5[%swap3A_785], %broadcast_in_dim3A_3 {strides = array<i32>} : memref<8192xf32, #tpu.memory_space<vmem>>, vector<16xf32>,
    %swap3A_787 = arith.constant 6272 : index
    %swap3A_788 = tpu.vector_load %arg5[%swap3A_787] {strides = array<i32>} : memref<8192xf32, #tpu.memory_space<vmem>>, vector<16xf32>,
    tpu.vector_store %arg5[%swap3A_787], %broadcast_in_dim3A_3 {strides = array<i32>} : memref<8192xf32, #tpu.memory_space<vmem>>, vector<16xf32>,
    %swap3A_789 = arith.constant 6288 : index
    %swap3A_790 = tpu.vector_load %arg5[%swap3A_789] {strides = array<i32>} : memref<8192xf32, #tpu.memory_space<vmem>>, vector<16xf32>,
    tpu.vector_store %arg5[%swap3A_789], %broadcast_in_dim3A_3 {strides = array<i32>} : memref<8192xf32, #tpu.memory_space<vmem>>, vector<16xf32>,
    %swap3A_791 = arith.constant 6304 : index
    %swap3A_792 = tpu.vector_load %arg5[%swap3A_791] {strides = array<i32>} : memref<8192xf32, #tpu.memory_space<vmem>>, vector<16xf32>,
    tpu.vector_store %arg5[%swap3A_791], %broadcast_in_dim3A_3 {strides = array<i32>} : memref<8192xf32, #tpu.memory_space<vmem>>, vector<16xf32>,
    %swap3A_793 = arith.constant 6320 : index
    %swap3A_794 = tpu.vector_load %arg5[%swap3A_793] {strides = array<i32>} : memref<8192xf32, #tpu.memory_space<vmem>>, vector<16xf32>,
    tpu.vector_store %arg5[%swap3A_793], %broadcast_in_dim3A_3 {strides = array<i32>} : memref<8192xf32, #tpu.memory_space<vmem>>, vector<16xf32>,
    %swap3A_795 = arith.constant 6336 : index
    %swap3A_796 = tpu.vector_load %arg5[%swap3A_795] {strides = array<i32>} : memref<8192xf32, #tpu.memory_space<vmem>>, vector<16xf32>,
    tpu.vector_store %arg5[%swap3A_795], %broadcast_in_dim3A_3 {strides = array<i32>} : memref<8192xf32, #tpu.memory_space<vmem>>, vector<16xf32>,
    %swap3A_797 = arith.constant 6352 : index
    %swap3A_798 = tpu.vector_load %arg5[%swap3A_797] {strides = array<i32>} : memref<8192xf32, #tpu.memory_space<vmem>>, vector<16xf32>,
    tpu.vector_store %arg5[%swap3A_797], %broadcast_in_dim3A_3 {strides = array<i32>} : memref<8192xf32, #tpu.memory_space<vmem>>, vector<16xf32>,
    %swap3A_799 = arith.constant 6368 : index
    %swap3A_800 = tpu.vector_load %arg5[%swap3A_799] {strides = array<i32>} : memref<8192xf32, #tpu.memory_space<vmem>>, vector<16xf32>,
    tpu.vector_store %arg5[%swap3A_799], %broadcast_in_dim3A_3 {strides = array<i32>} : memref<8192xf32, #tpu.memory_space<vmem>>, vector<16xf32>,
    %swap3A_801 = arith.constant 6384 : index
    %swap3A_802 = tpu.vector_load %arg5[%swap3A_801] {strides = array<i32>} : memref<8192xf32, #tpu.memory_space<vmem>>, vector<16xf32>,
    tpu.vector_store %arg5[%swap3A_801], %broadcast_in_dim3A_3 {strides = array<i32>} : memref<8192xf32, #tpu.memory_space<vmem>>, vector<16xf32>,
    %swap3A_803 = arith.constant 6400 : index
    %swap3A_804 = tpu.vector_load %arg5[%swap3A_803] {strides = array<i32>} : memref<8192xf32, #tpu.memory_space<vmem>>, vector<16xf32>,
    tpu.vector_store %arg5[%swap3A_803], %broadcast_in_dim3A_3 {strides = array<i32>} : memref<8192xf32, #tpu.memory_space<vmem>>, vector<16xf32>,
    %swap3A_805 = arith.constant 6416 : index
    %swap3A_806 = tpu.vector_load %arg5[%swap3A_805] {strides = array<i32>} : memref<8192xf32, #tpu.memory_space<vmem>>, vector<16xf32>,
    tpu.vector_store %arg5[%swap3A_805], %broadcast_in_dim3A_3 {strides = array<i32>} : memref<8192xf32, #tpu.memory_space<vmem>>, vector<16xf32>,
    %swap3A_807 = arith.constant 6432 : index
    %swap3A_808 = tpu.vector_load %arg5[%swap3A_807] {strides = array<i32>} : memref<8192xf32, #tpu.memory_space<vmem>>, vector<16xf32>,
    tpu.vector_store %arg5[%swap3A_807], %broadcast_in_dim3A_3 {strides = array<i32>} : memref<8192xf32, #tpu.memory_space<vmem>>, vector<16xf32>,
    %swap3A_809 = arith.constant 6448 : index
    %swap3A_810 = tpu.vector_load %arg5[%swap3A_809] {strides = array<i32>} : memref<8192xf32, #tpu.memory_space<vmem>>, vector<16xf32>,
    tpu.vector_store %arg5[%swap3A_809], %broadcast_in_dim3A_3 {strides = array<i32>} : memref<8192xf32, #tpu.memory_space<vmem>>, vector<16xf32>,
    %swap3A_811 = arith.constant 6464 : index
    %swap3A_812 = tpu.vector_load %arg5[%swap3A_811] {strides = array<i32>} : memref<8192xf32, #tpu.memory_space<vmem>>, vector<16xf32>,
    tpu.vector_store %arg5[%swap3A_811], %broadcast_in_dim3A_3 {strides = array<i32>} : memref<8192xf32, #tpu.memory_space<vmem>>, vector<16xf32>,
    %swap3A_813 = arith.constant 6480 : index
    %swap3A_814 = tpu.vector_load %arg5[%swap3A_813] {strides = array<i32>} : memref<8192xf32, #tpu.memory_space<vmem>>, vector<16xf32>,
    tpu.vector_store %arg5[%swap3A_813], %broadcast_in_dim3A_3 {strides = array<i32>} : memref<8192xf32, #tpu.memory_space<vmem>>, vector<16xf32>,
    %swap3A_815 = arith.constant 6496 : index
    %swap3A_816 = tpu.vector_load %arg5[%swap3A_815] {strides = array<i32>} : memref<8192xf32, #tpu.memory_space<vmem>>, vector<16xf32>,
    tpu.vector_store %arg5[%swap3A_815], %broadcast_in_dim3A_3 {strides = array<i32>} : memref<8192xf32, #tpu.memory_space<vmem>>, vector<16xf32>,
    %swap3A_817 = arith.constant 6512 : index
    %swap3A_818 = tpu.vector_load %arg5[%swap3A_817] {strides = array<i32>} : memref<8192xf32, #tpu.memory_space<vmem>>, vector<16xf32>,
    tpu.vector_store %arg5[%swap3A_817], %broadcast_in_dim3A_3 {strides = array<i32>} : memref<8192xf32, #tpu.memory_space<vmem>>, vector<16xf32>,
    %swap3A_819 = arith.constant 6528 : index
    %swap3A_820 = tpu.vector_load %arg5[%swap3A_819] {strides = array<i32>} : memref<8192xf32, #tpu.memory_space<vmem>>, vector<16xf32>,
    tpu.vector_store %arg5[%swap3A_819], %broadcast_in_dim3A_3 {strides = array<i32>} : memref<8192xf32, #tpu.memory_space<vmem>>, vector<16xf32>,
    %swap3A_821 = arith.constant 6544 : index
    %swap3A_822 = tpu.vector_load %arg5[%swap3A_821] {strides = array<i32>} : memref<8192xf32, #tpu.memory_space<vmem>>, vector<16xf32>,
    tpu.vector_store %arg5[%swap3A_821], %broadcast_in_dim3A_3 {strides = array<i32>} : memref<8192xf32, #tpu.memory_space<vmem>>, vector<16xf32>,
    %swap3A_823 = arith.constant 6560 : index
    %swap3A_824 = tpu.vector_load %arg5[%swap3A_823] {strides = array<i32>} : memref<8192xf32, #tpu.memory_space<vmem>>, vector<16xf32>,
    tpu.vector_store %arg5[%swap3A_823], %broadcast_in_dim3A_3 {strides = array<i32>} : memref<8192xf32, #tpu.memory_space<vmem>>, vector<16xf32>,
    %swap3A_825 = arith.constant 6576 : index
    %swap3A_826 = tpu.vector_load %arg5[%swap3A_825] {strides = array<i32>} : memref<8192xf32, #tpu.memory_space<vmem>>, vector<16xf32>,
    tpu.vector_store %arg5[%swap3A_825], %broadcast_in_dim3A_3 {strides = array<i32>} : memref<8192xf32, #tpu.memory_space<vmem>>, vector<16xf32>,
    %swap3A_827 = arith.constant 6592 : index
    %swap3A_828 = tpu.vector_load %arg5[%swap3A_827] {strides = array<i32>} : memref<8192xf32, #tpu.memory_space<vmem>>, vector<16xf32>,
    tpu.vector_store %arg5[%swap3A_827], %broadcast_in_dim3A_3 {strides = array<i32>} : memref<8192xf32, #tpu.memory_space<vmem>>, vector<16xf32>,
    %swap3A_829 = arith.constant 6608 : index
    %swap3A_830 = tpu.vector_load %arg5[%swap3A_829] {strides = array<i32>} : memref<8192xf32, #tpu.memory_space<vmem>>, vector<16xf32>,
    tpu.vector_store %arg5[%swap3A_829], %broadcast_in_dim3A_3 {strides = array<i32>} : memref<8192xf32, #tpu.memory_space<vmem>>, vector<16xf32>,
    %swap3A_831 = arith.constant 6624 : index
    %swap3A_832 = tpu.vector_load %arg5[%swap3A_831] {strides = array<i32>} : memref<8192xf32, #tpu.memory_space<vmem>>, vector<16xf32>,
    tpu.vector_store %arg5[%swap3A_831], %broadcast_in_dim3A_3 {strides = array<i32>} : memref<8192xf32, #tpu.memory_space<vmem>>, vector<16xf32>,
    %swap3A_833 = arith.constant 6640 : index
    %swap3A_834 = tpu.vector_load %arg5[%swap3A_833] {strides = array<i32>} : memref<8192xf32, #tpu.memory_space<vmem>>, vector<16xf32>,
    tpu.vector_store %arg5[%swap3A_833], %broadcast_in_dim3A_3 {strides = array<i32>} : memref<8192xf32, #tpu.memory_space<vmem>>, vector<16xf32>,
    %swap3A_835 = arith.constant 6656 : index
    %swap3A_836 = tpu.vector_load %arg5[%swap3A_835] {strides = array<i32>} : memref<8192xf32, #tpu.memory_space<vmem>>, vector<16xf32>,
    tpu.vector_store %arg5[%swap3A_835], %broadcast_in_dim3A_3 {strides = array<i32>} : memref<8192xf32, #tpu.memory_space<vmem>>, vector<16xf32>,
    %swap3A_837 = arith.constant 6672 : index
    %swap3A_838 = tpu.vector_load %arg5[%swap3A_837] {strides = array<i32>} : memref<8192xf32, #tpu.memory_space<vmem>>, vector<16xf32>,
    tpu.vector_store %arg5[%swap3A_837], %broadcast_in_dim3A_3 {strides = array<i32>} : memref<8192xf32, #tpu.memory_space<vmem>>, vector<16xf32>,
    %swap3A_839 = arith.constant 6688 : index
    %swap3A_840 = tpu.vector_load %arg5[%swap3A_839] {strides = array<i32>} : memref<8192xf32, #tpu.memory_space<vmem>>, vector<16xf32>,
    tpu.vector_store %arg5[%swap3A_839], %broadcast_in_dim3A_3 {strides = array<i32>} : memref<8192xf32, #tpu.memory_space<vmem>>, vector<16xf32>,
    %swap3A_841 = arith.constant 6704 : index
    %swap3A_842 = tpu.vector_load %arg5[%swap3A_841] {strides = array<i32>} : memref<8192xf32, #tpu.memory_space<vmem>>, vector<16xf32>,
    tpu.vector_store %arg5[%swap3A_841], %broadcast_in_dim3A_3 {strides = array<i32>} : memref<8192xf32, #tpu.memory_space<vmem>>, vector<16xf32>,
    %swap3A_843 = arith.constant 6720 : index
    %swap3A_844 = tpu.vector_load %arg5[%swap3A_843] {strides = array<i32>} : memref<8192xf32, #tpu.memory_space<vmem>>, vector<16xf32>,
    tpu.vector_store %arg5[%swap3A_843], %broadcast_in_dim3A_3 {strides = array<i32>} : memref<8192xf32, #tpu.memory_space<vmem>>, vector<16xf32>,
    %swap3A_845 = arith.constant 6736 : index
    %swap3A_846 = tpu.vector_load %arg5[%swap3A_845] {strides = array<i32>} : memref<8192xf32, #tpu.memory_space<vmem>>, vector<16xf32>,
    tpu.vector_store %arg5[%swap3A_845], %broadcast_in_dim3A_3 {strides = array<i32>} : memref<8192xf32, #tpu.memory_space<vmem>>, vector<16xf32>,
    %swap3A_847 = arith.constant 6752 : index
    %swap3A_848 = tpu.vector_load %arg5[%swap3A_847] {strides = array<i32>} : memref<8192xf32, #tpu.memory_space<vmem>>, vector<16xf32>,
    tpu.vector_store %arg5[%swap3A_847], %broadcast_in_dim3A_3 {strides = array<i32>} : memref<8192xf32, #tpu.memory_space<vmem>>, vector<16xf32>,
    %swap3A_849 = arith.constant 6768 : index
    %swap3A_850 = tpu.vector_load %arg5[%swap3A_849] {strides = array<i32>} : memref<8192xf32, #tpu.memory_space<vmem>>, vector<16xf32>,
    tpu.vector_store %arg5[%swap3A_849], %broadcast_in_dim3A_3 {strides = array<i32>} : memref<8192xf32, #tpu.memory_space<vmem>>, vector<16xf32>,
    %swap3A_851 = arith.constant 6784 : index
    %swap3A_852 = tpu.vector_load %arg5[%swap3A_851] {strides = array<i32>} : memref<8192xf32, #tpu.memory_space<vmem>>, vector<16xf32>,
    tpu.vector_store %arg5[%swap3A_851], %broadcast_in_dim3A_3 {strides = array<i32>} : memref<8192xf32, #tpu.memory_space<vmem>>, vector<16xf32>,
    %swap3A_853 = arith.constant 6800 : index
    %swap3A_854 = tpu.vector_load %arg5[%swap3A_853] {strides = array<i32>} : memref<8192xf32, #tpu.memory_space<vmem>>, vector<16xf32>,
    tpu.vector_store %arg5[%swap3A_853], %broadcast_in_dim3A_3 {strides = array<i32>} : memref<8192xf32, #tpu.memory_space<vmem>>, vector<16xf32>,
    %swap3A_855 = arith.constant 6816 : index
    %swap3A_856 = tpu.vector_load %arg5[%swap3A_855] {strides = array<i32>} : memref<8192xf32, #tpu.memory_space<vmem>>, vector<16xf32>,
    tpu.vector_store %arg5[%swap3A_855], %broadcast_in_dim3A_3 {strides = array<i32>} : memref<8192xf32, #tpu.memory_space<vmem>>, vector<16xf32>,
    %swap3A_857 = arith.constant 6832 : index
    %swap3A_858 = tpu.vector_load %arg5[%swap3A_857] {strides = array<i32>} : memref<8192xf32, #tpu.memory_space<vmem>>, vector<16xf32>,
    tpu.vector_store %arg5[%swap3A_857], %broadcast_in_dim3A_3 {strides = array<i32>} : memref<8192xf32, #tpu.memory_space<vmem>>, vector<16xf32>,
    %swap3A_859 = arith.constant 6848 : index
    %swap3A_860 = tpu.vector_load %arg5[%swap3A_859] {strides = array<i32>} : memref<8192xf32, #tpu.memory_space<vmem>>, vector<16xf32>,
    tpu.vector_store %arg5[%swap3A_859], %broadcast_in_dim3A_3 {strides = array<i32>} : memref<8192xf32, #tpu.memory_space<vmem>>, vector<16xf32>,
    %swap3A_861 = arith.constant 6864 : index
    %swap3A_862 = tpu.vector_load %arg5[%swap3A_861] {strides = array<i32>} : memref<8192xf32, #tpu.memory_space<vmem>>, vector<16xf32>,
    tpu.vector_store %arg5[%swap3A_861], %broadcast_in_dim3A_3 {strides = array<i32>} : memref<8192xf32, #tpu.memory_space<vmem>>, vector<16xf32>,
    %swap3A_863 = arith.constant 6880 : index
    %swap3A_864 = tpu.vector_load %arg5[%swap3A_863] {strides = array<i32>} : memref<8192xf32, #tpu.memory_space<vmem>>, vector<16xf32>,
    tpu.vector_store %arg5[%swap3A_863], %broadcast_in_dim3A_3 {strides = array<i32>} : memref<8192xf32, #tpu.memory_space<vmem>>, vector<16xf32>,
    %swap3A_865 = arith.constant 6896 : index
    %swap3A_866 = tpu.vector_load %arg5[%swap3A_865] {strides = array<i32>} : memref<8192xf32, #tpu.memory_space<vmem>>, vector<16xf32>,
    tpu.vector_store %arg5[%swap3A_865], %broadcast_in_dim3A_3 {strides = array<i32>} : memref<8192xf32, #tpu.memory_space<vmem>>, vector<16xf32>,
    %swap3A_867 = arith.constant 6912 : index
    %swap3A_868 = tpu.vector_load %arg5[%swap3A_867] {strides = array<i32>} : memref<8192xf32, #tpu.memory_space<vmem>>, vector<16xf32>,
    tpu.vector_store %arg5[%swap3A_867], %broadcast_in_dim3A_3 {strides = array<i32>} : memref<8192xf32, #tpu.memory_space<vmem>>, vector<16xf32>,
    %swap3A_869 = arith.constant 6928 : index
    %swap3A_870 = tpu.vector_load %arg5[%swap3A_869] {strides = array<i32>} : memref<8192xf32, #tpu.memory_space<vmem>>, vector<16xf32>,
    tpu.vector_store %arg5[%swap3A_869], %broadcast_in_dim3A_3 {strides = array<i32>} : memref<8192xf32, #tpu.memory_space<vmem>>, vector<16xf32>,
    %swap3A_871 = arith.constant 6944 : index
    %swap3A_872 = tpu.vector_load %arg5[%swap3A_871] {strides = array<i32>} : memref<8192xf32, #tpu.memory_space<vmem>>, vector<16xf32>,
    tpu.vector_store %arg5[%swap3A_871], %broadcast_in_dim3A_3 {strides = array<i32>} : memref<8192xf32, #tpu.memory_space<vmem>>, vector<16xf32>,
    %swap3A_873 = arith.constant 6960 : index
    %swap3A_874 = tpu.vector_load %arg5[%swap3A_873] {strides = array<i32>} : memref<8192xf32, #tpu.memory_space<vmem>>, vector<16xf32>,
    tpu.vector_store %arg5[%swap3A_873], %broadcast_in_dim3A_3 {strides = array<i32>} : memref<8192xf32, #tpu.memory_space<vmem>>, vector<16xf32>,
    %swap3A_875 = arith.constant 6976 : index
    %swap3A_876 = tpu.vector_load %arg5[%swap3A_875] {strides = array<i32>} : memref<8192xf32, #tpu.memory_space<vmem>>, vector<16xf32>,
    tpu.vector_store %arg5[%swap3A_875], %broadcast_in_dim3A_3 {strides = array<i32>} : memref<8192xf32, #tpu.memory_space<vmem>>, vector<16xf32>,
    %swap3A_877 = arith.constant 6992 : index
    %swap3A_878 = tpu.vector_load %arg5[%swap3A_877] {strides = array<i32>} : memref<8192xf32, #tpu.memory_space<vmem>>, vector<16xf32>,
    tpu.vector_store %arg5[%swap3A_877], %broadcast_in_dim3A_3 {strides = array<i32>} : memref<8192xf32, #tpu.memory_space<vmem>>, vector<16xf32>,
    %swap3A_879 = arith.constant 7008 : index
    %swap3A_880 = tpu.vector_load %arg5[%swap3A_879] {strides = array<i32>} : memref<8192xf32, #tpu.memory_space<vmem>>, vector<16xf32>,
    tpu.vector_store %arg5[%swap3A_879], %broadcast_in_dim3A_3 {strides = array<i32>} : memref<8192xf32, #tpu.memory_space<vmem>>, vector<16xf32>,
    %swap3A_881 = arith.constant 7024 : index
    %swap3A_882 = tpu.vector_load %arg5[%swap3A_881] {strides = array<i32>} : memref<8192xf32, #tpu.memory_space<vmem>>, vector<16xf32>,
    tpu.vector_store %arg5[%swap3A_881], %broadcast_in_dim3A_3 {strides = array<i32>} : memref<8192xf32, #tpu.memory_space<vmem>>, vector<16xf32>,
    %swap3A_883 = arith.constant 7040 : index
    %swap3A_884 = tpu.vector_load %arg5[%swap3A_883] {strides = array<i32>} : memref<8192xf32, #tpu.memory_space<vmem>>, vector<16xf32>,
    tpu.vector_store %arg5[%swap3A_883], %broadcast_in_dim3A_3 {strides = array<i32>} : memref<8192xf32, #tpu.memory_space<vmem>>, vector<16xf32>,
    %swap3A_885 = arith.constant 7056 : index
    %swap3A_886 = tpu.vector_load %arg5[%swap3A_885] {strides = array<i32>} : memref<8192xf32, #tpu.memory_space<vmem>>, vector<16xf32>,
    tpu.vector_store %arg5[%swap3A_885], %broadcast_in_dim3A_3 {strides = array<i32>} : memref<8192xf32, #tpu.memory_space<vmem>>, vector<16xf32>,
    %swap3A_887 = arith.constant 7072 : index
    %swap3A_888 = tpu.vector_load %arg5[%swap3A_887] {strides = array<i32>} : memref<8192xf32, #tpu.memory_space<vmem>>, vector<16xf32>,
    tpu.vector_store %arg5[%swap3A_887], %broadcast_in_dim3A_3 {strides = array<i32>} : memref<8192xf32, #tpu.memory_space<vmem>>, vector<16xf32>,
    %swap3A_889 = arith.constant 7088 : index
    %swap3A_890 = tpu.vector_load %arg5[%swap3A_889] {strides = array<i32>} : memref<8192xf32, #tpu.memory_space<vmem>>, vector<16xf32>,
    tpu.vector_store %arg5[%swap3A_889], %broadcast_in_dim3A_3 {strides = array<i32>} : memref<8192xf32, #tpu.memory_space<vmem>>, vector<16xf32>,
    %swap3A_891 = arith.constant 7104 : index
    %swap3A_892 = tpu.vector_load %arg5[%swap3A_891] {strides = array<i32>} : memref<8192xf32, #tpu.memory_space<vmem>>, vector<16xf32>,
    tpu.vector_store %arg5[%swap3A_891], %broadcast_in_dim3A_3 {strides = array<i32>} : memref<8192xf32, #tpu.memory_space<vmem>>, vector<16xf32>,
    %swap3A_893 = arith.constant 7120 : index
    %swap3A_894 = tpu.vector_load %arg5[%swap3A_893] {strides = array<i32>} : memref<8192xf32, #tpu.memory_space<vmem>>, vector<16xf32>,
    tpu.vector_store %arg5[%swap3A_893], %broadcast_in_dim3A_3 {strides = array<i32>} : memref<8192xf32, #tpu.memory_space<vmem>>, vector<16xf32>,
    %swap3A_895 = arith.constant 7136 : index
    %swap3A_896 = tpu.vector_load %arg5[%swap3A_895] {strides = array<i32>} : memref<8192xf32, #tpu.memory_space<vmem>>, vector<16xf32>,
    tpu.vector_store %arg5[%swap3A_895], %broadcast_in_dim3A_3 {strides = array<i32>} : memref<8192xf32, #tpu.memory_space<vmem>>, vector<16xf32>,
    %swap3A_897 = arith.constant 7152 : index
    %swap3A_898 = tpu.vector_load %arg5[%swap3A_897] {strides = array<i32>} : memref<8192xf32, #tpu.memory_space<vmem>>, vector<16xf32>,
    tpu.vector_store %arg5[%swap3A_897], %broadcast_in_dim3A_3 {strides = array<i32>} : memref<8192xf32, #tpu.memory_space<vmem>>, vector<16xf32>,
    %swap3A_899 = arith.constant 7168 : index
    %swap3A_900 = tpu.vector_load %arg5[%swap3A_899] {strides = array<i32>} : memref<8192xf32, #tpu.memory_space<vmem>>, vector<16xf32>,
    tpu.vector_store %arg5[%swap3A_899], %broadcast_in_dim3A_3 {strides = array<i32>} : memref<8192xf32, #tpu.memory_space<vmem>>, vector<16xf32>,
    %swap3A_901 = arith.constant 7184 : index
    %swap3A_902 = tpu.vector_load %arg5[%swap3A_901] {strides = array<i32>} : memref<8192xf32, #tpu.memory_space<vmem>>, vector<16xf32>,
    tpu.vector_store %arg5[%swap3A_901], %broadcast_in_dim3A_3 {strides = array<i32>} : memref<8192xf32, #tpu.memory_space<vmem>>, vector<16xf32>,
    %swap3A_903 = arith.constant 7200 : index
    %swap3A_904 = tpu.vector_load %arg5[%swap3A_903] {strides = array<i32>} : memref<8192xf32, #tpu.memory_space<vmem>>, vector<16xf32>,
    tpu.vector_store %arg5[%swap3A_903], %broadcast_in_dim3A_3 {strides = array<i32>} : memref<8192xf32, #tpu.memory_space<vmem>>, vector<16xf32>,
    %swap3A_905 = arith.constant 7216 : index
    %swap3A_906 = tpu.vector_load %arg5[%swap3A_905] {strides = array<i32>} : memref<8192xf32, #tpu.memory_space<vmem>>, vector<16xf32>,
    tpu.vector_store %arg5[%swap3A_905], %broadcast_in_dim3A_3 {strides = array<i32>} : memref<8192xf32, #tpu.memory_space<vmem>>, vector<16xf32>,
    %swap3A_907 = arith.constant 7232 : index
    %swap3A_908 = tpu.vector_load %arg5[%swap3A_907] {strides = array<i32>} : memref<8192xf32, #tpu.memory_space<vmem>>, vector<16xf32>,
    tpu.vector_store %arg5[%swap3A_907], %broadcast_in_dim3A_3 {strides = array<i32>} : memref<8192xf32, #tpu.memory_space<vmem>>, vector<16xf32>,
    %swap3A_909 = arith.constant 7248 : index
    %swap3A_910 = tpu.vector_load %arg5[%swap3A_909] {strides = array<i32>} : memref<8192xf32, #tpu.memory_space<vmem>>, vector<16xf32>,
    tpu.vector_store %arg5[%swap3A_909], %broadcast_in_dim3A_3 {strides = array<i32>} : memref<8192xf32, #tpu.memory_space<vmem>>, vector<16xf32>,
    %swap3A_911 = arith.constant 7264 : index
    %swap3A_912 = tpu.vector_load %arg5[%swap3A_911] {strides = array<i32>} : memref<8192xf32, #tpu.memory_space<vmem>>, vector<16xf32>,
    tpu.vector_store %arg5[%swap3A_911], %broadcast_in_dim3A_3 {strides = array<i32>} : memref<8192xf32, #tpu.memory_space<vmem>>, vector<16xf32>,
    %swap3A_913 = arith.constant 7280 : index
    %swap3A_914 = tpu.vector_load %arg5[%swap3A_913] {strides = array<i32>} : memref<8192xf32, #tpu.memory_space<vmem>>, vector<16xf32>,
    tpu.vector_store %arg5[%swap3A_913], %broadcast_in_dim3A_3 {strides = array<i32>} : memref<8192xf32, #tpu.memory_space<vmem>>, vector<16xf32>,
    %swap3A_915 = arith.constant 7296 : index
    %swap3A_916 = tpu.vector_load %arg5[%swap3A_915] {strides = array<i32>} : memref<8192xf32, #tpu.memory_space<vmem>>, vector<16xf32>,
    tpu.vector_store %arg5[%swap3A_915], %broadcast_in_dim3A_3 {strides = array<i32>} : memref<8192xf32, #tpu.memory_space<vmem>>, vector<16xf32>,
    %swap3A_917 = arith.constant 7312 : index
    %swap3A_918 = tpu.vector_load %arg5[%swap3A_917] {strides = array<i32>} : memref<8192xf32, #tpu.memory_space<vmem>>, vector<16xf32>,
    tpu.vector_store %arg5[%swap3A_917], %broadcast_in_dim3A_3 {strides = array<i32>} : memref<8192xf32, #tpu.memory_space<vmem>>, vector<16xf32>,
    %swap3A_919 = arith.constant 7328 : index
    %swap3A_920 = tpu.vector_load %arg5[%swap3A_919] {strides = array<i32>} : memref<8192xf32, #tpu.memory_space<vmem>>, vector<16xf32>,
    tpu.vector_store %arg5[%swap3A_919], %broadcast_in_dim3A_3 {strides = array<i32>} : memref<8192xf32, #tpu.memory_space<vmem>>, vector<16xf32>,
    %swap3A_921 = arith.constant 7344 : index
    %swap3A_922 = tpu.vector_load %arg5[%swap3A_921] {strides = array<i32>} : memref<8192xf32, #tpu.memory_space<vmem>>, vector<16xf32>,
    tpu.vector_store %arg5[%swap3A_921], %broadcast_in_dim3A_3 {strides = array<i32>} : memref<8192xf32, #tpu.memory_space<vmem>>, vector<16xf32>,
    %swap3A_923 = arith.constant 7360 : index
    %swap3A_924 = tpu.vector_load %arg5[%swap3A_923] {strides = array<i32>} : memref<8192xf32, #tpu.memory_space<vmem>>, vector<16xf32>,
    tpu.vector_store %arg5[%swap3A_923], %broadcast_in_dim3A_3 {strides = array<i32>} : memref<8192xf32, #tpu.memory_space<vmem>>, vector<16xf32>,
    %swap3A_925 = arith.constant 7376 : index
    %swap3A_926 = tpu.vector_load %arg5[%swap3A_925] {strides = array<i32>} : memref<8192xf32, #tpu.memory_space<vmem>>, vector<16xf32>,
    tpu.vector_store %arg5[%swap3A_925], %broadcast_in_dim3A_3 {strides = array<i32>} : memref<8192xf32, #tpu.memory_space<vmem>>, vector<16xf32>,
    %swap3A_927 = arith.constant 7392 : index
    %swap3A_928 = tpu.vector_load %arg5[%swap3A_927] {strides = array<i32>} : memref<8192xf32, #tpu.memory_space<vmem>>, vector<16xf32>,
    tpu.vector_store %arg5[%swap3A_927], %broadcast_in_dim3A_3 {strides = array<i32>} : memref<8192xf32, #tpu.memory_space<vmem>>, vector<16xf32>,
    %swap3A_929 = arith.constant 7408 : index
    %swap3A_930 = tpu.vector_load %arg5[%swap3A_929] {strides = array<i32>} : memref<8192xf32, #tpu.memory_space<vmem>>, vector<16xf32>,
    tpu.vector_store %arg5[%swap3A_929], %broadcast_in_dim3A_3 {strides = array<i32>} : memref<8192xf32, #tpu.memory_space<vmem>>, vector<16xf32>,
    %swap3A_931 = arith.constant 7424 : index
    %swap3A_932 = tpu.vector_load %arg5[%swap3A_931] {strides = array<i32>} : memref<8192xf32, #tpu.memory_space<vmem>>, vector<16xf32>,
    tpu.vector_store %arg5[%swap3A_931], %broadcast_in_dim3A_3 {strides = array<i32>} : memref<8192xf32, #tpu.memory_space<vmem>>, vector<16xf32>,
    %swap3A_933 = arith.constant 7440 : index
    %swap3A_934 = tpu.vector_load %arg5[%swap3A_933] {strides = array<i32>} : memref<8192xf32, #tpu.memory_space<vmem>>, vector<16xf32>,
    tpu.vector_store %arg5[%swap3A_933], %broadcast_in_dim3A_3 {strides = array<i32>} : memref<8192xf32, #tpu.memory_space<vmem>>, vector<16xf32>,
    %swap3A_935 = arith.constant 7456 : index
    %swap3A_936 = tpu.vector_load %arg5[%swap3A_935] {strides = array<i32>} : memref<8192xf32, #tpu.memory_space<vmem>>, vector<16xf32>,
    tpu.vector_store %arg5[%swap3A_935], %broadcast_in_dim3A_3 {strides = array<i32>} : memref<8192xf32, #tpu.memory_space<vmem>>, vector<16xf32>,
    %swap3A_937 = arith.constant 7472 : index
    %swap3A_938 = tpu.vector_load %arg5[%swap3A_937] {strides = array<i32>} : memref<8192xf32, #tpu.memory_space<vmem>>, vector<16xf32>,
    tpu.vector_store %arg5[%swap3A_937], %broadcast_in_dim3A_3 {strides = array<i32>} : memref<8192xf32, #tpu.memory_space<vmem>>, vector<16xf32>,
    %swap3A_939 = arith.constant 7488 : index
    %swap3A_940 = tpu.vector_load %arg5[%swap3A_939] {strides = array<i32>} : memref<8192xf32, #tpu.memory_space<vmem>>, vector<16xf32>,
    tpu.vector_store %arg5[%swap3A_939], %broadcast_in_dim3A_3 {strides = array<i32>} : memref<8192xf32, #tpu.memory_space<vmem>>, vector<16xf32>,
    %swap3A_941 = arith.constant 7504 : index
    %swap3A_942 = tpu.vector_load %arg5[%swap3A_941] {strides = array<i32>} : memref<8192xf32, #tpu.memory_space<vmem>>, vector<16xf32>,
    tpu.vector_store %arg5[%swap3A_941], %broadcast_in_dim3A_3 {strides = array<i32>} : memref<8192xf32, #tpu.memory_space<vmem>>, vector<16xf32>,
    %swap3A_943 = arith.constant 7520 : index
    %swap3A_944 = tpu.vector_load %arg5[%swap3A_943] {strides = array<i32>} : memref<8192xf32, #tpu.memory_space<vmem>>, vector<16xf32>,
    tpu.vector_store %arg5[%swap3A_943], %broadcast_in_dim3A_3 {strides = array<i32>} : memref<8192xf32, #tpu.memory_space<vmem>>, vector<16xf32>,
    %swap3A_945 = arith.constant 7536 : index
    %swap3A_946 = tpu.vector_load %arg5[%swap3A_945] {strides = array<i32>} : memref<8192xf32, #tpu.memory_space<vmem>>, vector<16xf32>,
    tpu.vector_store %arg5[%swap3A_945], %broadcast_in_dim3A_3 {strides = array<i32>} : memref<8192xf32, #tpu.memory_space<vmem>>, vector<16xf32>,
    %swap3A_947 = arith.constant 7552 : index
    %swap3A_948 = tpu.vector_load %arg5[%swap3A_947] {strides = array<i32>} : memref<8192xf32, #tpu.memory_space<vmem>>, vector<16xf32>,
    tpu.vector_store %arg5[%swap3A_947], %broadcast_in_dim3A_3 {strides = array<i32>} : memref<8192xf32, #tpu.memory_space<vmem>>, vector<16xf32>,
    %swap3A_949 = arith.constant 7568 : index
    %swap3A_950 = tpu.vector_load %arg5[%swap3A_949] {strides = array<i32>} : memref<8192xf32, #tpu.memory_space<vmem>>, vector<16xf32>,
    tpu.vector_store %arg5[%swap3A_949], %broadcast_in_dim3A_3 {strides = array<i32>} : memref<8192xf32, #tpu.memory_space<vmem>>, vector<16xf32>,
    %swap3A_951 = arith.constant 7584 : index
    %swap3A_952 = tpu.vector_load %arg5[%swap3A_951] {strides = array<i32>} : memref<8192xf32, #tpu.memory_space<vmem>>, vector<16xf32>,
    tpu.vector_store %arg5[%swap3A_951], %broadcast_in_dim3A_3 {strides = array<i32>} : memref<8192xf32, #tpu.memory_space<vmem>>, vector<16xf32>,
    %swap3A_953 = arith.constant 7600 : index
    %swap3A_954 = tpu.vector_load %arg5[%swap3A_953] {strides = array<i32>} : memref<8192xf32, #tpu.memory_space<vmem>>, vector<16xf32>,
    tpu.vector_store %arg5[%swap3A_953], %broadcast_in_dim3A_3 {strides = array<i32>} : memref<8192xf32, #tpu.memory_space<vmem>>, vector<16xf32>,
    %swap3A_955 = arith.constant 7616 : index
    %swap3A_956 = tpu.vector_load %arg5[%swap3A_955] {strides = array<i32>} : memref<8192xf32, #tpu.memory_space<vmem>>, vector<16xf32>,
    tpu.vector_store %arg5[%swap3A_955], %broadcast_in_dim3A_3 {strides = array<i32>} : memref<8192xf32, #tpu.memory_space<vmem>>, vector<16xf32>,
    %swap3A_957 = arith.constant 7632 : index
    %swap3A_958 = tpu.vector_load %arg5[%swap3A_957] {strides = array<i32>} : memref<8192xf32, #tpu.memory_space<vmem>>, vector<16xf32>,
    tpu.vector_store %arg5[%swap3A_957], %broadcast_in_dim3A_3 {strides = array<i32>} : memref<8192xf32, #tpu.memory_space<vmem>>, vector<16xf32>,
    %swap3A_959 = arith.constant 7648 : index
    %swap3A_960 = tpu.vector_load %arg5[%swap3A_959] {strides = array<i32>} : memref<8192xf32, #tpu.memory_space<vmem>>, vector<16xf32>,
    tpu.vector_store %arg5[%swap3A_959], %broadcast_in_dim3A_3 {strides = array<i32>} : memref<8192xf32, #tpu.memory_space<vmem>>, vector<16xf32>,
    %swap3A_961 = arith.constant 7664 : index
    %swap3A_962 = tpu.vector_load %arg5[%swap3A_961] {strides = array<i32>} : memref<8192xf32, #tpu.memory_space<vmem>>, vector<16xf32>,
    tpu.vector_store %arg5[%swap3A_961], %broadcast_in_dim3A_3 {strides = array<i32>} : memref<8192xf32, #tpu.memory_space<vmem>>, vector<16xf32>,
    %swap3A_963 = arith.constant 7680 : index
    %swap3A_964 = tpu.vector_load %arg5[%swap3A_963] {strides = array<i32>} : memref<8192xf32, #tpu.memory_space<vmem>>, vector<16xf32>,
    tpu.vector_store %arg5[%swap3A_963], %broadcast_in_dim3A_3 {strides = array<i32>} : memref<8192xf32, #tpu.memory_space<vmem>>, vector<16xf32>,
    %swap3A_965 = arith.constant 7696 : index
    %swap3A_966 = tpu.vector_load %arg5[%swap3A_965] {strides = array<i32>} : memref<8192xf32, #tpu.memory_space<vmem>>, vector<16xf32>,
    tpu.vector_store %arg5[%swap3A_965], %broadcast_in_dim3A_3 {strides = array<i32>} : memref<8192xf32, #tpu.memory_space<vmem>>, vector<16xf32>,
    %swap3A_967 = arith.constant 7712 : index
    %swap3A_968 = tpu.vector_load %arg5[%swap3A_967] {strides = array<i32>} : memref<8192xf32, #tpu.memory_space<vmem>>, vector<16xf32>,
    tpu.vector_store %arg5[%swap3A_967], %broadcast_in_dim3A_3 {strides = array<i32>} : memref<8192xf32, #tpu.memory_space<vmem>>, vector<16xf32>,
    %swap3A_969 = arith.constant 7728 : index
    %swap3A_970 = tpu.vector_load %arg5[%swap3A_969] {strides = array<i32>} : memref<8192xf32, #tpu.memory_space<vmem>>, vector<16xf32>,
    tpu.vector_store %arg5[%swap3A_969], %broadcast_in_dim3A_3 {strides = array<i32>} : memref<8192xf32, #tpu.memory_space<vmem>>, vector<16xf32>,
    %swap3A_971 = arith.constant 7744 : index
    %swap3A_972 = tpu.vector_load %arg5[%swap3A_971] {strides = array<i32>} : memref<8192xf32, #tpu.memory_space<vmem>>, vector<16xf32>,
    tpu.vector_store %arg5[%swap3A_971], %broadcast_in_dim3A_3 {strides = array<i32>} : memref<8192xf32, #tpu.memory_space<vmem>>, vector<16xf32>,
    %swap3A_973 = arith.constant 7760 : index
    %swap3A_974 = tpu.vector_load %arg5[%swap3A_973] {strides = array<i32>} : memref<8192xf32, #tpu.memory_space<vmem>>, vector<16xf32>,
    tpu.vector_store %arg5[%swap3A_973], %broadcast_in_dim3A_3 {strides = array<i32>} : memref<8192xf32, #tpu.memory_space<vmem>>, vector<16xf32>,
    %swap3A_975 = arith.constant 7776 : index
    %swap3A_976 = tpu.vector_load %arg5[%swap3A_975] {strides = array<i32>} : memref<8192xf32, #tpu.memory_space<vmem>>, vector<16xf32>,
    tpu.vector_store %arg5[%swap3A_975], %broadcast_in_dim3A_3 {strides = array<i32>} : memref<8192xf32, #tpu.memory_space<vmem>>, vector<16xf32>,
    %swap3A_977 = arith.constant 7792 : index
    %swap3A_978 = tpu.vector_load %arg5[%swap3A_977] {strides = array<i32>} : memref<8192xf32, #tpu.memory_space<vmem>>, vector<16xf32>,
    tpu.vector_store %arg5[%swap3A_977], %broadcast_in_dim3A_3 {strides = array<i32>} : memref<8192xf32, #tpu.memory_space<vmem>>, vector<16xf32>,
    %swap3A_979 = arith.constant 7808 : index
    %swap3A_980 = tpu.vector_load %arg5[%swap3A_979] {strides = array<i32>} : memref<8192xf32, #tpu.memory_space<vmem>>, vector<16xf32>,
    tpu.vector_store %arg5[%swap3A_979], %broadcast_in_dim3A_3 {strides = array<i32>} : memref<8192xf32, #tpu.memory_space<vmem>>, vector<16xf32>,
    %swap3A_981 = arith.constant 7824 : index
    %swap3A_982 = tpu.vector_load %arg5[%swap3A_981] {strides = array<i32>} : memref<8192xf32, #tpu.memory_space<vmem>>, vector<16xf32>,
    tpu.vector_store %arg5[%swap3A_981], %broadcast_in_dim3A_3 {strides = array<i32>} : memref<8192xf32, #tpu.memory_space<vmem>>, vector<16xf32>,
    %swap3A_983 = arith.constant 7840 : index
    %swap3A_984 = tpu.vector_load %arg5[%swap3A_983] {strides = array<i32>} : memref<8192xf32, #tpu.memory_space<vmem>>, vector<16xf32>,
    tpu.vector_store %arg5[%swap3A_983], %broadcast_in_dim3A_3 {strides = array<i32>} : memref<8192xf32, #tpu.memory_space<vmem>>, vector<16xf32>,
    %swap3A_985 = arith.constant 7856 : index
    %swap3A_986 = tpu.vector_load %arg5[%swap3A_985] {strides = array<i32>} : memref<8192xf32, #tpu.memory_space<vmem>>, vector<16xf32>,
    tpu.vector_store %arg5[%swap3A_985], %broadcast_in_dim3A_3 {strides = array<i32>} : memref<8192xf32, #tpu.memory_space<vmem>>, vector<16xf32>,
    %swap3A_987 = arith.constant 7872 : index
    %swap3A_988 = tpu.vector_load %arg5[%swap3A_987] {strides = array<i32>} : memref<8192xf32, #tpu.memory_space<vmem>>, vector<16xf32>,
    tpu.vector_store %arg5[%swap3A_987], %broadcast_in_dim3A_3 {strides = array<i32>} : memref<8192xf32, #tpu.memory_space<vmem>>, vector<16xf32>,
    %swap3A_989 = arith.constant 7888 : index
    %swap3A_990 = tpu.vector_load %arg5[%swap3A_989] {strides = array<i32>} : memref<8192xf32, #tpu.memory_space<vmem>>, vector<16xf32>,
    tpu.vector_store %arg5[%swap3A_989], %broadcast_in_dim3A_3 {strides = array<i32>} : memref<8192xf32, #tpu.memory_space<vmem>>, vector<16xf32>,
    %swap3A_991 = arith.constant 7904 : index
    %swap3A_992 = tpu.vector_load %arg5[%swap3A_991] {strides = array<i32>} : memref<8192xf32, #tpu.memory_space<vmem>>, vector<16xf32>,
    tpu.vector_store %arg5[%swap3A_991], %broadcast_in_dim3A_3 {strides = array<i32>} : memref<8192xf32, #tpu.memory_space<vmem>>, vector<16xf32>,
    %swap3A_993 = arith.constant 7920 : index
    %swap3A_994 = tpu.vector_load %arg5[%swap3A_993] {strides = array<i32>} : memref<8192xf32, #tpu.memory_space<vmem>>, vector<16xf32>,
    tpu.vector_store %arg5[%swap3A_993], %broadcast_in_dim3A_3 {strides = array<i32>} : memref<8192xf32, #tpu.memory_space<vmem>>, vector<16xf32>,
    %swap3A_995 = arith.constant 7936 : index
    %swap3A_996 = tpu.vector_load %arg5[%swap3A_995] {strides = array<i32>} : memref<8192xf32, #tpu.memory_space<vmem>>, vector<16xf32>,
    tpu.vector_store %arg5[%swap3A_995], %broadcast_in_dim3A_3 {strides = array<i32>} : memref<8192xf32, #tpu.memory_space<vmem>>, vector<16xf32>,
    %swap3A_997 = arith.constant 7952 : index
    %swap3A_998 = tpu.vector_load %arg5[%swap3A_997] {strides = array<i32>} : memref<8192xf32, #tpu.memory_space<vmem>>, vector<16xf32>,
    tpu.vector_store %arg5[%swap3A_997], %broadcast_in_dim3A_3 {strides = array<i32>} : memref<8192xf32, #tpu.memory_space<vmem>>, vector<16xf32>,
    %swap3A_999 = arith.constant 7968 : index
    %swap3A_1000 = tpu.vector_load %arg5[%swap3A_999] {strides = array<i32>} : memref<8192xf32, #tpu.memory_space<vmem>>, vector<16xf32>,
    tpu.vector_store %arg5[%swap3A_999], %broadcast_in_dim3A_3 {strides = array<i32>} : memref<8192xf32, #tpu.memory_space<vmem>>, vector<16xf32>,
    %swap3A_1001 = arith.constant 7984 : index
    %swap3A_1002 = tpu.vector_load %arg5[%swap3A_1001] {strides = array<i32>} : memref<8192xf32, #tpu.memory_space<vmem>>, vector<16xf32>,
    tpu.vector_store %arg5[%swap3A_1001], %broadcast_in_dim3A_3 {strides = array<i32>} : memref<8192xf32, #tpu.memory_space<vmem>>, vector<16xf32>,
    %swap3A_1003 = arith.constant 8000 : index
    %swap3A_1004 = tpu.vector_load %arg5[%swap3A_1003] {strides = array<i32>} : memref<8192xf32, #tpu.memory_space<vmem>>, vector<16xf32>,
    tpu.vector_store %arg5[%swap3A_1003], %broadcast_in_dim3A_3 {strides = array<i32>} : memref<8192xf32, #tpu.memory_space<vmem>>, vector<16xf32>,
    %swap3A_1005 = arith.constant 8016 : index
    %swap3A_1006 = tpu.vector_load %arg5[%swap3A_1005] {strides = array<i32>} : memref<8192xf32, #tpu.memory_space<vmem>>, vector<16xf32>,
    tpu.vector_store %arg5[%swap3A_1005], %broadcast_in_dim3A_3 {strides = array<i32>} : memref<8192xf32, #tpu.memory_space<vmem>>, vector<16xf32>,
    %swap3A_1007 = arith.constant 8032 : index
    %swap3A_1008 = tpu.vector_load %arg5[%swap3A_1007] {strides = array<i32>} : memref<8192xf32, #tpu.memory_space<vmem>>, vector<16xf32>,
    tpu.vector_store %arg5[%swap3A_1007], %broadcast_in_dim3A_3 {strides = array<i32>} : memref<8192xf32, #tpu.memory_space<vmem>>, vector<16xf32>,
    %swap3A_1009 = arith.constant 8048 : index
    %swap3A_1010 = tpu.vector_load %arg5[%swap3A_1009] {strides = array<i32>} : memref<8192xf32, #tpu.memory_space<vmem>>, vector<16xf32>,
    tpu.vector_store %arg5[%swap3A_1009], %broadcast_in_dim3A_3 {strides = array<i32>} : memref<8192xf32, #tpu.memory_space<vmem>>, vector<16xf32>,
    %swap3A_1011 = arith.constant 8064 : index
    %swap3A_1012 = tpu.vector_load %arg5[%swap3A_1011] {strides = array<i32>} : memref<8192xf32, #tpu.memory_space<vmem>>, vector<16xf32>,
    tpu.vector_store %arg5[%swap3A_1011], %broadcast_in_dim3A_3 {strides = array<i32>} : memref<8192xf32, #tpu.memory_space<vmem>>, vector<16xf32>,
    %swap3A_1013 = arith.constant 8080 : index
    %swap3A_1014 = tpu.vector_load %arg5[%swap3A_1013] {strides = array<i32>} : memref<8192xf32, #tpu.memory_space<vmem>>, vector<16xf32>,
    tpu.vector_store %arg5[%swap3A_1013], %broadcast_in_dim3A_3 {strides = array<i32>} : memref<8192xf32, #tpu.memory_space<vmem>>, vector<16xf32>,
    %swap3A_1015 = arith.constant 8096 : index
    %swap3A_1016 = tpu.vector_load %arg5[%swap3A_1015] {strides = array<i32>} : memref<8192xf32, #tpu.memory_space<vmem>>, vector<16xf32>,
    tpu.vector_store %arg5[%swap3A_1015], %broadcast_in_dim3A_3 {strides = array<i32>} : memref<8192xf32, #tpu.memory_space<vmem>>, vector<16xf32>,
    %swap3A_1017 = arith.constant 8112 : index
    %swap3A_1018 = tpu.vector_load %arg5[%swap3A_1017] {strides = array<i32>} : memref<8192xf32, #tpu.memory_space<vmem>>, vector<16xf32>,
    tpu.vector_store %arg5[%swap3A_1017], %broadcast_in_dim3A_3 {strides = array<i32>} : memref<8192xf32, #tpu.memory_space<vmem>>, vector<16xf32>,
    %swap3A_1019 = arith.constant 8128 : index
    %swap3A_1020 = tpu.vector_load %arg5[%swap3A_1019] {strides = array<i32>} : memref<8192xf32, #tpu.memory_space<vmem>>, vector<16xf32>,
    tpu.vector_store %arg5[%swap3A_1019], %broadcast_in_dim3A_3 {strides = array<i32>} : memref<8192xf32, #tpu.memory_space<vmem>>, vector<16xf32>,
    %swap3A_1021 = arith.constant 8144 : index
    %swap3A_1022 = tpu.vector_load %arg5[%swap3A_1021] {strides = array<i32>} : memref<8192xf32, #tpu.memory_space<vmem>>, vector<16xf32>,
    tpu.vector_store %arg5[%swap3A_1021], %broadcast_in_dim3A_3 {strides = array<i32>} : memref<8192xf32, #tpu.memory_space<vmem>>, vector<16xf32>,
    %swap3A_1023 = arith.constant 8160 : index
    %swap3A_1024 = tpu.vector_load %arg5[%swap3A_1023] {strides = array<i32>} : memref<8192xf32, #tpu.memory_space<vmem>>, vector<16xf32>,
    tpu.vector_store %arg5[%swap3A_1023], %broadcast_in_dim3A_3 {strides = array<i32>} : memref<8192xf32, #tpu.memory_space<vmem>>, vector<16xf32>,
    %swap3A_1025 = arith.constant 8176 : index
    %swap3A_1026 = tpu.vector_load %arg5[%swap3A_1025] {strides = array<i32>} : memref<8192xf32, #tpu.memory_space<vmem>>, vector<16xf32>,
    tpu.vector_store %arg5[%swap3A_1025], %broadcast_in_dim3A_3 {strides = array<i32>} : memref<8192xf32, #tpu.memory_space<vmem>>, vector<16xf32>,
    %add3A_1027 = arith.constant 0 : i32
    %add3A_1028 = vector.broadcast %add3A_1027 : i32 to vector<16xi32>
    %add3A_1029 = arith.addi %iota3A, %add3A_1028 : vector<16xi32>
    %mul3A_1030 = arith.constant 128 : i32
    %mul3A_1031 = vector.broadcast %mul3A_1030 : i32 to vector<16xi32>
    %mul3A_1032 = arith.muli %add3A_1029, %mul3A_1031 : vector<16xi32>
    %add3A_1033 = arith.constant 0 : i32
    %add3A_1034 = vector.broadcast %add3A_1033 : i32 to vector<16xi32>
    %add3A_1035 = arith.addi %mul3A_1032, %add3A_1034 : vector<16xi32>
    %gather3A = tpu.vector_load_idx %arg4[%add3A_1035] : memref<8192xf32, #tpu.memory_space<vmem>>[vector<16xi32>], vector<16xf32>,
    %mul3A_1036 = arith.constant 128 : i32
    %mul3A_1037 = vector.broadcast %mul3A_1036 : i32 to vector<16xi32>
    %mul3A_1038 = arith.muli %add3A_1029, %mul3A_1037 : vector<16xi32>
    %add3A_1039 = arith.constant 1 : i32
    %add3A_1040 = vector.broadcast %add3A_1039 : i32 to vector<16xi32>
    %add3A_1041 = arith.addi %mul3A_1038, %add3A_1040 : vector<16xi32>
    %gather3A_1042 = tpu.vector_load_idx %arg4[%add3A_1041] : memref<8192xf32, #tpu.memory_space<vmem>>[vector<16xi32>], vector<16xf32>,
    %mul3A_1043 = arith.constant 128 : i32
    %mul3A_1044 = vector.broadcast %mul3A_1043 : i32 to vector<16xi32>
    %mul3A_1045 = arith.muli %add3A_1029, %mul3A_1044 : vector<16xi32>
    %add3A_1046 = arith.constant 2 : i32
    %add3A_1047 = vector.broadcast %add3A_1046 : i32 to vector<16xi32>
    %add3A_1048 = arith.addi %mul3A_1045, %add3A_1047 : vector<16xi32>
    %gather3A_1049 = tpu.vector_load_idx %arg4[%add3A_1048] : memref<8192xf32, #tpu.memory_space<vmem>>[vector<16xi32>], vector<16xf32>,
    %mul3A_1050 = arith.constant 128 : i32
    %mul3A_1051 = vector.broadcast %mul3A_1050 : i32 to vector<16xi32>
    %mul3A_1052 = arith.muli %add3A_1029, %mul3A_1051 : vector<16xi32>
    %add3A_1053 = arith.constant 3 : i32
    %add3A_1054 = vector.broadcast %add3A_1053 : i32 to vector<16xi32>
    %add3A_1055 = arith.addi %mul3A_1052, %add3A_1054 : vector<16xi32>
    %gather3A_1056 = tpu.vector_load_idx %arg4[%add3A_1055] : memref<8192xf32, #tpu.memory_space<vmem>>[vector<16xi32>], vector<16xf32>,
    %mul3A_1057 = arith.constant 128 : i32
    %mul3A_1058 = vector.broadcast %mul3A_1057 : i32 to vector<16xi32>
    %mul3A_1059 = arith.muli %add3A_1029, %mul3A_1058 : vector<16xi32>
    %add3A_1060 = arith.constant 4 : i32
    %add3A_1061 = vector.broadcast %add3A_1060 : i32 to vector<16xi32>
    %add3A_1062 = arith.addi %mul3A_1059, %add3A_1061 : vector<16xi32>
    %gather3A_1063 = tpu.vector_load_idx %arg4[%add3A_1062] : memref<8192xf32, #tpu.memory_space<vmem>>[vector<16xi32>], vector<16xf32>,
    %mul3A_1064 = arith.constant 128 : i32
    %mul3A_1065 = vector.broadcast %mul3A_1064 : i32 to vector<16xi32>
    %mul3A_1066 = arith.muli %add3A_1029, %mul3A_1065 : vector<16xi32>
    %add3A_1067 = arith.constant 5 : i32
    %add3A_1068 = vector.broadcast %add3A_1067 : i32 to vector<16xi32>
    %add3A_1069 = arith.addi %mul3A_1066, %add3A_1068 : vector<16xi32>
    %gather3A_1070 = tpu.vector_load_idx %arg4[%add3A_1069] : memref<8192xf32, #tpu.memory_space<vmem>>[vector<16xi32>], vector<16xf32>,
    %mul3A_1071 = arith.constant 128 : i32
    %mul3A_1072 = vector.broadcast %mul3A_1071 : i32 to vector<16xi32>
    %mul3A_1073 = arith.muli %add3A_1029, %mul3A_1072 : vector<16xi32>
    %add3A_1074 = arith.constant 6 : i32
    %add3A_1075 = vector.broadcast %add3A_1074 : i32 to vector<16xi32>
    %add3A_1076 = arith.addi %mul3A_1073, %add3A_1075 : vector<16xi32>
    %gather3A_1077 = tpu.vector_load_idx %arg4[%add3A_1076] : memref<8192xf32, #tpu.memory_space<vmem>>[vector<16xi32>], vector<16xf32>,
    %mul3A_1078 = arith.constant 128 : i32
    %mul3A_1079 = vector.broadcast %mul3A_1078 : i32 to vector<16xi32>
    %mul3A_1080 = arith.muli %add3A_1029, %mul3A_1079 : vector<16xi32>
    %add3A_1081 = arith.constant 7 : i32
    %add3A_1082 = vector.broadcast %add3A_1081 : i32 to vector<16xi32>
    %add3A_1083 = arith.addi %mul3A_1080, %add3A_1082 : vector<16xi32>
    %gather3A_1084 = tpu.vector_load_idx %arg4[%add3A_1083] : memref<8192xf32, #tpu.memory_space<vmem>>[vector<16xi32>], vector<16xf32>,
    %max3A = arith.maximumf %gather3A, %gather3A_1042 : vector<16xf32>
    %max3A_1085 = arith.maximumf %max3A, %gather3A_1049 : vector<16xf32>
    %max3A_1086 = arith.maximumf %max3A_1085, %gather3A_1056 : vector<16xf32>
    %max3A_1087 = arith.maximumf %max3A_1086, %gather3A_1063 : vector<16xf32>
    %max3A_1088 = arith.maximumf %max3A_1087, %gather3A_1070 : vector<16xf32>
    %max3A_1089 = arith.maximumf %max3A_1088, %gather3A_1077 : vector<16xf32>
    %max3A_1090 = arith.maximumf %max3A_1089, %gather3A_1084 : vector<16xf32>
    %broadcast_in_dim3A_1091 = arith.constant 8.000000e+00 : f32
    %broadcast_in_dim3A_1092 = vector.broadcast %broadcast_in_dim3A_1091 : f32 to vector<16xf32>
    %eq3A = arith.cmpf oeq, %gather3A_1084, %max3A_1090 : vector<16xf32>
    %jit3A = arith.constant 7.000000e+00 : f32
    %broadcast_in_dim3A_1093 = vector.broadcast %jit3A : f32 to vector<16xf32>
    %select_n3A = arith.select %eq3A, %broadcast_in_dim3A_1093, %broadcast_in_dim3A_1092 : vector<16xi1>, vector<16xf32>
    %eq3A_1094 = arith.cmpf oeq, %gather3A_1077, %max3A_1090 : vector<16xf32>
    %jit3A_1095 = arith.constant 6.000000e+00 : f32
    %broadcast_in_dim3A_1096 = vector.broadcast %jit3A_1095 : f32 to vector<16xf32>
    %select_n3A_1097 = arith.select %eq3A_1094, %broadcast_in_dim3A_1096, %select_n3A : vector<16xi1>, vector<16xf32>
    %eq3A_1098 = arith.cmpf oeq, %gather3A_1070, %max3A_1090 : vector<16xf32>
    %jit3A_1099 = arith.constant 5.000000e+00 : f32
    %broadcast_in_dim3A_1100 = vector.broadcast %jit3A_1099 : f32 to vector<16xf32>
    %select_n3A_1101 = arith.select %eq3A_1098, %broadcast_in_dim3A_1100, %select_n3A_1097 : vector<16xi1>, vector<16xf32>
    %eq3A_1102 = arith.cmpf oeq, %gather3A_1063, %max3A_1090 : vector<16xf32>
    %jit3A_1103 = arith.constant 4.000000e+00 : f32
    %broadcast_in_dim3A_1104 = vector.broadcast %jit3A_1103 : f32 to vector<16xf32>
    %select_n3A_1105 = arith.select %eq3A_1102, %broadcast_in_dim3A_1104, %select_n3A_1101 : vector<16xi1>, vector<16xf32>
    %eq3A_1106 = arith.cmpf oeq, %gather3A_1056, %max3A_1090 : vector<16xf32>
    %jit3A_1107 = arith.constant 3.000000e+00 : f32
    %broadcast_in_dim3A_1108 = vector.broadcast %jit3A_1107 : f32 to vector<16xf32>
    %select_n3A_1109 = arith.select %eq3A_1106, %broadcast_in_dim3A_1108, %select_n3A_1105 : vector<16xi1>, vector<16xf32>
    %eq3A_1110 = arith.cmpf oeq, %gather3A_1049, %max3A_1090 : vector<16xf32>
    %jit3A_1111 = arith.constant 2.000000e+00 : f32
    %broadcast_in_dim3A_1112 = vector.broadcast %jit3A_1111 : f32 to vector<16xf32>
    %select_n3A_1113 = arith.select %eq3A_1110, %broadcast_in_dim3A_1112, %select_n3A_1109 : vector<16xi1>, vector<16xf32>
    %eq3A_1114 = arith.cmpf oeq, %gather3A_1042, %max3A_1090 : vector<16xf32>
    %jit3A_1115 = arith.constant 1.000000e+00 : f32
    %broadcast_in_dim3A_1116 = vector.broadcast %jit3A_1115 : f32 to vector<16xf32>
    %select_n3A_1117 = arith.select %eq3A_1114, %broadcast_in_dim3A_1116, %select_n3A_1113 : vector<16xi1>, vector<16xf32>
    %eq3A_1118 = arith.cmpf oeq, %gather3A, %max3A_1090 : vector<16xf32>
    %jit3A_1119 = arith.constant 0.000000e+00 : f32
    %broadcast_in_dim3A_1120 = vector.broadcast %jit3A_1119 : f32 to vector<16xf32>
    %select_n3A_1121 = arith.select %eq3A_1118, %broadcast_in_dim3A_1120, %select_n3A_1117 : vector<16xi1>, vector<16xf32>
    %eq3A_1122 = arith.constant 0.000000e+00 : f32
    %eq3A_1123 = vector.broadcast %eq3A_1122 : f32 to vector<16xf32>
    %eq3A_1124 = arith.cmpf oeq, %select_n3A_1121, %eq3A_1123 : vector<16xf32>
    %jit3A_1125 = arith.constant -3.000000e+38 : f32
    %broadcast_in_dim3A_1126 = vector.broadcast %jit3A_1125 : f32 to vector<16xf32>
    %select_n3A_1127 = arith.select %eq3A_1124, %broadcast_in_dim3A_1126, %gather3A : vector<16xi1>, vector<16xf32>
    %eq3A_1128 = arith.constant 1.000000e+00 : f32
    %eq3A_1129 = vector.broadcast %eq3A_1128 : f32 to vector<16xf32>
    %eq3A_1130 = arith.cmpf oeq, %select_n3A_1121, %eq3A_1129 : vector<16xf32>
    %jit3A_1131 = arith.constant -3.000000e+38 : f32
    %broadcast_in_dim3A_1132 = vector.broadcast %jit3A_1131 : f32 to vector<16xf32>
    %select_n3A_1133 = arith.select %eq3A_1130, %broadcast_in_dim3A_1132, %gather3A_1042 : vector<16xi1>, vector<16xf32>
    %eq3A_1134 = arith.constant 2.000000e+00 : f32
    %eq3A_1135 = vector.broadcast %eq3A_1134 : f32 to vector<16xf32>
    %eq3A_1136 = arith.cmpf oeq, %select_n3A_1121, %eq3A_1135 : vector<16xf32>
    %jit3A_1137 = arith.constant -3.000000e+38 : f32
    %broadcast_in_dim3A_1138 = vector.broadcast %jit3A_1137 : f32 to vector<16xf32>
    %select_n3A_1139 = arith.select %eq3A_1136, %broadcast_in_dim3A_1138, %gather3A_1049 : vector<16xi1>, vector<16xf32>
    %eq3A_1140 = arith.constant 3.000000e+00 : f32
    %eq3A_1141 = vector.broadcast %eq3A_1140 : f32 to vector<16xf32>
    %eq3A_1142 = arith.cmpf oeq, %select_n3A_1121, %eq3A_1141 : vector<16xf32>
    %jit3A_1143 = arith.constant -3.000000e+38 : f32
    %broadcast_in_dim3A_1144 = vector.broadcast %jit3A_1143 : f32 to vector<16xf32>
    %select_n3A_1145 = arith.select %eq3A_1142, %broadcast_in_dim3A_1144, %gather3A_1056 : vector<16xi1>, vector<16xf32>
    %eq3A_1146 = arith.constant 4.000000e+00 : f32
    %eq3A_1147 = vector.broadcast %eq3A_1146 : f32 to vector<16xf32>
    %eq3A_1148 = arith.cmpf oeq, %select_n3A_1121, %eq3A_1147 : vector<16xf32>
    %jit3A_1149 = arith.constant -3.000000e+38 : f32
    %broadcast_in_dim3A_1150 = vector.broadcast %jit3A_1149 : f32 to vector<16xf32>
    %select_n3A_1151 = arith.select %eq3A_1148, %broadcast_in_dim3A_1150, %gather3A_1063 : vector<16xi1>, vector<16xf32>
    %eq3A_1152 = arith.constant 5.000000e+00 : f32
    %eq3A_1153 = vector.broadcast %eq3A_1152 : f32 to vector<16xf32>
    %eq3A_1154 = arith.cmpf oeq, %select_n3A_1121, %eq3A_1153 : vector<16xf32>
    %jit3A_1155 = arith.constant -3.000000e+38 : f32
    %broadcast_in_dim3A_1156 = vector.broadcast %jit3A_1155 : f32 to vector<16xf32>
    %select_n3A_1157 = arith.select %eq3A_1154, %broadcast_in_dim3A_1156, %gather3A_1070 : vector<16xi1>, vector<16xf32>
    %eq3A_1158 = arith.constant 6.000000e+00 : f32
    %eq3A_1159 = vector.broadcast %eq3A_1158 : f32 to vector<16xf32>
    %eq3A_1160 = arith.cmpf oeq, %select_n3A_1121, %eq3A_1159 : vector<16xf32>
    %jit3A_1161 = arith.constant -3.000000e+38 : f32
    %broadcast_in_dim3A_1162 = vector.broadcast %jit3A_1161 : f32 to vector<16xf32>
    %select_n3A_1163 = arith.select %eq3A_1160, %broadcast_in_dim3A_1162, %gather3A_1077 : vector<16xi1>, vector<16xf32>
    %eq3A_1164 = arith.constant 7.000000e+00 : f32
    %eq3A_1165 = vector.broadcast %eq3A_1164 : f32 to vector<16xf32>
    %eq3A_1166 = arith.cmpf oeq, %select_n3A_1121, %eq3A_1165 : vector<16xf32>
    %jit3A_1167 = arith.constant -3.000000e+38 : f32
    %broadcast_in_dim3A_1168 = vector.broadcast %jit3A_1167 : f32 to vector<16xf32>
    %select_n3A_1169 = arith.select %eq3A_1166, %broadcast_in_dim3A_1168, %gather3A_1084 : vector<16xi1>, vector<16xf32>
    %max3A_1170 = arith.maximumf %select_n3A_1127, %select_n3A_1133 : vector<16xf32>
    %max3A_1171 = arith.maximumf %max3A_1170, %select_n3A_1139 : vector<16xf32>
    %max3A_1172 = arith.maximumf %max3A_1171, %select_n3A_1145 : vector<16xf32>
    %max3A_1173 = arith.maximumf %max3A_1172, %select_n3A_1151 : vector<16xf32>
    %max3A_1174 = arith.maximumf %max3A_1173, %select_n3A_1157 : vector<16xf32>
    %max3A_1175 = arith.maximumf %max3A_1174, %select_n3A_1163 : vector<16xf32>
    %max3A_1176 = arith.maximumf %max3A_1175, %select_n3A_1169 : vector<16xf32>
    %broadcast_in_dim3A_1177 = arith.constant 8.000000e+00 : f32
    %broadcast_in_dim3A_1178 = vector.broadcast %broadcast_in_dim3A_1177 : f32 to vector<16xf32>
    %eq3A_1179 = arith.cmpf oeq, %select_n3A_1169, %max3A_1176 : vector<16xf32>
    %jit3A_1180 = arith.constant 7.000000e+00 : f32
    %broadcast_in_dim3A_1181 = vector.broadcast %jit3A_1180 : f32 to vector<16xf32>
    %select_n3A_1182 = arith.select %eq3A_1179, %broadcast_in_dim3A_1181, %broadcast_in_dim3A_1178 : vector<16xi1>, vector<16xf32>
    %eq3A_1183 = arith.cmpf oeq, %select_n3A_1163, %max3A_1176 : vector<16xf32>
    %jit3A_1184 = arith.constant 6.000000e+00 : f32
    %broadcast_in_dim3A_1185 = vector.broadcast %jit3A_1184 : f32 to vector<16xf32>
    %select_n3A_1186 = arith.select %eq3A_1183, %broadcast_in_dim3A_1185, %select_n3A_1182 : vector<16xi1>, vector<16xf32>
    %eq3A_1187 = arith.cmpf oeq, %select_n3A_1157, %max3A_1176 : vector<16xf32>
    %jit3A_1188 = arith.constant 5.000000e+00 : f32
    %broadcast_in_dim3A_1189 = vector.broadcast %jit3A_1188 : f32 to vector<16xf32>
    %select_n3A_1190 = arith.select %eq3A_1187, %broadcast_in_dim3A_1189, %select_n3A_1186 : vector<16xi1>, vector<16xf32>
    %eq3A_1191 = arith.cmpf oeq, %select_n3A_1151, %max3A_1176 : vector<16xf32>
    %jit3A_1192 = arith.constant 4.000000e+00 : f32
    %broadcast_in_dim3A_1193 = vector.broadcast %jit3A_1192 : f32 to vector<16xf32>
    %select_n3A_1194 = arith.select %eq3A_1191, %broadcast_in_dim3A_1193, %select_n3A_1190 : vector<16xi1>, vector<16xf32>
    %eq3A_1195 = arith.cmpf oeq, %select_n3A_1145, %max3A_1176 : vector<16xf32>
    %jit3A_1196 = arith.constant 3.000000e+00 : f32
    %broadcast_in_dim3A_1197 = vector.broadcast %jit3A_1196 : f32 to vector<16xf32>
    %select_n3A_1198 = arith.select %eq3A_1195, %broadcast_in_dim3A_1197, %select_n3A_1194 : vector<16xi1>, vector<16xf32>
    %eq3A_1199 = arith.cmpf oeq, %select_n3A_1139, %max3A_1176 : vector<16xf32>
    %jit3A_1200 = arith.constant 2.000000e+00 : f32
    %broadcast_in_dim3A_1201 = vector.broadcast %jit3A_1200 : f32 to vector<16xf32>
    %select_n3A_1202 = arith.select %eq3A_1199, %broadcast_in_dim3A_1201, %select_n3A_1198 : vector<16xi1>, vector<16xf32>
    %eq3A_1203 = arith.cmpf oeq, %select_n3A_1133, %max3A_1176 : vector<16xf32>
    %jit3A_1204 = arith.constant 1.000000e+00 : f32
    %broadcast_in_dim3A_1205 = vector.broadcast %jit3A_1204 : f32 to vector<16xf32>
    %select_n3A_1206 = arith.select %eq3A_1203, %broadcast_in_dim3A_1205, %select_n3A_1202 : vector<16xi1>, vector<16xf32>
    %eq3A_1207 = arith.cmpf oeq, %select_n3A_1127, %max3A_1176 : vector<16xf32>
    %jit3A_1208 = arith.constant 0.000000e+00 : f32
    %broadcast_in_dim3A_1209 = vector.broadcast %jit3A_1208 : f32 to vector<16xf32>
    %select_n3A_1210 = arith.select %eq3A_1207, %broadcast_in_dim3A_1209, %select_n3A_1206 : vector<16xi1>, vector<16xf32>
    %sub3A = arith.subf %max3A_1176, %max3A_1090 : vector<16xf32>
    %exp3A = math.exp %sub3A : vector<16xf32>
    %add3A_1211 = arith.constant 1.000000e+00 : f32
    %add3A_1212 = vector.broadcast %add3A_1211 : f32 to vector<16xf32>
    %add3A_1213 = arith.addf %add3A_1212, %exp3A : vector<16xf32>
    %div3A = arith.constant 1.000000e+00 : f32
    %div3A_1214 = vector.broadcast %div3A : f32 to vector<16xf32>
    %div3A_1215 = arith.divf %div3A_1214, %add3A_1213 : vector<16xf32>
    %sub3A_1216 = arith.constant 1.000000e+00 : f32
    %sub3A_1217 = vector.broadcast %sub3A_1216 : f32 to vector<16xf32>
    %sub3A_1218 = arith.subf %sub3A_1217, %div3A_1215 : vector<16xf32>
    %eq3A_1219 = arith.constant 0.000000e+00 : f32
    %eq3A_1220 = vector.broadcast %eq3A_1219 : f32 to vector<16xf32>
    %eq3A_1221 = arith.cmpf oeq, %select_n3A_1121, %eq3A_1220 : vector<16xf32>
    %jit3A_1222 = arith.constant 0.000000e+00 : f32
    %broadcast_in_dim3A_1223 = vector.broadcast %jit3A_1222 : f32 to vector<16xf32>
    %select_n3A_1224 = arith.select %eq3A_1221, %div3A_1215, %broadcast_in_dim3A_1223 : vector<16xi1>, vector<16xf32>
    %eq3A_1225 = arith.constant 0.000000e+00 : f32
    %eq3A_1226 = vector.broadcast %eq3A_1225 : f32 to vector<16xf32>
    %eq3A_1227 = arith.cmpf oeq, %select_n3A_1210, %eq3A_1226 : vector<16xf32>
    %jit3A_1228 = arith.constant 0.000000e+00 : f32
    %broadcast_in_dim3A_1229 = vector.broadcast %jit3A_1228 : f32 to vector<16xf32>
    %select_n3A_1230 = arith.select %eq3A_1227, %sub3A_1218, %broadcast_in_dim3A_1229 : vector<16xi1>, vector<16xf32>
    %add3A_1231 = arith.addf %select_n3A_1224, %select_n3A_1230 : vector<16xf32>
    %mul3A_1232 = arith.constant 128 : i32
    %mul3A_1233 = vector.broadcast %mul3A_1232 : i32 to vector<16xi32>
    %mul3A_1234 = arith.muli %add3A_1029, %mul3A_1233 : vector<16xi32>
    %add3A_1235 = arith.constant 0 : i32
    %add3A_1236 = vector.broadcast %add3A_1235 : i32 to vector<16xi32>
    %add3A_1237 = arith.addi %mul3A_1234, %add3A_1236 : vector<16xi32>
    tpu.vector_store_idx %arg5[%add3A_1237], %add3A_1231 : memref<8192xf32, #tpu.memory_space<vmem>>[vector<16xi32>], vector<16xf32>,
    %eq3A_1238 = arith.constant 1.000000e+00 : f32
    %eq3A_1239 = vector.broadcast %eq3A_1238 : f32 to vector<16xf32>
    %eq3A_1240 = arith.cmpf oeq, %select_n3A_1121, %eq3A_1239 : vector<16xf32>
    %jit3A_1241 = arith.constant 0.000000e+00 : f32
    %broadcast_in_dim3A_1242 = vector.broadcast %jit3A_1241 : f32 to vector<16xf32>
    %select_n3A_1243 = arith.select %eq3A_1240, %div3A_1215, %broadcast_in_dim3A_1242 : vector<16xi1>, vector<16xf32>
    %eq3A_1244 = arith.constant 1.000000e+00 : f32
    %eq3A_1245 = vector.broadcast %eq3A_1244 : f32 to vector<16xf32>
    %eq3A_1246 = arith.cmpf oeq, %select_n3A_1210, %eq3A_1245 : vector<16xf32>
    %jit3A_1247 = arith.constant 0.000000e+00 : f32
    %broadcast_in_dim3A_1248 = vector.broadcast %jit3A_1247 : f32 to vector<16xf32>
    %select_n3A_1249 = arith.select %eq3A_1246, %sub3A_1218, %broadcast_in_dim3A_1248 : vector<16xi1>, vector<16xf32>
    %add3A_1250 = arith.addf %select_n3A_1243, %select_n3A_1249 : vector<16xf32>
    %mul3A_1251 = arith.constant 128 : i32
    %mul3A_1252 = vector.broadcast %mul3A_1251 : i32 to vector<16xi32>
    %mul3A_1253 = arith.muli %add3A_1029, %mul3A_1252 : vector<16xi32>
    %add3A_1254 = arith.constant 1 : i32
    %add3A_1255 = vector.broadcast %add3A_1254 : i32 to vector<16xi32>
    %add3A_1256 = arith.addi %mul3A_1253, %add3A_1255 : vector<16xi32>
    tpu.vector_store_idx %arg5[%add3A_1256], %add3A_1250 : memref<8192xf32, #tpu.memory_space<vmem>>[vector<16xi32>], vector<16xf32>,
    %eq3A_1257 = arith.constant 2.000000e+00 : f32
    %eq3A_1258 = vector.broadcast %eq3A_1257 : f32 to vector<16xf32>
    %eq3A_1259 = arith.cmpf oeq, %select_n3A_1121, %eq3A_1258 : vector<16xf32>
    %jit3A_1260 = arith.constant 0.000000e+00 : f32
    %broadcast_in_dim3A_1261 = vector.broadcast %jit3A_1260 : f32 to vector<16xf32>
    %select_n3A_1262 = arith.select %eq3A_1259, %div3A_1215, %broadcast_in_dim3A_1261 : vector<16xi1>, vector<16xf32>
    %eq3A_1263 = arith.constant 2.000000e+00 : f32
    %eq3A_1264 = vector.broadcast %eq3A_1263 : f32 to vector<16xf32>
    %eq3A_1265 = arith.cmpf oeq, %select_n3A_1210, %eq3A_1264 : vector<16xf32>
    %jit3A_1266 = arith.constant 0.000000e+00 : f32
    %broadcast_in_dim3A_1267 = vector.broadcast %jit3A_1266 : f32 to vector<16xf32>
    %select_n3A_1268 = arith.select %eq3A_1265, %sub3A_1218, %broadcast_in_dim3A_1267 : vector<16xi1>, vector<16xf32>
    %add3A_1269 = arith.addf %select_n3A_1262, %select_n3A_1268 : vector<16xf32>
    %mul3A_1270 = arith.constant 128 : i32
    %mul3A_1271 = vector.broadcast %mul3A_1270 : i32 to vector<16xi32>
    %mul3A_1272 = arith.muli %add3A_1029, %mul3A_1271 : vector<16xi32>
    %add3A_1273 = arith.constant 2 : i32
    %add3A_1274 = vector.broadcast %add3A_1273 : i32 to vector<16xi32>
    %add3A_1275 = arith.addi %mul3A_1272, %add3A_1274 : vector<16xi32>
    tpu.vector_store_idx %arg5[%add3A_1275], %add3A_1269 : memref<8192xf32, #tpu.memory_space<vmem>>[vector<16xi32>], vector<16xf32>,
    %eq3A_1276 = arith.constant 3.000000e+00 : f32
    %eq3A_1277 = vector.broadcast %eq3A_1276 : f32 to vector<16xf32>
    %eq3A_1278 = arith.cmpf oeq, %select_n3A_1121, %eq3A_1277 : vector<16xf32>
    %jit3A_1279 = arith.constant 0.000000e+00 : f32
    %broadcast_in_dim3A_1280 = vector.broadcast %jit3A_1279 : f32 to vector<16xf32>
    %select_n3A_1281 = arith.select %eq3A_1278, %div3A_1215, %broadcast_in_dim3A_1280 : vector<16xi1>, vector<16xf32>
    %eq3A_1282 = arith.constant 3.000000e+00 : f32
    %eq3A_1283 = vector.broadcast %eq3A_1282 : f32 to vector<16xf32>
    %eq3A_1284 = arith.cmpf oeq, %select_n3A_1210, %eq3A_1283 : vector<16xf32>
    %jit3A_1285 = arith.constant 0.000000e+00 : f32
    %broadcast_in_dim3A_1286 = vector.broadcast %jit3A_1285 : f32 to vector<16xf32>
    %select_n3A_1287 = arith.select %eq3A_1284, %sub3A_1218, %broadcast_in_dim3A_1286 : vector<16xi1>, vector<16xf32>
    %add3A_1288 = arith.addf %select_n3A_1281, %select_n3A_1287 : vector<16xf32>
    %mul3A_1289 = arith.constant 128 : i32
    %mul3A_1290 = vector.broadcast %mul3A_1289 : i32 to vector<16xi32>
    %mul3A_1291 = arith.muli %add3A_1029, %mul3A_1290 : vector<16xi32>
    %add3A_1292 = arith.constant 3 : i32
    %add3A_1293 = vector.broadcast %add3A_1292 : i32 to vector<16xi32>
    %add3A_1294 = arith.addi %mul3A_1291, %add3A_1293 : vector<16xi32>
    tpu.vector_store_idx %arg5[%add3A_1294], %add3A_1288 : memref<8192xf32, #tpu.memory_space<vmem>>[vector<16xi32>], vector<16xf32>,
    %eq3A_1295 = arith.constant 4.000000e+00 : f32
    %eq3A_1296 = vector.broadcast %eq3A_1295 : f32 to vector<16xf32>
    %eq3A_1297 = arith.cmpf oeq, %select_n3A_1121, %eq3A_1296 : vector<16xf32>
    %jit3A_1298 = arith.constant 0.000000e+00 : f32
    %broadcast_in_dim3A_1299 = vector.broadcast %jit3A_1298 : f32 to vector<16xf32>
    %select_n3A_1300 = arith.select %eq3A_1297, %div3A_1215, %broadcast_in_dim3A_1299 : vector<16xi1>, vector<16xf32>
    %eq3A_1301 = arith.constant 4.000000e+00 : f32
    %eq3A_1302 = vector.broadcast %eq3A_1301 : f32 to vector<16xf32>
    %eq3A_1303 = arith.cmpf oeq, %select_n3A_1210, %eq3A_1302 : vector<16xf32>
    %jit3A_1304 = arith.constant 0.000000e+00 : f32
    %broadcast_in_dim3A_1305 = vector.broadcast %jit3A_1304 : f32 to vector<16xf32>
    %select_n3A_1306 = arith.select %eq3A_1303, %sub3A_1218, %broadcast_in_dim3A_1305 : vector<16xi1>, vector<16xf32>
    %add3A_1307 = arith.addf %select_n3A_1300, %select_n3A_1306 : vector<16xf32>
    %mul3A_1308 = arith.constant 128 : i32
    %mul3A_1309 = vector.broadcast %mul3A_1308 : i32 to vector<16xi32>
    %mul3A_1310 = arith.muli %add3A_1029, %mul3A_1309 : vector<16xi32>
    %add3A_1311 = arith.constant 4 : i32
    %add3A_1312 = vector.broadcast %add3A_1311 : i32 to vector<16xi32>
    %add3A_1313 = arith.addi %mul3A_1310, %add3A_1312 : vector<16xi32>
    tpu.vector_store_idx %arg5[%add3A_1313], %add3A_1307 : memref<8192xf32, #tpu.memory_space<vmem>>[vector<16xi32>], vector<16xf32>,
    %eq3A_1314 = arith.constant 5.000000e+00 : f32
    %eq3A_1315 = vector.broadcast %eq3A_1314 : f32 to vector<16xf32>
    %eq3A_1316 = arith.cmpf oeq, %select_n3A_1121, %eq3A_1315 : vector<16xf32>
    %jit3A_1317 = arith.constant 0.000000e+00 : f32
    %broadcast_in_dim3A_1318 = vector.broadcast %jit3A_1317 : f32 to vector<16xf32>
    %select_n3A_1319 = arith.select %eq3A_1316, %div3A_1215, %broadcast_in_dim3A_1318 : vector<16xi1>, vector<16xf32>
    %eq3A_1320 = arith.constant 5.000000e+00 : f32
    %eq3A_1321 = vector.broadcast %eq3A_1320 : f32 to vector<16xf32>
    %eq3A_1322 = arith.cmpf oeq, %select_n3A_1210, %eq3A_1321 : vector<16xf32>
    %jit3A_1323 = arith.constant 0.000000e+00 : f32
    %broadcast_in_dim3A_1324 = vector.broadcast %jit3A_1323 : f32 to vector<16xf32>
    %select_n3A_1325 = arith.select %eq3A_1322, %sub3A_1218, %broadcast_in_dim3A_1324 : vector<16xi1>, vector<16xf32>
    %add3A_1326 = arith.addf %select_n3A_1319, %select_n3A_1325 : vector<16xf32>
    %mul3A_1327 = arith.constant 128 : i32
    %mul3A_1328 = vector.broadcast %mul3A_1327 : i32 to vector<16xi32>
    %mul3A_1329 = arith.muli %add3A_1029, %mul3A_1328 : vector<16xi32>
    %add3A_1330 = arith.constant 5 : i32
    %add3A_1331 = vector.broadcast %add3A_1330 : i32 to vector<16xi32>
    %add3A_1332 = arith.addi %mul3A_1329, %add3A_1331 : vector<16xi32>
    tpu.vector_store_idx %arg5[%add3A_1332], %add3A_1326 : memref<8192xf32, #tpu.memory_space<vmem>>[vector<16xi32>], vector<16xf32>,
    %eq3A_1333 = arith.constant 6.000000e+00 : f32
    %eq3A_1334 = vector.broadcast %eq3A_1333 : f32 to vector<16xf32>
    %eq3A_1335 = arith.cmpf oeq, %select_n3A_1121, %eq3A_1334 : vector<16xf32>
    %jit3A_1336 = arith.constant 0.000000e+00 : f32
    %broadcast_in_dim3A_1337 = vector.broadcast %jit3A_1336 : f32 to vector<16xf32>
    %select_n3A_1338 = arith.select %eq3A_1335, %div3A_1215, %broadcast_in_dim3A_1337 : vector<16xi1>, vector<16xf32>
    %eq3A_1339 = arith.constant 6.000000e+00 : f32
    %eq3A_1340 = vector.broadcast %eq3A_1339 : f32 to vector<16xf32>
    %eq3A_1341 = arith.cmpf oeq, %select_n3A_1210, %eq3A_1340 : vector<16xf32>
    %jit3A_1342 = arith.constant 0.000000e+00 : f32
    %broadcast_in_dim3A_1343 = vector.broadcast %jit3A_1342 : f32 to vector<16xf32>
    %select_n3A_1344 = arith.select %eq3A_1341, %sub3A_1218, %broadcast_in_dim3A_1343 : vector<16xi1>, vector<16xf32>
    %add3A_1345 = arith.addf %select_n3A_1338, %select_n3A_1344 : vector<16xf32>
    %mul3A_1346 = arith.constant 128 : i32
    %mul3A_1347 = vector.broadcast %mul3A_1346 : i32 to vector<16xi32>
    %mul3A_1348 = arith.muli %add3A_1029, %mul3A_1347 : vector<16xi32>
    %add3A_1349 = arith.constant 6 : i32
    %add3A_1350 = vector.broadcast %add3A_1349 : i32 to vector<16xi32>
    %add3A_1351 = arith.addi %mul3A_1348, %add3A_1350 : vector<16xi32>
    tpu.vector_store_idx %arg5[%add3A_1351], %add3A_1345 : memref<8192xf32, #tpu.memory_space<vmem>>[vector<16xi32>], vector<16xf32>,
    %eq3A_1352 = arith.constant 7.000000e+00 : f32
    %eq3A_1353 = vector.broadcast %eq3A_1352 : f32 to vector<16xf32>
    %eq3A_1354 = arith.cmpf oeq, %select_n3A_1121, %eq3A_1353 : vector<16xf32>
    %jit3A_1355 = arith.constant 0.000000e+00 : f32
    %broadcast_in_dim3A_1356 = vector.broadcast %jit3A_1355 : f32 to vector<16xf32>
    %select_n3A_1357 = arith.select %eq3A_1354, %div3A_1215, %broadcast_in_dim3A_1356 : vector<16xi1>, vector<16xf32>
    %eq3A_1358 = arith.constant 7.000000e+00 : f32
    %eq3A_1359 = vector.broadcast %eq3A_1358 : f32 to vector<16xf32>
    %eq3A_1360 = arith.cmpf oeq, %select_n3A_1210, %eq3A_1359 : vector<16xf32>
    %jit3A_1361 = arith.constant 0.000000e+00 : f32
    %broadcast_in_dim3A_1362 = vector.broadcast %jit3A_1361 : f32 to vector<16xf32>
    %select_n3A_1363 = arith.select %eq3A_1360, %sub3A_1218, %broadcast_in_dim3A_1362 : vector<16xi1>, vector<16xf32>
    %add3A_1364 = arith.addf %select_n3A_1357, %select_n3A_1363 : vector<16xf32>
    %mul3A_1365 = arith.constant 128 : i32
    %mul3A_1366 = vector.broadcast %mul3A_1365 : i32 to vector<16xi32>
    %mul3A_1367 = arith.muli %add3A_1029, %mul3A_1366 : vector<16xi32>
    %add3A_1368 = arith.constant 7 : i32
    %add3A_1369 = vector.broadcast %add3A_1368 : i32 to vector<16xi32>
    %add3A_1370 = arith.addi %mul3A_1367, %add3A_1369 : vector<16xi32>
    tpu.vector_store_idx %arg5[%add3A_1370], %add3A_1364 : memref<8192xf32, #tpu.memory_space<vmem>>[vector<16xi32>], vector<16xf32>,
    %add3A_1371 = arith.constant 16 : i32
    %add3A_1372 = vector.broadcast %add3A_1371 : i32 to vector<16xi32>
    %add3A_1373 = arith.addi %iota3A, %add3A_1372 : vector<16xi32>
    %mul3A_1374 = arith.constant 128 : i32
    %mul3A_1375 = vector.broadcast %mul3A_1374 : i32 to vector<16xi32>
    %mul3A_1376 = arith.muli %add3A_1373, %mul3A_1375 : vector<16xi32>
    %add3A_1377 = arith.constant 0 : i32
    %add3A_1378 = vector.broadcast %add3A_1377 : i32 to vector<16xi32>
    %add3A_1379 = arith.addi %mul3A_1376, %add3A_1378 : vector<16xi32>
    %gather3A_1380 = tpu.vector_load_idx %arg4[%add3A_1379] : memref<8192xf32, #tpu.memory_space<vmem>>[vector<16xi32>], vector<16xf32>,
    %mul3A_1381 = arith.constant 128 : i32
    %mul3A_1382 = vector.broadcast %mul3A_1381 : i32 to vector<16xi32>
    %mul3A_1383 = arith.muli %add3A_1373, %mul3A_1382 : vector<16xi32>
    %add3A_1384 = arith.constant 1 : i32
    %add3A_1385 = vector.broadcast %add3A_1384 : i32 to vector<16xi32>
    %add3A_1386 = arith.addi %mul3A_1383, %add3A_1385 : vector<16xi32>
    %gather3A_1387 = tpu.vector_load_idx %arg4[%add3A_1386] : memref<8192xf32, #tpu.memory_space<vmem>>[vector<16xi32>], vector<16xf32>,
    %mul3A_1388 = arith.constant 128 : i32
    %mul3A_1389 = vector.broadcast %mul3A_1388 : i32 to vector<16xi32>
    %mul3A_1390 = arith.muli %add3A_1373, %mul3A_1389 : vector<16xi32>
    %add3A_1391 = arith.constant 2 : i32
    %add3A_1392 = vector.broadcast %add3A_1391 : i32 to vector<16xi32>
    %add3A_1393 = arith.addi %mul3A_1390, %add3A_1392 : vector<16xi32>
    %gather3A_1394 = tpu.vector_load_idx %arg4[%add3A_1393] : memref<8192xf32, #tpu.memory_space<vmem>>[vector<16xi32>], vector<16xf32>,
    %mul3A_1395 = arith.constant 128 : i32
    %mul3A_1396 = vector.broadcast %mul3A_1395 : i32 to vector<16xi32>
    %mul3A_1397 = arith.muli %add3A_1373, %mul3A_1396 : vector<16xi32>
    %add3A_1398 = arith.constant 3 : i32
    %add3A_1399 = vector.broadcast %add3A_1398 : i32 to vector<16xi32>
    %add3A_1400 = arith.addi %mul3A_1397, %add3A_1399 : vector<16xi32>
    %gather3A_1401 = tpu.vector_load_idx %arg4[%add3A_1400] : memref<8192xf32, #tpu.memory_space<vmem>>[vector<16xi32>], vector<16xf32>,
    %mul3A_1402 = arith.constant 128 : i32
    %mul3A_1403 = vector.broadcast %mul3A_1402 : i32 to vector<16xi32>
    %mul3A_1404 = arith.muli %add3A_1373, %mul3A_1403 : vector<16xi32>
    %add3A_1405 = arith.constant 4 : i32
    %add3A_1406 = vector.broadcast %add3A_1405 : i32 to vector<16xi32>
    %add3A_1407 = arith.addi %mul3A_1404, %add3A_1406 : vector<16xi32>
    %gather3A_1408 = tpu.vector_load_idx %arg4[%add3A_1407] : memref<8192xf32, #tpu.memory_space<vmem>>[vector<16xi32>], vector<16xf32>,
    %mul3A_1409 = arith.constant 128 : i32
    %mul3A_1410 = vector.broadcast %mul3A_1409 : i32 to vector<16xi32>
    %mul3A_1411 = arith.muli %add3A_1373, %mul3A_1410 : vector<16xi32>
    %add3A_1412 = arith.constant 5 : i32
    %add3A_1413 = vector.broadcast %add3A_1412 : i32 to vector<16xi32>
    %add3A_1414 = arith.addi %mul3A_1411, %add3A_1413 : vector<16xi32>
    %gather3A_1415 = tpu.vector_load_idx %arg4[%add3A_1414] : memref<8192xf32, #tpu.memory_space<vmem>>[vector<16xi32>], vector<16xf32>,
    %mul3A_1416 = arith.constant 128 : i32
    %mul3A_1417 = vector.broadcast %mul3A_1416 : i32 to vector<16xi32>
    %mul3A_1418 = arith.muli %add3A_1373, %mul3A_1417 : vector<16xi32>
    %add3A_1419 = arith.constant 6 : i32
    %add3A_1420 = vector.broadcast %add3A_1419 : i32 to vector<16xi32>
    %add3A_1421 = arith.addi %mul3A_1418, %add3A_1420 : vector<16xi32>
    %gather3A_1422 = tpu.vector_load_idx %arg4[%add3A_1421] : memref<8192xf32, #tpu.memory_space<vmem>>[vector<16xi32>], vector<16xf32>,
    %mul3A_1423 = arith.constant 128 : i32
    %mul3A_1424 = vector.broadcast %mul3A_1423 : i32 to vector<16xi32>
    %mul3A_1425 = arith.muli %add3A_1373, %mul3A_1424 : vector<16xi32>
    %add3A_1426 = arith.constant 7 : i32
    %add3A_1427 = vector.broadcast %add3A_1426 : i32 to vector<16xi32>
    %add3A_1428 = arith.addi %mul3A_1425, %add3A_1427 : vector<16xi32>
    %gather3A_1429 = tpu.vector_load_idx %arg4[%add3A_1428] : memref<8192xf32, #tpu.memory_space<vmem>>[vector<16xi32>], vector<16xf32>,
    %max3A_1430 = arith.maximumf %gather3A_1380, %gather3A_1387 : vector<16xf32>
    %max3A_1431 = arith.maximumf %max3A_1430, %gather3A_1394 : vector<16xf32>
    %max3A_1432 = arith.maximumf %max3A_1431, %gather3A_1401 : vector<16xf32>
    %max3A_1433 = arith.maximumf %max3A_1432, %gather3A_1408 : vector<16xf32>
    %max3A_1434 = arith.maximumf %max3A_1433, %gather3A_1415 : vector<16xf32>
    %max3A_1435 = arith.maximumf %max3A_1434, %gather3A_1422 : vector<16xf32>
    %max3A_1436 = arith.maximumf %max3A_1435, %gather3A_1429 : vector<16xf32>
    %broadcast_in_dim3A_1437 = arith.constant 8.000000e+00 : f32
    %broadcast_in_dim3A_1438 = vector.broadcast %broadcast_in_dim3A_1437 : f32 to vector<16xf32>
    %eq3A_1439 = arith.cmpf oeq, %gather3A_1429, %max3A_1436 : vector<16xf32>
    %jit3A_1440 = arith.constant 7.000000e+00 : f32
    %broadcast_in_dim3A_1441 = vector.broadcast %jit3A_1440 : f32 to vector<16xf32>
    %select_n3A_1442 = arith.select %eq3A_1439, %broadcast_in_dim3A_1441, %broadcast_in_dim3A_1438 : vector<16xi1>, vector<16xf32>
    %eq3A_1443 = arith.cmpf oeq, %gather3A_1422, %max3A_1436 : vector<16xf32>
    %jit3A_1444 = arith.constant 6.000000e+00 : f32
    %broadcast_in_dim3A_1445 = vector.broadcast %jit3A_1444 : f32 to vector<16xf32>
    %select_n3A_1446 = arith.select %eq3A_1443, %broadcast_in_dim3A_1445, %select_n3A_1442 : vector<16xi1>, vector<16xf32>
    %eq3A_1447 = arith.cmpf oeq, %gather3A_1415, %max3A_1436 : vector<16xf32>
    %jit3A_1448 = arith.constant 5.000000e+00 : f32
    %broadcast_in_dim3A_1449 = vector.broadcast %jit3A_1448 : f32 to vector<16xf32>
    %select_n3A_1450 = arith.select %eq3A_1447, %broadcast_in_dim3A_1449, %select_n3A_1446 : vector<16xi1>, vector<16xf32>
    %eq3A_1451 = arith.cmpf oeq, %gather3A_1408, %max3A_1436 : vector<16xf32>
    %jit3A_1452 = arith.constant 4.000000e+00 : f32
    %broadcast_in_dim3A_1453 = vector.broadcast %jit3A_1452 : f32 to vector<16xf32>
    %select_n3A_1454 = arith.select %eq3A_1451, %broadcast_in_dim3A_1453, %select_n3A_1450 : vector<16xi1>, vector<16xf32>
    %eq3A_1455 = arith.cmpf oeq, %gather3A_1401, %max3A_1436 : vector<16xf32>
    %jit3A_1456 = arith.constant 3.000000e+00 : f32
    %broadcast_in_dim3A_1457 = vector.broadcast %jit3A_1456 : f32 to vector<16xf32>
    %select_n3A_1458 = arith.select %eq3A_1455, %broadcast_in_dim3A_1457, %select_n3A_1454 : vector<16xi1>, vector<16xf32>
    %eq3A_1459 = arith.cmpf oeq, %gather3A_1394, %max3A_1436 : vector<16xf32>
    %jit3A_1460 = arith.constant 2.000000e+00 : f32
    %broadcast_in_dim3A_1461 = vector.broadcast %jit3A_1460 : f32 to vector<16xf32>
    %select_n3A_1462 = arith.select %eq3A_1459, %broadcast_in_dim3A_1461, %select_n3A_1458 : vector<16xi1>, vector<16xf32>
    %eq3A_1463 = arith.cmpf oeq, %gather3A_1387, %max3A_1436 : vector<16xf32>
    %jit3A_1464 = arith.constant 1.000000e+00 : f32
    %broadcast_in_dim3A_1465 = vector.broadcast %jit3A_1464 : f32 to vector<16xf32>
    %select_n3A_1466 = arith.select %eq3A_1463, %broadcast_in_dim3A_1465, %select_n3A_1462 : vector<16xi1>, vector<16xf32>
    %eq3A_1467 = arith.cmpf oeq, %gather3A_1380, %max3A_1436 : vector<16xf32>
    %jit3A_1468 = arith.constant 0.000000e+00 : f32
    %broadcast_in_dim3A_1469 = vector.broadcast %jit3A_1468 : f32 to vector<16xf32>
    %select_n3A_1470 = arith.select %eq3A_1467, %broadcast_in_dim3A_1469, %select_n3A_1466 : vector<16xi1>, vector<16xf32>
    %eq3A_1471 = arith.constant 0.000000e+00 : f32
    %eq3A_1472 = vector.broadcast %eq3A_1471 : f32 to vector<16xf32>
    %eq3A_1473 = arith.cmpf oeq, %select_n3A_1470, %eq3A_1472 : vector<16xf32>
    %jit3A_1474 = arith.constant -3.000000e+38 : f32
    %broadcast_in_dim3A_1475 = vector.broadcast %jit3A_1474 : f32 to vector<16xf32>
    %select_n3A_1476 = arith.select %eq3A_1473, %broadcast_in_dim3A_1475, %gather3A_1380 : vector<16xi1>, vector<16xf32>
    %eq3A_1477 = arith.constant 1.000000e+00 : f32
    %eq3A_1478 = vector.broadcast %eq3A_1477 : f32 to vector<16xf32>
    %eq3A_1479 = arith.cmpf oeq, %select_n3A_1470, %eq3A_1478 : vector<16xf32>
    %jit3A_1480 = arith.constant -3.000000e+38 : f32
    %broadcast_in_dim3A_1481 = vector.broadcast %jit3A_1480 : f32 to vector<16xf32>
    %select_n3A_1482 = arith.select %eq3A_1479, %broadcast_in_dim3A_1481, %gather3A_1387 : vector<16xi1>, vector<16xf32>
    %eq3A_1483 = arith.constant 2.000000e+00 : f32
    %eq3A_1484 = vector.broadcast %eq3A_1483 : f32 to vector<16xf32>
    %eq3A_1485 = arith.cmpf oeq, %select_n3A_1470, %eq3A_1484 : vector<16xf32>
    %jit3A_1486 = arith.constant -3.000000e+38 : f32
    %broadcast_in_dim3A_1487 = vector.broadcast %jit3A_1486 : f32 to vector<16xf32>
    %select_n3A_1488 = arith.select %eq3A_1485, %broadcast_in_dim3A_1487, %gather3A_1394 : vector<16xi1>, vector<16xf32>
    %eq3A_1489 = arith.constant 3.000000e+00 : f32
    %eq3A_1490 = vector.broadcast %eq3A_1489 : f32 to vector<16xf32>
    %eq3A_1491 = arith.cmpf oeq, %select_n3A_1470, %eq3A_1490 : vector<16xf32>
    %jit3A_1492 = arith.constant -3.000000e+38 : f32
    %broadcast_in_dim3A_1493 = vector.broadcast %jit3A_1492 : f32 to vector<16xf32>
    %select_n3A_1494 = arith.select %eq3A_1491, %broadcast_in_dim3A_1493, %gather3A_1401 : vector<16xi1>, vector<16xf32>
    %eq3A_1495 = arith.constant 4.000000e+00 : f32
    %eq3A_1496 = vector.broadcast %eq3A_1495 : f32 to vector<16xf32>
    %eq3A_1497 = arith.cmpf oeq, %select_n3A_1470, %eq3A_1496 : vector<16xf32>
    %jit3A_1498 = arith.constant -3.000000e+38 : f32
    %broadcast_in_dim3A_1499 = vector.broadcast %jit3A_1498 : f32 to vector<16xf32>
    %select_n3A_1500 = arith.select %eq3A_1497, %broadcast_in_dim3A_1499, %gather3A_1408 : vector<16xi1>, vector<16xf32>
    %eq3A_1501 = arith.constant 5.000000e+00 : f32
    %eq3A_1502 = vector.broadcast %eq3A_1501 : f32 to vector<16xf32>
    %eq3A_1503 = arith.cmpf oeq, %select_n3A_1470, %eq3A_1502 : vector<16xf32>
    %jit3A_1504 = arith.constant -3.000000e+38 : f32
    %broadcast_in_dim3A_1505 = vector.broadcast %jit3A_1504 : f32 to vector<16xf32>
    %select_n3A_1506 = arith.select %eq3A_1503, %broadcast_in_dim3A_1505, %gather3A_1415 : vector<16xi1>, vector<16xf32>
    %eq3A_1507 = arith.constant 6.000000e+00 : f32
    %eq3A_1508 = vector.broadcast %eq3A_1507 : f32 to vector<16xf32>
    %eq3A_1509 = arith.cmpf oeq, %select_n3A_1470, %eq3A_1508 : vector<16xf32>
    %jit3A_1510 = arith.constant -3.000000e+38 : f32
    %broadcast_in_dim3A_1511 = vector.broadcast %jit3A_1510 : f32 to vector<16xf32>
    %select_n3A_1512 = arith.select %eq3A_1509, %broadcast_in_dim3A_1511, %gather3A_1422 : vector<16xi1>, vector<16xf32>
    %eq3A_1513 = arith.constant 7.000000e+00 : f32
    %eq3A_1514 = vector.broadcast %eq3A_1513 : f32 to vector<16xf32>
    %eq3A_1515 = arith.cmpf oeq, %select_n3A_1470, %eq3A_1514 : vector<16xf32>
    %jit3A_1516 = arith.constant -3.000000e+38 : f32
    %broadcast_in_dim3A_1517 = vector.broadcast %jit3A_1516 : f32 to vector<16xf32>
    %select_n3A_1518 = arith.select %eq3A_1515, %broadcast_in_dim3A_1517, %gather3A_1429 : vector<16xi1>, vector<16xf32>
    %max3A_1519 = arith.maximumf %select_n3A_1476, %select_n3A_1482 : vector<16xf32>
    %max3A_1520 = arith.maximumf %max3A_1519, %select_n3A_1488 : vector<16xf32>
    %max3A_1521 = arith.maximumf %max3A_1520, %select_n3A_1494 : vector<16xf32>
    %max3A_1522 = arith.maximumf %max3A_1521, %select_n3A_1500 : vector<16xf32>
    %max3A_1523 = arith.maximumf %max3A_1522, %select_n3A_1506 : vector<16xf32>
    %max3A_1524 = arith.maximumf %max3A_1523, %select_n3A_1512 : vector<16xf32>
    %max3A_1525 = arith.maximumf %max3A_1524, %select_n3A_1518 : vector<16xf32>
    %broadcast_in_dim3A_1526 = arith.constant 8.000000e+00 : f32
    %broadcast_in_dim3A_1527 = vector.broadcast %broadcast_in_dim3A_1526 : f32 to vector<16xf32>
    %eq3A_1528 = arith.cmpf oeq, %select_n3A_1518, %max3A_1525 : vector<16xf32>
    %jit3A_1529 = arith.constant 7.000000e+00 : f32
    %broadcast_in_dim3A_1530 = vector.broadcast %jit3A_1529 : f32 to vector<16xf32>
    %select_n3A_1531 = arith.select %eq3A_1528, %broadcast_in_dim3A_1530, %broadcast_in_dim3A_1527 : vector<16xi1>, vector<16xf32>
    %eq3A_1532 = arith.cmpf oeq, %select_n3A_1512, %max3A_1525 : vector<16xf32>
    %jit3A_1533 = arith.constant 6.000000e+00 : f32
    %broadcast_in_dim3A_1534 = vector.broadcast %jit3A_1533 : f32 to vector<16xf32>
    %select_n3A_1535 = arith.select %eq3A_1532, %broadcast_in_dim3A_1534, %select_n3A_1531 : vector<16xi1>, vector<16xf32>
    %eq3A_1536 = arith.cmpf oeq, %select_n3A_1506, %max3A_1525 : vector<16xf32>
    %jit3A_1537 = arith.constant 5.000000e+00 : f32
    %broadcast_in_dim3A_1538 = vector.broadcast %jit3A_1537 : f32 to vector<16xf32>
    %select_n3A_1539 = arith.select %eq3A_1536, %broadcast_in_dim3A_1538, %select_n3A_1535 : vector<16xi1>, vector<16xf32>
    %eq3A_1540 = arith.cmpf oeq, %select_n3A_1500, %max3A_1525 : vector<16xf32>
    %jit3A_1541 = arith.constant 4.000000e+00 : f32
    %broadcast_in_dim3A_1542 = vector.broadcast %jit3A_1541 : f32 to vector<16xf32>
    %select_n3A_1543 = arith.select %eq3A_1540, %broadcast_in_dim3A_1542, %select_n3A_1539 : vector<16xi1>, vector<16xf32>
    %eq3A_1544 = arith.cmpf oeq, %select_n3A_1494, %max3A_1525 : vector<16xf32>
    %jit3A_1545 = arith.constant 3.000000e+00 : f32
    %broadcast_in_dim3A_1546 = vector.broadcast %jit3A_1545 : f32 to vector<16xf32>
    %select_n3A_1547 = arith.select %eq3A_1544, %broadcast_in_dim3A_1546, %select_n3A_1543 : vector<16xi1>, vector<16xf32>
    %eq3A_1548 = arith.cmpf oeq, %select_n3A_1488, %max3A_1525 : vector<16xf32>
    %jit3A_1549 = arith.constant 2.000000e+00 : f32
    %broadcast_in_dim3A_1550 = vector.broadcast %jit3A_1549 : f32 to vector<16xf32>
    %select_n3A_1551 = arith.select %eq3A_1548, %broadcast_in_dim3A_1550, %select_n3A_1547 : vector<16xi1>, vector<16xf32>
    %eq3A_1552 = arith.cmpf oeq, %select_n3A_1482, %max3A_1525 : vector<16xf32>
    %jit3A_1553 = arith.constant 1.000000e+00 : f32
    %broadcast_in_dim3A_1554 = vector.broadcast %jit3A_1553 : f32 to vector<16xf32>
    %select_n3A_1555 = arith.select %eq3A_1552, %broadcast_in_dim3A_1554, %select_n3A_1551 : vector<16xi1>, vector<16xf32>
    %eq3A_1556 = arith.cmpf oeq, %select_n3A_1476, %max3A_1525 : vector<16xf32>
    %jit3A_1557 = arith.constant 0.000000e+00 : f32
    %broadcast_in_dim3A_1558 = vector.broadcast %jit3A_1557 : f32 to vector<16xf32>
    %select_n3A_1559 = arith.select %eq3A_1556, %broadcast_in_dim3A_1558, %select_n3A_1555 : vector<16xi1>, vector<16xf32>
    %sub3A_1560 = arith.subf %max3A_1525, %max3A_1436 : vector<16xf32>
    %exp3A_1561 = math.exp %sub3A_1560 : vector<16xf32>
    %add3A_1562 = arith.constant 1.000000e+00 : f32
    %add3A_1563 = vector.broadcast %add3A_1562 : f32 to vector<16xf32>
    %add3A_1564 = arith.addf %add3A_1563, %exp3A_1561 : vector<16xf32>
    %div3A_1565 = arith.constant 1.000000e+00 : f32
    %div3A_1566 = vector.broadcast %div3A_1565 : f32 to vector<16xf32>
    %div3A_1567 = arith.divf %div3A_1566, %add3A_1564 : vector<16xf32>
    %sub3A_1568 = arith.constant 1.000000e+00 : f32
    %sub3A_1569 = vector.broadcast %sub3A_1568 : f32 to vector<16xf32>
    %sub3A_1570 = arith.subf %sub3A_1569, %div3A_1567 : vector<16xf32>
    %eq3A_1571 = arith.constant 0.000000e+00 : f32
    %eq3A_1572 = vector.broadcast %eq3A_1571 : f32 to vector<16xf32>
    %eq3A_1573 = arith.cmpf oeq, %select_n3A_1470, %eq3A_1572 : vector<16xf32>
    %jit3A_1574 = arith.constant 0.000000e+00 : f32
    %broadcast_in_dim3A_1575 = vector.broadcast %jit3A_1574 : f32 to vector<16xf32>
    %select_n3A_1576 = arith.select %eq3A_1573, %div3A_1567, %broadcast_in_dim3A_1575 : vector<16xi1>, vector<16xf32>
    %eq3A_1577 = arith.constant 0.000000e+00 : f32
    %eq3A_1578 = vector.broadcast %eq3A_1577 : f32 to vector<16xf32>
    %eq3A_1579 = arith.cmpf oeq, %select_n3A_1559, %eq3A_1578 : vector<16xf32>
    %jit3A_1580 = arith.constant 0.000000e+00 : f32
    %broadcast_in_dim3A_1581 = vector.broadcast %jit3A_1580 : f32 to vector<16xf32>
    %select_n3A_1582 = arith.select %eq3A_1579, %sub3A_1570, %broadcast_in_dim3A_1581 : vector<16xi1>, vector<16xf32>
    %add3A_1583 = arith.addf %select_n3A_1576, %select_n3A_1582 : vector<16xf32>
    %mul3A_1584 = arith.constant 128 : i32
    %mul3A_1585 = vector.broadcast %mul3A_1584 : i32 to vector<16xi32>
    %mul3A_1586 = arith.muli %add3A_1373, %mul3A_1585 : vector<16xi32>
    %add3A_1587 = arith.constant 0 : i32
    %add3A_1588 = vector.broadcast %add3A_1587 : i32 to vector<16xi32>
    %add3A_1589 = arith.addi %mul3A_1586, %add3A_1588 : vector<16xi32>
    tpu.vector_store_idx %arg5[%add3A_1589], %add3A_1583 : memref<8192xf32, #tpu.memory_space<vmem>>[vector<16xi32>], vector<16xf32>,
    %eq3A_1590 = arith.constant 1.000000e+00 : f32
    %eq3A_1591 = vector.broadcast %eq3A_1590 : f32 to vector<16xf32>
    %eq3A_1592 = arith.cmpf oeq, %select_n3A_1470, %eq3A_1591 : vector<16xf32>
    %jit3A_1593 = arith.constant 0.000000e+00 : f32
    %broadcast_in_dim3A_1594 = vector.broadcast %jit3A_1593 : f32 to vector<16xf32>
    %select_n3A_1595 = arith.select %eq3A_1592, %div3A_1567, %broadcast_in_dim3A_1594 : vector<16xi1>, vector<16xf32>
    %eq3A_1596 = arith.constant 1.000000e+00 : f32
    %eq3A_1597 = vector.broadcast %eq3A_1596 : f32 to vector<16xf32>
    %eq3A_1598 = arith.cmpf oeq, %select_n3A_1559, %eq3A_1597 : vector<16xf32>
    %jit3A_1599 = arith.constant 0.000000e+00 : f32
    %broadcast_in_dim3A_1600 = vector.broadcast %jit3A_1599 : f32 to vector<16xf32>
    %select_n3A_1601 = arith.select %eq3A_1598, %sub3A_1570, %broadcast_in_dim3A_1600 : vector<16xi1>, vector<16xf32>
    %add3A_1602 = arith.addf %select_n3A_1595, %select_n3A_1601 : vector<16xf32>
    %mul3A_1603 = arith.constant 128 : i32
    %mul3A_1604 = vector.broadcast %mul3A_1603 : i32 to vector<16xi32>
    %mul3A_1605 = arith.muli %add3A_1373, %mul3A_1604 : vector<16xi32>
    %add3A_1606 = arith.constant 1 : i32
    %add3A_1607 = vector.broadcast %add3A_1606 : i32 to vector<16xi32>
    %add3A_1608 = arith.addi %mul3A_1605, %add3A_1607 : vector<16xi32>
    tpu.vector_store_idx %arg5[%add3A_1608], %add3A_1602 : memref<8192xf32, #tpu.memory_space<vmem>>[vector<16xi32>], vector<16xf32>,
    %eq3A_1609 = arith.constant 2.000000e+00 : f32
    %eq3A_1610 = vector.broadcast %eq3A_1609 : f32 to vector<16xf32>
    %eq3A_1611 = arith.cmpf oeq, %select_n3A_1470, %eq3A_1610 : vector<16xf32>
    %jit3A_1612 = arith.constant 0.000000e+00 : f32
    %broadcast_in_dim3A_1613 = vector.broadcast %jit3A_1612 : f32 to vector<16xf32>
    %select_n3A_1614 = arith.select %eq3A_1611, %div3A_1567, %broadcast_in_dim3A_1613 : vector<16xi1>, vector<16xf32>
    %eq3A_1615 = arith.constant 2.000000e+00 : f32
    %eq3A_1616 = vector.broadcast %eq3A_1615 : f32 to vector<16xf32>
    %eq3A_1617 = arith.cmpf oeq, %select_n3A_1559, %eq3A_1616 : vector<16xf32>
    %jit3A_1618 = arith.constant 0.000000e+00 : f32
    %broadcast_in_dim3A_1619 = vector.broadcast %jit3A_1618 : f32 to vector<16xf32>
    %select_n3A_1620 = arith.select %eq3A_1617, %sub3A_1570, %broadcast_in_dim3A_1619 : vector<16xi1>, vector<16xf32>
    %add3A_1621 = arith.addf %select_n3A_1614, %select_n3A_1620 : vector<16xf32>
    %mul3A_1622 = arith.constant 128 : i32
    %mul3A_1623 = vector.broadcast %mul3A_1622 : i32 to vector<16xi32>
    %mul3A_1624 = arith.muli %add3A_1373, %mul3A_1623 : vector<16xi32>
    %add3A_1625 = arith.constant 2 : i32
    %add3A_1626 = vector.broadcast %add3A_1625 : i32 to vector<16xi32>
    %add3A_1627 = arith.addi %mul3A_1624, %add3A_1626 : vector<16xi32>
    tpu.vector_store_idx %arg5[%add3A_1627], %add3A_1621 : memref<8192xf32, #tpu.memory_space<vmem>>[vector<16xi32>], vector<16xf32>,
    %eq3A_1628 = arith.constant 3.000000e+00 : f32
    %eq3A_1629 = vector.broadcast %eq3A_1628 : f32 to vector<16xf32>
    %eq3A_1630 = arith.cmpf oeq, %select_n3A_1470, %eq3A_1629 : vector<16xf32>
    %jit3A_1631 = arith.constant 0.000000e+00 : f32
    %broadcast_in_dim3A_1632 = vector.broadcast %jit3A_1631 : f32 to vector<16xf32>
    %select_n3A_1633 = arith.select %eq3A_1630, %div3A_1567, %broadcast_in_dim3A_1632 : vector<16xi1>, vector<16xf32>
    %eq3A_1634 = arith.constant 3.000000e+00 : f32
    %eq3A_1635 = vector.broadcast %eq3A_1634 : f32 to vector<16xf32>
    %eq3A_1636 = arith.cmpf oeq, %select_n3A_1559, %eq3A_1635 : vector<16xf32>
    %jit3A_1637 = arith.constant 0.000000e+00 : f32
    %broadcast_in_dim3A_1638 = vector.broadcast %jit3A_1637 : f32 to vector<16xf32>
    %select_n3A_1639 = arith.select %eq3A_1636, %sub3A_1570, %broadcast_in_dim3A_1638 : vector<16xi1>, vector<16xf32>
    %add3A_1640 = arith.addf %select_n3A_1633, %select_n3A_1639 : vector<16xf32>
    %mul3A_1641 = arith.constant 128 : i32
    %mul3A_1642 = vector.broadcast %mul3A_1641 : i32 to vector<16xi32>
    %mul3A_1643 = arith.muli %add3A_1373, %mul3A_1642 : vector<16xi32>
    %add3A_1644 = arith.constant 3 : i32
    %add3A_1645 = vector.broadcast %add3A_1644 : i32 to vector<16xi32>
    %add3A_1646 = arith.addi %mul3A_1643, %add3A_1645 : vector<16xi32>
    tpu.vector_store_idx %arg5[%add3A_1646], %add3A_1640 : memref<8192xf32, #tpu.memory_space<vmem>>[vector<16xi32>], vector<16xf32>,
    %eq3A_1647 = arith.constant 4.000000e+00 : f32
    %eq3A_1648 = vector.broadcast %eq3A_1647 : f32 to vector<16xf32>
    %eq3A_1649 = arith.cmpf oeq, %select_n3A_1470, %eq3A_1648 : vector<16xf32>
    %jit3A_1650 = arith.constant 0.000000e+00 : f32
    %broadcast_in_dim3A_1651 = vector.broadcast %jit3A_1650 : f32 to vector<16xf32>
    %select_n3A_1652 = arith.select %eq3A_1649, %div3A_1567, %broadcast_in_dim3A_1651 : vector<16xi1>, vector<16xf32>
    %eq3A_1653 = arith.constant 4.000000e+00 : f32
    %eq3A_1654 = vector.broadcast %eq3A_1653 : f32 to vector<16xf32>
    %eq3A_1655 = arith.cmpf oeq, %select_n3A_1559, %eq3A_1654 : vector<16xf32>
    %jit3A_1656 = arith.constant 0.000000e+00 : f32
    %broadcast_in_dim3A_1657 = vector.broadcast %jit3A_1656 : f32 to vector<16xf32>
    %select_n3A_1658 = arith.select %eq3A_1655, %sub3A_1570, %broadcast_in_dim3A_1657 : vector<16xi1>, vector<16xf32>
    %add3A_1659 = arith.addf %select_n3A_1652, %select_n3A_1658 : vector<16xf32>
    %mul3A_1660 = arith.constant 128 : i32
    %mul3A_1661 = vector.broadcast %mul3A_1660 : i32 to vector<16xi32>
    %mul3A_1662 = arith.muli %add3A_1373, %mul3A_1661 : vector<16xi32>
    %add3A_1663 = arith.constant 4 : i32
    %add3A_1664 = vector.broadcast %add3A_1663 : i32 to vector<16xi32>
    %add3A_1665 = arith.addi %mul3A_1662, %add3A_1664 : vector<16xi32>
    tpu.vector_store_idx %arg5[%add3A_1665], %add3A_1659 : memref<8192xf32, #tpu.memory_space<vmem>>[vector<16xi32>], vector<16xf32>,
    %eq3A_1666 = arith.constant 5.000000e+00 : f32
    %eq3A_1667 = vector.broadcast %eq3A_1666 : f32 to vector<16xf32>
    %eq3A_1668 = arith.cmpf oeq, %select_n3A_1470, %eq3A_1667 : vector<16xf32>
    %jit3A_1669 = arith.constant 0.000000e+00 : f32
    %broadcast_in_dim3A_1670 = vector.broadcast %jit3A_1669 : f32 to vector<16xf32>
    %select_n3A_1671 = arith.select %eq3A_1668, %div3A_1567, %broadcast_in_dim3A_1670 : vector<16xi1>, vector<16xf32>
    %eq3A_1672 = arith.constant 5.000000e+00 : f32
    %eq3A_1673 = vector.broadcast %eq3A_1672 : f32 to vector<16xf32>
    %eq3A_1674 = arith.cmpf oeq, %select_n3A_1559, %eq3A_1673 : vector<16xf32>
    %jit3A_1675 = arith.constant 0.000000e+00 : f32
    %broadcast_in_dim3A_1676 = vector.broadcast %jit3A_1675 : f32 to vector<16xf32>
    %select_n3A_1677 = arith.select %eq3A_1674, %sub3A_1570, %broadcast_in_dim3A_1676 : vector<16xi1>, vector<16xf32>
    %add3A_1678 = arith.addf %select_n3A_1671, %select_n3A_1677 : vector<16xf32>
    %mul3A_1679 = arith.constant 128 : i32
    %mul3A_1680 = vector.broadcast %mul3A_1679 : i32 to vector<16xi32>
    %mul3A_1681 = arith.muli %add3A_1373, %mul3A_1680 : vector<16xi32>
    %add3A_1682 = arith.constant 5 : i32
    %add3A_1683 = vector.broadcast %add3A_1682 : i32 to vector<16xi32>
    %add3A_1684 = arith.addi %mul3A_1681, %add3A_1683 : vector<16xi32>
    tpu.vector_store_idx %arg5[%add3A_1684], %add3A_1678 : memref<8192xf32, #tpu.memory_space<vmem>>[vector<16xi32>], vector<16xf32>,
    %eq3A_1685 = arith.constant 6.000000e+00 : f32
    %eq3A_1686 = vector.broadcast %eq3A_1685 : f32 to vector<16xf32>
    %eq3A_1687 = arith.cmpf oeq, %select_n3A_1470, %eq3A_1686 : vector<16xf32>
    %jit3A_1688 = arith.constant 0.000000e+00 : f32
    %broadcast_in_dim3A_1689 = vector.broadcast %jit3A_1688 : f32 to vector<16xf32>
    %select_n3A_1690 = arith.select %eq3A_1687, %div3A_1567, %broadcast_in_dim3A_1689 : vector<16xi1>, vector<16xf32>
    %eq3A_1691 = arith.constant 6.000000e+00 : f32
    %eq3A_1692 = vector.broadcast %eq3A_1691 : f32 to vector<16xf32>
    %eq3A_1693 = arith.cmpf oeq, %select_n3A_1559, %eq3A_1692 : vector<16xf32>
    %jit3A_1694 = arith.constant 0.000000e+00 : f32
    %broadcast_in_dim3A_1695 = vector.broadcast %jit3A_1694 : f32 to vector<16xf32>
    %select_n3A_1696 = arith.select %eq3A_1693, %sub3A_1570, %broadcast_in_dim3A_1695 : vector<16xi1>, vector<16xf32>
    %add3A_1697 = arith.addf %select_n3A_1690, %select_n3A_1696 : vector<16xf32>
    %mul3A_1698 = arith.constant 128 : i32
    %mul3A_1699 = vector.broadcast %mul3A_1698 : i32 to vector<16xi32>
    %mul3A_1700 = arith.muli %add3A_1373, %mul3A_1699 : vector<16xi32>
    %add3A_1701 = arith.constant 6 : i32
    %add3A_1702 = vector.broadcast %add3A_1701 : i32 to vector<16xi32>
    %add3A_1703 = arith.addi %mul3A_1700, %add3A_1702 : vector<16xi32>
    tpu.vector_store_idx %arg5[%add3A_1703], %add3A_1697 : memref<8192xf32, #tpu.memory_space<vmem>>[vector<16xi32>], vector<16xf32>,
    %eq3A_1704 = arith.constant 7.000000e+00 : f32
    %eq3A_1705 = vector.broadcast %eq3A_1704 : f32 to vector<16xf32>
    %eq3A_1706 = arith.cmpf oeq, %select_n3A_1470, %eq3A_1705 : vector<16xf32>
    %jit3A_1707 = arith.constant 0.000000e+00 : f32
    %broadcast_in_dim3A_1708 = vector.broadcast %jit3A_1707 : f32 to vector<16xf32>
    %select_n3A_1709 = arith.select %eq3A_1706, %div3A_1567, %broadcast_in_dim3A_1708 : vector<16xi1>, vector<16xf32>
    %eq3A_1710 = arith.constant 7.000000e+00 : f32
    %eq3A_1711 = vector.broadcast %eq3A_1710 : f32 to vector<16xf32>
    %eq3A_1712 = arith.cmpf oeq, %select_n3A_1559, %eq3A_1711 : vector<16xf32>
    %jit3A_1713 = arith.constant 0.000000e+00 : f32
    %broadcast_in_dim3A_1714 = vector.broadcast %jit3A_1713 : f32 to vector<16xf32>
    %select_n3A_1715 = arith.select %eq3A_1712, %sub3A_1570, %broadcast_in_dim3A_1714 : vector<16xi1>, vector<16xf32>
    %add3A_1716 = arith.addf %select_n3A_1709, %select_n3A_1715 : vector<16xf32>
    %mul3A_1717 = arith.constant 128 : i32
    %mul3A_1718 = vector.broadcast %mul3A_1717 : i32 to vector<16xi32>
    %mul3A_1719 = arith.muli %add3A_1373, %mul3A_1718 : vector<16xi32>
    %add3A_1720 = arith.constant 7 : i32
    %add3A_1721 = vector.broadcast %add3A_1720 : i32 to vector<16xi32>
    %add3A_1722 = arith.addi %mul3A_1719, %add3A_1721 : vector<16xi32>
    tpu.vector_store_idx %arg5[%add3A_1722], %add3A_1716 : memref<8192xf32, #tpu.memory_space<vmem>>[vector<16xi32>], vector<16xf32>,
    %add3A_1723 = arith.constant 32 : i32
    %add3A_1724 = vector.broadcast %add3A_1723 : i32 to vector<16xi32>
    %add3A_1725 = arith.addi %iota3A, %add3A_1724 : vector<16xi32>
    %mul3A_1726 = arith.constant 128 : i32
    %mul3A_1727 = vector.broadcast %mul3A_1726 : i32 to vector<16xi32>
    %mul3A_1728 = arith.muli %add3A_1725, %mul3A_1727 : vector<16xi32>
    %add3A_1729 = arith.constant 0 : i32
    %add3A_1730 = vector.broadcast %add3A_1729 : i32 to vector<16xi32>
    %add3A_1731 = arith.addi %mul3A_1728, %add3A_1730 : vector<16xi32>
    %gather3A_1732 = tpu.vector_load_idx %arg4[%add3A_1731] : memref<8192xf32, #tpu.memory_space<vmem>>[vector<16xi32>], vector<16xf32>,
    %mul3A_1733 = arith.constant 128 : i32
    %mul3A_1734 = vector.broadcast %mul3A_1733 : i32 to vector<16xi32>
    %mul3A_1735 = arith.muli %add3A_1725, %mul3A_1734 : vector<16xi32>
    %add3A_1736 = arith.constant 1 : i32
    %add3A_1737 = vector.broadcast %add3A_1736 : i32 to vector<16xi32>
    %add3A_1738 = arith.addi %mul3A_1735, %add3A_1737 : vector<16xi32>
    %gather3A_1739 = tpu.vector_load_idx %arg4[%add3A_1738] : memref<8192xf32, #tpu.memory_space<vmem>>[vector<16xi32>], vector<16xf32>,
    %mul3A_1740 = arith.constant 128 : i32
    %mul3A_1741 = vector.broadcast %mul3A_1740 : i32 to vector<16xi32>
    %mul3A_1742 = arith.muli %add3A_1725, %mul3A_1741 : vector<16xi32>
    %add3A_1743 = arith.constant 2 : i32
    %add3A_1744 = vector.broadcast %add3A_1743 : i32 to vector<16xi32>
    %add3A_1745 = arith.addi %mul3A_1742, %add3A_1744 : vector<16xi32>
    %gather3A_1746 = tpu.vector_load_idx %arg4[%add3A_1745] : memref<8192xf32, #tpu.memory_space<vmem>>[vector<16xi32>], vector<16xf32>,
    %mul3A_1747 = arith.constant 128 : i32
    %mul3A_1748 = vector.broadcast %mul3A_1747 : i32 to vector<16xi32>
    %mul3A_1749 = arith.muli %add3A_1725, %mul3A_1748 : vector<16xi32>
    %add3A_1750 = arith.constant 3 : i32
    %add3A_1751 = vector.broadcast %add3A_1750 : i32 to vector<16xi32>
    %add3A_1752 = arith.addi %mul3A_1749, %add3A_1751 : vector<16xi32>
    %gather3A_1753 = tpu.vector_load_idx %arg4[%add3A_1752] : memref<8192xf32, #tpu.memory_space<vmem>>[vector<16xi32>], vector<16xf32>,
    %mul3A_1754 = arith.constant 128 : i32
    %mul3A_1755 = vector.broadcast %mul3A_1754 : i32 to vector<16xi32>
    %mul3A_1756 = arith.muli %add3A_1725, %mul3A_1755 : vector<16xi32>
    %add3A_1757 = arith.constant 4 : i32
    %add3A_1758 = vector.broadcast %add3A_1757 : i32 to vector<16xi32>
    %add3A_1759 = arith.addi %mul3A_1756, %add3A_1758 : vector<16xi32>
    %gather3A_1760 = tpu.vector_load_idx %arg4[%add3A_1759] : memref<8192xf32, #tpu.memory_space<vmem>>[vector<16xi32>], vector<16xf32>,
    %mul3A_1761 = arith.constant 128 : i32
    %mul3A_1762 = vector.broadcast %mul3A_1761 : i32 to vector<16xi32>
    %mul3A_1763 = arith.muli %add3A_1725, %mul3A_1762 : vector<16xi32>
    %add3A_1764 = arith.constant 5 : i32
    %add3A_1765 = vector.broadcast %add3A_1764 : i32 to vector<16xi32>
    %add3A_1766 = arith.addi %mul3A_1763, %add3A_1765 : vector<16xi32>
    %gather3A_1767 = tpu.vector_load_idx %arg4[%add3A_1766] : memref<8192xf32, #tpu.memory_space<vmem>>[vector<16xi32>], vector<16xf32>,
    %mul3A_1768 = arith.constant 128 : i32
    %mul3A_1769 = vector.broadcast %mul3A_1768 : i32 to vector<16xi32>
    %mul3A_1770 = arith.muli %add3A_1725, %mul3A_1769 : vector<16xi32>
    %add3A_1771 = arith.constant 6 : i32
    %add3A_1772 = vector.broadcast %add3A_1771 : i32 to vector<16xi32>
    %add3A_1773 = arith.addi %mul3A_1770, %add3A_1772 : vector<16xi32>
    %gather3A_1774 = tpu.vector_load_idx %arg4[%add3A_1773] : memref<8192xf32, #tpu.memory_space<vmem>>[vector<16xi32>], vector<16xf32>,
    %mul3A_1775 = arith.constant 128 : i32
    %mul3A_1776 = vector.broadcast %mul3A_1775 : i32 to vector<16xi32>
    %mul3A_1777 = arith.muli %add3A_1725, %mul3A_1776 : vector<16xi32>
    %add3A_1778 = arith.constant 7 : i32
    %add3A_1779 = vector.broadcast %add3A_1778 : i32 to vector<16xi32>
    %add3A_1780 = arith.addi %mul3A_1777, %add3A_1779 : vector<16xi32>
    %gather3A_1781 = tpu.vector_load_idx %arg4[%add3A_1780] : memref<8192xf32, #tpu.memory_space<vmem>>[vector<16xi32>], vector<16xf32>,
    %max3A_1782 = arith.maximumf %gather3A_1732, %gather3A_1739 : vector<16xf32>
    %max3A_1783 = arith.maximumf %max3A_1782, %gather3A_1746 : vector<16xf32>
    %max3A_1784 = arith.maximumf %max3A_1783, %gather3A_1753 : vector<16xf32>
    %max3A_1785 = arith.maximumf %max3A_1784, %gather3A_1760 : vector<16xf32>
    %max3A_1786 = arith.maximumf %max3A_1785, %gather3A_1767 : vector<16xf32>
    %max3A_1787 = arith.maximumf %max3A_1786, %gather3A_1774 : vector<16xf32>
    %max3A_1788 = arith.maximumf %max3A_1787, %gather3A_1781 : vector<16xf32>
    %broadcast_in_dim3A_1789 = arith.constant 8.000000e+00 : f32
    %broadcast_in_dim3A_1790 = vector.broadcast %broadcast_in_dim3A_1789 : f32 to vector<16xf32>
    %eq3A_1791 = arith.cmpf oeq, %gather3A_1781, %max3A_1788 : vector<16xf32>
    %jit3A_1792 = arith.constant 7.000000e+00 : f32
    %broadcast_in_dim3A_1793 = vector.broadcast %jit3A_1792 : f32 to vector<16xf32>
    %select_n3A_1794 = arith.select %eq3A_1791, %broadcast_in_dim3A_1793, %broadcast_in_dim3A_1790 : vector<16xi1>, vector<16xf32>
    %eq3A_1795 = arith.cmpf oeq, %gather3A_1774, %max3A_1788 : vector<16xf32>
    %jit3A_1796 = arith.constant 6.000000e+00 : f32
    %broadcast_in_dim3A_1797 = vector.broadcast %jit3A_1796 : f32 to vector<16xf32>
    %select_n3A_1798 = arith.select %eq3A_1795, %broadcast_in_dim3A_1797, %select_n3A_1794 : vector<16xi1>, vector<16xf32>
    %eq3A_1799 = arith.cmpf oeq, %gather3A_1767, %max3A_1788 : vector<16xf32>
    %jit3A_1800 = arith.constant 5.000000e+00 : f32
    %broadcast_in_dim3A_1801 = vector.broadcast %jit3A_1800 : f32 to vector<16xf32>
    %select_n3A_1802 = arith.select %eq3A_1799, %broadcast_in_dim3A_1801, %select_n3A_1798 : vector<16xi1>, vector<16xf32>
    %eq3A_1803 = arith.cmpf oeq, %gather3A_1760, %max3A_1788 : vector<16xf32>
    %jit3A_1804 = arith.constant 4.000000e+00 : f32
    %broadcast_in_dim3A_1805 = vector.broadcast %jit3A_1804 : f32 to vector<16xf32>
    %select_n3A_1806 = arith.select %eq3A_1803, %broadcast_in_dim3A_1805, %select_n3A_1802 : vector<16xi1>, vector<16xf32>
    %eq3A_1807 = arith.cmpf oeq, %gather3A_1753, %max3A_1788 : vector<16xf32>
    %jit3A_1808 = arith.constant 3.000000e+00 : f32
    %broadcast_in_dim3A_1809 = vector.broadcast %jit3A_1808 : f32 to vector<16xf32>
    %select_n3A_1810 = arith.select %eq3A_1807, %broadcast_in_dim3A_1809, %select_n3A_1806 : vector<16xi1>, vector<16xf32>
    %eq3A_1811 = arith.cmpf oeq, %gather3A_1746, %max3A_1788 : vector<16xf32>
    %jit3A_1812 = arith.constant 2.000000e+00 : f32
    %broadcast_in_dim3A_1813 = vector.broadcast %jit3A_1812 : f32 to vector<16xf32>
    %select_n3A_1814 = arith.select %eq3A_1811, %broadcast_in_dim3A_1813, %select_n3A_1810 : vector<16xi1>, vector<16xf32>
    %eq3A_1815 = arith.cmpf oeq, %gather3A_1739, %max3A_1788 : vector<16xf32>
    %jit3A_1816 = arith.constant 1.000000e+00 : f32
    %broadcast_in_dim3A_1817 = vector.broadcast %jit3A_1816 : f32 to vector<16xf32>
    %select_n3A_1818 = arith.select %eq3A_1815, %broadcast_in_dim3A_1817, %select_n3A_1814 : vector<16xi1>, vector<16xf32>
    %eq3A_1819 = arith.cmpf oeq, %gather3A_1732, %max3A_1788 : vector<16xf32>
    %jit3A_1820 = arith.constant 0.000000e+00 : f32
    %broadcast_in_dim3A_1821 = vector.broadcast %jit3A_1820 : f32 to vector<16xf32>
    %select_n3A_1822 = arith.select %eq3A_1819, %broadcast_in_dim3A_1821, %select_n3A_1818 : vector<16xi1>, vector<16xf32>
    %eq3A_1823 = arith.constant 0.000000e+00 : f32
    %eq3A_1824 = vector.broadcast %eq3A_1823 : f32 to vector<16xf32>
    %eq3A_1825 = arith.cmpf oeq, %select_n3A_1822, %eq3A_1824 : vector<16xf32>
    %jit3A_1826 = arith.constant -3.000000e+38 : f32
    %broadcast_in_dim3A_1827 = vector.broadcast %jit3A_1826 : f32 to vector<16xf32>
    %select_n3A_1828 = arith.select %eq3A_1825, %broadcast_in_dim3A_1827, %gather3A_1732 : vector<16xi1>, vector<16xf32>
    %eq3A_1829 = arith.constant 1.000000e+00 : f32
    %eq3A_1830 = vector.broadcast %eq3A_1829 : f32 to vector<16xf32>
    %eq3A_1831 = arith.cmpf oeq, %select_n3A_1822, %eq3A_1830 : vector<16xf32>
    %jit3A_1832 = arith.constant -3.000000e+38 : f32
    %broadcast_in_dim3A_1833 = vector.broadcast %jit3A_1832 : f32 to vector<16xf32>
    %select_n3A_1834 = arith.select %eq3A_1831, %broadcast_in_dim3A_1833, %gather3A_1739 : vector<16xi1>, vector<16xf32>
    %eq3A_1835 = arith.constant 2.000000e+00 : f32
    %eq3A_1836 = vector.broadcast %eq3A_1835 : f32 to vector<16xf32>
    %eq3A_1837 = arith.cmpf oeq, %select_n3A_1822, %eq3A_1836 : vector<16xf32>
    %jit3A_1838 = arith.constant -3.000000e+38 : f32
    %broadcast_in_dim3A_1839 = vector.broadcast %jit3A_1838 : f32 to vector<16xf32>
    %select_n3A_1840 = arith.select %eq3A_1837, %broadcast_in_dim3A_1839, %gather3A_1746 : vector<16xi1>, vector<16xf32>
    %eq3A_1841 = arith.constant 3.000000e+00 : f32
    %eq3A_1842 = vector.broadcast %eq3A_1841 : f32 to vector<16xf32>
    %eq3A_1843 = arith.cmpf oeq, %select_n3A_1822, %eq3A_1842 : vector<16xf32>
    %jit3A_1844 = arith.constant -3.000000e+38 : f32
    %broadcast_in_dim3A_1845 = vector.broadcast %jit3A_1844 : f32 to vector<16xf32>
    %select_n3A_1846 = arith.select %eq3A_1843, %broadcast_in_dim3A_1845, %gather3A_1753 : vector<16xi1>, vector<16xf32>
    %eq3A_1847 = arith.constant 4.000000e+00 : f32
    %eq3A_1848 = vector.broadcast %eq3A_1847 : f32 to vector<16xf32>
    %eq3A_1849 = arith.cmpf oeq, %select_n3A_1822, %eq3A_1848 : vector<16xf32>
    %jit3A_1850 = arith.constant -3.000000e+38 : f32
    %broadcast_in_dim3A_1851 = vector.broadcast %jit3A_1850 : f32 to vector<16xf32>
    %select_n3A_1852 = arith.select %eq3A_1849, %broadcast_in_dim3A_1851, %gather3A_1760 : vector<16xi1>, vector<16xf32>
    %eq3A_1853 = arith.constant 5.000000e+00 : f32
    %eq3A_1854 = vector.broadcast %eq3A_1853 : f32 to vector<16xf32>
    %eq3A_1855 = arith.cmpf oeq, %select_n3A_1822, %eq3A_1854 : vector<16xf32>
    %jit3A_1856 = arith.constant -3.000000e+38 : f32
    %broadcast_in_dim3A_1857 = vector.broadcast %jit3A_1856 : f32 to vector<16xf32>
    %select_n3A_1858 = arith.select %eq3A_1855, %broadcast_in_dim3A_1857, %gather3A_1767 : vector<16xi1>, vector<16xf32>
    %eq3A_1859 = arith.constant 6.000000e+00 : f32
    %eq3A_1860 = vector.broadcast %eq3A_1859 : f32 to vector<16xf32>
    %eq3A_1861 = arith.cmpf oeq, %select_n3A_1822, %eq3A_1860 : vector<16xf32>
    %jit3A_1862 = arith.constant -3.000000e+38 : f32
    %broadcast_in_dim3A_1863 = vector.broadcast %jit3A_1862 : f32 to vector<16xf32>
    %select_n3A_1864 = arith.select %eq3A_1861, %broadcast_in_dim3A_1863, %gather3A_1774 : vector<16xi1>, vector<16xf32>
    %eq3A_1865 = arith.constant 7.000000e+00 : f32
    %eq3A_1866 = vector.broadcast %eq3A_1865 : f32 to vector<16xf32>
    %eq3A_1867 = arith.cmpf oeq, %select_n3A_1822, %eq3A_1866 : vector<16xf32>
    %jit3A_1868 = arith.constant -3.000000e+38 : f32
    %broadcast_in_dim3A_1869 = vector.broadcast %jit3A_1868 : f32 to vector<16xf32>
    %select_n3A_1870 = arith.select %eq3A_1867, %broadcast_in_dim3A_1869, %gather3A_1781 : vector<16xi1>, vector<16xf32>
    %max3A_1871 = arith.maximumf %select_n3A_1828, %select_n3A_1834 : vector<16xf32>
    %max3A_1872 = arith.maximumf %max3A_1871, %select_n3A_1840 : vector<16xf32>
    %max3A_1873 = arith.maximumf %max3A_1872, %select_n3A_1846 : vector<16xf32>
    %max3A_1874 = arith.maximumf %max3A_1873, %select_n3A_1852 : vector<16xf32>
    %max3A_1875 = arith.maximumf %max3A_1874, %select_n3A_1858 : vector<16xf32>
    %max3A_1876 = arith.maximumf %max3A_1875, %select_n3A_1864 : vector<16xf32>
    %max3A_1877 = arith.maximumf %max3A_1876, %select_n3A_1870 : vector<16xf32>
    %broadcast_in_dim3A_1878 = arith.constant 8.000000e+00 : f32
    %broadcast_in_dim3A_1879 = vector.broadcast %broadcast_in_dim3A_1878 : f32 to vector<16xf32>
    %eq3A_1880 = arith.cmpf oeq, %select_n3A_1870, %max3A_1877 : vector<16xf32>
    %jit3A_1881 = arith.constant 7.000000e+00 : f32
    %broadcast_in_dim3A_1882 = vector.broadcast %jit3A_1881 : f32 to vector<16xf32>
    %select_n3A_1883 = arith.select %eq3A_1880, %broadcast_in_dim3A_1882, %broadcast_in_dim3A_1879 : vector<16xi1>, vector<16xf32>
    %eq3A_1884 = arith.cmpf oeq, %select_n3A_1864, %max3A_1877 : vector<16xf32>
    %jit3A_1885 = arith.constant 6.000000e+00 : f32
    %broadcast_in_dim3A_1886 = vector.broadcast %jit3A_1885 : f32 to vector<16xf32>
    %select_n3A_1887 = arith.select %eq3A_1884, %broadcast_in_dim3A_1886, %select_n3A_1883 : vector<16xi1>, vector<16xf32>
    %eq3A_1888 = arith.cmpf oeq, %select_n3A_1858, %max3A_1877 : vector<16xf32>
    %jit3A_1889 = arith.constant 5.000000e+00 : f32
    %broadcast_in_dim3A_1890 = vector.broadcast %jit3A_1889 : f32 to vector<16xf32>
    %select_n3A_1891 = arith.select %eq3A_1888, %broadcast_in_dim3A_1890, %select_n3A_1887 : vector<16xi1>, vector<16xf32>
    %eq3A_1892 = arith.cmpf oeq, %select_n3A_1852, %max3A_1877 : vector<16xf32>
    %jit3A_1893 = arith.constant 4.000000e+00 : f32
    %broadcast_in_dim3A_1894 = vector.broadcast %jit3A_1893 : f32 to vector<16xf32>
    %select_n3A_1895 = arith.select %eq3A_1892, %broadcast_in_dim3A_1894, %select_n3A_1891 : vector<16xi1>, vector<16xf32>
    %eq3A_1896 = arith.cmpf oeq, %select_n3A_1846, %max3A_1877 : vector<16xf32>
    %jit3A_1897 = arith.constant 3.000000e+00 : f32
    %broadcast_in_dim3A_1898 = vector.broadcast %jit3A_1897 : f32 to vector<16xf32>
    %select_n3A_1899 = arith.select %eq3A_1896, %broadcast_in_dim3A_1898, %select_n3A_1895 : vector<16xi1>, vector<16xf32>
    %eq3A_1900 = arith.cmpf oeq, %select_n3A_1840, %max3A_1877 : vector<16xf32>
    %jit3A_1901 = arith.constant 2.000000e+00 : f32
    %broadcast_in_dim3A_1902 = vector.broadcast %jit3A_1901 : f32 to vector<16xf32>
    %select_n3A_1903 = arith.select %eq3A_1900, %broadcast_in_dim3A_1902, %select_n3A_1899 : vector<16xi1>, vector<16xf32>
    %eq3A_1904 = arith.cmpf oeq, %select_n3A_1834, %max3A_1877 : vector<16xf32>
    %jit3A_1905 = arith.constant 1.000000e+00 : f32
    %broadcast_in_dim3A_1906 = vector.broadcast %jit3A_1905 : f32 to vector<16xf32>
    %select_n3A_1907 = arith.select %eq3A_1904, %broadcast_in_dim3A_1906, %select_n3A_1903 : vector<16xi1>, vector<16xf32>
    %eq3A_1908 = arith.cmpf oeq, %select_n3A_1828, %max3A_1877 : vector<16xf32>
    %jit3A_1909 = arith.constant 0.000000e+00 : f32
    %broadcast_in_dim3A_1910 = vector.broadcast %jit3A_1909 : f32 to vector<16xf32>
    %select_n3A_1911 = arith.select %eq3A_1908, %broadcast_in_dim3A_1910, %select_n3A_1907 : vector<16xi1>, vector<16xf32>
    %sub3A_1912 = arith.subf %max3A_1877, %max3A_1788 : vector<16xf32>
    %exp3A_1913 = math.exp %sub3A_1912 : vector<16xf32>
    %add3A_1914 = arith.constant 1.000000e+00 : f32
    %add3A_1915 = vector.broadcast %add3A_1914 : f32 to vector<16xf32>
    %add3A_1916 = arith.addf %add3A_1915, %exp3A_1913 : vector<16xf32>
    %div3A_1917 = arith.constant 1.000000e+00 : f32
    %div3A_1918 = vector.broadcast %div3A_1917 : f32 to vector<16xf32>
    %div3A_1919 = arith.divf %div3A_1918, %add3A_1916 : vector<16xf32>
    %sub3A_1920 = arith.constant 1.000000e+00 : f32
    %sub3A_1921 = vector.broadcast %sub3A_1920 : f32 to vector<16xf32>
    %sub3A_1922 = arith.subf %sub3A_1921, %div3A_1919 : vector<16xf32>
    %eq3A_1923 = arith.constant 0.000000e+00 : f32
    %eq3A_1924 = vector.broadcast %eq3A_1923 : f32 to vector<16xf32>
    %eq3A_1925 = arith.cmpf oeq, %select_n3A_1822, %eq3A_1924 : vector<16xf32>
    %jit3A_1926 = arith.constant 0.000000e+00 : f32
    %broadcast_in_dim3A_1927 = vector.broadcast %jit3A_1926 : f32 to vector<16xf32>
    %select_n3A_1928 = arith.select %eq3A_1925, %div3A_1919, %broadcast_in_dim3A_1927 : vector<16xi1>, vector<16xf32>
    %eq3A_1929 = arith.constant 0.000000e+00 : f32
    %eq3A_1930 = vector.broadcast %eq3A_1929 : f32 to vector<16xf32>
    %eq3A_1931 = arith.cmpf oeq, %select_n3A_1911, %eq3A_1930 : vector<16xf32>
    %jit3A_1932 = arith.constant 0.000000e+00 : f32
    %broadcast_in_dim3A_1933 = vector.broadcast %jit3A_1932 : f32 to vector<16xf32>
    %select_n3A_1934 = arith.select %eq3A_1931, %sub3A_1922, %broadcast_in_dim3A_1933 : vector<16xi1>, vector<16xf32>
    %add3A_1935 = arith.addf %select_n3A_1928, %select_n3A_1934 : vector<16xf32>
    %mul3A_1936 = arith.constant 128 : i32
    %mul3A_1937 = vector.broadcast %mul3A_1936 : i32 to vector<16xi32>
    %mul3A_1938 = arith.muli %add3A_1725, %mul3A_1937 : vector<16xi32>
    %add3A_1939 = arith.constant 0 : i32
    %add3A_1940 = vector.broadcast %add3A_1939 : i32 to vector<16xi32>
    %add3A_1941 = arith.addi %mul3A_1938, %add3A_1940 : vector<16xi32>
    tpu.vector_store_idx %arg5[%add3A_1941], %add3A_1935 : memref<8192xf32, #tpu.memory_space<vmem>>[vector<16xi32>], vector<16xf32>,
    %eq3A_1942 = arith.constant 1.000000e+00 : f32
    %eq3A_1943 = vector.broadcast %eq3A_1942 : f32 to vector<16xf32>
    %eq3A_1944 = arith.cmpf oeq, %select_n3A_1822, %eq3A_1943 : vector<16xf32>
    %jit3A_1945 = arith.constant 0.000000e+00 : f32
    %broadcast_in_dim3A_1946 = vector.broadcast %jit3A_1945 : f32 to vector<16xf32>
    %select_n3A_1947 = arith.select %eq3A_1944, %div3A_1919, %broadcast_in_dim3A_1946 : vector<16xi1>, vector<16xf32>
    %eq3A_1948 = arith.constant 1.000000e+00 : f32
    %eq3A_1949 = vector.broadcast %eq3A_1948 : f32 to vector<16xf32>
    %eq3A_1950 = arith.cmpf oeq, %select_n3A_1911, %eq3A_1949 : vector<16xf32>
    %jit3A_1951 = arith.constant 0.000000e+00 : f32
    %broadcast_in_dim3A_1952 = vector.broadcast %jit3A_1951 : f32 to vector<16xf32>
    %select_n3A_1953 = arith.select %eq3A_1950, %sub3A_1922, %broadcast_in_dim3A_1952 : vector<16xi1>, vector<16xf32>
    %add3A_1954 = arith.addf %select_n3A_1947, %select_n3A_1953 : vector<16xf32>
    %mul3A_1955 = arith.constant 128 : i32
    %mul3A_1956 = vector.broadcast %mul3A_1955 : i32 to vector<16xi32>
    %mul3A_1957 = arith.muli %add3A_1725, %mul3A_1956 : vector<16xi32>
    %add3A_1958 = arith.constant 1 : i32
    %add3A_1959 = vector.broadcast %add3A_1958 : i32 to vector<16xi32>
    %add3A_1960 = arith.addi %mul3A_1957, %add3A_1959 : vector<16xi32>
    tpu.vector_store_idx %arg5[%add3A_1960], %add3A_1954 : memref<8192xf32, #tpu.memory_space<vmem>>[vector<16xi32>], vector<16xf32>,
    %eq3A_1961 = arith.constant 2.000000e+00 : f32
    %eq3A_1962 = vector.broadcast %eq3A_1961 : f32 to vector<16xf32>
    %eq3A_1963 = arith.cmpf oeq, %select_n3A_1822, %eq3A_1962 : vector<16xf32>
    %jit3A_1964 = arith.constant 0.000000e+00 : f32
    %broadcast_in_dim3A_1965 = vector.broadcast %jit3A_1964 : f32 to vector<16xf32>
    %select_n3A_1966 = arith.select %eq3A_1963, %div3A_1919, %broadcast_in_dim3A_1965 : vector<16xi1>, vector<16xf32>
    %eq3A_1967 = arith.constant 2.000000e+00 : f32
    %eq3A_1968 = vector.broadcast %eq3A_1967 : f32 to vector<16xf32>
    %eq3A_1969 = arith.cmpf oeq, %select_n3A_1911, %eq3A_1968 : vector<16xf32>
    %jit3A_1970 = arith.constant 0.000000e+00 : f32
    %broadcast_in_dim3A_1971 = vector.broadcast %jit3A_1970 : f32 to vector<16xf32>
    %select_n3A_1972 = arith.select %eq3A_1969, %sub3A_1922, %broadcast_in_dim3A_1971 : vector<16xi1>, vector<16xf32>
    %add3A_1973 = arith.addf %select_n3A_1966, %select_n3A_1972 : vector<16xf32>
    %mul3A_1974 = arith.constant 128 : i32
    %mul3A_1975 = vector.broadcast %mul3A_1974 : i32 to vector<16xi32>
    %mul3A_1976 = arith.muli %add3A_1725, %mul3A_1975 : vector<16xi32>
    %add3A_1977 = arith.constant 2 : i32
    %add3A_1978 = vector.broadcast %add3A_1977 : i32 to vector<16xi32>
    %add3A_1979 = arith.addi %mul3A_1976, %add3A_1978 : vector<16xi32>
    tpu.vector_store_idx %arg5[%add3A_1979], %add3A_1973 : memref<8192xf32, #tpu.memory_space<vmem>>[vector<16xi32>], vector<16xf32>,
    %eq3A_1980 = arith.constant 3.000000e+00 : f32
    %eq3A_1981 = vector.broadcast %eq3A_1980 : f32 to vector<16xf32>
    %eq3A_1982 = arith.cmpf oeq, %select_n3A_1822, %eq3A_1981 : vector<16xf32>
    %jit3A_1983 = arith.constant 0.000000e+00 : f32
    %broadcast_in_dim3A_1984 = vector.broadcast %jit3A_1983 : f32 to vector<16xf32>
    %select_n3A_1985 = arith.select %eq3A_1982, %div3A_1919, %broadcast_in_dim3A_1984 : vector<16xi1>, vector<16xf32>
    %eq3A_1986 = arith.constant 3.000000e+00 : f32
    %eq3A_1987 = vector.broadcast %eq3A_1986 : f32 to vector<16xf32>
    %eq3A_1988 = arith.cmpf oeq, %select_n3A_1911, %eq3A_1987 : vector<16xf32>
    %jit3A_1989 = arith.constant 0.000000e+00 : f32
    %broadcast_in_dim3A_1990 = vector.broadcast %jit3A_1989 : f32 to vector<16xf32>
    %select_n3A_1991 = arith.select %eq3A_1988, %sub3A_1922, %broadcast_in_dim3A_1990 : vector<16xi1>, vector<16xf32>
    %add3A_1992 = arith.addf %select_n3A_1985, %select_n3A_1991 : vector<16xf32>
    %mul3A_1993 = arith.constant 128 : i32
    %mul3A_1994 = vector.broadcast %mul3A_1993 : i32 to vector<16xi32>
    %mul3A_1995 = arith.muli %add3A_1725, %mul3A_1994 : vector<16xi32>
    %add3A_1996 = arith.constant 3 : i32
    %add3A_1997 = vector.broadcast %add3A_1996 : i32 to vector<16xi32>
    %add3A_1998 = arith.addi %mul3A_1995, %add3A_1997 : vector<16xi32>
    tpu.vector_store_idx %arg5[%add3A_1998], %add3A_1992 : memref<8192xf32, #tpu.memory_space<vmem>>[vector<16xi32>], vector<16xf32>,
    %eq3A_1999 = arith.constant 4.000000e+00 : f32
    %eq3A_2000 = vector.broadcast %eq3A_1999 : f32 to vector<16xf32>
    %eq3A_2001 = arith.cmpf oeq, %select_n3A_1822, %eq3A_2000 : vector<16xf32>
    %jit3A_2002 = arith.constant 0.000000e+00 : f32
    %broadcast_in_dim3A_2003 = vector.broadcast %jit3A_2002 : f32 to vector<16xf32>
    %select_n3A_2004 = arith.select %eq3A_2001, %div3A_1919, %broadcast_in_dim3A_2003 : vector<16xi1>, vector<16xf32>
    %eq3A_2005 = arith.constant 4.000000e+00 : f32
    %eq3A_2006 = vector.broadcast %eq3A_2005 : f32 to vector<16xf32>
    %eq3A_2007 = arith.cmpf oeq, %select_n3A_1911, %eq3A_2006 : vector<16xf32>
    %jit3A_2008 = arith.constant 0.000000e+00 : f32
    %broadcast_in_dim3A_2009 = vector.broadcast %jit3A_2008 : f32 to vector<16xf32>
    %select_n3A_2010 = arith.select %eq3A_2007, %sub3A_1922, %broadcast_in_dim3A_2009 : vector<16xi1>, vector<16xf32>
    %add3A_2011 = arith.addf %select_n3A_2004, %select_n3A_2010 : vector<16xf32>
    %mul3A_2012 = arith.constant 128 : i32
    %mul3A_2013 = vector.broadcast %mul3A_2012 : i32 to vector<16xi32>
    %mul3A_2014 = arith.muli %add3A_1725, %mul3A_2013 : vector<16xi32>
    %add3A_2015 = arith.constant 4 : i32
    %add3A_2016 = vector.broadcast %add3A_2015 : i32 to vector<16xi32>
    %add3A_2017 = arith.addi %mul3A_2014, %add3A_2016 : vector<16xi32>
    tpu.vector_store_idx %arg5[%add3A_2017], %add3A_2011 : memref<8192xf32, #tpu.memory_space<vmem>>[vector<16xi32>], vector<16xf32>,
    %eq3A_2018 = arith.constant 5.000000e+00 : f32
    %eq3A_2019 = vector.broadcast %eq3A_2018 : f32 to vector<16xf32>
    %eq3A_2020 = arith.cmpf oeq, %select_n3A_1822, %eq3A_2019 : vector<16xf32>
    %jit3A_2021 = arith.constant 0.000000e+00 : f32
    %broadcast_in_dim3A_2022 = vector.broadcast %jit3A_2021 : f32 to vector<16xf32>
    %select_n3A_2023 = arith.select %eq3A_2020, %div3A_1919, %broadcast_in_dim3A_2022 : vector<16xi1>, vector<16xf32>
    %eq3A_2024 = arith.constant 5.000000e+00 : f32
    %eq3A_2025 = vector.broadcast %eq3A_2024 : f32 to vector<16xf32>
    %eq3A_2026 = arith.cmpf oeq, %select_n3A_1911, %eq3A_2025 : vector<16xf32>
    %jit3A_2027 = arith.constant 0.000000e+00 : f32
    %broadcast_in_dim3A_2028 = vector.broadcast %jit3A_2027 : f32 to vector<16xf32>
    %select_n3A_2029 = arith.select %eq3A_2026, %sub3A_1922, %broadcast_in_dim3A_2028 : vector<16xi1>, vector<16xf32>
    %add3A_2030 = arith.addf %select_n3A_2023, %select_n3A_2029 : vector<16xf32>
    %mul3A_2031 = arith.constant 128 : i32
    %mul3A_2032 = vector.broadcast %mul3A_2031 : i32 to vector<16xi32>
    %mul3A_2033 = arith.muli %add3A_1725, %mul3A_2032 : vector<16xi32>
    %add3A_2034 = arith.constant 5 : i32
    %add3A_2035 = vector.broadcast %add3A_2034 : i32 to vector<16xi32>
    %add3A_2036 = arith.addi %mul3A_2033, %add3A_2035 : vector<16xi32>
    tpu.vector_store_idx %arg5[%add3A_2036], %add3A_2030 : memref<8192xf32, #tpu.memory_space<vmem>>[vector<16xi32>], vector<16xf32>,
    %eq3A_2037 = arith.constant 6.000000e+00 : f32
    %eq3A_2038 = vector.broadcast %eq3A_2037 : f32 to vector<16xf32>
    %eq3A_2039 = arith.cmpf oeq, %select_n3A_1822, %eq3A_2038 : vector<16xf32>
    %jit3A_2040 = arith.constant 0.000000e+00 : f32
    %broadcast_in_dim3A_2041 = vector.broadcast %jit3A_2040 : f32 to vector<16xf32>
    %select_n3A_2042 = arith.select %eq3A_2039, %div3A_1919, %broadcast_in_dim3A_2041 : vector<16xi1>, vector<16xf32>
    %eq3A_2043 = arith.constant 6.000000e+00 : f32
    %eq3A_2044 = vector.broadcast %eq3A_2043 : f32 to vector<16xf32>
    %eq3A_2045 = arith.cmpf oeq, %select_n3A_1911, %eq3A_2044 : vector<16xf32>
    %jit3A_2046 = arith.constant 0.000000e+00 : f32
    %broadcast_in_dim3A_2047 = vector.broadcast %jit3A_2046 : f32 to vector<16xf32>
    %select_n3A_2048 = arith.select %eq3A_2045, %sub3A_1922, %broadcast_in_dim3A_2047 : vector<16xi1>, vector<16xf32>
    %add3A_2049 = arith.addf %select_n3A_2042, %select_n3A_2048 : vector<16xf32>
    %mul3A_2050 = arith.constant 128 : i32
    %mul3A_2051 = vector.broadcast %mul3A_2050 : i32 to vector<16xi32>
    %mul3A_2052 = arith.muli %add3A_1725, %mul3A_2051 : vector<16xi32>
    %add3A_2053 = arith.constant 6 : i32
    %add3A_2054 = vector.broadcast %add3A_2053 : i32 to vector<16xi32>
    %add3A_2055 = arith.addi %mul3A_2052, %add3A_2054 : vector<16xi32>
    tpu.vector_store_idx %arg5[%add3A_2055], %add3A_2049 : memref<8192xf32, #tpu.memory_space<vmem>>[vector<16xi32>], vector<16xf32>,
    %eq3A_2056 = arith.constant 7.000000e+00 : f32
    %eq3A_2057 = vector.broadcast %eq3A_2056 : f32 to vector<16xf32>
    %eq3A_2058 = arith.cmpf oeq, %select_n3A_1822, %eq3A_2057 : vector<16xf32>
    %jit3A_2059 = arith.constant 0.000000e+00 : f32
    %broadcast_in_dim3A_2060 = vector.broadcast %jit3A_2059 : f32 to vector<16xf32>
    %select_n3A_2061 = arith.select %eq3A_2058, %div3A_1919, %broadcast_in_dim3A_2060 : vector<16xi1>, vector<16xf32>
    %eq3A_2062 = arith.constant 7.000000e+00 : f32
    %eq3A_2063 = vector.broadcast %eq3A_2062 : f32 to vector<16xf32>
    %eq3A_2064 = arith.cmpf oeq, %select_n3A_1911, %eq3A_2063 : vector<16xf32>
    %jit3A_2065 = arith.constant 0.000000e+00 : f32
    %broadcast_in_dim3A_2066 = vector.broadcast %jit3A_2065 : f32 to vector<16xf32>
    %select_n3A_2067 = arith.select %eq3A_2064, %sub3A_1922, %broadcast_in_dim3A_2066 : vector<16xi1>, vector<16xf32>
    %add3A_2068 = arith.addf %select_n3A_2061, %select_n3A_2067 : vector<16xf32>
    %mul3A_2069 = arith.constant 128 : i32
    %mul3A_2070 = vector.broadcast %mul3A_2069 : i32 to vector<16xi32>
    %mul3A_2071 = arith.muli %add3A_1725, %mul3A_2070 : vector<16xi32>
    %add3A_2072 = arith.constant 7 : i32
    %add3A_2073 = vector.broadcast %add3A_2072 : i32 to vector<16xi32>
    %add3A_2074 = arith.addi %mul3A_2071, %add3A_2073 : vector<16xi32>
    tpu.vector_store_idx %arg5[%add3A_2074], %add3A_2068 : memref<8192xf32, #tpu.memory_space<vmem>>[vector<16xi32>], vector<16xf32>,
    %add3A_2075 = arith.constant 48 : i32
    %add3A_2076 = vector.broadcast %add3A_2075 : i32 to vector<16xi32>
    %add3A_2077 = arith.addi %iota3A, %add3A_2076 : vector<16xi32>
    %mul3A_2078 = arith.constant 128 : i32
    %mul3A_2079 = vector.broadcast %mul3A_2078 : i32 to vector<16xi32>
    %mul3A_2080 = arith.muli %add3A_2077, %mul3A_2079 : vector<16xi32>
    %add3A_2081 = arith.constant 0 : i32
    %add3A_2082 = vector.broadcast %add3A_2081 : i32 to vector<16xi32>
    %add3A_2083 = arith.addi %mul3A_2080, %add3A_2082 : vector<16xi32>
    %gather3A_2084 = tpu.vector_load_idx %arg4[%add3A_2083] : memref<8192xf32, #tpu.memory_space<vmem>>[vector<16xi32>], vector<16xf32>,
    %mul3A_2085 = arith.constant 128 : i32
    %mul3A_2086 = vector.broadcast %mul3A_2085 : i32 to vector<16xi32>
    %mul3A_2087 = arith.muli %add3A_2077, %mul3A_2086 : vector<16xi32>
    %add3A_2088 = arith.constant 1 : i32
    %add3A_2089 = vector.broadcast %add3A_2088 : i32 to vector<16xi32>
    %add3A_2090 = arith.addi %mul3A_2087, %add3A_2089 : vector<16xi32>
    %gather3A_2091 = tpu.vector_load_idx %arg4[%add3A_2090] : memref<8192xf32, #tpu.memory_space<vmem>>[vector<16xi32>], vector<16xf32>,
    %mul3A_2092 = arith.constant 128 : i32
    %mul3A_2093 = vector.broadcast %mul3A_2092 : i32 to vector<16xi32>
    %mul3A_2094 = arith.muli %add3A_2077, %mul3A_2093 : vector<16xi32>
    %add3A_2095 = arith.constant 2 : i32
    %add3A_2096 = vector.broadcast %add3A_2095 : i32 to vector<16xi32>
    %add3A_2097 = arith.addi %mul3A_2094, %add3A_2096 : vector<16xi32>
    %gather3A_2098 = tpu.vector_load_idx %arg4[%add3A_2097] : memref<8192xf32, #tpu.memory_space<vmem>>[vector<16xi32>], vector<16xf32>,
    %mul3A_2099 = arith.constant 128 : i32
    %mul3A_2100 = vector.broadcast %mul3A_2099 : i32 to vector<16xi32>
    %mul3A_2101 = arith.muli %add3A_2077, %mul3A_2100 : vector<16xi32>
    %add3A_2102 = arith.constant 3 : i32
    %add3A_2103 = vector.broadcast %add3A_2102 : i32 to vector<16xi32>
    %add3A_2104 = arith.addi %mul3A_2101, %add3A_2103 : vector<16xi32>
    %gather3A_2105 = tpu.vector_load_idx %arg4[%add3A_2104] : memref<8192xf32, #tpu.memory_space<vmem>>[vector<16xi32>], vector<16xf32>,
    %mul3A_2106 = arith.constant 128 : i32
    %mul3A_2107 = vector.broadcast %mul3A_2106 : i32 to vector<16xi32>
    %mul3A_2108 = arith.muli %add3A_2077, %mul3A_2107 : vector<16xi32>
    %add3A_2109 = arith.constant 4 : i32
    %add3A_2110 = vector.broadcast %add3A_2109 : i32 to vector<16xi32>
    %add3A_2111 = arith.addi %mul3A_2108, %add3A_2110 : vector<16xi32>
    %gather3A_2112 = tpu.vector_load_idx %arg4[%add3A_2111] : memref<8192xf32, #tpu.memory_space<vmem>>[vector<16xi32>], vector<16xf32>,
    %mul3A_2113 = arith.constant 128 : i32
    %mul3A_2114 = vector.broadcast %mul3A_2113 : i32 to vector<16xi32>
    %mul3A_2115 = arith.muli %add3A_2077, %mul3A_2114 : vector<16xi32>
    %add3A_2116 = arith.constant 5 : i32
    %add3A_2117 = vector.broadcast %add3A_2116 : i32 to vector<16xi32>
    %add3A_2118 = arith.addi %mul3A_2115, %add3A_2117 : vector<16xi32>
    %gather3A_2119 = tpu.vector_load_idx %arg4[%add3A_2118] : memref<8192xf32, #tpu.memory_space<vmem>>[vector<16xi32>], vector<16xf32>,
    %mul3A_2120 = arith.constant 128 : i32
    %mul3A_2121 = vector.broadcast %mul3A_2120 : i32 to vector<16xi32>
    %mul3A_2122 = arith.muli %add3A_2077, %mul3A_2121 : vector<16xi32>
    %add3A_2123 = arith.constant 6 : i32
    %add3A_2124 = vector.broadcast %add3A_2123 : i32 to vector<16xi32>
    %add3A_2125 = arith.addi %mul3A_2122, %add3A_2124 : vector<16xi32>
    %gather3A_2126 = tpu.vector_load_idx %arg4[%add3A_2125] : memref<8192xf32, #tpu.memory_space<vmem>>[vector<16xi32>], vector<16xf32>,
    %mul3A_2127 = arith.constant 128 : i32
    %mul3A_2128 = vector.broadcast %mul3A_2127 : i32 to vector<16xi32>
    %mul3A_2129 = arith.muli %add3A_2077, %mul3A_2128 : vector<16xi32>
    %add3A_2130 = arith.constant 7 : i32
    %add3A_2131 = vector.broadcast %add3A_2130 : i32 to vector<16xi32>
    %add3A_2132 = arith.addi %mul3A_2129, %add3A_2131 : vector<16xi32>
    %gather3A_2133 = tpu.vector_load_idx %arg4[%add3A_2132] : memref<8192xf32, #tpu.memory_space<vmem>>[vector<16xi32>], vector<16xf32>,
    %max3A_2134 = arith.maximumf %gather3A_2084, %gather3A_2091 : vector<16xf32>
    %max3A_2135 = arith.maximumf %max3A_2134, %gather3A_2098 : vector<16xf32>
    %max3A_2136 = arith.maximumf %max3A_2135, %gather3A_2105 : vector<16xf32>
    %max3A_2137 = arith.maximumf %max3A_2136, %gather3A_2112 : vector<16xf32>
    %max3A_2138 = arith.maximumf %max3A_2137, %gather3A_2119 : vector<16xf32>
    %max3A_2139 = arith.maximumf %max3A_2138, %gather3A_2126 : vector<16xf32>
    %max3A_2140 = arith.maximumf %max3A_2139, %gather3A_2133 : vector<16xf32>
    %broadcast_in_dim3A_2141 = arith.constant 8.000000e+00 : f32
    %broadcast_in_dim3A_2142 = vector.broadcast %broadcast_in_dim3A_2141 : f32 to vector<16xf32>
    %eq3A_2143 = arith.cmpf oeq, %gather3A_2133, %max3A_2140 : vector<16xf32>
    %jit3A_2144 = arith.constant 7.000000e+00 : f32
    %broadcast_in_dim3A_2145 = vector.broadcast %jit3A_2144 : f32 to vector<16xf32>
    %select_n3A_2146 = arith.select %eq3A_2143, %broadcast_in_dim3A_2145, %broadcast_in_dim3A_2142 : vector<16xi1>, vector<16xf32>
    %eq3A_2147 = arith.cmpf oeq, %gather3A_2126, %max3A_2140 : vector<16xf32>
    %jit3A_2148 = arith.constant 6.000000e+00 : f32
    %broadcast_in_dim3A_2149 = vector.broadcast %jit3A_2148 : f32 to vector<16xf32>
    %select_n3A_2150 = arith.select %eq3A_2147, %broadcast_in_dim3A_2149, %select_n3A_2146 : vector<16xi1>, vector<16xf32>
    %eq3A_2151 = arith.cmpf oeq, %gather3A_2119, %max3A_2140 : vector<16xf32>
    %jit3A_2152 = arith.constant 5.000000e+00 : f32
    %broadcast_in_dim3A_2153 = vector.broadcast %jit3A_2152 : f32 to vector<16xf32>
    %select_n3A_2154 = arith.select %eq3A_2151, %broadcast_in_dim3A_2153, %select_n3A_2150 : vector<16xi1>, vector<16xf32>
    %eq3A_2155 = arith.cmpf oeq, %gather3A_2112, %max3A_2140 : vector<16xf32>
    %jit3A_2156 = arith.constant 4.000000e+00 : f32
    %broadcast_in_dim3A_2157 = vector.broadcast %jit3A_2156 : f32 to vector<16xf32>
    %select_n3A_2158 = arith.select %eq3A_2155, %broadcast_in_dim3A_2157, %select_n3A_2154 : vector<16xi1>, vector<16xf32>
    %eq3A_2159 = arith.cmpf oeq, %gather3A_2105, %max3A_2140 : vector<16xf32>
    %jit3A_2160 = arith.constant 3.000000e+00 : f32
    %broadcast_in_dim3A_2161 = vector.broadcast %jit3A_2160 : f32 to vector<16xf32>
    %select_n3A_2162 = arith.select %eq3A_2159, %broadcast_in_dim3A_2161, %select_n3A_2158 : vector<16xi1>, vector<16xf32>
    %eq3A_2163 = arith.cmpf oeq, %gather3A_2098, %max3A_2140 : vector<16xf32>
    %jit3A_2164 = arith.constant 2.000000e+00 : f32
    %broadcast_in_dim3A_2165 = vector.broadcast %jit3A_2164 : f32 to vector<16xf32>
    %select_n3A_2166 = arith.select %eq3A_2163, %broadcast_in_dim3A_2165, %select_n3A_2162 : vector<16xi1>, vector<16xf32>
    %eq3A_2167 = arith.cmpf oeq, %gather3A_2091, %max3A_2140 : vector<16xf32>
    %jit3A_2168 = arith.constant 1.000000e+00 : f32
    %broadcast_in_dim3A_2169 = vector.broadcast %jit3A_2168 : f32 to vector<16xf32>
    %select_n3A_2170 = arith.select %eq3A_2167, %broadcast_in_dim3A_2169, %select_n3A_2166 : vector<16xi1>, vector<16xf32>
    %eq3A_2171 = arith.cmpf oeq, %gather3A_2084, %max3A_2140 : vector<16xf32>
    %jit3A_2172 = arith.constant 0.000000e+00 : f32
    %broadcast_in_dim3A_2173 = vector.broadcast %jit3A_2172 : f32 to vector<16xf32>
    %select_n3A_2174 = arith.select %eq3A_2171, %broadcast_in_dim3A_2173, %select_n3A_2170 : vector<16xi1>, vector<16xf32>
    %eq3A_2175 = arith.constant 0.000000e+00 : f32
    %eq3A_2176 = vector.broadcast %eq3A_2175 : f32 to vector<16xf32>
    %eq3A_2177 = arith.cmpf oeq, %select_n3A_2174, %eq3A_2176 : vector<16xf32>
    %jit3A_2178 = arith.constant -3.000000e+38 : f32
    %broadcast_in_dim3A_2179 = vector.broadcast %jit3A_2178 : f32 to vector<16xf32>
    %select_n3A_2180 = arith.select %eq3A_2177, %broadcast_in_dim3A_2179, %gather3A_2084 : vector<16xi1>, vector<16xf32>
    %eq3A_2181 = arith.constant 1.000000e+00 : f32
    %eq3A_2182 = vector.broadcast %eq3A_2181 : f32 to vector<16xf32>
    %eq3A_2183 = arith.cmpf oeq, %select_n3A_2174, %eq3A_2182 : vector<16xf32>
    %jit3A_2184 = arith.constant -3.000000e+38 : f32
    %broadcast_in_dim3A_2185 = vector.broadcast %jit3A_2184 : f32 to vector<16xf32>
    %select_n3A_2186 = arith.select %eq3A_2183, %broadcast_in_dim3A_2185, %gather3A_2091 : vector<16xi1>, vector<16xf32>
    %eq3A_2187 = arith.constant 2.000000e+00 : f32
    %eq3A_2188 = vector.broadcast %eq3A_2187 : f32 to vector<16xf32>
    %eq3A_2189 = arith.cmpf oeq, %select_n3A_2174, %eq3A_2188 : vector<16xf32>
    %jit3A_2190 = arith.constant -3.000000e+38 : f32
    %broadcast_in_dim3A_2191 = vector.broadcast %jit3A_2190 : f32 to vector<16xf32>
    %select_n3A_2192 = arith.select %eq3A_2189, %broadcast_in_dim3A_2191, %gather3A_2098 : vector<16xi1>, vector<16xf32>
    %eq3A_2193 = arith.constant 3.000000e+00 : f32
    %eq3A_2194 = vector.broadcast %eq3A_2193 : f32 to vector<16xf32>
    %eq3A_2195 = arith.cmpf oeq, %select_n3A_2174, %eq3A_2194 : vector<16xf32>
    %jit3A_2196 = arith.constant -3.000000e+38 : f32
    %broadcast_in_dim3A_2197 = vector.broadcast %jit3A_2196 : f32 to vector<16xf32>
    %select_n3A_2198 = arith.select %eq3A_2195, %broadcast_in_dim3A_2197, %gather3A_2105 : vector<16xi1>, vector<16xf32>
    %eq3A_2199 = arith.constant 4.000000e+00 : f32
    %eq3A_2200 = vector.broadcast %eq3A_2199 : f32 to vector<16xf32>
    %eq3A_2201 = arith.cmpf oeq, %select_n3A_2174, %eq3A_2200 : vector<16xf32>
    %jit3A_2202 = arith.constant -3.000000e+38 : f32
    %broadcast_in_dim3A_2203 = vector.broadcast %jit3A_2202 : f32 to vector<16xf32>
    %select_n3A_2204 = arith.select %eq3A_2201, %broadcast_in_dim3A_2203, %gather3A_2112 : vector<16xi1>, vector<16xf32>
    %eq3A_2205 = arith.constant 5.000000e+00 : f32
    %eq3A_2206 = vector.broadcast %eq3A_2205 : f32 to vector<16xf32>
    %eq3A_2207 = arith.cmpf oeq, %select_n3A_2174, %eq3A_2206 : vector<16xf32>
    %jit3A_2208 = arith.constant -3.000000e+38 : f32
    %broadcast_in_dim3A_2209 = vector.broadcast %jit3A_2208 : f32 to vector<16xf32>
    %select_n3A_2210 = arith.select %eq3A_2207, %broadcast_in_dim3A_2209, %gather3A_2119 : vector<16xi1>, vector<16xf32>
    %eq3A_2211 = arith.constant 6.000000e+00 : f32
    %eq3A_2212 = vector.broadcast %eq3A_2211 : f32 to vector<16xf32>
    %eq3A_2213 = arith.cmpf oeq, %select_n3A_2174, %eq3A_2212 : vector<16xf32>
    %jit3A_2214 = arith.constant -3.000000e+38 : f32
    %broadcast_in_dim3A_2215 = vector.broadcast %jit3A_2214 : f32 to vector<16xf32>
    %select_n3A_2216 = arith.select %eq3A_2213, %broadcast_in_dim3A_2215, %gather3A_2126 : vector<16xi1>, vector<16xf32>
    %eq3A_2217 = arith.constant 7.000000e+00 : f32
    %eq3A_2218 = vector.broadcast %eq3A_2217 : f32 to vector<16xf32>
    %eq3A_2219 = arith.cmpf oeq, %select_n3A_2174, %eq3A_2218 : vector<16xf32>
    %jit3A_2220 = arith.constant -3.000000e+38 : f32
    %broadcast_in_dim3A_2221 = vector.broadcast %jit3A_2220 : f32 to vector<16xf32>
    %select_n3A_2222 = arith.select %eq3A_2219, %broadcast_in_dim3A_2221, %gather3A_2133 : vector<16xi1>, vector<16xf32>
    %max3A_2223 = arith.maximumf %select_n3A_2180, %select_n3A_2186 : vector<16xf32>
    %max3A_2224 = arith.maximumf %max3A_2223, %select_n3A_2192 : vector<16xf32>
    %max3A_2225 = arith.maximumf %max3A_2224, %select_n3A_2198 : vector<16xf32>
    %max3A_2226 = arith.maximumf %max3A_2225, %select_n3A_2204 : vector<16xf32>
    %max3A_2227 = arith.maximumf %max3A_2226, %select_n3A_2210 : vector<16xf32>
    %max3A_2228 = arith.maximumf %max3A_2227, %select_n3A_2216 : vector<16xf32>
    %max3A_2229 = arith.maximumf %max3A_2228, %select_n3A_2222 : vector<16xf32>
    %broadcast_in_dim3A_2230 = arith.constant 8.000000e+00 : f32
    %broadcast_in_dim3A_2231 = vector.broadcast %broadcast_in_dim3A_2230 : f32 to vector<16xf32>
    %eq3A_2232 = arith.cmpf oeq, %select_n3A_2222, %max3A_2229 : vector<16xf32>
    %jit3A_2233 = arith.constant 7.000000e+00 : f32
    %broadcast_in_dim3A_2234 = vector.broadcast %jit3A_2233 : f32 to vector<16xf32>
    %select_n3A_2235 = arith.select %eq3A_2232, %broadcast_in_dim3A_2234, %broadcast_in_dim3A_2231 : vector<16xi1>, vector<16xf32>
    %eq3A_2236 = arith.cmpf oeq, %select_n3A_2216, %max3A_2229 : vector<16xf32>
    %jit3A_2237 = arith.constant 6.000000e+00 : f32
    %broadcast_in_dim3A_2238 = vector.broadcast %jit3A_2237 : f32 to vector<16xf32>
    %select_n3A_2239 = arith.select %eq3A_2236, %broadcast_in_dim3A_2238, %select_n3A_2235 : vector<16xi1>, vector<16xf32>
    %eq3A_2240 = arith.cmpf oeq, %select_n3A_2210, %max3A_2229 : vector<16xf32>
    %jit3A_2241 = arith.constant 5.000000e+00 : f32
    %broadcast_in_dim3A_2242 = vector.broadcast %jit3A_2241 : f32 to vector<16xf32>
    %select_n3A_2243 = arith.select %eq3A_2240, %broadcast_in_dim3A_2242, %select_n3A_2239 : vector<16xi1>, vector<16xf32>
    %eq3A_2244 = arith.cmpf oeq, %select_n3A_2204, %max3A_2229 : vector<16xf32>
    %jit3A_2245 = arith.constant 4.000000e+00 : f32
    %broadcast_in_dim3A_2246 = vector.broadcast %jit3A_2245 : f32 to vector<16xf32>
    %select_n3A_2247 = arith.select %eq3A_2244, %broadcast_in_dim3A_2246, %select_n3A_2243 : vector<16xi1>, vector<16xf32>
    %eq3A_2248 = arith.cmpf oeq, %select_n3A_2198, %max3A_2229 : vector<16xf32>
    %jit3A_2249 = arith.constant 3.000000e+00 : f32
    %broadcast_in_dim3A_2250 = vector.broadcast %jit3A_2249 : f32 to vector<16xf32>
    %select_n3A_2251 = arith.select %eq3A_2248, %broadcast_in_dim3A_2250, %select_n3A_2247 : vector<16xi1>, vector<16xf32>
    %eq3A_2252 = arith.cmpf oeq, %select_n3A_2192, %max3A_2229 : vector<16xf32>
    %jit3A_2253 = arith.constant 2.000000e+00 : f32
    %broadcast_in_dim3A_2254 = vector.broadcast %jit3A_2253 : f32 to vector<16xf32>
    %select_n3A_2255 = arith.select %eq3A_2252, %broadcast_in_dim3A_2254, %select_n3A_2251 : vector<16xi1>, vector<16xf32>
    %eq3A_2256 = arith.cmpf oeq, %select_n3A_2186, %max3A_2229 : vector<16xf32>
    %jit3A_2257 = arith.constant 1.000000e+00 : f32
    %broadcast_in_dim3A_2258 = vector.broadcast %jit3A_2257 : f32 to vector<16xf32>
    %select_n3A_2259 = arith.select %eq3A_2256, %broadcast_in_dim3A_2258, %select_n3A_2255 : vector<16xi1>, vector<16xf32>
    %eq3A_2260 = arith.cmpf oeq, %select_n3A_2180, %max3A_2229 : vector<16xf32>
    %jit3A_2261 = arith.constant 0.000000e+00 : f32
    %broadcast_in_dim3A_2262 = vector.broadcast %jit3A_2261 : f32 to vector<16xf32>
    %select_n3A_2263 = arith.select %eq3A_2260, %broadcast_in_dim3A_2262, %select_n3A_2259 : vector<16xi1>, vector<16xf32>
    %sub3A_2264 = arith.subf %max3A_2229, %max3A_2140 : vector<16xf32>
    %exp3A_2265 = math.exp %sub3A_2264 : vector<16xf32>
    %add3A_2266 = arith.constant 1.000000e+00 : f32
    %add3A_2267 = vector.broadcast %add3A_2266 : f32 to vector<16xf32>
    %add3A_2268 = arith.addf %add3A_2267, %exp3A_2265 : vector<16xf32>
    %div3A_2269 = arith.constant 1.000000e+00 : f32
    %div3A_2270 = vector.broadcast %div3A_2269 : f32 to vector<16xf32>
    %div3A_2271 = arith.divf %div3A_2270, %add3A_2268 : vector<16xf32>
    %sub3A_2272 = arith.constant 1.000000e+00 : f32
    %sub3A_2273 = vector.broadcast %sub3A_2272 : f32 to vector<16xf32>
    %sub3A_2274 = arith.subf %sub3A_2273, %div3A_2271 : vector<16xf32>
    %eq3A_2275 = arith.constant 0.000000e+00 : f32
    %eq3A_2276 = vector.broadcast %eq3A_2275 : f32 to vector<16xf32>
    %eq3A_2277 = arith.cmpf oeq, %select_n3A_2174, %eq3A_2276 : vector<16xf32>
    %jit3A_2278 = arith.constant 0.000000e+00 : f32
    %broadcast_in_dim3A_2279 = vector.broadcast %jit3A_2278 : f32 to vector<16xf32>
    %select_n3A_2280 = arith.select %eq3A_2277, %div3A_2271, %broadcast_in_dim3A_2279 : vector<16xi1>, vector<16xf32>
    %eq3A_2281 = arith.constant 0.000000e+00 : f32
    %eq3A_2282 = vector.broadcast %eq3A_2281 : f32 to vector<16xf32>
    %eq3A_2283 = arith.cmpf oeq, %select_n3A_2263, %eq3A_2282 : vector<16xf32>
    %jit3A_2284 = arith.constant 0.000000e+00 : f32
    %broadcast_in_dim3A_2285 = vector.broadcast %jit3A_2284 : f32 to vector<16xf32>
    %select_n3A_2286 = arith.select %eq3A_2283, %sub3A_2274, %broadcast_in_dim3A_2285 : vector<16xi1>, vector<16xf32>
    %add3A_2287 = arith.addf %select_n3A_2280, %select_n3A_2286 : vector<16xf32>
    %mul3A_2288 = arith.constant 128 : i32
    %mul3A_2289 = vector.broadcast %mul3A_2288 : i32 to vector<16xi32>
    %mul3A_2290 = arith.muli %add3A_2077, %mul3A_2289 : vector<16xi32>
    %add3A_2291 = arith.constant 0 : i32
    %add3A_2292 = vector.broadcast %add3A_2291 : i32 to vector<16xi32>
    %add3A_2293 = arith.addi %mul3A_2290, %add3A_2292 : vector<16xi32>
    tpu.vector_store_idx %arg5[%add3A_2293], %add3A_2287 : memref<8192xf32, #tpu.memory_space<vmem>>[vector<16xi32>], vector<16xf32>,
    %eq3A_2294 = arith.constant 1.000000e+00 : f32
    %eq3A_2295 = vector.broadcast %eq3A_2294 : f32 to vector<16xf32>
    %eq3A_2296 = arith.cmpf oeq, %select_n3A_2174, %eq3A_2295 : vector<16xf32>
    %jit3A_2297 = arith.constant 0.000000e+00 : f32
    %broadcast_in_dim3A_2298 = vector.broadcast %jit3A_2297 : f32 to vector<16xf32>
    %select_n3A_2299 = arith.select %eq3A_2296, %div3A_2271, %broadcast_in_dim3A_2298 : vector<16xi1>, vector<16xf32>
    %eq3A_2300 = arith.constant 1.000000e+00 : f32
    %eq3A_2301 = vector.broadcast %eq3A_2300 : f32 to vector<16xf32>
    %eq3A_2302 = arith.cmpf oeq, %select_n3A_2263, %eq3A_2301 : vector<16xf32>
    %jit3A_2303 = arith.constant 0.000000e+00 : f32
    %broadcast_in_dim3A_2304 = vector.broadcast %jit3A_2303 : f32 to vector<16xf32>
    %select_n3A_2305 = arith.select %eq3A_2302, %sub3A_2274, %broadcast_in_dim3A_2304 : vector<16xi1>, vector<16xf32>
    %add3A_2306 = arith.addf %select_n3A_2299, %select_n3A_2305 : vector<16xf32>
    %mul3A_2307 = arith.constant 128 : i32
    %mul3A_2308 = vector.broadcast %mul3A_2307 : i32 to vector<16xi32>
    %mul3A_2309 = arith.muli %add3A_2077, %mul3A_2308 : vector<16xi32>
    %add3A_2310 = arith.constant 1 : i32
    %add3A_2311 = vector.broadcast %add3A_2310 : i32 to vector<16xi32>
    %add3A_2312 = arith.addi %mul3A_2309, %add3A_2311 : vector<16xi32>
    tpu.vector_store_idx %arg5[%add3A_2312], %add3A_2306 : memref<8192xf32, #tpu.memory_space<vmem>>[vector<16xi32>], vector<16xf32>,
    %eq3A_2313 = arith.constant 2.000000e+00 : f32
    %eq3A_2314 = vector.broadcast %eq3A_2313 : f32 to vector<16xf32>
    %eq3A_2315 = arith.cmpf oeq, %select_n3A_2174, %eq3A_2314 : vector<16xf32>
    %jit3A_2316 = arith.constant 0.000000e+00 : f32
    %broadcast_in_dim3A_2317 = vector.broadcast %jit3A_2316 : f32 to vector<16xf32>
    %select_n3A_2318 = arith.select %eq3A_2315, %div3A_2271, %broadcast_in_dim3A_2317 : vector<16xi1>, vector<16xf32>
    %eq3A_2319 = arith.constant 2.000000e+00 : f32
    %eq3A_2320 = vector.broadcast %eq3A_2319 : f32 to vector<16xf32>
    %eq3A_2321 = arith.cmpf oeq, %select_n3A_2263, %eq3A_2320 : vector<16xf32>
    %jit3A_2322 = arith.constant 0.000000e+00 : f32
    %broadcast_in_dim3A_2323 = vector.broadcast %jit3A_2322 : f32 to vector<16xf32>
    %select_n3A_2324 = arith.select %eq3A_2321, %sub3A_2274, %broadcast_in_dim3A_2323 : vector<16xi1>, vector<16xf32>
    %add3A_2325 = arith.addf %select_n3A_2318, %select_n3A_2324 : vector<16xf32>
    %mul3A_2326 = arith.constant 128 : i32
    %mul3A_2327 = vector.broadcast %mul3A_2326 : i32 to vector<16xi32>
    %mul3A_2328 = arith.muli %add3A_2077, %mul3A_2327 : vector<16xi32>
    %add3A_2329 = arith.constant 2 : i32
    %add3A_2330 = vector.broadcast %add3A_2329 : i32 to vector<16xi32>
    %add3A_2331 = arith.addi %mul3A_2328, %add3A_2330 : vector<16xi32>
    tpu.vector_store_idx %arg5[%add3A_2331], %add3A_2325 : memref<8192xf32, #tpu.memory_space<vmem>>[vector<16xi32>], vector<16xf32>,
    %eq3A_2332 = arith.constant 3.000000e+00 : f32
    %eq3A_2333 = vector.broadcast %eq3A_2332 : f32 to vector<16xf32>
    %eq3A_2334 = arith.cmpf oeq, %select_n3A_2174, %eq3A_2333 : vector<16xf32>
    %jit3A_2335 = arith.constant 0.000000e+00 : f32
    %broadcast_in_dim3A_2336 = vector.broadcast %jit3A_2335 : f32 to vector<16xf32>
    %select_n3A_2337 = arith.select %eq3A_2334, %div3A_2271, %broadcast_in_dim3A_2336 : vector<16xi1>, vector<16xf32>
    %eq3A_2338 = arith.constant 3.000000e+00 : f32
    %eq3A_2339 = vector.broadcast %eq3A_2338 : f32 to vector<16xf32>
    %eq3A_2340 = arith.cmpf oeq, %select_n3A_2263, %eq3A_2339 : vector<16xf32>
    %jit3A_2341 = arith.constant 0.000000e+00 : f32
    %broadcast_in_dim3A_2342 = vector.broadcast %jit3A_2341 : f32 to vector<16xf32>
    %select_n3A_2343 = arith.select %eq3A_2340, %sub3A_2274, %broadcast_in_dim3A_2342 : vector<16xi1>, vector<16xf32>
    %add3A_2344 = arith.addf %select_n3A_2337, %select_n3A_2343 : vector<16xf32>
    %mul3A_2345 = arith.constant 128 : i32
    %mul3A_2346 = vector.broadcast %mul3A_2345 : i32 to vector<16xi32>
    %mul3A_2347 = arith.muli %add3A_2077, %mul3A_2346 : vector<16xi32>
    %add3A_2348 = arith.constant 3 : i32
    %add3A_2349 = vector.broadcast %add3A_2348 : i32 to vector<16xi32>
    %add3A_2350 = arith.addi %mul3A_2347, %add3A_2349 : vector<16xi32>
    tpu.vector_store_idx %arg5[%add3A_2350], %add3A_2344 : memref<8192xf32, #tpu.memory_space<vmem>>[vector<16xi32>], vector<16xf32>,
    %eq3A_2351 = arith.constant 4.000000e+00 : f32
    %eq3A_2352 = vector.broadcast %eq3A_2351 : f32 to vector<16xf32>
    %eq3A_2353 = arith.cmpf oeq, %select_n3A_2174, %eq3A_2352 : vector<16xf32>
    %jit3A_2354 = arith.constant 0.000000e+00 : f32
    %broadcast_in_dim3A_2355 = vector.broadcast %jit3A_2354 : f32 to vector<16xf32>
    %select_n3A_2356 = arith.select %eq3A_2353, %div3A_2271, %broadcast_in_dim3A_2355 : vector<16xi1>, vector<16xf32>
    %eq3A_2357 = arith.constant 4.000000e+00 : f32
    %eq3A_2358 = vector.broadcast %eq3A_2357 : f32 to vector<16xf32>
    %eq3A_2359 = arith.cmpf oeq, %select_n3A_2263, %eq3A_2358 : vector<16xf32>
    %jit3A_2360 = arith.constant 0.000000e+00 : f32
    %broadcast_in_dim3A_2361 = vector.broadcast %jit3A_2360 : f32 to vector<16xf32>
    %select_n3A_2362 = arith.select %eq3A_2359, %sub3A_2274, %broadcast_in_dim3A_2361 : vector<16xi1>, vector<16xf32>
    %add3A_2363 = arith.addf %select_n3A_2356, %select_n3A_2362 : vector<16xf32>
    %mul3A_2364 = arith.constant 128 : i32
    %mul3A_2365 = vector.broadcast %mul3A_2364 : i32 to vector<16xi32>
    %mul3A_2366 = arith.muli %add3A_2077, %mul3A_2365 : vector<16xi32>
    %add3A_2367 = arith.constant 4 : i32
    %add3A_2368 = vector.broadcast %add3A_2367 : i32 to vector<16xi32>
    %add3A_2369 = arith.addi %mul3A_2366, %add3A_2368 : vector<16xi32>
    tpu.vector_store_idx %arg5[%add3A_2369], %add3A_2363 : memref<8192xf32, #tpu.memory_space<vmem>>[vector<16xi32>], vector<16xf32>,
    %eq3A_2370 = arith.constant 5.000000e+00 : f32
    %eq3A_2371 = vector.broadcast %eq3A_2370 : f32 to vector<16xf32>
    %eq3A_2372 = arith.cmpf oeq, %select_n3A_2174, %eq3A_2371 : vector<16xf32>
    %jit3A_2373 = arith.constant 0.000000e+00 : f32
    %broadcast_in_dim3A_2374 = vector.broadcast %jit3A_2373 : f32 to vector<16xf32>
    %select_n3A_2375 = arith.select %eq3A_2372, %div3A_2271, %broadcast_in_dim3A_2374 : vector<16xi1>, vector<16xf32>
    %eq3A_2376 = arith.constant 5.000000e+00 : f32
    %eq3A_2377 = vector.broadcast %eq3A_2376 : f32 to vector<16xf32>
    %eq3A_2378 = arith.cmpf oeq, %select_n3A_2263, %eq3A_2377 : vector<16xf32>
    %jit3A_2379 = arith.constant 0.000000e+00 : f32
    %broadcast_in_dim3A_2380 = vector.broadcast %jit3A_2379 : f32 to vector<16xf32>
    %select_n3A_2381 = arith.select %eq3A_2378, %sub3A_2274, %broadcast_in_dim3A_2380 : vector<16xi1>, vector<16xf32>
    %add3A_2382 = arith.addf %select_n3A_2375, %select_n3A_2381 : vector<16xf32>
    %mul3A_2383 = arith.constant 128 : i32
    %mul3A_2384 = vector.broadcast %mul3A_2383 : i32 to vector<16xi32>
    %mul3A_2385 = arith.muli %add3A_2077, %mul3A_2384 : vector<16xi32>
    %add3A_2386 = arith.constant 5 : i32
    %add3A_2387 = vector.broadcast %add3A_2386 : i32 to vector<16xi32>
    %add3A_2388 = arith.addi %mul3A_2385, %add3A_2387 : vector<16xi32>
    tpu.vector_store_idx %arg5[%add3A_2388], %add3A_2382 : memref<8192xf32, #tpu.memory_space<vmem>>[vector<16xi32>], vector<16xf32>,
    %eq3A_2389 = arith.constant 6.000000e+00 : f32
    %eq3A_2390 = vector.broadcast %eq3A_2389 : f32 to vector<16xf32>
    %eq3A_2391 = arith.cmpf oeq, %select_n3A_2174, %eq3A_2390 : vector<16xf32>
    %jit3A_2392 = arith.constant 0.000000e+00 : f32
    %broadcast_in_dim3A_2393 = vector.broadcast %jit3A_2392 : f32 to vector<16xf32>
    %select_n3A_2394 = arith.select %eq3A_2391, %div3A_2271, %broadcast_in_dim3A_2393 : vector<16xi1>, vector<16xf32>
    %eq3A_2395 = arith.constant 6.000000e+00 : f32
    %eq3A_2396 = vector.broadcast %eq3A_2395 : f32 to vector<16xf32>
    %eq3A_2397 = arith.cmpf oeq, %select_n3A_2263, %eq3A_2396 : vector<16xf32>
    %jit3A_2398 = arith.constant 0.000000e+00 : f32
    %broadcast_in_dim3A_2399 = vector.broadcast %jit3A_2398 : f32 to vector<16xf32>
    %select_n3A_2400 = arith.select %eq3A_2397, %sub3A_2274, %broadcast_in_dim3A_2399 : vector<16xi1>, vector<16xf32>
    %add3A_2401 = arith.addf %select_n3A_2394, %select_n3A_2400 : vector<16xf32>
    %mul3A_2402 = arith.constant 128 : i32
    %mul3A_2403 = vector.broadcast %mul3A_2402 : i32 to vector<16xi32>
    %mul3A_2404 = arith.muli %add3A_2077, %mul3A_2403 : vector<16xi32>
    %add3A_2405 = arith.constant 6 : i32
    %add3A_2406 = vector.broadcast %add3A_2405 : i32 to vector<16xi32>
    %add3A_2407 = arith.addi %mul3A_2404, %add3A_2406 : vector<16xi32>
    tpu.vector_store_idx %arg5[%add3A_2407], %add3A_2401 : memref<8192xf32, #tpu.memory_space<vmem>>[vector<16xi32>], vector<16xf32>,
    %eq3A_2408 = arith.constant 7.000000e+00 : f32
    %eq3A_2409 = vector.broadcast %eq3A_2408 : f32 to vector<16xf32>
    %eq3A_2410 = arith.cmpf oeq, %select_n3A_2174, %eq3A_2409 : vector<16xf32>
    %jit3A_2411 = arith.constant 0.000000e+00 : f32
    %broadcast_in_dim3A_2412 = vector.broadcast %jit3A_2411 : f32 to vector<16xf32>
    %select_n3A_2413 = arith.select %eq3A_2410, %div3A_2271, %broadcast_in_dim3A_2412 : vector<16xi1>, vector<16xf32>
    %eq3A_2414 = arith.constant 7.000000e+00 : f32
    %eq3A_2415 = vector.broadcast %eq3A_2414 : f32 to vector<16xf32>
    %eq3A_2416 = arith.cmpf oeq, %select_n3A_2263, %eq3A_2415 : vector<16xf32>
    %jit3A_2417 = arith.constant 0.000000e+00 : f32
    %broadcast_in_dim3A_2418 = vector.broadcast %jit3A_2417 : f32 to vector<16xf32>
    %select_n3A_2419 = arith.select %eq3A_2416, %sub3A_2274, %broadcast_in_dim3A_2418 : vector<16xi1>, vector<16xf32>
    %add3A_2420 = arith.addf %select_n3A_2413, %select_n3A_2419 : vector<16xf32>
    %mul3A_2421 = arith.constant 128 : i32
    %mul3A_2422 = vector.broadcast %mul3A_2421 : i32 to vector<16xi32>
    %mul3A_2423 = arith.muli %add3A_2077, %mul3A_2422 : vector<16xi32>
    %add3A_2424 = arith.constant 7 : i32
    %add3A_2425 = vector.broadcast %add3A_2424 : i32 to vector<16xi32>
    %add3A_2426 = arith.addi %mul3A_2423, %add3A_2425 : vector<16xi32>
    tpu.vector_store_idx %arg5[%add3A_2426], %add3A_2420 : memref<8192xf32, #tpu.memory_space<vmem>>[vector<16xi32>], vector<16xf32>,
    "tpu.region"() ({
      %run_scoped3A = tpu.sem_alloc : memref<!tpu.dma_semaphore, #tpu.memory_space<semaphore_mem>>
      %dma_start3A = tpu.memref_slice %arg3[%mul3A_2] : memref<262144xf32, #tpu.memory_space<hbm>> -> memref<8192xf32, #tpu.memory_space<hbm>>
      %dma_start3A_2427 = tpu.memref_slice %arg3[%mul3A_2] : memref<262144xf32, #tpu.memory_space<hbm>> -> memref<8192xf32, #tpu.memory_space<hbm>>
      tpu.enqueue_dma source(%arg5 : memref<8192xf32, #tpu.memory_space<vmem>>) target(%dma_start3A_2427 : memref<8192xf32, #tpu.memory_space<hbm>>) target_semaphore(%run_scoped3A : memref<!tpu.dma_semaphore, #tpu.memory_space<semaphore_mem>>)
      %dma_wait3A = tpu.memref_slice %arg3[%mul3A_2] : memref<262144xf32, #tpu.memory_space<hbm>> -> memref<8192xf32, #tpu.memory_space<hbm>>
      %dma_wait3A_2428 = tpu.memref_slice %arg3[%mul3A_2] : memref<262144xf32, #tpu.memory_space<hbm>> -> memref<8192xf32, #tpu.memory_space<hbm>>
      tpu.wait_dma2 semaphore(%run_scoped3A : memref<!tpu.dma_semaphore, #tpu.memory_space<semaphore_mem>>) src(%arg5 : memref<8192xf32, #tpu.memory_space<vmem>>) dst(%dma_wait3A_2428 : memref<8192xf32, #tpu.memory_space<hbm>>)
      tpu.yield
    }) : () -> ()
    return
  }
}

module attributes {stable_mosaic.version = 14 : i64} {
  func.func @_hidden_body(%arg0: i32, %arg1: memref<512x768xf32, #tpu.memory_space<vmem>>, %arg2: memref<1x768xf32, #tpu.memory_space<vmem>>, %arg3: memref<8x768xf32, #tpu.memory_space<vmem>>, %arg4: memref<8x128x768xf32, #tpu.memory_space<vmem>>, %arg5: memref<8x128x768xf32, #tpu.memory_space<vmem>>, %arg6: memref<512x1024xbf16, #tpu.memory_space<vmem>>, %arg7: memref<512x128xf32, #tpu.memory_space<vmem>>) attributes {dimension_semantics = [#tpu.dimension_semantics<arbitrary>], iteration_bounds = array<i64: 4>, scalar_prefetch = 0 : i64, scratch_operands = 0 : i64, tpu.core_type = #tpu.core_type<tc>, window_params = [{transform_indices = @transform_0, window_bounds = array<i64: 512, 768>}, {pipeline_mode = #tpu.pipeline_mode<synchronous>, transform_indices = @transform_1, window_bounds = array<i64: 1, 768>}, {pipeline_mode = #tpu.pipeline_mode<synchronous>, transform_indices = @transform_2, window_bounds = array<i64: 8, 768>}, {pipeline_mode = #tpu.pipeline_mode<synchronous>, transform_indices = @transform_3, window_bounds = array<i64: 8, 128, 768>}, {pipeline_mode = #tpu.pipeline_mode<synchronous>, transform_indices = @transform_4, window_bounds = array<i64: 8, 128, 768>}, {transform_indices = @transform_5, window_bounds = array<i64: 512, 1024>}, {transform_indices = @transform_6, window_bounds = array<i64: 512, 128>}]} {
    %get3A = arith.constant 0 : index
    %get3A_0 = arith.constant 0 : index
    %get3A_1 = vector.load %arg1[%get3A, %get3A_0] : memref<512x768xf32, #tpu.memory_space<vmem>>, vector<512x768xf32>
    %mul3A = arith.mulf %get3A_1, %get3A_1 : vector<512x768xf32>
    %reduce_sum3A = arith.constant dense<0.000000e+00> : vector<512xf32>
    %reduce_sum3A_2 = vector.multi_reduction <add>, %mul3A, %reduce_sum3A [1] : vector<512x768xf32> to vector<512xf32>
    %broadcast_in_dim3A = vector.shape_cast %reduce_sum3A_2 : vector<512xf32> to vector<512x1xf32>
    %div3A = arith.constant 7.680000e+02 : f32
    %div3A_3 = vector.broadcast %div3A : f32 to vector<512x1xf32>
    %div3A_4 = arith.divf %broadcast_in_dim3A, %div3A_3 : vector<512x1xf32>
    %add3A = arith.constant 9.99999997E-7 : f32
    %add3A_5 = vector.broadcast %add3A : f32 to vector<512x1xf32>
    %add3A_6 = arith.addf %div3A_4, %add3A_5 : vector<512x1xf32>
    %rsqrt3A = math.rsqrt %add3A_6 : vector<512x1xf32>
    %mul3A_7 = vector.broadcast %rsqrt3A : vector<512x1xf32> to vector<512x768xf32>
    %mul3A_8 = arith.mulf %get3A_1, %mul3A_7 : vector<512x768xf32>
    %get3A_9 = arith.constant 0 : index
    %get3A_10 = arith.constant 0 : index
    %get3A_11 = vector.load %arg2[%get3A_9, %get3A_10] : memref<1x768xf32, #tpu.memory_space<vmem>>, vector<1x768xf32>
    %mul3A_12 = vector.broadcast %get3A_11 : vector<1x768xf32> to vector<512x768xf32>
    %mul3A_13 = arith.mulf %mul3A_8, %mul3A_12 : vector<512x768xf32>
    %get3A_14 = arith.constant 0 : index
    %get3A_15 = arith.constant 0 : index
    %get3A_16 = vector.load %arg3[%get3A_14, %get3A_15] : memref<8x768xf32, #tpu.memory_space<vmem>>, vector<8x768xf32>
    %broadcast_in_dim3A_17 = arith.constant 0.000000e+00 : f32
    %broadcast_in_dim3A_18 = vector.broadcast %broadcast_in_dim3A_17 : f32 to vector<120x768xf32>
    %concatenate3A = tpu.concatenate %get3A_16, %broadcast_in_dim3A_18 in 0 : vector<8x768xf32>, vector<120x768xf32> -> vector<128x768xf32>
    %dot_general3A = arith.constant dense<0.000000e+00> : vector<512x128xf32>
    %dot_general3A_19 = tpu.matmul %mul3A_13, %concatenate3A, %dot_general3A {dimension_numbers = #tpu.dot_dimension_numbers<[1], [1], [0], [0], [0, 0, 1, 0], [], []>, transpose_lhs_hint = false} : vector<512x768xf32>, vector<128x768xf32>, vector<512x128xf32> -> vector<512x128xf32>
    %swap3A = arith.constant 0 : index
    %swap3A_20 = arith.constant 0 : index
    %swap3A_21 = vector.load %arg7[%swap3A, %swap3A_20] : memref<512x128xf32, #tpu.memory_space<vmem>>, vector<512x128xf32>
    tpu.vector_store %arg7[%swap3A, %swap3A_20], %dot_general3A_19 {strides = array<i32>} : memref<512x128xf32, #tpu.memory_space<vmem>>, vector<512x128xf32>,
    %convert_element_type3A = arith.truncf %mul3A_13 : vector<512x768xf32> to vector<512x768xbf16>
    %get3A_22 = arith.constant 0 : index
    %get3A_23 = arith.constant 0 : index
    %get3A_24 = arith.constant 0 : index
    %get3A_25 = vector.load %arg4[%get3A_22, %get3A_23, %get3A_24] : memref<8x128x768xf32, #tpu.memory_space<vmem>>, vector<8x128x768xf32>
    %reshape3A = vector.shape_cast %get3A_25 : vector<8x128x768xf32> to vector<1024x768xf32>
    %convert_element_type3A_26 = arith.truncf %reshape3A : vector<1024x768xf32> to vector<1024x768xbf16>
    %get3A_27 = arith.constant 0 : index
    %get3A_28 = arith.constant 0 : index
    %get3A_29 = arith.constant 0 : index
    %get3A_30 = vector.load %arg5[%get3A_27, %get3A_28, %get3A_29] : memref<8x128x768xf32, #tpu.memory_space<vmem>>, vector<8x128x768xf32>
    %reshape3A_31 = vector.shape_cast %get3A_30 : vector<8x128x768xf32> to vector<1024x768xf32>
    %convert_element_type3A_32 = arith.truncf %reshape3A_31 : vector<1024x768xf32> to vector<1024x768xbf16>
    %dot_general3A_33 = arith.constant dense<0.000000e+00> : vector<512x1024xf32>
    %dot_general3A_34 = tpu.matmul %convert_element_type3A, %convert_element_type3A_26, %dot_general3A_33 {dimension_numbers = #tpu.dot_dimension_numbers<[1], [1], [0], [0], [0, 0, 1, 0], [], []>, transpose_lhs_hint = false} : vector<512x768xbf16>, vector<1024x768xbf16>, vector<512x1024xf32> -> vector<512x1024xf32>
    %dot_general3A_35 = arith.constant dense<0.000000e+00> : vector<512x1024xf32>
    %dot_general3A_36 = tpu.matmul %convert_element_type3A, %convert_element_type3A_32, %dot_general3A_35 {dimension_numbers = #tpu.dot_dimension_numbers<[1], [1], [0], [0], [0, 0, 1, 0], [], []>, transpose_lhs_hint = false} : vector<512x768xbf16>, vector<1024x768xbf16>, vector<512x1024xf32> -> vector<512x1024xf32>
    %neg3A = arith.constant 0.000000e+00 : f32
    %neg3A_37 = vector.broadcast %neg3A : f32 to vector<512x1024xf32>
    %neg3A_38 = arith.subf %neg3A_37, %dot_general3A_34 : vector<512x1024xf32>
    %exp3A = math.exp %neg3A_38 : vector<512x1024xf32>
    %add3A_39 = arith.constant 1.000000e+00 : f32
    %add3A_40 = vector.broadcast %add3A_39 : f32 to vector<512x1024xf32>
    %add3A_41 = arith.addf %add3A_40, %exp3A : vector<512x1024xf32>
    %div3A_42 = arith.constant 1.000000e+00 : f32
    %div3A_43 = vector.broadcast %div3A_42 : f32 to vector<512x1024xf32>
    %div3A_44 = arith.divf %div3A_43, %add3A_41 : vector<512x1024xf32>
    %mul3A_45 = arith.mulf %dot_general3A_34, %div3A_44 : vector<512x1024xf32>
    %mul3A_46 = arith.mulf %mul3A_45, %dot_general3A_36 : vector<512x1024xf32>
    %convert_element_type3A_47 = arith.truncf %mul3A_46 : vector<512x1024xf32> to vector<512x1024xbf16>
    %swap3A_48 = arith.constant 0 : index
    %swap3A_49 = arith.constant 0 : index
    %swap3A_50 = vector.load %arg6[%swap3A_48, %swap3A_49] : memref<512x1024xbf16, #tpu.memory_space<vmem>>, vector<512x1024xbf16>
    tpu.vector_store %arg6[%swap3A_48, %swap3A_49], %convert_element_type3A_47 {strides = array<i32>} : memref<512x1024xbf16, #tpu.memory_space<vmem>>, vector<512x1024xbf16>,
    return
  }
  func.func @transform_0(%arg0: i32) -> (i32, i32) {
    %c0_i32 = arith.constant 0 : i32
    %c0_i32_0 = arith.constant 0 : i32
    return %arg0, %c0_i32 : i32, i32
  }
  func.func @transform_1(%arg0: i32) -> (i32, i32) {
    %c0_i32 = arith.constant 0 : i32
    %c0_i32_0 = arith.constant 0 : i32
    %c0_i32_1 = arith.constant 0 : i32
    return %c0_i32, %c0_i32_0 : i32, i32
  }
  func.func @transform_2(%arg0: i32) -> (i32, i32) {
    %c0_i32 = arith.constant 0 : i32
    %c0_i32_0 = arith.constant 0 : i32
    %c0_i32_1 = arith.constant 0 : i32
    return %c0_i32, %c0_i32_0 : i32, i32
  }
  func.func @transform_3(%arg0: i32) -> (i32, i32, i32) {
    %c0_i32 = arith.constant 0 : i32
    %c0_i32_0 = arith.constant 0 : i32
    %c0_i32_1 = arith.constant 0 : i32
    %c0_i32_2 = arith.constant 0 : i32
    return %c0_i32, %c0_i32_0, %c0_i32_1 : i32, i32, i32
  }
  func.func @transform_4(%arg0: i32) -> (i32, i32, i32) {
    %c0_i32 = arith.constant 0 : i32
    %c0_i32_0 = arith.constant 0 : i32
    %c0_i32_1 = arith.constant 0 : i32
    %c0_i32_2 = arith.constant 0 : i32
    return %c0_i32, %c0_i32_0, %c0_i32_1 : i32, i32, i32
  }
  func.func @transform_5(%arg0: i32) -> (i32, i32) {
    %c0_i32 = arith.constant 0 : i32
    %c0_i32_0 = arith.constant 0 : i32
    return %arg0, %c0_i32 : i32, i32
  }
  func.func @transform_6(%arg0: i32) -> (i32, i32) {
    %c0_i32 = arith.constant 0 : i32
    %c0_i32_0 = arith.constant 0 : i32
    return %arg0, %c0_i32 : i32, i32
  }
}

module attributes {stable_mosaic.version = 14 : i64} {
  func.func @_combine_body(%arg0: i32, %arg1: memref<512x1024xbf16, #tpu.memory_space<vmem>>, %arg2: memref<512x128xf32, #tpu.memory_space<vmem>>, %arg3: memref<128x1024xf32, #tpu.memory_space<vmem>>, %arg4: memref<8x768x128xf32, #tpu.memory_space<vmem>>, %arg5: memref<512x768xf32, #tpu.memory_space<vmem>>, %arg6: memref<512x768xf32, #tpu.memory_space<vmem>>) attributes {dimension_semantics = [#tpu.dimension_semantics<arbitrary>], iteration_bounds = array<i64: 4>, scalar_prefetch = 0 : i64, scratch_operands = 0 : i64, tpu.core_type = #tpu.core_type<tc>, window_params = [{transform_indices = @transform_0, window_bounds = array<i64: 512, 1024>}, {transform_indices = @transform_1, window_bounds = array<i64: 512, 128>}, {pipeline_mode = #tpu.pipeline_mode<synchronous>, transform_indices = @transform_2, window_bounds = array<i64: 128, 1024>}, {pipeline_mode = #tpu.pipeline_mode<synchronous>, transform_indices = @transform_3, window_bounds = array<i64: 8, 768, 128>}, {transform_indices = @transform_4, window_bounds = array<i64: 512, 768>}, {transform_indices = @transform_5, window_bounds = array<i64: 512, 768>}]} {
    %get3A = arith.constant 0 : index
    %get3A_0 = arith.constant 0 : index
    %get3A_1 = vector.load %arg2[%get3A, %get3A_0] : memref<512x128xf32, #tpu.memory_space<vmem>>, vector<512x128xf32>
    %get3A_2 = arith.constant 0 : index
    %get3A_3 = arith.constant 0 : index
    %get3A_4 = vector.load %arg3[%get3A_2, %get3A_3] : memref<128x1024xf32, #tpu.memory_space<vmem>>, vector<128x1024xf32>
    %dot_general3A = arith.constant dense<0.000000e+00> : vector<512x1024xf32>
    %dot_general3A_5 = tpu.matmul %get3A_1, %get3A_4, %dot_general3A {dimension_numbers = #tpu.dot_dimension_numbers<[1], [0], [0], [1], [0, 0, 1, 1], [], []>, transpose_lhs_hint = false} : vector<512x128xf32>, vector<128x1024xf32>, vector<512x1024xf32> -> vector<512x1024xf32>
    %get3A_6 = arith.constant 0 : index
    %get3A_7 = arith.constant 0 : index
    %get3A_8 = vector.load %arg1[%get3A_6, %get3A_7] : memref<512x1024xbf16, #tpu.memory_space<vmem>>, vector<512x1024xbf16>
    %convert_element_type3A = arith.extf %get3A_8 : vector<512x1024xbf16> to vector<512x1024xf32>
    %mul3A = arith.mulf %convert_element_type3A, %dot_general3A_5 : vector<512x1024xf32>
    %convert_element_type3A_9 = arith.truncf %mul3A : vector<512x1024xf32> to vector<512x1024xbf16>
    %get3A_10 = arith.constant 0 : index
    %get3A_11 = arith.constant 0 : index
    %get3A_12 = vector.load %arg5[%get3A_10, %get3A_11] : memref<512x768xf32, #tpu.memory_space<vmem>>, vector<512x768xf32>
    %slice3A = vector.extract_strided_slice %convert_element_type3A_9 {offsets = [0, 0], sizes = [512, 128], strides = [1, 1]} : vector<512x1024xbf16> to vector<512x128xbf16>
    %get3A_13 = arith.constant 0 : index
    %get3A_14 = arith.constant 0 : index
    %get3A_15 = arith.constant 0 : index
    %get3A_16 = vector.load %arg4[%get3A_13, %get3A_14, %get3A_15] : memref<8x768x128xf32, #tpu.memory_space<vmem>>, vector<1x768x128xf32>
    %get3A_17 = vector.shape_cast %get3A_16 : vector<1x768x128xf32> to vector<768x128xf32>
    %convert_element_type3A_18 = arith.truncf %get3A_17 : vector<768x128xf32> to vector<768x128xbf16>
    %dot_general3A_19 = arith.constant dense<0.000000e+00> : vector<512x768xf32>
    %dot_general3A_20 = tpu.matmul %slice3A, %convert_element_type3A_18, %dot_general3A_19 {dimension_numbers = #tpu.dot_dimension_numbers<[1], [1], [0], [0], [0, 0, 1, 0], [], []>, transpose_lhs_hint = false} : vector<512x128xbf16>, vector<768x128xbf16>, vector<512x768xf32> -> vector<512x768xf32>
    %add3A = arith.addf %get3A_12, %dot_general3A_20 : vector<512x768xf32>
    %slice3A_21 = vector.extract_strided_slice %convert_element_type3A_9 {offsets = [0, 128], sizes = [512, 128], strides = [1, 1]} : vector<512x1024xbf16> to vector<512x128xbf16>
    %get3A_22 = arith.constant 1 : index
    %get3A_23 = arith.constant 0 : index
    %get3A_24 = arith.constant 0 : index
    %get3A_25 = vector.load %arg4[%get3A_22, %get3A_23, %get3A_24] : memref<8x768x128xf32, #tpu.memory_space<vmem>>, vector<1x768x128xf32>
    %get3A_26 = vector.shape_cast %get3A_25 : vector<1x768x128xf32> to vector<768x128xf32>
    %convert_element_type3A_27 = arith.truncf %get3A_26 : vector<768x128xf32> to vector<768x128xbf16>
    %dot_general3A_28 = arith.constant dense<0.000000e+00> : vector<512x768xf32>
    %dot_general3A_29 = tpu.matmul %slice3A_21, %convert_element_type3A_27, %dot_general3A_28 {dimension_numbers = #tpu.dot_dimension_numbers<[1], [1], [0], [0], [0, 0, 1, 0], [], []>, transpose_lhs_hint = false} : vector<512x128xbf16>, vector<768x128xbf16>, vector<512x768xf32> -> vector<512x768xf32>
    %add3A_30 = arith.addf %add3A, %dot_general3A_29 : vector<512x768xf32>
    %slice3A_31 = vector.extract_strided_slice %convert_element_type3A_9 {offsets = [0, 256], sizes = [512, 128], strides = [1, 1]} : vector<512x1024xbf16> to vector<512x128xbf16>
    %get3A_32 = arith.constant 2 : index
    %get3A_33 = arith.constant 0 : index
    %get3A_34 = arith.constant 0 : index
    %get3A_35 = vector.load %arg4[%get3A_32, %get3A_33, %get3A_34] : memref<8x768x128xf32, #tpu.memory_space<vmem>>, vector<1x768x128xf32>
    %get3A_36 = vector.shape_cast %get3A_35 : vector<1x768x128xf32> to vector<768x128xf32>
    %convert_element_type3A_37 = arith.truncf %get3A_36 : vector<768x128xf32> to vector<768x128xbf16>
    %dot_general3A_38 = arith.constant dense<0.000000e+00> : vector<512x768xf32>
    %dot_general3A_39 = tpu.matmul %slice3A_31, %convert_element_type3A_37, %dot_general3A_38 {dimension_numbers = #tpu.dot_dimension_numbers<[1], [1], [0], [0], [0, 0, 1, 0], [], []>, transpose_lhs_hint = false} : vector<512x128xbf16>, vector<768x128xbf16>, vector<512x768xf32> -> vector<512x768xf32>
    %add3A_40 = arith.addf %add3A_30, %dot_general3A_39 : vector<512x768xf32>
    %slice3A_41 = vector.extract_strided_slice %convert_element_type3A_9 {offsets = [0, 384], sizes = [512, 128], strides = [1, 1]} : vector<512x1024xbf16> to vector<512x128xbf16>
    %get3A_42 = arith.constant 3 : index
    %get3A_43 = arith.constant 0 : index
    %get3A_44 = arith.constant 0 : index
    %get3A_45 = vector.load %arg4[%get3A_42, %get3A_43, %get3A_44] : memref<8x768x128xf32, #tpu.memory_space<vmem>>, vector<1x768x128xf32>
    %get3A_46 = vector.shape_cast %get3A_45 : vector<1x768x128xf32> to vector<768x128xf32>
    %convert_element_type3A_47 = arith.truncf %get3A_46 : vector<768x128xf32> to vector<768x128xbf16>
    %dot_general3A_48 = arith.constant dense<0.000000e+00> : vector<512x768xf32>
    %dot_general3A_49 = tpu.matmul %slice3A_41, %convert_element_type3A_47, %dot_general3A_48 {dimension_numbers = #tpu.dot_dimension_numbers<[1], [1], [0], [0], [0, 0, 1, 0], [], []>, transpose_lhs_hint = false} : vector<512x128xbf16>, vector<768x128xbf16>, vector<512x768xf32> -> vector<512x768xf32>
    %add3A_50 = arith.addf %add3A_40, %dot_general3A_49 : vector<512x768xf32>
    %slice3A_51 = vector.extract_strided_slice %convert_element_type3A_9 {offsets = [0, 512], sizes = [512, 128], strides = [1, 1]} : vector<512x1024xbf16> to vector<512x128xbf16>
    %get3A_52 = arith.constant 4 : index
    %get3A_53 = arith.constant 0 : index
    %get3A_54 = arith.constant 0 : index
    %get3A_55 = vector.load %arg4[%get3A_52, %get3A_53, %get3A_54] : memref<8x768x128xf32, #tpu.memory_space<vmem>>, vector<1x768x128xf32>
    %get3A_56 = vector.shape_cast %get3A_55 : vector<1x768x128xf32> to vector<768x128xf32>
    %convert_element_type3A_57 = arith.truncf %get3A_56 : vector<768x128xf32> to vector<768x128xbf16>
    %dot_general3A_58 = arith.constant dense<0.000000e+00> : vector<512x768xf32>
    %dot_general3A_59 = tpu.matmul %slice3A_51, %convert_element_type3A_57, %dot_general3A_58 {dimension_numbers = #tpu.dot_dimension_numbers<[1], [1], [0], [0], [0, 0, 1, 0], [], []>, transpose_lhs_hint = false} : vector<512x128xbf16>, vector<768x128xbf16>, vector<512x768xf32> -> vector<512x768xf32>
    %add3A_60 = arith.addf %add3A_50, %dot_general3A_59 : vector<512x768xf32>
    %slice3A_61 = vector.extract_strided_slice %convert_element_type3A_9 {offsets = [0, 640], sizes = [512, 128], strides = [1, 1]} : vector<512x1024xbf16> to vector<512x128xbf16>
    %get3A_62 = arith.constant 5 : index
    %get3A_63 = arith.constant 0 : index
    %get3A_64 = arith.constant 0 : index
    %get3A_65 = vector.load %arg4[%get3A_62, %get3A_63, %get3A_64] : memref<8x768x128xf32, #tpu.memory_space<vmem>>, vector<1x768x128xf32>
    %get3A_66 = vector.shape_cast %get3A_65 : vector<1x768x128xf32> to vector<768x128xf32>
    %convert_element_type3A_67 = arith.truncf %get3A_66 : vector<768x128xf32> to vector<768x128xbf16>
    %dot_general3A_68 = arith.constant dense<0.000000e+00> : vector<512x768xf32>
    %dot_general3A_69 = tpu.matmul %slice3A_61, %convert_element_type3A_67, %dot_general3A_68 {dimension_numbers = #tpu.dot_dimension_numbers<[1], [1], [0], [0], [0, 0, 1, 0], [], []>, transpose_lhs_hint = false} : vector<512x128xbf16>, vector<768x128xbf16>, vector<512x768xf32> -> vector<512x768xf32>
    %add3A_70 = arith.addf %add3A_60, %dot_general3A_69 : vector<512x768xf32>
    %slice3A_71 = vector.extract_strided_slice %convert_element_type3A_9 {offsets = [0, 768], sizes = [512, 128], strides = [1, 1]} : vector<512x1024xbf16> to vector<512x128xbf16>
    %get3A_72 = arith.constant 6 : index
    %get3A_73 = arith.constant 0 : index
    %get3A_74 = arith.constant 0 : index
    %get3A_75 = vector.load %arg4[%get3A_72, %get3A_73, %get3A_74] : memref<8x768x128xf32, #tpu.memory_space<vmem>>, vector<1x768x128xf32>
    %get3A_76 = vector.shape_cast %get3A_75 : vector<1x768x128xf32> to vector<768x128xf32>
    %convert_element_type3A_77 = arith.truncf %get3A_76 : vector<768x128xf32> to vector<768x128xbf16>
    %dot_general3A_78 = arith.constant dense<0.000000e+00> : vector<512x768xf32>
    %dot_general3A_79 = tpu.matmul %slice3A_71, %convert_element_type3A_77, %dot_general3A_78 {dimension_numbers = #tpu.dot_dimension_numbers<[1], [1], [0], [0], [0, 0, 1, 0], [], []>, transpose_lhs_hint = false} : vector<512x128xbf16>, vector<768x128xbf16>, vector<512x768xf32> -> vector<512x768xf32>
    %add3A_80 = arith.addf %add3A_70, %dot_general3A_79 : vector<512x768xf32>
    %slice3A_81 = vector.extract_strided_slice %convert_element_type3A_9 {offsets = [0, 896], sizes = [512, 128], strides = [1, 1]} : vector<512x1024xbf16> to vector<512x128xbf16>
    %get3A_82 = arith.constant 7 : index
    %get3A_83 = arith.constant 0 : index
    %get3A_84 = arith.constant 0 : index
    %get3A_85 = vector.load %arg4[%get3A_82, %get3A_83, %get3A_84] : memref<8x768x128xf32, #tpu.memory_space<vmem>>, vector<1x768x128xf32>
    %get3A_86 = vector.shape_cast %get3A_85 : vector<1x768x128xf32> to vector<768x128xf32>
    %convert_element_type3A_87 = arith.truncf %get3A_86 : vector<768x128xf32> to vector<768x128xbf16>
    %dot_general3A_88 = arith.constant dense<0.000000e+00> : vector<512x768xf32>
    %dot_general3A_89 = tpu.matmul %slice3A_81, %convert_element_type3A_87, %dot_general3A_88 {dimension_numbers = #tpu.dot_dimension_numbers<[1], [1], [0], [0], [0, 0, 1, 0], [], []>, transpose_lhs_hint = false} : vector<512x128xbf16>, vector<768x128xbf16>, vector<512x768xf32> -> vector<512x768xf32>
    %add3A_90 = arith.addf %add3A_80, %dot_general3A_89 : vector<512x768xf32>
    %swap3A = arith.constant 0 : index
    %swap3A_91 = arith.constant 0 : index
    %swap3A_92 = vector.load %arg6[%swap3A, %swap3A_91] : memref<512x768xf32, #tpu.memory_space<vmem>>, vector<512x768xf32>
    tpu.vector_store %arg6[%swap3A, %swap3A_91], %add3A_90 {strides = array<i32>} : memref<512x768xf32, #tpu.memory_space<vmem>>, vector<512x768xf32>,
    return
  }
  func.func @transform_0(%arg0: i32) -> (i32, i32) {
    %c0_i32 = arith.constant 0 : i32
    %c0_i32_0 = arith.constant 0 : i32
    return %arg0, %c0_i32 : i32, i32
  }
  func.func @transform_1(%arg0: i32) -> (i32, i32) {
    %c0_i32 = arith.constant 0 : i32
    %c0_i32_0 = arith.constant 0 : i32
    return %arg0, %c0_i32 : i32, i32
  }
  func.func @transform_2(%arg0: i32) -> (i32, i32) {
    %c0_i32 = arith.constant 0 : i32
    %c0_i32_0 = arith.constant 0 : i32
    %c0_i32_1 = arith.constant 0 : i32
    return %c0_i32, %c0_i32_0 : i32, i32
  }
  func.func @transform_3(%arg0: i32) -> (i32, i32, i32) {
    %c0_i32 = arith.constant 0 : i32
    %c0_i32_0 = arith.constant 0 : i32
    %c0_i32_1 = arith.constant 0 : i32
    %c0_i32_2 = arith.constant 0 : i32
    return %c0_i32, %c0_i32_0, %c0_i32_1 : i32, i32, i32
  }
  func.func @transform_4(%arg0: i32) -> (i32, i32) {
    %c0_i32 = arith.constant 0 : i32
    %c0_i32_0 = arith.constant 0 : i32
    return %arg0, %c0_i32 : i32, i32
  }
  func.func @transform_5(%arg0: i32) -> (i32, i32) {
    %c0_i32 = arith.constant 0 : i32
    %c0_i32_0 = arith.constant 0 : i32
    return %arg0, %c0_i32 : i32, i32
  }
}

</mosaic_0001>

<sc_bundles>
// kernel: kernel.5.cloned.1.call-start
scs
__scs_entry_jumppad:
0x0: {  	(pc) =	sbr.rel $0x88, $3  }
0x1: {  	(tag) =	ssettag $0x0;
	lr =	simm.s32 $0x1  }
0x2: {  	[smem:$0x3F9B] =	sst lr;
	_ =	strace $0xD0000000  }
0x3: {  	_ = 	snop  }
0x4: {  	_ = 	snop  }
0x5: {  	_ = 	snop  }
0x6: {  	_ = 	snop  }
0x7: {  	_ = 	snop  }
__scs_overlays_trampoline_lowered:
0x8: {  	[smem:$0x3FAA] =	sst s0  }
0x9: {  	[smem:$0x3FAB] =	sst s1  }
0xa: {  	[smem:$0x3FAC] =	sst s2  }
0xb: {  	[smem:$0x3FAD] =	sst s3  }
0xc: {  	[smem:$0x3FAE] =	sst s4  }
0xd: {  	[smem:$0x3FAF] =	sst s5  }
0xe: {  	[smem:$0x3FB0] =	sst s6  }
0xf: {  	[smem:$0x3FB1] =	sst s7  }
0x10: {  	[smem:$0x3FB2] =	sst s8  }
0x11: {  	[smem:$0x3FB3] =	sst s9;
	s0 =	simm.s32 @!p0 $0x0  }
0x12: {  	s1 =	sld [smem:$0x3F99];
	s0 =	simm.s32 @p0 $0x1  }
0x13: {  	[smem:$0x3FB4] =	sst s0;
	s0 =	simm.s32 @!p1 $0x0  }
0x14: {  	s2 =	sld [smem:$0x3F98];
	s0 =	simm.s32 @p1 $0x1  }
0x15: {  	[smem:$0x3FB5] =	sst s0;
	s0 =	simm.s32 @!p2 $0x0  }
0x16: {  	s3 =	sld [smem:$0x3FDB];
	s0 =	simm.s32 @p2 $0x1  }
0x17: {  	s4 =	simm.s32 $0x1BF5;
	[smem:$0x3FB7] =	sst s0  }
0x18: {  	s0 =	sld [smem:$0x3F9A];
	_ =	swait.ge [sflag:s4], $0x0  }
0x19: {  	s7 =	sld [smem:$0x3F9B]  }
0x1a: {  	s8 =	sadd.s32 $0xFFFFE003, lr  }
0x1b: {  	s9 =	sadd.s32 $0xFFFFFEF7, lr;
	s5 =	simm.s32 $0xFFFFFFFF;
	p2 =	slt.u32 s8, $0xFFFFF086  }
0x1c: {  	p1 =	slt.u32 s9, $0xF7A;
	s5 =	simm.s32 @!p2 $0x0  }
0x1d: {  	s5 =	simm.s32 @p1 $0x1;
	p0 =	seq.s32 s7, s2  }
0x1e: {  	s7 =	smul.u32 @!p0 $0xF7A, s2;
	p2 =	seq.s32 @!p0 s5, $0x0  }
0x1f: {  	s9 =	smul.u32 $0xF7A, s1;
	s8 =	simm.s32 @!p0 $0x1BF5;
	p2 =	por !p2, p0  }
0x20: {  	[sflag:s8] =	ssyncset.s32 @!p0 $0xFFFFF086;
	s6 =	sadd.s32 @!p0 s3, s7;
	s7 =	simm.s32 @!p0 $0x108  }
0x21: {  	s3 =	sadd.s32 s3, s9;
	s6 =	sadd.s32 @!p0 $0x88, s6;
	s7 =	simm.s32 @p2 $0x1082  }
0x22: {  	[simem:s7], [sflag:s8] =	dma.local @!p0 [hbm:s6], $0xF7A  }
0x23: {  	s9 =	sor.u32 $0xD0000000, s2;
	s6 =	simm.s32 $0x108;
	_ =	swait.ge @!p0 [sflag:s8], $0x0  }
0x24: {  	s3 =	sadd.s32 $0x88, s3;
	s6 =	simm.s32 @!p1 $0x1082;
	[sflag:s4] =	ssyncset.s32 $0xFFFFF086  }
0x25: {  	[simem:s6], [sflag:s4] =	dma.local [hbm:s3], $0xF7A  }
0x26: {  	[smem:$0x3F9B] =	sst s1;
	(tag) =	ssettag s2;
	_ =	strace s9  }
0x27: {  	s1 =	sld [smem:$0x3FAB]  }
0x28: {  	s2 =	sld [smem:$0x3FAC]  }
0x29: {  	s4 =	sld [smem:$0x3FAE]  }
0x2a: {  	p0 =	seq.s32 s5, $0x0;
	s5 =	sld [smem:$0x3FAF]  }
0x2b: {  	s6 =	sld [smem:$0x3FB0]  }
0x2c: {  	s7 =	sld [smem:$0x3FB1]  }
0x2d: {  	s3 =	simm.s32 $0x108;
	s8 =	sld [smem:$0x3FB2]  }
0x2e: {  	s3 =	simm.s32 @!p0 $0x1082;
	s9 =	sld [smem:$0x3FB3]  }
0x2f: {  	lr =	sadd.s32 s0, s3;
	s0 =	sld [smem:$0x3FAA]  }
0x30: {  	s3 =	sld [smem:$0x3FAD]  }
0x31: {  	[smem:$0x3FB6] =	sst s10  }
0x32: {  	s10 =	sld [smem:$0x3FB4];
	_ =	sdelay $0x3  }
0x33: {  	p0 =	seq.s32 s10, $0x1;
	s10 =	sld [smem:$0x3FB6];
	_ =	sdelay $0x3  }
0x34: {  	[smem:$0x3FB6] =	sst s10  }
0x35: {  	s10 =	sld [smem:$0x3FB5];
	_ =	sdelay $0x3  }
0x36: {  	p1 =	seq.s32 s10, $0x1;
	s10 =	sld [smem:$0x3FB6];
	_ =	sdelay $0x3  }
0x37: {  	[smem:$0x3FB6] =	sst s10  }
0x38: {  	s10 =	sld [smem:$0x3FB7]  }
0x39: {  	_ = 	snop;
	(pc) =	sbr.ind lr, $3  }
0x3a: {  	_ = 	snop  }
0x3b: {  	_ = 	snop  }
0x3c: {  	p2 =	seq.s32 s10, $0x1;
	s10 =	sld [smem:$0x3FB6]  }
0x3d: {  	_ =	shalt  }
0x3e: {  	_ =	shalt  }
0x3f: {  	_ =	shalt  }
0x40: {  	_ =	shalt  }
0x41: {  	_ =	shalt  }
0x42: {  	_ =	shalt  }
0x43: {  	_ =	shalt  }
0x44: {  	_ =	shalt  }
0x45: {  	_ =	shalt  }
0x46: {  	_ =	shalt  }
0x47: {  	_ =	shalt  }
0x48: {  	_ =	shalt  }
0x49: {  	_ =	shalt  }
0x4a: {  	_ =	shalt  }
0x4b: {  	_ =	shalt  }
0x4c: {  	_ =	shalt  }
0x4d: {  	_ =	shalt  }
0x4e: {  	_ =	shalt  }
0x4f: {  	_ =	shalt  }
0x50: {  	_ =	shalt  }
0x51: {  	_ =	shalt  }
0x52: {  	_ =	shalt  }
0x53: {  	_ =	shalt  }
0x54: {  	_ =	shalt  }
0x55: {  	_ =	shalt  }
0x56: {  	_ =	shalt  }
0x57: {  	_ =	shalt  }
0x58: {  	_ =	shalt  }
0x59: {  	_ =	shalt  }
0x5a: {  	_ =	shalt  }
0x5b: {  	_ =	shalt  }
0x5c: {  	_ =	shalt  }
0x5d: {  	_ =	shalt  }
0x5e: {  	_ =	shalt  }
0x5f: {  	_ =	shalt  }
0x60: {  	_ =	shalt  }
0x61: {  	_ =	shalt  }
0x62: {  	_ =	shalt  }
0x63: {  	_ =	shalt  }
0x64: {  	_ =	shalt  }
0x65: {  	_ =	shalt  }
0x66: {  	_ =	shalt  }
0x67: {  	_ =	shalt  }
0x68: {  	_ =	shalt  }
0x69: {  	_ =	shalt  }
0x6a: {  	_ =	shalt  }
0x6b: {  	_ =	shalt  }
0x6c: {  	_ =	shalt  }
0x6d: {  	_ =	shalt  }
0x6e: {  	_ =	shalt  }
0x6f: {  	_ =	shalt  }
0x70: {  	_ =	shalt  }
0x71: {  	_ =	shalt  }
0x72: {  	_ =	shalt  }
0x73: {  	_ =	shalt  }
0x74: {  	_ =	shalt  }
0x75: {  	_ =	shalt  }
0x76: {  	_ =	shalt  }
0x77: {  	_ =	shalt  }
0x78: {  	_ =	shalt  }
0x79: {  	_ =	shalt  }
0x7a: {  	_ =	shalt  }
0x7b: {  	_ =	shalt  }
0x7c: {  	_ =	shalt  }
0x7d: {  	_ =	shalt  }
0x7e: {  	_ =	shalt  }
0x7f: {  	_ =	shalt  }
0x80: {  	_ =	shalt  }
0x81: {  	_ =	shalt  }
0x82: {  	_ =	shalt  }
0x83: {  	_ =	shalt  }
0x84: {  	_ =	shalt  }
0x85: {  	_ =	shalt  }
0x86: {  	_ =	shalt  }
0x87: {  	_ =	shalt  }
.Lfunc_end0:
.L_simem_size_0:
called_computation_lowered:
.L_overlay_start_0:
0x88: {  	s2 =	sld [smem:$0x3FD9]  }
0x89: {  	s3 =	sld [smem:$0x3FFE];
	_ =	sdelay $0x1  }
0x8a: {  	s1 =	srdreg.scid  }
0x8b: {  	s0 =	sand.u32 $0x1, s1  }
0x8c: {  	s17 =	sshll.u32 s0, $0xA;
	s2 =	sadd.s32 s3, s2  }
0x8d: {  	s2 =	sadd.s32 s2, s17  }
0x8e: {  	[smem:$0x3FC2] =	sst s2  }
0x8f: {  	_ = 	snop  }
0x90: {  	s2 =	sld [smem:$0x3FD0];
	(tm) =	ssettm $0x1  }
0x91: {  	s18 =	sld [smem:$0x3FFB];
	_ =	sdelay $0x3  }
0x92: {  	_ =	strace s18  }
0x93: {  	s3 =	sld [smem:$0x3FFC];
	_ =	sdelay $0x3  }
0x94: {  	_ =	strace s3  }
0x95: {  	s3 =	sld [smem:$0x3FFD];
	_ =	sdelay $0x3  }
0x96: {  	_ =	strace s3  }
0x97: {  	_ =	strace $0x8FFFFFFF  }
0x98: {  	s19 =	sld [smem:$0x3FDB];
	_ =	sdelay $0x1  }
0x99: {  	s4 =	simm.s32 $_scs_section_size  }
0x9a: {  	s5 =	simm.s32 $_size__tile_overlayer_lowered;
	s6 =	simm.s32 $_tile_overlayer_lowered  }
0x9b: {  	s22 =	simm.s32 $0x1BFF;
	s21 =	sshll.u32 s6, $0x1;
	s3 =	sadd.s32 s4, s19  }
0x9c: {  	s7 =	simm.s32 $0x0;
	s20 =	sshll.u32 s5, $0x1;
	s5 =	sadd.s32 s21, s3  }
0x9d: {  	[timem:s7], [sflag:s22] =	dma.local [hbm:s5], s20  }
0x9e: {  	_ =	swait.ge [sflag:s22], s20  }
0x9f: {  	s4 =	ssub.s32 $0x0, s20;
	[sflag:s22] =	ssyncset.done $0x0  }
0xa0: {  	[sflag:s22] =	ssyncadd.s32 s4;
	_ =	sdelay $0x1  }
0xa1: {  	s23 =	simm.s32 $0x1B8B  }
0xa2: {  	_ =	swait.ge [sflag:s23], $0x1  }
0xa3: {  	[sflag:s23] =	ssyncset.done $0x0  }
0xa4: {  	s25 =	simm.s32 $0x1B8E;
	s24 =	sld [smem:$0x3FFE];
	[sflag:s23] =	ssyncadd.s32 $0xFFFFFFFF  }
0xa5: {  	s26 =	simm.s32 $execute0_lowered;
	[smem:$0x3FD2] =	sst s25  }
0xa6: {  	s5 =	sshll.u32 s26, $0x1;
	_ =	strace $0x80000046;
	[dreg:$0x1] =	wrdreg $0xFFFFFFFF  }
0xa7: {  	s28 =	simm.s32 $_size_execute0_lowered;
	s3 =	sadd.s32 s3, s5;
	[dreg:$0x0] =	wrdreg $0x0  }
0xa8: {  	s5 =	sshll.u32 s28, $0x1;
	[dreg:$0x2] =	wrdreg s3  }
0xa9: {  	[dreg:$0x3] =	wrdreg s5  }
0xaa: {  	[dreg:$0x4] =	wrdreg $0xC0  }
0xab: {  	_ =	task [dreg:s7], $0x5FFFF  }
0xac: {  	[dreg:$0x1] =	wrdreg $0xFFFFFFFF  }
0xad: {  	[dreg:$0x0] =	wrdreg $0x60  }
0xae: {  	[dreg:$0x2] =	wrdreg s2  }
0xaf: {  	[dreg:$0x3] =	wrdreg s24  }
0xb0: {  	[dreg:$0x4] =	wrdreg $0x9  }
0xb1: {  	_ =	task.clear_ibuf [dreg:s7], $0x5FFFF;
	_ =	strace $0x90000046  }
0xb2: {  	s29 =	simm.s32 $0x9;
	_ =	strace $0x80000048  }
0xb3: {  	_ =	swait.ge [sflag:s29], $0x1  }
0xb4: {  	[sflag:s29] =	ssyncadd.s32 $0xFFFFFFFF  }
0xb5: {  	_ =	strace $0x90000048  }
0xb6: {  	_ =	sfence  }
0xb7: {  	s30 =	sld [smem:$0x0];
	_ =	sdelay $0x2  }
0xb8: {  	s31 =	sshll.u32 s1, $0xD;
	s1 =	sshrl.u32 s1, $0x2  }
0xb9: {  	s3 =	sand.u32 $0x4000, s31;
	s1 =	sadd.s32 s1, s30  }
0xba: {  	s0 =	sor.u32 s3, s0;
	s1 =	sshll.u32 s1, $0x11  }
0xbb: {  	s0 =	sor.u32 s1, s0  }
0xbc: {  	s0 =	sadd.s32 $0x8F2B, s0  }
0xbd: {  	[sflag:s0] =	ssyncadd.remote.s32 $0x1  }
0xbe: {  	_ =	sfence.sel $0xFFFF  }
0xbf: {  	[dreg:$0x0] =	wrdreg $0xFFFFFFFF;
	(pc) =	sbr.abs _section_cstart, $3  }
0xc0: {  	[dreg:$0x1] =	wrdreg $0xFFFFFFFF  }
0xc1: {  	_ =	task.clear_ibuf [dreg:s7], $0x2FFFF;
	_ =	strace $0x9FFFFFFF  }
0xc2: {  	(tm) =	ssettm $0x7FFFFFFF  }
0xc3: {  	_ =	shalt  }
tec
execute0_lowered:
.L_overlay_start_1:
0x0: {  	(tag) =	ssettag $0x1  }
0x1: {  	v0 =	vlaneseq.u32  }
0x2: {  	v0 =	vmul.u32 $0x80, v0;
	_ =	sdelay $0x1  }
0x3: {  	v1 =	vimm.f32 $0.0e+00;
	v9 =	vimm.f32 $8.000000000e+00;
	v2 =	vor.u32 $0x1, v0  }
0x4: {  	v3 =	vor.u32 $0x2, v0;
	v4 =	vor.u32 $0x3, v0;
	v5 =	vor.u32 $0x4, v0  }
0x5: {  	v6 =	vor.u32 $0x5, v0;
	v7 =	vor.u32 $0x6, v0;
	v8 =	vor.u32 $0x7, v0  }
0x6: {  	s3 =	rddreg [dreg:$0x0];
	v10 =	vor.u32 $0x800, v0;
	v11 =	vor.u32 $0x801, v0;
	v12 =	vor.u32 $0x802, v0  }
0x7: {  	s4 =	rddreg [dreg:$0x1];
	s2 =	srdreg.scid;
	v13 =	vor.u32 $0x803, v0;
	v14 =	vor.u32 $0x804, v0;
	v15 =	vor.u32 $0x805, v0  }
0x8: {  	s0 =	rddreg [dreg:$0x2];
	s1 =	stileid.u32;
	s5 =	sand.u32 $0x1, s2;
	v16 =	vor.u32 $0x806, v0;
	v17 =	vor.u32 $0x807, v0;
	v18 =	vor.u32 $0x1000, v0  }
0x9: {  	s2 =	simm.s32 $0x0;
	s6 =	sshll.u32 s1, $0xB;
	s7 =	sshll.u32 s5, $0xA;
	v19 =	vor.u32 $0x1001, v0;
	v20 =	vor.u32 $0x1002, v0;
	v21 =	vor.u32 $0x1003, v0  }
0xa: {  	[smem:$0x7FF] =	sst s2;
	s5 =	ssub.s32 $0x2, s5;
	s6 =	sor.u32 s7, s6;
	v22 =	vor.u32 $0x1004, v0;
	v23 =	vor.u32 $0x1005, v0;
	v24 =	vor.u32 $0x1006, v0  }
0xb: {  	_ =	strace $0x80000047;
	s31 =	sshrl.u32 s5, $0x1;
	v25 =	vor.u32 $0x1007, v0;
	v26 =	vor.u32 $0x1800, v0;
	v27 =	vor.u32 $0x1801, v0;
	s7 =	simm.s32 $0x2000  }
0xc: {  	v28 =	vor.u32 $0x1802, v0;
	v29 =	vor.u32 $0x1803, v0;
	v30 =	vor.u32 $0x1804, v0;
	s4 =	sadd.s32 s6, s4;
	s5 =	ssub.s32 s5, s31;
	s3 =	sadd.s32 s3, s6  }
0xd: {  	v31 =	vor.u32 $0x1805, v0;
	v32 =	vor.u32 $0x1806, v0;
	v33 =	vor.u32 $0x1807, v0;
	s6 =	simm.s32 $0x1;
	s4 =	sadd.s32 $0x1600, s4;
	s5 =	smax.u32 s5, $0x1  }
.LBB2_1:
0xe: {  	[tilespmem:s2], [sflag:$0x1] =	stream.linear.gather [hbm4b:s3+s2], $0x2000, $0x38;
	[tilespmem:$0x4000] =	vst v63  }
0xf: {  	_ =	swait.ge [sflag:s6], $0x2000  }
0x10: {  	[sflag:s6] =	ssyncset.done $0x0  }
0x11: {  	[sflag:s6] =	ssyncadd.s32 $0xFFFFE000  }
0x12: {  	[tilespmem:$0x2000] =	vst v1  }
0x13: {  	[tilespmem:$0x2010] =	vst v1  }
0x14: {  	[tilespmem:$0x2020] =	vst v1  }
0x15: {  	[tilespmem:$0x2030] =	vst v1  }
0x16: {  	[tilespmem:$0x2040] =	vst v1  }
0x17: {  	[tilespmem:$0x2050] =	vst v1  }
0x18: {  	[tilespmem:$0x2060] =	vst v1  }
0x19: {  	[tilespmem:$0x2070] =	vst v1  }
0x1a: {  	[tilespmem:$0x2080] =	vst v1  }
0x1b: {  	[tilespmem:$0x2090] =	vst v1  }
0x1c: {  	[tilespmem:$0x20A0] =	vst v1  }
0x1d: {  	[tilespmem:$0x20B0] =	vst v1  }
0x1e: {  	[tilespmem:$0x20C0] =	vst v1  }
0x1f: {  	[tilespmem:$0x20D0] =	vst v1  }
0x20: {  	[tilespmem:$0x20E0] =	vst v1  }
0x21: {  	[tilespmem:$0x20F0] =	vst v1  }
0x22: {  	[tilespmem:$0x2100] =	vst v1  }
0x23: {  	[tilespmem:$0x2110] =	vst v1  }
0x24: {  	[tilespmem:$0x2120] =	vst v1  }
0x25: {  	[tilespmem:$0x2130] =	vst v1  }
0x26: {  	[tilespmem:$0x2140] =	vst v1  }
0x27: {  	[tilespmem:$0x2150] =	vst v1  }
0x28: {  	[tilespmem:$0x2160] =	vst v1  }
0x29: {  	[tilespmem:$0x2170] =	vst v1  }
0x2a: {  	[tilespmem:$0x2180] =	vst v1  }
0x2b: {  	[tilespmem:$0x2190] =	vst v1  }
0x2c: {  	[tilespmem:$0x21A0] =	vst v1  }
0x2d: {  	[tilespmem:$0x21B0] =	vst v1  }
0x2e: {  	[tilespmem:$0x21C0] =	vst v1  }
0x2f: {  	[tilespmem:$0x21D0] =	vst v1  }
0x30: {  	[tilespmem:$0x21E0] =	vst v1  }
0x31: {  	[tilespmem:$0x21F0] =	vst v1  }
0x32: {  	[tilespmem:$0x2200] =	vst v1  }
0x33: {  	[tilespmem:$0x2210] =	vst v1  }
0x34: {  	[tilespmem:$0x2220] =	vst v1  }
0x35: {  	[tilespmem:$0x2230] =	vst v1  }
0x36: {  	[tilespmem:$0x2240] =	vst v1  }
0x37: {  	[tilespmem:$0x2250] =	vst v1  }
0x38: {  	[tilespmem:$0x2260] =	vst v1  }
0x39: {  	[tilespmem:$0x2270] =	vst v1  }
0x3a: {  	[tilespmem:$0x2280] =	vst v1  }
0x3b: {  	[tilespmem:$0x2290] =	vst v1  }
0x3c: {  	[tilespmem:$0x22A0] =	vst v1  }
0x3d: {  	[tilespmem:$0x22B0] =	vst v1  }
0x3e: {  	[tilespmem:$0x22C0] =	vst v1  }
0x3f: {  	[tilespmem:$0x22D0] =	vst v1  }
0x40: {  	[tilespmem:$0x22E0] =	vst v1  }
0x41: {  	[tilespmem:$0x22F0] =	vst v1  }
0x42: {  	[tilespmem:$0x2300] =	vst v1  }
0x43: {  	[tilespmem:$0x2310] =	vst v1  }
0x44: {  	[tilespmem:$0x2320] =	vst v1  }
0x45: {  	[tilespmem:$0x2330] =	vst v1  }
0x46: {  	[tilespmem:$0x2340] =	vst v1  }
0x47: {  	[tilespmem:$0x2350] =	vst v1  }
0x48: {  	[tilespmem:$0x2360] =	vst v1  }
0x49: {  	[tilespmem:$0x2370] =	vst v1  }
0x4a: {  	[tilespmem:$0x2380] =	vst v1  }
0x4b: {  	[tilespmem:$0x2390] =	vst v1  }
0x4c: {  	[tilespmem:$0x23A0] =	vst v1  }
0x4d: {  	[tilespmem:$0x23B0] =	vst v1  }
0x4e: {  	[tilespmem:$0x23C0] =	vst v1  }
0x4f: {  	[tilespmem:$0x23D0] =	vst v1  }
0x50: {  	[tilespmem:$0x23E0] =	vst v1  }
0x51: {  	[tilespmem:$0x23F0] =	vst v1  }
0x52: {  	[tilespmem:$0x2400] =	vst v1  }
0x53: {  	[tilespmem:$0x2410] =	vst v1  }
0x54: {  	[tilespmem:$0x2420] =	vst v1  }
0x55: {  	[tilespmem:$0x2430] =	vst v1  }
0x56: {  	[tilespmem:$0x2440] =	vst v1  }
0x57: {  	[tilespmem:$0x2450] =	vst v1  }
0x58: {  	[tilespmem:$0x2460] =	vst v1  }
0x59: {  	[tilespmem:$0x2470] =	vst v1  }
0x5a: {  	[tilespmem:$0x2480] =	vst v1  }
0x5b: {  	[tilespmem:$0x2490] =	vst v1  }
0x5c: {  	[tilespmem:$0x24A0] =	vst v1  }
0x5d: {  	[tilespmem:$0x24B0] =	vst v1  }
0x5e: {  	[tilespmem:$0x24C0] =	vst v1  }
0x5f: {  	[tilespmem:$0x24D0] =	vst v1  }
0x60: {  	[tilespmem:$0x24E0] =	vst v1  }
0x61: {  	[tilespmem:$0x24F0] =	vst v1  }
0x62: {  	[tilespmem:$0x2500] =	vst v1  }
0x63: {  	[tilespmem:$0x2510] =	vst v1  }
0x64: {  	[tilespmem:$0x2520] =	vst v1  }
0x65: {  	[tilespmem:$0x2530] =	vst v1  }
0x66: {  	[tilespmem:$0x2540] =	vst v1  }
0x67: {  	[tilespmem:$0x2550] =	vst v1  }
0x68: {  	[tilespmem:$0x2560] =	vst v1  }
0x69: {  	[tilespmem:$0x2570] =	vst v1  }
0x6a: {  	[tilespmem:$0x2580] =	vst v1  }
0x6b: {  	[tilespmem:$0x2590] =	vst v1  }
0x6c: {  	[tilespmem:$0x25A0] =	vst v1  }
0x6d: {  	[tilespmem:$0x25B0] =	vst v1  }
0x6e: {  	[tilespmem:$0x25C0] =	vst v1  }
0x6f: {  	[tilespmem:$0x25D0] =	vst v1  }
0x70: {  	[tilespmem:$0x25E0] =	vst v1  }
0x71: {  	[tilespmem:$0x25F0] =	vst v1  }
0x72: {  	[tilespmem:$0x2600] =	vst v1  }
0x73: {  	[tilespmem:$0x2610] =	vst v1  }
0x74: {  	[tilespmem:$0x2620] =	vst v1  }
0x75: {  	[tilespmem:$0x2630] =	vst v1  }
0x76: {  	[tilespmem:$0x2640] =	vst v1  }
0x77: {  	[tilespmem:$0x2650] =	vst v1  }
0x78: {  	[tilespmem:$0x2660] =	vst v1  }
0x79: {  	[tilespmem:$0x2670] =	vst v1  }
0x7a: {  	[tilespmem:$0x2680] =	vst v1  }
0x7b: {  	[tilespmem:$0x2690] =	vst v1  }
0x7c: {  	[tilespmem:$0x26A0] =	vst v1  }
0x7d: {  	[tilespmem:$0x26B0] =	vst v1  }
0x7e: {  	[tilespmem:$0x26C0] =	vst v1  }
0x7f: {  	[tilespmem:$0x26D0] =	vst v1  }
0x80: {  	[tilespmem:$0x26E0] =	vst v1  }
0x81: {  	[tilespmem:$0x26F0] =	vst v1  }
0x82: {  	[tilespmem:$0x2700] =	vst v1  }
0x83: {  	[tilespmem:$0x2710] =	vst v1  }
0x84: {  	[tilespmem:$0x2720] =	vst v1  }
0x85: {  	[tilespmem:$0x2730] =	vst v1  }
0x86: {  	[tilespmem:$0x2740] =	vst v1  }
0x87: {  	[tilespmem:$0x2750] =	vst v1  }
0x88: {  	[tilespmem:$0x2760] =	vst v1  }
0x89: {  	[tilespmem:$0x2770] =	vst v1  }
0x8a: {  	[tilespmem:$0x2780] =	vst v1  }
0x8b: {  	[tilespmem:$0x2790] =	vst v1  }
0x8c: {  	[tilespmem:$0x27A0] =	vst v1  }
0x8d: {  	[tilespmem:$0x27B0] =	vst v1  }
0x8e: {  	[tilespmem:$0x27C0] =	vst v1  }
0x8f: {  	[tilespmem:$0x27D0] =	vst v1  }
0x90: {  	[tilespmem:$0x27E0] =	vst v1  }
0x91: {  	[tilespmem:$0x27F0] =	vst v1  }
0x92: {  	[tilespmem:$0x2800] =	vst v1  }
0x93: {  	[tilespmem:$0x2810] =	vst v1  }
0x94: {  	[tilespmem:$0x2820] =	vst v1  }
0x95: {  	[tilespmem:$0x2830] =	vst v1  }
0x96: {  	[tilespmem:$0x2840] =	vst v1  }
0x97: {  	[tilespmem:$0x2850] =	vst v1  }
0x98: {  	[tilespmem:$0x2860] =	vst v1  }
0x99: {  	[tilespmem:$0x2870] =	vst v1  }
0x9a: {  	[tilespmem:$0x2880] =	vst v1  }
0x9b: {  	[tilespmem:$0x2890] =	vst v1  }
0x9c: {  	[tilespmem:$0x28A0] =	vst v1  }
0x9d: {  	[tilespmem:$0x28B0] =	vst v1  }
0x9e: {  	[tilespmem:$0x28C0] =	vst v1  }
0x9f: {  	[tilespmem:$0x28D0] =	vst v1  }
0xa0: {  	[tilespmem:$0x28E0] =	vst v1  }
0xa1: {  	[tilespmem:$0x28F0] =	vst v1  }
0xa2: {  	[tilespmem:$0x2900] =	vst v1  }
0xa3: {  	[tilespmem:$0x2910] =	vst v1  }
0xa4: {  	[tilespmem:$0x2920] =	vst v1  }
0xa5: {  	[tilespmem:$0x2930] =	vst v1  }
0xa6: {  	[tilespmem:$0x2940] =	vst v1  }
0xa7: {  	[tilespmem:$0x2950] =	vst v1  }
0xa8: {  	[tilespmem:$0x2960] =	vst v1  }
0xa9: {  	[tilespmem:$0x2970] =	vst v1  }
0xaa: {  	[tilespmem:$0x2980] =	vst v1  }
0xab: {  	[tilespmem:$0x2990] =	vst v1  }
0xac: {  	[tilespmem:$0x29A0] =	vst v1  }
0xad: {  	[tilespmem:$0x29B0] =	vst v1  }
0xae: {  	[tilespmem:$0x29C0] =	vst v1  }
0xaf: {  	[tilespmem:$0x29D0] =	vst v1  }
0xb0: {  	[tilespmem:$0x29E0] =	vst v1  }
0xb1: {  	[tilespmem:$0x29F0] =	vst v1  }
0xb2: {  	[tilespmem:$0x2A00] =	vst v1  }
0xb3: {  	[tilespmem:$0x2A10] =	vst v1  }
0xb4: {  	[tilespmem:$0x2A20] =	vst v1  }
0xb5: {  	[tilespmem:$0x2A30] =	vst v1  }
0xb6: {  	[tilespmem:$0x2A40] =	vst v1  }
0xb7: {  	[tilespmem:$0x2A50] =	vst v1  }
0xb8: {  	[tilespmem:$0x2A60] =	vst v1  }
0xb9: {  	[tilespmem:$0x2A70] =	vst v1  }
0xba: {  	[tilespmem:$0x2A80] =	vst v1  }
0xbb: {  	[tilespmem:$0x2A90] =	vst v1  }
0xbc: {  	[tilespmem:$0x2AA0] =	vst v1  }
0xbd: {  	[tilespmem:$0x2AB0] =	vst v1  }
0xbe: {  	[tilespmem:$0x2AC0] =	vst v1  }
0xbf: {  	[tilespmem:$0x2AD0] =	vst v1  }
0xc0: {  	[tilespmem:$0x2AE0] =	vst v1  }
0xc1: {  	[tilespmem:$0x2AF0] =	vst v1  }
0xc2: {  	[tilespmem:$0x2B00] =	vst v1  }
0xc3: {  	[tilespmem:$0x2B10] =	vst v1  }
0xc4: {  	[tilespmem:$0x2B20] =	vst v1  }
0xc5: {  	[tilespmem:$0x2B30] =	vst v1  }
0xc6: {  	[tilespmem:$0x2B40] =	vst v1  }
0xc7: {  	[tilespmem:$0x2B50] =	vst v1  }
0xc8: {  	[tilespmem:$0x2B60] =	vst v1  }
0xc9: {  	[tilespmem:$0x2B70] =	vst v1  }
0xca: {  	[tilespmem:$0x2B80] =	vst v1  }
0xcb: {  	[tilespmem:$0x2B90] =	vst v1  }
0xcc: {  	[tilespmem:$0x2BA0] =	vst v1  }
0xcd: {  	[tilespmem:$0x2BB0] =	vst v1  }
0xce: {  	[tilespmem:$0x2BC0] =	vst v1  }
0xcf: {  	[tilespmem:$0x2BD0] =	vst v1  }
0xd0: {  	[tilespmem:$0x2BE0] =	vst v1  }
0xd1: {  	[tilespmem:$0x2BF0] =	vst v1  }
0xd2: {  	[tilespmem:$0x2C00] =	vst v1  }
0xd3: {  	[tilespmem:$0x2C10] =	vst v1  }
0xd4: {  	[tilespmem:$0x2C20] =	vst v1  }
0xd5: {  	[tilespmem:$0x2C30] =	vst v1  }
0xd6: {  	[tilespmem:$0x2C40] =	vst v1  }
0xd7: {  	[tilespmem:$0x2C50] =	vst v1  }
0xd8: {  	[tilespmem:$0x2C60] =	vst v1  }
0xd9: {  	[tilespmem:$0x2C70] =	vst v1  }
0xda: {  	[tilespmem:$0x2C80] =	vst v1  }
0xdb: {  	[tilespmem:$0x2C90] =	vst v1  }
0xdc: {  	[tilespmem:$0x2CA0] =	vst v1  }
0xdd: {  	[tilespmem:$0x2CB0] =	vst v1  }
0xde: {  	[tilespmem:$0x2CC0] =	vst v1  }
0xdf: {  	[tilespmem:$0x2CD0] =	vst v1  }
0xe0: {  	[tilespmem:$0x2CE0] =	vst v1  }
0xe1: {  	[tilespmem:$0x2CF0] =	vst v1  }
0xe2: {  	[tilespmem:$0x2D00] =	vst v1  }
0xe3: {  	[tilespmem:$0x2D10] =	vst v1  }
0xe4: {  	[tilespmem:$0x2D20] =	vst v1  }
0xe5: {  	[tilespmem:$0x2D30] =	vst v1  }
0xe6: {  	[tilespmem:$0x2D40] =	vst v1  }
0xe7: {  	[tilespmem:$0x2D50] =	vst v1  }
0xe8: {  	[tilespmem:$0x2D60] =	vst v1  }
0xe9: {  	[tilespmem:$0x2D70] =	vst v1  }
0xea: {  	[tilespmem:$0x2D80] =	vst v1  }
0xeb: {  	[tilespmem:$0x2D90] =	vst v1  }
0xec: {  	[tilespmem:$0x2DA0] =	vst v1  }
0xed: {  	[tilespmem:$0x2DB0] =	vst v1  }
0xee: {  	[tilespmem:$0x2DC0] =	vst v1  }
0xef: {  	[tilespmem:$0x2DD0] =	vst v1  }
0xf0: {  	[tilespmem:$0x2DE0] =	vst v1  }
0xf1: {  	[tilespmem:$0x2DF0] =	vst v1  }
0xf2: {  	[tilespmem:$0x2E00] =	vst v1  }
0xf3: {  	[tilespmem:$0x2E10] =	vst v1  }
0xf4: {  	[tilespmem:$0x2E20] =	vst v1  }
0xf5: {  	[tilespmem:$0x2E30] =	vst v1  }
0xf6: {  	[tilespmem:$0x2E40] =	vst v1  }
0xf7: {  	[tilespmem:$0x2E50] =	vst v1  }
0xf8: {  	[tilespmem:$0x2E60] =	vst v1  }
0xf9: {  	[tilespmem:$0x2E70] =	vst v1  }
0xfa: {  	[tilespmem:$0x2E80] =	vst v1  }
0xfb: {  	[tilespmem:$0x2E90] =	vst v1  }
0xfc: {  	[tilespmem:$0x2EA0] =	vst v1  }
0xfd: {  	[tilespmem:$0x2EB0] =	vst v1  }
0xfe: {  	[tilespmem:$0x2EC0] =	vst v1  }
0xff: {  	[tilespmem:$0x2ED0] =	vst v1  }
0x100: {  	[tilespmem:$0x2EE0] =	vst v1  }
0x101: {  	[tilespmem:$0x2EF0] =	vst v1  }
0x102: {  	[tilespmem:$0x2F00] =	vst v1  }
0x103: {  	[tilespmem:$0x2F10] =	vst v1  }
0x104: {  	[tilespmem:$0x2F20] =	vst v1  }
0x105: {  	[tilespmem:$0x2F30] =	vst v1  }
0x106: {  	[tilespmem:$0x2F40] =	vst v1  }
0x107: {  	[tilespmem:$0x2F50] =	vst v1  }
0x108: {  	[tilespmem:$0x2F60] =	vst v1  }
0x109: {  	[tilespmem:$0x2F70] =	vst v1  }
0x10a: {  	[tilespmem:$0x2F80] =	vst v1  }
0x10b: {  	[tilespmem:$0x2F90] =	vst v1  }
0x10c: {  	[tilespmem:$0x2FA0] =	vst v1  }
0x10d: {  	[tilespmem:$0x2FB0] =	vst v1  }
0x10e: {  	[tilespmem:$0x2FC0] =	vst v1  }
0x10f: {  	[tilespmem:$0x2FD0] =	vst v1  }
0x110: {  	[tilespmem:$0x2FE0] =	vst v1  }
0x111: {  	[tilespmem:$0x2FF0] =	vst v1  }
0x112: {  	[tilespmem:$0x3000] =	vst v1  }
0x113: {  	[tilespmem:$0x3010] =	vst v1  }
0x114: {  	[tilespmem:$0x3020] =	vst v1  }
0x115: {  	[tilespmem:$0x3030] =	vst v1  }
0x116: {  	[tilespmem:$0x3040] =	vst v1  }
0x117: {  	[tilespmem:$0x3050] =	vst v1  }
0x118: {  	[tilespmem:$0x3060] =	vst v1  }
0x119: {  	[tilespmem:$0x3070] =	vst v1  }
0x11a: {  	[tilespmem:$0x3080] =	vst v1  }
0x11b: {  	[tilespmem:$0x3090] =	vst v1  }
0x11c: {  	[tilespmem:$0x30A0] =	vst v1  }
0x11d: {  	[tilespmem:$0x30B0] =	vst v1  }
0x11e: {  	[tilespmem:$0x30C0] =	vst v1  }
0x11f: {  	[tilespmem:$0x30D0] =	vst v1  }
0x120: {  	[tilespmem:$0x30E0] =	vst v1  }
0x121: {  	[tilespmem:$0x30F0] =	vst v1  }
0x122: {  	[tilespmem:$0x3100] =	vst v1  }
0x123: {  	[tilespmem:$0x3110] =	vst v1  }
0x124: {  	[tilespmem:$0x3120] =	vst v1  }
0x125: {  	[tilespmem:$0x3130] =	vst v1  }
0x126: {  	[tilespmem:$0x3140] =	vst v1  }
0x127: {  	[tilespmem:$0x3150] =	vst v1  }
0x128: {  	[tilespmem:$0x3160] =	vst v1  }
0x129: {  	[tilespmem:$0x3170] =	vst v1  }
0x12a: {  	[tilespmem:$0x3180] =	vst v1  }
0x12b: {  	[tilespmem:$0x3190] =	vst v1  }
0x12c: {  	[tilespmem:$0x31A0] =	vst v1  }
0x12d: {  	[tilespmem:$0x31B0] =	vst v1  }
0x12e: {  	[tilespmem:$0x31C0] =	vst v1  }
0x12f: {  	[tilespmem:$0x31D0] =	vst v1  }
0x130: {  	[tilespmem:$0x31E0] =	vst v1  }
0x131: {  	[tilespmem:$0x31F0] =	vst v1  }
0x132: {  	[tilespmem:$0x3200] =	vst v1  }
0x133: {  	[tilespmem:$0x3210] =	vst v1  }
0x134: {  	[tilespmem:$0x3220] =	vst v1  }
0x135: {  	[tilespmem:$0x3230] =	vst v1  }
0x136: {  	[tilespmem:$0x3240] =	vst v1  }
0x137: {  	[tilespmem:$0x3250] =	vst v1  }
0x138: {  	[tilespmem:$0x3260] =	vst v1  }
0x139: {  	[tilespmem:$0x3270] =	vst v1  }
0x13a: {  	[tilespmem:$0x3280] =	vst v1  }
0x13b: {  	[tilespmem:$0x3290] =	vst v1  }
0x13c: {  	[tilespmem:$0x32A0] =	vst v1  }
0x13d: {  	[tilespmem:$0x32B0] =	vst v1  }
0x13e: {  	[tilespmem:$0x32C0] =	vst v1  }
0x13f: {  	[tilespmem:$0x32D0] =	vst v1  }
0x140: {  	[tilespmem:$0x32E0] =	vst v1  }
0x141: {  	[tilespmem:$0x32F0] =	vst v1  }
0x142: {  	[tilespmem:$0x3300] =	vst v1  }
0x143: {  	[tilespmem:$0x3310] =	vst v1  }
0x144: {  	[tilespmem:$0x3320] =	vst v1  }
0x145: {  	[tilespmem:$0x3330] =	vst v1  }
0x146: {  	[tilespmem:$0x3340] =	vst v1  }
0x147: {  	[tilespmem:$0x3350] =	vst v1  }
0x148: {  	[tilespmem:$0x3360] =	vst v1  }
0x149: {  	[tilespmem:$0x3370] =	vst v1  }
0x14a: {  	[tilespmem:$0x3380] =	vst v1  }
0x14b: {  	[tilespmem:$0x3390] =	vst v1  }
0x14c: {  	[tilespmem:$0x33A0] =	vst v1  }
0x14d: {  	[tilespmem:$0x33B0] =	vst v1  }
0x14e: {  	[tilespmem:$0x33C0] =	vst v1  }
0x14f: {  	[tilespmem:$0x33D0] =	vst v1  }
0x150: {  	[tilespmem:$0x33E0] =	vst v1  }
0x151: {  	[tilespmem:$0x33F0] =	vst v1  }
0x152: {  	[tilespmem:$0x3400] =	vst v1  }
0x153: {  	[tilespmem:$0x3410] =	vst v1  }
0x154: {  	[tilespmem:$0x3420] =	vst v1  }
0x155: {  	[tilespmem:$0x3430] =	vst v1  }
0x156: {  	[tilespmem:$0x3440] =	vst v1  }
0x157: {  	[tilespmem:$0x3450] =	vst v1  }
0x158: {  	[tilespmem:$0x3460] =	vst v1  }
0x159: {  	[tilespmem:$0x3470] =	vst v1  }
0x15a: {  	[tilespmem:$0x3480] =	vst v1  }
0x15b: {  	[tilespmem:$0x3490] =	vst v1  }
0x15c: {  	[tilespmem:$0x34A0] =	vst v1  }
0x15d: {  	[tilespmem:$0x34B0] =	vst v1  }
0x15e: {  	[tilespmem:$0x34C0] =	vst v1  }
0x15f: {  	[tilespmem:$0x34D0] =	vst v1  }
0x160: {  	[tilespmem:$0x34E0] =	vst v1  }
0x161: {  	[tilespmem:$0x34F0] =	vst v1  }
0x162: {  	[tilespmem:$0x3500] =	vst v1  }
0x163: {  	[tilespmem:$0x3510] =	vst v1  }
0x164: {  	[tilespmem:$0x3520] =	vst v1  }
0x165: {  	[tilespmem:$0x3530] =	vst v1  }
0x166: {  	[tilespmem:$0x3540] =	vst v1  }
0x167: {  	[tilespmem:$0x3550] =	vst v1  }
0x168: {  	[tilespmem:$0x3560] =	vst v1  }
0x169: {  	[tilespmem:$0x3570] =	vst v1  }
0x16a: {  	[tilespmem:$0x3580] =	vst v1  }
0x16b: {  	[tilespmem:$0x3590] =	vst v1  }
0x16c: {  	[tilespmem:$0x35A0] =	vst v1  }
0x16d: {  	[tilespmem:$0x35B0] =	vst v1  }
0x16e: {  	[tilespmem:$0x35C0] =	vst v1  }
0x16f: {  	[tilespmem:$0x35D0] =	vst v1  }
0x170: {  	[tilespmem:$0x35E0] =	vst v1  }
0x171: {  	[tilespmem:$0x35F0] =	vst v1  }
0x172: {  	[tilespmem:$0x3600] =	vst v1  }
0x173: {  	[tilespmem:$0x3610] =	vst v1  }
0x174: {  	[tilespmem:$0x3620] =	vst v1  }
0x175: {  	[tilespmem:$0x3630] =	vst v1  }
0x176: {  	[tilespmem:$0x3640] =	vst v1  }
0x177: {  	[tilespmem:$0x3650] =	vst v1  }
0x178: {  	[tilespmem:$0x3660] =	vst v1  }
0x179: {  	[tilespmem:$0x3670] =	vst v1  }
0x17a: {  	[tilespmem:$0x3680] =	vst v1  }
0x17b: {  	[tilespmem:$0x3690] =	vst v1  }
0x17c: {  	[tilespmem:$0x36A0] =	vst v1  }
0x17d: {  	[tilespmem:$0x36B0] =	vst v1  }
0x17e: {  	[tilespmem:$0x36C0] =	vst v1  }
0x17f: {  	[tilespmem:$0x36D0] =	vst v1  }
0x180: {  	[tilespmem:$0x36E0] =	vst v1  }
0x181: {  	[tilespmem:$0x36F0] =	vst v1  }
0x182: {  	[tilespmem:$0x3700] =	vst v1  }
0x183: {  	[tilespmem:$0x3710] =	vst v1  }
0x184: {  	[tilespmem:$0x3720] =	vst v1  }
0x185: {  	[tilespmem:$0x3730] =	vst v1  }
0x186: {  	[tilespmem:$0x3740] =	vst v1  }
0x187: {  	[tilespmem:$0x3750] =	vst v1  }
0x188: {  	[tilespmem:$0x3760] =	vst v1  }
0x189: {  	[tilespmem:$0x3770] =	vst v1  }
0x18a: {  	[tilespmem:$0x3780] =	vst v1  }
0x18b: {  	[tilespmem:$0x3790] =	vst v1  }
0x18c: {  	[tilespmem:$0x37A0] =	vst v1  }
0x18d: {  	[tilespmem:$0x37B0] =	vst v1  }
0x18e: {  	[tilespmem:$0x37C0] =	vst v1  }
0x18f: {  	[tilespmem:$0x37D0] =	vst v1  }
0x190: {  	[tilespmem:$0x37E0] =	vst v1  }
0x191: {  	[tilespmem:$0x37F0] =	vst v1  }
0x192: {  	[tilespmem:$0x3800] =	vst v1  }
0x193: {  	[tilespmem:$0x3810] =	vst v1  }
0x194: {  	[tilespmem:$0x3820] =	vst v1  }
0x195: {  	[tilespmem:$0x3830] =	vst v1  }
0x196: {  	[tilespmem:$0x3840] =	vst v1  }
0x197: {  	[tilespmem:$0x3850] =	vst v1  }
0x198: {  	[tilespmem:$0x3860] =	vst v1  }
0x199: {  	[tilespmem:$0x3870] =	vst v1  }
0x19a: {  	[tilespmem:$0x3880] =	vst v1  }
0x19b: {  	[tilespmem:$0x3890] =	vst v1  }
0x19c: {  	[tilespmem:$0x38A0] =	vst v1  }
0x19d: {  	[tilespmem:$0x38B0] =	vst v1  }
0x19e: {  	[tilespmem:$0x38C0] =	vst v1  }
0x19f: {  	[tilespmem:$0x38D0] =	vst v1  }
0x1a0: {  	[tilespmem:$0x38E0] =	vst v1  }
0x1a1: {  	[tilespmem:$0x38F0] =	vst v1  }
0x1a2: {  	[tilespmem:$0x3900] =	vst v1  }
0x1a3: {  	[tilespmem:$0x3910] =	vst v1  }
0x1a4: {  	[tilespmem:$0x3920] =	vst v1  }
0x1a5: {  	[tilespmem:$0x3930] =	vst v1  }
0x1a6: {  	[tilespmem:$0x3940] =	vst v1  }
0x1a7: {  	[tilespmem:$0x3950] =	vst v1  }
0x1a8: {  	[tilespmem:$0x3960] =	vst v1  }
0x1a9: {  	[tilespmem:$0x3970] =	vst v1  }
0x1aa: {  	[tilespmem:$0x3980] =	vst v1  }
0x1ab: {  	[tilespmem:$0x3990] =	vst v1  }
0x1ac: {  	[tilespmem:$0x39A0] =	vst v1  }
0x1ad: {  	[tilespmem:$0x39B0] =	vst v1  }
0x1ae: {  	[tilespmem:$0x39C0] =	vst v1  }
0x1af: {  	[tilespmem:$0x39D0] =	vst v1  }
0x1b0: {  	[tilespmem:$0x39E0] =	vst v1  }
0x1b1: {  	[tilespmem:$0x39F0] =	vst v1  }
0x1b2: {  	[tilespmem:$0x3A00] =	vst v1  }
0x1b3: {  	[tilespmem:$0x3A10] =	vst v1  }
0x1b4: {  	[tilespmem:$0x3A20] =	vst v1  }
0x1b5: {  	[tilespmem:$0x3A30] =	vst v1  }
0x1b6: {  	[tilespmem:$0x3A40] =	vst v1  }
0x1b7: {  	[tilespmem:$0x3A50] =	vst v1  }
0x1b8: {  	[tilespmem:$0x3A60] =	vst v1  }
0x1b9: {  	[tilespmem:$0x3A70] =	vst v1  }
0x1ba: {  	[tilespmem:$0x3A80] =	vst v1  }
0x1bb: {  	[tilespmem:$0x3A90] =	vst v1  }
0x1bc: {  	[tilespmem:$0x3AA0] =	vst v1  }
0x1bd: {  	[tilespmem:$0x3AB0] =	vst v1  }
0x1be: {  	[tilespmem:$0x3AC0] =	vst v1  }
0x1bf: {  	[tilespmem:$0x3AD0] =	vst v1  }
0x1c0: {  	[tilespmem:$0x3AE0] =	vst v1  }
0x1c1: {  	[tilespmem:$0x3AF0] =	vst v1  }
0x1c2: {  	[tilespmem:$0x3B00] =	vst v1  }
0x1c3: {  	[tilespmem:$0x3B10] =	vst v1  }
0x1c4: {  	[tilespmem:$0x3B20] =	vst v1  }
0x1c5: {  	[tilespmem:$0x3B30] =	vst v1  }
0x1c6: {  	[tilespmem:$0x3B40] =	vst v1  }
0x1c7: {  	[tilespmem:$0x3B50] =	vst v1  }
0x1c8: {  	[tilespmem:$0x3B60] =	vst v1  }
0x1c9: {  	[tilespmem:$0x3B70] =	vst v1  }
0x1ca: {  	[tilespmem:$0x3B80] =	vst v1  }
0x1cb: {  	[tilespmem:$0x3B90] =	vst v1  }
0x1cc: {  	[tilespmem:$0x3BA0] =	vst v1  }
0x1cd: {  	[tilespmem:$0x3BB0] =	vst v1  }
0x1ce: {  	[tilespmem:$0x3BC0] =	vst v1  }
0x1cf: {  	[tilespmem:$0x3BD0] =	vst v1  }
0x1d0: {  	[tilespmem:$0x3BE0] =	vst v1  }
0x1d1: {  	[tilespmem:$0x3BF0] =	vst v1  }
0x1d2: {  	[tilespmem:$0x3C00] =	vst v1  }
0x1d3: {  	[tilespmem:$0x3C10] =	vst v1  }
0x1d4: {  	[tilespmem:$0x3C20] =	vst v1  }
0x1d5: {  	[tilespmem:$0x3C30] =	vst v1  }
0x1d6: {  	[tilespmem:$0x3C40] =	vst v1  }
0x1d7: {  	[tilespmem:$0x3C50] =	vst v1  }
0x1d8: {  	[tilespmem:$0x3C60] =	vst v1  }
0x1d9: {  	[tilespmem:$0x3C70] =	vst v1  }
0x1da: {  	[tilespmem:$0x3C80] =	vst v1  }
0x1db: {  	[tilespmem:$0x3C90] =	vst v1  }
0x1dc: {  	[tilespmem:$0x3CA0] =	vst v1  }
0x1dd: {  	[tilespmem:$0x3CB0] =	vst v1  }
0x1de: {  	[tilespmem:$0x3CC0] =	vst v1  }
0x1df: {  	[tilespmem:$0x3CD0] =	vst v1  }
0x1e0: {  	[tilespmem:$0x3CE0] =	vst v1  }
0x1e1: {  	[tilespmem:$0x3CF0] =	vst v1  }
0x1e2: {  	[tilespmem:$0x3D00] =	vst v1  }
0x1e3: {  	[tilespmem:$0x3D10] =	vst v1  }
0x1e4: {  	[tilespmem:$0x3D20] =	vst v1  }
0x1e5: {  	[tilespmem:$0x3D30] =	vst v1  }
0x1e6: {  	[tilespmem:$0x3D40] =	vst v1  }
0x1e7: {  	[tilespmem:$0x3D50] =	vst v1  }
0x1e8: {  	[tilespmem:$0x3D60] =	vst v1  }
0x1e9: {  	[tilespmem:$0x3D70] =	vst v1  }
0x1ea: {  	[tilespmem:$0x3D80] =	vst v1  }
0x1eb: {  	[tilespmem:$0x3D90] =	vst v1  }
0x1ec: {  	[tilespmem:$0x3DA0] =	vst v1  }
0x1ed: {  	[tilespmem:$0x3DB0] =	vst v1  }
0x1ee: {  	[tilespmem:$0x3DC0] =	vst v1  }
0x1ef: {  	[tilespmem:$0x3DD0] =	vst v1  }
0x1f0: {  	[tilespmem:$0x3DE0] =	vst v1  }
0x1f1: {  	[tilespmem:$0x3DF0] =	vst v1  }
0x1f2: {  	[tilespmem:$0x3E00] =	vst v1  }
0x1f3: {  	[tilespmem:$0x3E10] =	vst v1  }
0x1f4: {  	[tilespmem:$0x3E20] =	vst v1  }
0x1f5: {  	[tilespmem:$0x3E30] =	vst v1  }
0x1f6: {  	[tilespmem:$0x3E40] =	vst v1  }
0x1f7: {  	[tilespmem:$0x3E50] =	vst v1  }
0x1f8: {  	[tilespmem:$0x3E60] =	vst v1  }
0x1f9: {  	[tilespmem:$0x3E70] =	vst v1  }
0x1fa: {  	[tilespmem:$0x3E80] =	vst v1  }
0x1fb: {  	[tilespmem:$0x3E90] =	vst v1  }
0x1fc: {  	[tilespmem:$0x3EA0] =	vst v1  }
0x1fd: {  	[tilespmem:$0x3EB0] =	vst v1  }
0x1fe: {  	[tilespmem:$0x3EC0] =	vst v1  }
0x1ff: {  	[tilespmem:$0x3ED0] =	vst v1  }
0x200: {  	[tilespmem:$0x3EE0] =	vst v1  }
0x201: {  	[tilespmem:$0x3EF0] =	vst v1  }
0x202: {  	[tilespmem:$0x3F00] =	vst v1  }
0x203: {  	[tilespmem:$0x3F10] =	vst v1  }
0x204: {  	[tilespmem:$0x3F20] =	vst v1  }
0x205: {  	[tilespmem:$0x3F30] =	vst v1  }
0x206: {  	[tilespmem:$0x3F40] =	vst v1  }
0x207: {  	[tilespmem:$0x3F50] =	vst v1  }
0x208: {  	[tilespmem:$0x3F60] =	vst v1  }
0x209: {  	[tilespmem:$0x3F70] =	vst v1  }
0x20a: {  	[tilespmem:$0x3F80] =	vst v1  }
0x20b: {  	[tilespmem:$0x3F90] =	vst v1  }
0x20c: {  	[tilespmem:$0x3FA0] =	vst v1  }
0x20d: {  	[tilespmem:$0x3FB0] =	vst v1  }
0x20e: {  	[tilespmem:$0x3FC0] =	vst v1  }
0x20f: {  	[tilespmem:$0x3FD0] =	vst v1  }
0x210: {  	[tilespmem:$0x3FE0] =	vst v1  }
0x211: {  	[tilespmem:$0x3FF0] =	vst v1  }
0x212: {  	v34 =	vld.idx.msk [tilespmem:v0+s2+$0x0], $0xffff  }
0x213: {  	v35 =	vld.idx.msk [tilespmem:v2+s2+$0x0], $0xffff  }
0x214: {  	v36 =	vld.idx.msk [tilespmem:v3+s2+$0x0], $0xffff  }
0x215: {  	v37 =	vld.idx.msk [tilespmem:v4+s2+$0x0], $0xffff  }
0x216: {  	v38 =	vld.idx.msk [tilespmem:v5+s2+$0x0], $0xffff  }
0x217: {  	v39 =	vld.idx.msk [tilespmem:v6+s2+$0x0], $0xffff  }
0x218: {  	v40 =	vld.idx.msk [tilespmem:v7+s2+$0x0], $0xffff;
	v41 =	vmax.f32 v34, v35  }
0x219: {  	v42 =	vld.idx.msk [tilespmem:v8+s2+$0x0], $0xffff;
	v41 =	vmax.f32 v41, v36  }
0x21a: {  	v41 =	vmax.f32 v41, v37  }
0x21b: {  	v41 =	vmax.f32 v41, v38  }
0x21c: {  	v41 =	vmax.f32 v41, v39  }
0x21d: {  	v41 =	vmax.f32 v41, v40  }
0x21e: {  	v41 =	vmax.f32 v41, v42  }
0x21f: {  	vm0 =	veq.f32 v42, v41  }
0x220: {  	vm7 =	veq.f32 v40, v41;
	v43 =	vsel vm0, $0x40E00000, v9  }
0x221: {  	vm8 =	veq.f32 v39, v41;
	v43 =	vsel vm7, $0x40C00000, v43  }
0x222: {  	vm9 =	veq.f32 v38, v41;
	v43 =	vsel vm8, $0x40A00000, v43  }
0x223: {  	vm10 =	veq.f32 v37, v41;
	v43 =	vsel vm9, $0x40800000, v43  }
0x224: {  	vm11 =	veq.f32 v36, v41;
	v43 =	vsel vm10, $0x40400000, v43  }
0x225: {  	vm12 =	veq.f32 v35, v41;
	v43 =	vsel vm11, $0x40000000, v43  }
0x226: {  	vm7 =	veq.f32 v34, v41;
	v43 =	vsel vm12, $0x3F800000, v43  }
0x227: {  	v43 =	vsel vm7, $0x0, v43  }
0x228: {  	vm6 =	veq.f32 v43, $1.000000000e+00  }
0x229: {  	v34 =	vsel vm7, $0xFF61B1E6, v34;
	vm5 =	veq.f32 v43, $2.000000000e+00;
	v35 =	vsel vm6, $0xFF61B1E6, v35  }
0x22a: {  	vm4 =	veq.f32 v43, $3.000000000e+00;
	v36 =	vsel vm5, $0xFF61B1E6, v36;
	v44 =	vmax.f32 v34, v35  }
0x22b: {  	vm3 =	veq.f32 v43, $4.000000000e+00;
	v37 =	vsel vm4, $0xFF61B1E6, v37;
	v44 =	vmax.f32 v44, v36  }
0x22c: {  	vm2 =	veq.f32 v43, $5.000000000e+00;
	v38 =	vsel vm3, $0xFF61B1E6, v38;
	v44 =	vmax.f32 v44, v37  }
0x22d: {  	vm1 =	veq.f32 v43, $6.000000000e+00;
	v39 =	vsel vm2, $0xFF61B1E6, v39;
	v44 =	vmax.f32 v44, v38  }
0x22e: {  	vm0 =	veq.f32 v43, $7.000000000e+00;
	v40 =	vsel vm1, $0xFF61B1E6, v40;
	v55 =	vmax.f32 v44, v39  }
0x22f: {  	v42 =	vsel vm0, $0xFF61B1E6, v42;
	v43 =	vmax.f32 v55, v40  }
0x230: {  	v43 =	vmax.f32 v43, v42  }
0x231: {  	v41 =	vsub.f32 v43, v41;
	_ =	sdelay $0x1  }
0x232: {  	v41 =	vmul.f32 $1.442695020e+00, v41;
	_ =	sdelay $0x1  }
0x233: {  	(erf) = vpow2.f32 v41;
	_ =	sdelay $0x8  }
0x234: {  	v41 =	vpop (erf)  }
0x235: {  	v41 =	vadd.f32 $1.000000000e+00, v41;
	_ =	sdelay $0x1  }
0x236: {  	vm8 =	veq.f32 v42, v43;
	(erf) = vrcp.f32 v41  }
0x237: {  	vm13 =	veq.f32 v40, v43;
	v56 =	vsel vm8, $0x40E00000, v9  }
0x238: {  	vm14 =	veq.f32 v39, v43;
	v40 =	vsel vm13, $0x40C00000, v56  }
0x239: {  	vm15 =	veq.f32 v38, v43;
	v39 =	vsel vm14, $0x40A00000, v40  }
0x23a: {  	vm12 =	veq.f32 v37, v43;
	v38 =	vsel vm15, $0x40800000, v39  }
0x23b: {  	vm13 =	veq.f32 v36, v43;
	v37 =	vsel vm12, $0x40400000, v38  }
0x23c: {  	vm14 =	veq.f32 v35, v43;
	v36 =	vsel vm13, $0x40000000, v37  }
0x23d: {  	vm15 =	veq.f32 v34, v43;
	v35 =	vsel vm14, $0x3F800000, v36  }
0x23e: {  	v35 =	vsel vm15, $0x0, v35  }
0x23f: {  	vm10 =	veq.f32 v35, $1.000000000e+00;
	v34 =	vpop (erf)  }
0x240: {  	vm11 =	veq.f32 v35, $2.000000000e+00;
	vm12 =	veq.f32 v35, $3.000000000e+00;
	v57 =	vsub.f32 $1.000000000e+00, v34  }
0x241: {  	vm13 =	veq.f32 v35, $4.000000000e+00;
	vm14 =	veq.f32 v35, $5.000000000e+00;
	v58 =	vnsel vm7, $0x0, v34  }
0x242: {  	v60 =	vnsel vm6, $0x0, v34;
	v63 =	vnsel vm5, $0x0, v34;
	v59 =	vnsel vm15, $0x0, v57  }
0x243: {  	v46 =	vnsel vm4, $0x0, v34;
	v61 =	vnsel vm10, $0x0, v57;
	v37 =	vadd.f32 v59, v58  }
0x244: {  	v49 =	vnsel vm3, $0x0, v34;
	v45 =	vnsel vm11, $0x0, v57;
	v62 =	vadd.f32 v61, v60  }
0x245: {  	v51 =	vnsel vm2, $0x0, v34;
	v47 =	vnsel vm12, $0x0, v57;
	v39 =	vadd.f32 v45, v63;
	[tilespmem:v0+s7+$0x0] =	vst.idx.msk $0xffff, v37  }
0x246: {  	v54 =	vnsel vm1, $0x0, v34;
	v50 =	vnsel vm13, $0x0, v57;
	v48 =	vadd.f32 v47, v46;
	[tilespmem:v2+s7+$0x0] =	vst.idx.msk $0xffff, v62  }
0x247: {  	v52 =	vnsel vm14, $0x0, v57;
	vm15 =	veq.f32 v35, $6.000000000e+00;
	v37 =	vadd.f32 v50, v49;
	[tilespmem:v3+s7+$0x0] =	vst.idx.msk $0xffff, v39  }
0x248: {  	vm4 =	veq.f32 v35, $7.000000000e+00;
	v53 =	vadd.f32 v52, v51;
	v55 =	vnsel vm15, $0x0, v57;
	[tilespmem:v4+s7+$0x0] =	vst.idx.msk $0xffff, v48  }
0x249: {  	v34 =	vnsel vm0, $0x0, v34;
	v36 =	vnsel vm4, $0x0, v57;
	v56 =	vadd.f32 v55, v54;
	[tilespmem:v5+s7+$0x0] =	vst.idx.msk $0xffff, v37  }
0x24a: {  	v34 =	vadd.f32 v36, v34;
	[tilespmem:v6+s7+$0x0] =	vst.idx.msk $0xffff, v53  }
0x24b: {  	[tilespmem:v7+s7+$0x0] =	vst.idx.msk $0xffff, v56  }
0x24c: {  	[tilespmem:v8+s7+$0x0] =	vst.idx.msk $0xffff, v34  }
0x24d: {  	v34 =	vld.idx.msk [tilespmem:v10+s2+$0x0], $0xffff  }
0x24e: {  	v35 =	vld.idx.msk [tilespmem:v11+s2+$0x0], $0xffff  }
0x24f: {  	v57 =	vld.idx.msk [tilespmem:v12+s2+$0x0], $0xffff  }
0x250: {  	v37 =	vld.idx.msk [tilespmem:v13+s2+$0x0], $0xffff  }
0x251: {  	v38 =	vld.idx.msk [tilespmem:v14+s2+$0x0], $0xffff  }
0x252: {  	v58 =	vld.idx.msk [tilespmem:v15+s2+$0x0], $0xffff  }
0x253: {  	v59 =	vld.idx.msk [tilespmem:v16+s2+$0x0], $0xffff;
	v60 =	vmax.f32 v34, v35  }
0x254: {  	v61 =	vld.idx.msk [tilespmem:v17+s2+$0x0], $0xffff;
	v41 =	vmax.f32 v60, v57  }
0x255: {  	v41 =	vmax.f32 v41, v37  }
0x256: {  	v41 =	vmax.f32 v41, v38  }
0x257: {  	v41 =	vmax.f32 v41, v58  }
0x258: {  	v41 =	vmax.f32 v41, v59  }
0x259: {  	v41 =	vmax.f32 v41, v61  }
0x25a: {  	vm5 =	veq.f32 v61, v41  }
0x25b: {  	vm6 =	veq.f32 v59, v41;
	v62 =	vsel vm5, $0x40E00000, v9  }
0x25c: {  	vm7 =	veq.f32 v58, v41;
	v43 =	vsel vm6, $0x40C00000, v62  }
0x25d: {  	vm8 =	veq.f32 v38, v41;
	v43 =	vsel vm7, $0x40A00000, v43  }
0x25e: {  	vm9 =	veq.f32 v37, v41;
	v43 =	vsel vm8, $0x40800000, v43  }
0x25f: {  	vm10 =	veq.f32 v57, v41;
	v43 =	vsel vm9, $0x40400000, v43  }
0x260: {  	vm11 =	veq.f32 v35, v41;
	v43 =	vsel vm10, $0x40000000, v43  }
0x261: {  	vm7 =	veq.f32 v34, v41;
	v43 =	vsel vm11, $0x3F800000, v43  }
0x262: {  	v43 =	vsel vm7, $0x0, v43  }
0x263: {  	vm6 =	veq.f32 v43, $1.000000000e+00  }
0x264: {  	v34 =	vsel vm7, $0xFF61B1E6, v34;
	vm5 =	veq.f32 v43, $2.000000000e+00;
	v35 =	vsel vm6, $0xFF61B1E6, v35  }
0x265: {  	vm4 =	veq.f32 v43, $3.000000000e+00;
	v36 =	vsel vm5, $0xFF61B1E6, v57;
	v63 =	vmax.f32 v34, v35  }
0x266: {  	vm3 =	veq.f32 v43, $4.000000000e+00;
	v37 =	vsel vm4, $0xFF61B1E6, v37;
	v44 =	vmax.f32 v63, v36  }
0x267: {  	vm2 =	veq.f32 v43, $5.000000000e+00;
	v38 =	vsel vm3, $0xFF61B1E6, v38;
	v44 =	vmax.f32 v44, v37  }
0x268: {  	vm1 =	veq.f32 v43, $6.000000000e+00;
	v39 =	vsel vm2, $0xFF61B1E6, v58;
	v44 =	vmax.f32 v44, v38  }
0x269: {  	vm0 =	veq.f32 v43, $7.000000000e+00;
	v40 =	vsel vm1, $0xFF61B1E6, v59;
	v45 =	vmax.f32 v44, v39  }
0x26a: {  	v42 =	vsel vm0, $0xFF61B1E6, v61;
	v43 =	vmax.f32 v45, v40  }
0x26b: {  	v43 =	vmax.f32 v43, v42  }
0x26c: {  	v41 =	vsub.f32 v43, v41;
	_ =	sdelay $0x1  }
0x26d: {  	v41 =	vmul.f32 $1.442695020e+00, v41;
	_ =	sdelay $0x1  }
0x26e: {  	(erf) = vpow2.f32 v41;
	_ =	sdelay $0x8  }
0x26f: {  	v41 =	vpop (erf)  }
0x270: {  	v41 =	vadd.f32 $1.000000000e+00, v41;
	_ =	sdelay $0x1  }
0x271: {  	vm12 =	veq.f32 v42, v43;
	(erf) = vrcp.f32 v41  }
0x272: {  	vm13 =	veq.f32 v40, v43;
	v46 =	vsel vm12, $0x40E00000, v9  }
0x273: {  	vm14 =	veq.f32 v39, v43;
	v40 =	vsel vm13, $0x40C00000, v46  }
0x274: {  	vm15 =	veq.f32 v38, v43;
	v39 =	vsel vm14, $0x40A00000, v40  }
0x275: {  	vm12 =	veq.f32 v37, v43;
	v38 =	vsel vm15, $0x40800000, v39  }
0x276: {  	vm13 =	veq.f32 v36, v43;
	v37 =	vsel vm12, $0x40400000, v38  }
0x277: {  	vm14 =	veq.f32 v35, v43;
	v36 =	vsel vm13, $0x40000000, v37  }
0x278: {  	vm15 =	veq.f32 v34, v43;
	v35 =	vsel vm14, $0x3F800000, v36  }
0x279: {  	v35 =	vsel vm15, $0x0, v35  }
0x27a: {  	vm10 =	veq.f32 v35, $1.000000000e+00;
	v47 =	vpop (erf)  }
0x27b: {  	vm11 =	veq.f32 v35, $2.000000000e+00;
	vm12 =	veq.f32 v35, $3.000000000e+00;
	v48 =	vsub.f32 $1.000000000e+00, v47  }
0x27c: {  	vm13 =	veq.f32 v35, $4.000000000e+00;
	vm14 =	veq.f32 v35, $5.000000000e+00;
	v49 =	vnsel vm7, $0x0, v47  }
0x27d: {  	v51 =	vnsel vm6, $0x0, v47;
	v54 =	vnsel vm5, $0x0, v47;
	v50 =	vnsel vm15, $0x0, v48  }
0x27e: {  	v56 =	vnsel vm4, $0x0, v47;
	v52 =	vnsel vm10, $0x0, v48;
	v37 =	vadd.f32 v50, v49  }
0x27f: {  	v59 =	vnsel vm3, $0x0, v47;
	v55 =	vnsel vm11, $0x0, v48;
	v53 =	vadd.f32 v52, v51  }
0x280: {  	v61 =	vnsel vm2, $0x0, v47;
	v57 =	vnsel vm12, $0x0, v48;
	v39 =	vadd.f32 v55, v54;
	[tilespmem:v10+s7+$0x0] =	vst.idx.msk $0xffff, v37  }
0x281: {  	v44 =	vnsel vm1, $0x0, v47;
	v60 =	vnsel vm13, $0x0, v48;
	v58 =	vadd.f32 v57, v56;
	[tilespmem:v11+s7+$0x0] =	vst.idx.msk $0xffff, v53  }
0x282: {  	v62 =	vnsel vm14, $0x0, v48;
	vm15 =	veq.f32 v35, $6.000000000e+00;
	v37 =	vadd.f32 v60, v59;
	[tilespmem:v12+s7+$0x0] =	vst.idx.msk $0xffff, v39  }
0x283: {  	vm4 =	veq.f32 v35, $7.000000000e+00;
	v63 =	vadd.f32 v62, v61;
	v45 =	vnsel vm15, $0x0, v48;
	[tilespmem:v13+s7+$0x0] =	vst.idx.msk $0xffff, v58  }
0x284: {  	v34 =	vnsel vm0, $0x0, v47;
	v36 =	vnsel vm4, $0x0, v48;
	v46 =	vadd.f32 v45, v44;
	[tilespmem:v14+s7+$0x0] =	vst.idx.msk $0xffff, v37  }
0x285: {  	v34 =	vadd.f32 v36, v34;
	[tilespmem:v15+s7+$0x0] =	vst.idx.msk $0xffff, v63  }
0x286: {  	[tilespmem:v16+s7+$0x0] =	vst.idx.msk $0xffff, v46  }
0x287: {  	[tilespmem:v17+s7+$0x0] =	vst.idx.msk $0xffff, v34  }
0x288: {  	v34 =	vld.idx.msk [tilespmem:v18+s2+$0x0], $0xffff  }
0x289: {  	v35 =	vld.idx.msk [tilespmem:v19+s2+$0x0], $0xffff  }
0x28a: {  	v47 =	vld.idx.msk [tilespmem:v20+s2+$0x0], $0xffff  }
0x28b: {  	v37 =	vld.idx.msk [tilespmem:v21+s2+$0x0], $0xffff  }
0x28c: {  	v38 =	vld.idx.msk [tilespmem:v22+s2+$0x0], $0xffff  }
0x28d: {  	v48 =	vld.idx.msk [tilespmem:v23+s2+$0x0], $0xffff  }
0x28e: {  	v49 =	vld.idx.msk [tilespmem:v24+s2+$0x0], $0xffff;
	v50 =	vmax.f32 v34, v35  }
0x28f: {  	v51 =	vld.idx.msk [tilespmem:v25+s2+$0x0], $0xffff;
	v41 =	vmax.f32 v50, v47  }
0x290: {  	v41 =	vmax.f32 v41, v37  }
0x291: {  	v41 =	vmax.f32 v41, v38  }
0x292: {  	v41 =	vmax.f32 v41, v48  }
0x293: {  	v41 =	vmax.f32 v41, v49  }
0x294: {  	v41 =	vmax.f32 v41, v51  }
0x295: {  	vm5 =	veq.f32 v51, v41  }
0x296: {  	vm6 =	veq.f32 v49, v41;
	v52 =	vsel vm5, $0x40E00000, v9  }
0x297: {  	vm7 =	veq.f32 v48, v41;
	v43 =	vsel vm6, $0x40C00000, v52  }
0x298: {  	vm8 =	veq.f32 v38, v41;
	v43 =	vsel vm7, $0x40A00000, v43  }
0x299: {  	vm9 =	veq.f32 v37, v41;
	v43 =	vsel vm8, $0x40800000, v43  }
0x29a: {  	vm10 =	veq.f32 v47, v41;
	v43 =	vsel vm9, $0x40400000, v43  }
0x29b: {  	vm11 =	veq.f32 v35, v41;
	v43 =	vsel vm10, $0x40000000, v43  }
0x29c: {  	vm7 =	veq.f32 v34, v41;
	v43 =	vsel vm11, $0x3F800000, v43  }
0x29d: {  	v43 =	vsel vm7, $0x0, v43  }
0x29e: {  	vm6 =	veq.f32 v43, $1.000000000e+00  }
0x29f: {  	v34 =	vsel vm7, $0xFF61B1E6, v34;
	vm5 =	veq.f32 v43, $2.000000000e+00;
	v35 =	vsel vm6, $0xFF61B1E6, v35  }
0x2a0: {  	vm4 =	veq.f32 v43, $3.000000000e+00;
	v36 =	vsel vm5, $0xFF61B1E6, v47;
	v53 =	vmax.f32 v34, v35  }
0x2a1: {  	vm3 =	veq.f32 v43, $4.000000000e+00;
	v37 =	vsel vm4, $0xFF61B1E6, v37;
	v44 =	vmax.f32 v53, v36  }
0x2a2: {  	vm2 =	veq.f32 v43, $5.000000000e+00;
	v38 =	vsel vm3, $0xFF61B1E6, v38;
	v44 =	vmax.f32 v44, v37  }
0x2a3: {  	vm1 =	veq.f32 v43, $6.000000000e+00;
	v39 =	vsel vm2, $0xFF61B1E6, v48;
	v44 =	vmax.f32 v44, v38  }
0x2a4: {  	vm0 =	veq.f32 v43, $7.000000000e+00;
	v40 =	vsel vm1, $0xFF61B1E6, v49;
	v54 =	vmax.f32 v44, v39  }
0x2a5: {  	v42 =	vsel vm0, $0xFF61B1E6, v51;
	v43 =	vmax.f32 v54, v40  }
0x2a6: {  	v43 =	vmax.f32 v43, v42  }
0x2a7: {  	v41 =	vsub.f32 v43, v41;
	_ =	sdelay $0x1  }
0x2a8: {  	v41 =	vmul.f32 $1.442695020e+00, v41;
	_ =	sdelay $0x1  }
0x2a9: {  	(erf) = vpow2.f32 v41;
	_ =	sdelay $0x8  }
0x2aa: {  	v41 =	vpop (erf)  }
0x2ab: {  	v41 =	vadd.f32 $1.000000000e+00, v41;
	_ =	sdelay $0x1  }
0x2ac: {  	vm12 =	veq.f32 v42, v43;
	(erf) = vrcp.f32 v41  }
0x2ad: {  	vm13 =	veq.f32 v40, v43;
	v55 =	vsel vm12, $0x40E00000, v9  }
0x2ae: {  	vm14 =	veq.f32 v39, v43;
	v40 =	vsel vm13, $0x40C00000, v55  }
0x2af: {  	vm15 =	veq.f32 v38, v43;
	v39 =	vsel vm14, $0x40A00000, v40  }
0x2b0: {  	vm12 =	veq.f32 v37, v43;
	v38 =	vsel vm15, $0x40800000, v39  }
0x2b1: {  	vm13 =	veq.f32 v36, v43;
	v37 =	vsel vm12, $0x40400000, v38  }
0x2b2: {  	vm14 =	veq.f32 v35, v43;
	v36 =	vsel vm13, $0x40000000, v37  }
0x2b3: {  	vm15 =	veq.f32 v34, v43;
	v35 =	vsel vm14, $0x3F800000, v36  }
0x2b4: {  	v35 =	vsel vm15, $0x0, v35  }
0x2b5: {  	vm10 =	veq.f32 v35, $1.000000000e+00;
	v34 =	vpop (erf)  }
0x2b6: {  	vm11 =	veq.f32 v35, $2.000000000e+00;
	vm12 =	veq.f32 v35, $3.000000000e+00;
	v56 =	vsub.f32 $1.000000000e+00, v34  }
0x2b7: {  	vm13 =	veq.f32 v35, $4.000000000e+00;
	vm14 =	veq.f32 v35, $5.000000000e+00;
	v57 =	vnsel vm7, $0x0, v34  }
0x2b8: {  	v59 =	vnsel vm6, $0x0, v34;
	v62 =	vnsel vm5, $0x0, v34;
	v58 =	vnsel vm15, $0x0, v56  }
0x2b9: {  	v45 =	vnsel vm4, $0x0, v34;
	v60 =	vnsel vm10, $0x0, v56;
	v37 =	vadd.f32 v58, v57  }
0x2ba: {  	v48 =	vnsel vm3, $0x0, v34;
	v63 =	vnsel vm11, $0x0, v56;
	v61 =	vadd.f32 v60, v59  }
0x2bb: {  	v50 =	vnsel vm2, $0x0, v34;
	v46 =	vnsel vm12, $0x0, v56;
	v39 =	vadd.f32 v63, v62;
	[tilespmem:v18+s7+$0x0] =	vst.idx.msk $0xffff, v37  }
0x2bc: {  	v53 =	vnsel vm1, $0x0, v34;
	v49 =	vnsel vm13, $0x0, v56;
	v47 =	vadd.f32 v46, v45;
	[tilespmem:v19+s7+$0x0] =	vst.idx.msk $0xffff, v61  }
0x2bd: {  	v51 =	vnsel vm14, $0x0, v56;
	vm15 =	veq.f32 v35, $6.000000000e+00;
	v37 =	vadd.f32 v49, v48;
	[tilespmem:v20+s7+$0x0] =	vst.idx.msk $0xffff, v39  }
0x2be: {  	vm4 =	veq.f32 v35, $7.000000000e+00;
	v52 =	vadd.f32 v51, v50;
	v54 =	vnsel vm15, $0x0, v56;
	[tilespmem:v21+s7+$0x0] =	vst.idx.msk $0xffff, v47  }
0x2bf: {  	v34 =	vnsel vm0, $0x0, v34;
	v36 =	vnsel vm4, $0x0, v56;
	v55 =	vadd.f32 v54, v53;
	[tilespmem:v22+s7+$0x0] =	vst.idx.msk $0xffff, v37  }
0x2c0: {  	v34 =	vadd.f32 v36, v34;
	[tilespmem:v23+s7+$0x0] =	vst.idx.msk $0xffff, v52  }
0x2c1: {  	[tilespmem:v24+s7+$0x0] =	vst.idx.msk $0xffff, v55  }
0x2c2: {  	[tilespmem:v25+s7+$0x0] =	vst.idx.msk $0xffff, v34  }
0x2c3: {  	v34 =	vld.idx.msk [tilespmem:v26+s2+$0x0], $0xffff  }
0x2c4: {  	v35 =	vld.idx.msk [tilespmem:v27+s2+$0x0], $0xffff  }
0x2c5: {  	v56 =	vld.idx.msk [tilespmem:v28+s2+$0x0], $0xffff  }
0x2c6: {  	v37 =	vld.idx.msk [tilespmem:v29+s2+$0x0], $0xffff  }
0x2c7: {  	v38 =	vld.idx.msk [tilespmem:v30+s2+$0x0], $0xffff  }
0x2c8: {  	v57 =	vld.idx.msk [tilespmem:v31+s2+$0x0], $0xffff  }
0x2c9: {  	v58 =	vld.idx.msk [tilespmem:v32+s2+$0x0], $0xffff;
	v59 =	vmax.f32 v34, v35  }
0x2ca: {  	v60 =	vld.idx.msk [tilespmem:v33+s2+$0x0], $0xffff;
	v41 =	vmax.f32 v59, v56  }
0x2cb: {  	v41 =	vmax.f32 v41, v37  }
0x2cc: {  	v41 =	vmax.f32 v41, v38  }
0x2cd: {  	v41 =	vmax.f32 v41, v57  }
0x2ce: {  	v41 =	vmax.f32 v41, v58  }
0x2cf: {  	v41 =	vmax.f32 v41, v60  }
0x2d0: {  	vm5 =	veq.f32 v60, v41  }
0x2d1: {  	vm6 =	veq.f32 v58, v41;
	v61 =	vsel vm5, $0x40E00000, v9  }
0x2d2: {  	vm7 =	veq.f32 v57, v41;
	v43 =	vsel vm6, $0x40C00000, v61  }
0x2d3: {  	vm8 =	veq.f32 v38, v41;
	v43 =	vsel vm7, $0x40A00000, v43  }
0x2d4: {  	vm9 =	veq.f32 v37, v41;
	v43 =	vsel vm8, $0x40800000, v43  }
0x2d5: {  	vm10 =	veq.f32 v56, v41;
	v43 =	vsel vm9, $0x40400000, v43  }
0x2d6: {  	vm11 =	veq.f32 v35, v41;
	v43 =	vsel vm10, $0x40000000, v43  }
0x2d7: {  	vm7 =	veq.f32 v34, v41;
	v43 =	vsel vm11, $0x3F800000, v43  }
0x2d8: {  	v43 =	vsel vm7, $0x0, v43  }
0x2d9: {  	vm6 =	veq.f32 v43, $1.000000000e+00  }
0x2da: {  	v34 =	vsel vm7, $0xFF61B1E6, v34;
	vm5 =	veq.f32 v43, $2.000000000e+00;
	v35 =	vsel vm6, $0xFF61B1E6, v35  }
0x2db: {  	vm4 =	veq.f32 v43, $3.000000000e+00;
	v36 =	vsel vm5, $0xFF61B1E6, v56;
	v62 =	vmax.f32 v34, v35  }
0x2dc: {  	vm3 =	veq.f32 v43, $4.000000000e+00;
	v37 =	vsel vm4, $0xFF61B1E6, v37;
	v44 =	vmax.f32 v62, v36  }
0x2dd: {  	vm2 =	veq.f32 v43, $5.000000000e+00;
	v38 =	vsel vm3, $0xFF61B1E6, v38;
	v44 =	vmax.f32 v44, v37  }
0x2de: {  	vm1 =	veq.f32 v43, $6.000000000e+00;
	v39 =	vsel vm2, $0xFF61B1E6, v57;
	v44 =	vmax.f32 v44, v38  }
0x2df: {  	vm0 =	veq.f32 v43, $7.000000000e+00;
	v40 =	vsel vm1, $0xFF61B1E6, v58;
	v63 =	vmax.f32 v44, v39  }
0x2e0: {  	v42 =	vsel vm0, $0xFF61B1E6, v60;
	v43 =	vmax.f32 v63, v40  }
0x2e1: {  	v43 =	vmax.f32 v43, v42  }
0x2e2: {  	v41 =	vsub.f32 v43, v41;
	_ =	sdelay $0x1  }
0x2e3: {  	v41 =	vmul.f32 $1.442695020e+00, v41;
	_ =	sdelay $0x1  }
0x2e4: {  	(erf) = vpow2.f32 v41;
	_ =	sdelay $0x8  }
0x2e5: {  	v41 =	vpop (erf)  }
0x2e6: {  	v41 =	vadd.f32 $1.000000000e+00, v41;
	_ =	sdelay $0x1  }
0x2e7: {  	vm12 =	veq.f32 v42, v43;
	(erf) = vrcp.f32 v41  }
0x2e8: {  	vm13 =	veq.f32 v40, v43;
	v44 =	vsel vm12, $0x40E00000, v9  }
0x2e9: {  	vm14 =	veq.f32 v39, v43;
	v40 =	vsel vm13, $0x40C00000, v44  }
0x2ea: {  	vm15 =	veq.f32 v38, v43;
	v39 =	vsel vm14, $0x40A00000, v40  }
0x2eb: {  	vm12 =	veq.f32 v37, v43;
	v38 =	vsel vm15, $0x40800000, v39  }
0x2ec: {  	vm13 =	veq.f32 v36, v43;
	v37 =	vsel vm12, $0x40400000, v38  }
0x2ed: {  	vm14 =	veq.f32 v35, v43;
	v36 =	vsel vm13, $0x40000000, v37  }
0x2ee: {  	vm15 =	veq.f32 v34, v43;
	v35 =	vsel vm14, $0x3F800000, v36  }
0x2ef: {  	v35 =	vsel vm15, $0x0, v35  }
0x2f0: {  	vm9 =	veq.f32 v35, $1.000000000e+00;
	v34 =	vpop (erf)  }
0x2f1: {  	vm10 =	veq.f32 v35, $2.000000000e+00;
	vm11 =	veq.f32 v35, $3.000000000e+00;
	v45 =	vsub.f32 $1.000000000e+00, v34  }
0x2f2: {  	vm12 =	veq.f32 v35, $4.000000000e+00;
	vm13 =	veq.f32 v35, $5.000000000e+00;
	vm14 =	veq.f32 v35, $6.000000000e+00  }
0x2f3: {  	v46 =	vnsel vm7, $0x0, v34;
	v48 =	vnsel vm6, $0x0, v34;
	v47 =	vnsel vm15, $0x0, v45  }
0x2f4: {  	v51 =	vnsel vm5, $0x0, v34;
	v49 =	vnsel vm9, $0x0, v45;
	v37 =	vadd.f32 v47, v46  }
0x2f5: {  	v53 =	vnsel vm4, $0x0, v34;
	v52 =	vnsel vm10, $0x0, v45;
	v50 =	vadd.f32 v49, v48  }
0x2f6: {  	v56 =	vnsel vm3, $0x0, v34;
	v54 =	vnsel vm11, $0x0, v45;
	v39 =	vadd.f32 v52, v51;
	[tilespmem:v26+s7+$0x0] =	vst.idx.msk $0xffff, v37  }
0x2f7: {  	v58 =	vnsel vm2, $0x0, v34;
	v57 =	vnsel vm12, $0x0, v45;
	v55 =	vadd.f32 v54, v53;
	[tilespmem:v27+s7+$0x0] =	vst.idx.msk $0xffff, v50  }
0x2f8: {  	v61 =	vnsel vm1, $0x0, v34;
	v59 =	vnsel vm13, $0x0, v45;
	v37 =	vadd.f32 v57, v56;
	[tilespmem:v28+s7+$0x0] =	vst.idx.msk $0xffff, v39  }
0x2f9: {  	v62 =	vnsel vm14, $0x0, v45;
	vm15 =	veq.f32 v35, $7.000000000e+00;
	v60 =	vadd.f32 v59, v58;
	[tilespmem:v29+s7+$0x0] =	vst.idx.msk $0xffff, v55  }
0x2fa: {  	v34 =	vnsel vm0, $0x0, v34;
	v63 =	vadd.f32 v62, v61;
	v36 =	vnsel vm15, $0x0, v45;
	[tilespmem:v30+s7+$0x0] =	vst.idx.msk $0xffff, v37  }
0x2fb: {  	v34 =	vadd.f32 v36, v34;
	[tilespmem:v31+s7+$0x0] =	vst.idx.msk $0xffff, v60  }
0x2fc: {  	p0 =	sne.s32 s5, $0x1;
	[tilespmem:v32+s7+$0x0] =	vst.idx.msk $0xffff, v63  }
.Ltmp0:
0x2fd: {  	[tilespmem:v33+s7+$0x0] =	vst.idx.msk $0xffff, v34;
	(pc) =	sbr.rel @p0 .LBB2_1-.Ltmp0, $4  }
0x2fe: {  	[hbm4b:s4+s2] =	stream.linear.scatter [tilespmem:s7], [sflag:$0x1], $0x2000, $0x38;
	[tilespmem:$0x4000] =	vst v63  }
0x2ff: {  	_ =	swait.ge [sflag:s6], $0x2000  }
0x300: {  	[sflag:s6] =	ssyncset.done $0x0  }
0x301: {  	s5 =	sadd.s32 $0xFFFFFFFF, s5;
	[sflag:s6] =	ssyncadd.s32 $0xFFFFE000  }
0x302: {  	_ =	sfence.sel $0x180000  }
0x303: {  	[bflag:$0x0] =	sbarrier.arrive $0xFFFF  }
0x304: {  	p0 =	sne.s32 s1, $0x0;
	_ =	strace $0x90000047  }
0x305: {  	s0 =	sadd.s32 @!p0 $0x100000, s0;
	[bflag:$0x2] =	sbarrier.arrive $0xFFFF  }
0x306: {  	[sflag:s0] =	ssyncadd.tile.s32 @!p0 $0x1;
	_ =	shalt  }
.Lfunc_end2:
_tile_overlayer_lowered:
.L_overlay_start_2:
0x307: {  	(tag) =	ssettag $0x2  }
0x308: {  	s0 =	rddreg [dreg:$0x0];
	s2 =	stileid.u32  }
0x309: {  	s1 =	rddreg [dreg:$0x1];
	p0 =	sne.s32 s2, $0x0  }
0x30a: {  	s3 =	rddreg [dreg:$0x2];
	[bflag:$0x3] =	sbarrier.arrive $0xFFFF;
	s2 =	simm.s32 @!p0 $0x1C01  }
0x30b: {  	[timem:s3], [sflag:s2] =	dma.local @!p0 [hbm:s0], s1  }
0x30c: {  	s0 =	simm.s32 @!p0 $0x1  }
0x30d: {  	_ =	swait.ge @!p0 [sflag:s0], s1  }
0x30e: {  	s1 =	ssub.s32 @!p0 $0x0, s1;
	[sflag:s0] =	ssyncset.done @!p0 $0x0  }
0x30f: {  	[sflag:s0] =	ssyncadd.s32 @!p0 s1  }
0x310: {  	[bflag:$0x3] =	sbarrier.arrive $0xFFFF  }
0x311: {  	_ =	shalt  }

</sc_bundles>
